<compile_context>
chip_gen: v7x
topology: tpu7x:2x2x1
jax: 0.10.2.dev20260603
libtpu: 0.0.44.dev20260713+nightly
codegen_flags: <defaults>
</compile_context>

<pallas_src>
import functools

import jax
import jax.numpy as jnp
from jax import lax
from jax.experimental import pallas as pl
from jax.experimental.pallas import tpu as pltpu
from jax.experimental.pallas import tpu_sc as plsc

N = 10000
E = 320000
DN = 128
DE = 16
DG = 128
H1 = 256
H2 = 128

TE = 4000
GE = E // TE
TN = 2000
GN = N // TN
CHUNK = 128
NCHUNKS = E // CHUNK
NSUB = 16
CPS_BASE = NCHUNKS // NSUB
CPS_REM = NCHUNKS % NSUB


def _edge_body(edges_ref, we1_ref, be1_ref, we2_ref, be2_ref,
               e1ab_ref, e2_ref, s1_ref, s2_ref):
    i = pl.program_id(0)
    e1 = jnp.maximum(
        jnp.dot(edges_ref[...], we1_ref[...],
                preferred_element_type=jnp.float32) + be1_ref[...], 0.0)
    e1ab_ref[0] = e1[:, :H1 // 2]
    e1ab_ref[1] = e1[:, H1 // 2:]
    e2 = jnp.maximum(
        jnp.dot(e1.astype(jnp.bfloat16), we2_ref[...].astype(jnp.bfloat16),
                preferred_element_type=jnp.float32) + be2_ref[...], 0.0)
    e2_ref[...] = e2

    @pl.when(i == 0)
    def _():
        s1_ref[...] = jnp.zeros_like(s1_ref)
        s2_ref[...] = jnp.zeros_like(s2_ref)

    s1_ref[...] += jnp.sum(e1, axis=0, keepdims=True)
    s2_ref[...] += jnp.sum(e2, axis=0, keepdims=True)


def _edge_stage(edges, W_e1, b_e1, W_e2, b_e2):
    return pl.pallas_call(
        _edge_body,
        grid=(GE,),
        in_specs=[
            pl.BlockSpec((TE, DE), lambda i: (i, 0)),
            pl.BlockSpec((DE, H1), lambda i: (0, 0)),
            pl.BlockSpec((1, H1), lambda i: (0, 0)),
            pl.BlockSpec((H1, H2), lambda i: (0, 0)),
            pl.BlockSpec((1, H2), lambda i: (0, 0)),
        ],
        out_specs=[
            pl.BlockSpec((2, TE, H1 // 2), lambda i: (0, i, 0)),
            pl.BlockSpec((TE, H2), lambda i: (i, 0)),
            pl.BlockSpec((1, H1), lambda i: (0, 0)),
            pl.BlockSpec((1, H2), lambda i: (0, 0)),
        ],
        out_shape=[
            jax.ShapeDtypeStruct((2, E, H1 // 2), jnp.float32),
            jax.ShapeDtypeStruct((E, H2), jnp.float32),
            jax.ShapeDtypeStruct((1, H1), jnp.float32),
            jax.ShapeDtypeStruct((1, H2), jnp.float32),
        ],
        compiler_params=pltpu.CompilerParams(
            dimension_semantics=("arbitrary",)),
    )(edges, W_e1, b_e1.reshape(1, H1), W_e2, b_e2.reshape(1, H2))



def _zero_fill(ref, rows, width):
    z = jnp.zeros((16,), jnp.float32)

    def body(i, _):
        for k in range(width // 16):
            ref[i, pl.ds(k * 16, 16)] = z
        return 0

    lax.fori_loop(0, rows, body, 0, unroll=False)


def _zero_shared(acc, zbuf, rows_total, s):
    zrows = zbuf.shape[0]
    stripe = rows_total // NSUB
    reps = stripe // zrows
    base = s * stripe
    for r in range(reps):
        pltpu.sync_copy(zbuf, acc.at[pl.ds(base + r * zrows, zrows), :])



NBUF = 2
STEPS = (CPS_BASE + (1 if CPS_REM else 0) + NBUF - 1) // NBUF


def _pipelined_scatter(idx_hbm, data_slice, idx_bufs, data_bufs,
                       isems, dsems, acc, s):
    start = s * CPS_BASE + jnp.minimum(s, CPS_REM)
    cnt = CPS_BASE + jnp.where(s < CPS_REM, 1, 0)
    end = start + cnt

    def issue(b, k):
        pltpu.async_copy(idx_hbm.at[pl.ds(k * CHUNK, CHUNK)],
                         idx_bufs[b], isems[b])
        if data_bufs is not None:
            pltpu.async_copy(data_slice(k), data_bufs[b], dsems[b])

    def wait(b):
        pltpu.make_async_copy(idx_hbm.at[pl.ds(0, CHUNK)],
                              idx_bufs[b], isems[b]).wait()
        if data_bufs is not None:
            pltpu.make_async_copy(data_slice(start), data_bufs[b],
                                  dsems[b]).wait()

    def scatter(b):
        src = data_bufs[b] if data_bufs is not None else data_slice
        pltpu.sync_copy(src, acc.at[idx_bufs[b]], add=True)

    for b in range(NBUF):
        @pl.when(start + b < end)
        def _(b=b):
            issue(b, start + b)

    def step_body(q, _):
        base = start + q * NBUF
        for b in range(NBUF):
            k = base + b

            @pl.when(k < end)
            def _(b=b, k=k):
                wait(b)
                scatter(b)

            @pl.when(k + NBUF < end)
            def _(b=b, k=k):
                issue(b, k + NBUF)

        return 0

    lax.fori_loop(0, STEPS, step_body, 0, unroll=False)


def _seg_sum_e1(data, idx1d, which):
    mesh = plsc.VectorSubcoreMesh(core_axis_name="c", subcore_axis_name="s")
    D2 = H1 // 2

    @functools.partial(
        pl.kernel,
        mesh=mesh,
        out_type=jax.ShapeDtypeStruct((2, N, D2), jnp.float32),
        scratch_types=[
            [pltpu.VMEM((CHUNK, D2), jnp.float32)] * NBUF,
            [pltpu.VMEM((CHUNK,), jnp.int32)] * NBUF,
            pltpu.VMEM((125, D2), jnp.float32),
            pltpu.VMEM_SHARED((N, D2), jnp.float32),
            [pltpu.SemaphoreType.DMA] * NBUF,
            [pltpu.SemaphoreType.DMA] * NBUF,
        ],
        name=f"seg_sum_e1_{which}",
    )
    def k(data_hbm, idx_hbm, out_hbm, data_vs, idx_vs, zbuf, acc, iss, dss):
        c = lax.axis_index("c")
        s = lax.axis_index("s")
        _zero_fill(zbuf, 125, D2)
        _zero_shared(acc, zbuf, N, s)
        plsc.subcore_barrier()

        def data_slice(k):
            return data_hbm.at[c, pl.ds(k * CHUNK, CHUNK), :]

        _pipelined_scatter(idx_hbm, data_slice, idx_vs, data_vs,
                           iss, dss, acc, s)
        plsc.subcore_barrier()

        @pl.when(s == 0)
        def _():
            pltpu.sync_copy(acc, out_hbm.at[c])

    return k(data, idx1d)


def _seg_sum_e2(data, ridx1d, sidx1d):
    mesh = plsc.VectorSubcoreMesh(core_axis_name="c", subcore_axis_name="s")

    @functools.partial(
        pl.kernel,
        mesh=mesh,
        out_type=jax.ShapeDtypeStruct((2, N, H2), jnp.float32),
        scratch_types=[
            [pltpu.VMEM((CHUNK, H2), jnp.float32)] * NBUF,
            [pltpu.VMEM((CHUNK,), jnp.int32)] * NBUF,
            pltpu.VMEM((125, H2), jnp.float32),
            pltpu.VMEM_SHARED((N, H2), jnp.float32),
            [pltpu.SemaphoreType.DMA] * NBUF,
            [pltpu.SemaphoreType.DMA] * NBUF,
        ],
        name="seg_sum_e2",
    )
    def k(data_hbm, ridx_hbm, sidx_hbm, out_hbm, data_vs, idx_vs,
          zbuf, acc, iss, dss):
        c = lax.axis_index("c")
        s = lax.axis_index("s")
        _zero_fill(zbuf, 125, H2)
        _zero_shared(acc, zbuf, N, s)
        plsc.subcore_barrier()

        def data_slice(k):
            return data_hbm.at[pl.ds(k * CHUNK, CHUNK), :]

        @pl.when(c == 0)
        def _():
            _pipelined_scatter(ridx_hbm, data_slice, idx_vs, data_vs,
                               iss, dss, acc, s)

        @pl.when(c == 1)
        def _():
            _pipelined_scatter(sidx_hbm, data_slice, idx_vs, data_vs,
                               iss, dss, acc, s)

        plsc.subcore_barrier()

        @pl.when(s == 0)
        def _():
            pltpu.sync_copy(acc, out_hbm.at[c])

    return k(data, ridx1d, sidx1d)


def _counts(ridx1d, sidx1d):
    mesh = plsc.VectorSubcoreMesh(core_axis_name="c", subcore_axis_name="s")

    @functools.partial(
        pl.kernel,
        mesh=mesh,
        out_type=jax.ShapeDtypeStruct((2, N, H2), jnp.float32),
        scratch_types=[
            pltpu.VMEM((CHUNK, H2), jnp.float32),
            [pltpu.VMEM((CHUNK,), jnp.int32)] * NBUF,
            [pltpu.SemaphoreType.DMA] * NBUF,
            pltpu.VMEM((125, H2), jnp.float32),
            pltpu.VMEM_SHARED((N, H2), jnp.float32),
        ],
        name="idx_counts",
    )
    def k(ridx_hbm, sidx_hbm, out_hbm, ones_v, idx_vs, iss, zbuf, acc):
        c = lax.axis_index("c")
        s = lax.axis_index("s")
        _zero_fill(zbuf, 125, H2)
        one = jnp.ones((16,), jnp.float32)

        def ones_body(i, _):
            for kk in range(H2 // 16):
                ones_v[i, pl.ds(kk * 16, 16)] = one
            return 0

        lax.fori_loop(0, CHUNK, ones_body, 0, unroll=False)
        _zero_shared(acc, zbuf, N, s)
        plsc.subcore_barrier()

        @pl.when(c == 0)
        def _():
            _pipelined_scatter(ridx_hbm, ones_v, idx_vs, None,
                               iss, None, acc, s)

        @pl.when(c == 1)
        def _():
            _pipelined_scatter(sidx_hbm, ones_v, idx_vs, None,
                               iss, None, acc, s)

        plsc.subcore_barrier()

        @pl.when(s == 0)
        def _():
            pltpu.sync_copy(acc, out_hbm.at[c])

    return k(ridx1d, sidx1d)



def _node_body(nodes_ref, g_ref, i1_ref, o1_ref, io2_ref,
               cnt_ref, s1_ref, s2_ref,
               wn1_ref, win1_ref, wout1_ref, bn1_ref,
               wg1_ref, wgn1_ref, wge1_ref, bg1_ref,
               wn2_ref, win2_ref, wout2_ref, bn2_ref,
               wg2_ref, wgn2_ref, wge2_ref, bg2_ref,
               n2_ref, g2_ref, sn1_ref, sn2_ref):
    i = pl.program_id(0)
    rr = 1.0 / jnp.maximum(cnt_ref[0, :, 0:1], 1.0)
    rs = 1.0 / jnp.maximum(cnt_ref[1, :, 0:1], 1.0)

    def dot(a, b):
        return jnp.dot(a, b, preferred_element_type=jnp.float32)

    h = H1 // 2
    n1 = dot(nodes_ref[...], wn1_ref[...])
    n1 += dot(i1_ref[0] * rr, win1_ref[0:h]) + dot(i1_ref[1] * rr, win1_ref[h:])
    n1 += dot(o1_ref[0] * rs, wout1_ref[0:h]) + dot(o1_ref[1] * rs, wout1_ref[h:])
    n1 = jnp.maximum(n1 + bn1_ref[...], 0.0)

    n2 = dot(n1, wn2_ref[...])
    n2 += dot(io2_ref[0] * rr, win2_ref[...])
    n2 += dot(io2_ref[1] * rs, wout2_ref[...])
    n2 = jnp.maximum(n2 + bn2_ref[...], 0.0)
    n2_ref[...] = n2

    @pl.when(i == 0)
    def _():
        sn1_ref[...] = jnp.zeros_like(sn1_ref)
        sn2_ref[...] = jnp.zeros_like(sn2_ref)

    sn1_ref[...] += jnp.sum(n1, axis=0, keepdims=True)
    sn2_ref[...] += jnp.sum(n2, axis=0, keepdims=True)

    @pl.when(i == GN - 1)
    def _():
        g1 = dot(g_ref[...], wg1_ref[...])
        g1 += dot(sn1_ref[...] * (1.0 / N), wgn1_ref[...])
        g1 += dot(s1_ref[...] * (1.0 / E), wge1_ref[...])
        g1 = jnp.maximum(g1 + bg1_ref[...], 0.0)
        g2 = dot(g1, wg2_ref[...])
        g2 += dot(sn2_ref[...] * (1.0 / N), wgn2_ref[...])
        g2 += dot(s2_ref[...] * (1.0 / E), wge2_ref[...])
        g2_ref[...] = jnp.maximum(g2 + bg2_ref[...], 0.0)


def _node_stage(nodes, globals_, i1, o1, io2, cnt, s1, s2,
                W_n1, W_in1, W_out1, b_n1, W_g1, W_gn1, W_ge1, b_g1,
                W_n2, W_in2, W_out2, b_n2, W_g2, W_gn2, W_ge2, b_g2):
    full = lambda a, b: pl.BlockSpec((a, b), lambda i: (0, 0))
    row = lambda w: pl.BlockSpec((TN, w), lambda i: (i, 0))
    split = lambda w: pl.BlockSpec((2, TN, w), lambda i: (0, i, 0))
    return pl.pallas_call(
        _node_body,
        grid=(GN,),
        in_specs=[
            row(DN), full(1, DG),
            split(H1 // 2), split(H1 // 2), split(H2),
            pl.BlockSpec((2, TN, H2), lambda i: (0, i, 0)),
            full(1, H1), full(1, H2),
            full(DN, H1), full(H1, H1), full(H1, H1), full(1, H1),
            full(DG, H1), full(H1, H1), full(H1, H1), full(1, H1),
            full(H1, H2), full(H2, H2), full(H2, H2), full(1, H2),
            full(H1, H2), full(H2, H2), full(H2, H2), full(1, H2),
        ],
        out_specs=[
            pl.BlockSpec((TN, H2), lambda i: (i, 0)),
            pl.BlockSpec((1, H2), lambda i: (0, 0)),
        ],
        out_shape=[
            jax.ShapeDtypeStruct((N, H2), jnp.float32),
            jax.ShapeDtypeStruct((1, H2), jnp.float32),
        ],
        scratch_shapes=[
            pltpu.VMEM((1, H1), jnp.float32),
            pltpu.VMEM((1, H2), jnp.float32),
        ],
        compiler_params=pltpu.CompilerParams(
            dimension_semantics=("arbitrary",)),
    )(nodes, globals_.reshape(1, DG), i1, o1, io2, cnt, s1, s2,
      W_n1, W_in1, W_out1, b_n1.reshape(1, H1),
      W_g1, W_gn1, W_ge1, b_g1.reshape(1, H1),
      W_n2, W_in2, W_out2, b_n2.reshape(1, H2),
      W_g2, W_gn2, W_ge2, b_g2.reshape(1, H2))



def kernel(nodes, edges, globals_, senders, receivers,
           W_e1, b_e1, W_n1, W_in1, W_out1, b_n1, W_g1, W_gn1, W_ge1, b_g1,
           W_e2, b_e2, W_n2, W_in2, W_out2, b_n2, W_g2, W_gn2, W_ge2, b_g2):
    ridx = receivers.astype(jnp.int32)
    sidx = senders.astype(jnp.int32)

    cnt = _counts(ridx, sidx)
    e1ab, e2, s1, s2 = _edge_stage(edges, W_e1, b_e1, W_e2, b_e2)
    i1 = _seg_sum_e1(e1ab, ridx, "recv")
    o1 = _seg_sum_e1(e1ab, sidx, "send")
    io2 = _seg_sum_e2(e2, ridx, sidx)

    n2, g2 = _node_stage(
        nodes, globals_, i1, o1, io2, cnt, s1, s2,
        W_n1, W_in1, W_out1, b_n1, W_g1, W_gn1, W_ge1, b_g1,
        W_n2, W_in2, W_out2, b_n2, W_g2, W_gn2, W_ge2, b_g2)
    return (n2, e2, g2.reshape(H2))

# --- scband reference (transcript-rebuilt; emitter-appended) ---
"""Pipeline reference for scband-graph-network-10651518894531 (READ-ONLY COPY).

The authoritative reference and input builder live on the scoring server;
editing this copy changes nothing except your own understanding.
"""

import jax, jax.numpy as jnp
import numpy as np

N = 10000
E = 320000
DN = 128
DE = 16
DG = 128
H1 = 256
H2 = 128


def _seg_mean(data, seg, n):
    s = jax.ops.segment_sum(data, seg, num_segments=n)
    c = jax.ops.segment_sum(jnp.ones((data.shape[0],), dtype=data.dtype), seg, num_segments=n)
    return s / jnp.maximum(c, 1.0)[:, None]


def setup_inputs(seed: int = 0) -> dict:
    key = jax.random.key(seed)
    ks = jax.random.split(key, 32)

    def w(i, a, b):
        return jax.random.normal(ks[i], (a, b), dtype=jnp.float32) / jnp.sqrt(float(a))

    inp = {}
    inp["nodes"] = jax.random.normal(ks[0], (N, DN), dtype=jnp.float32)
    inp["edges"] = jax.random.normal(ks[1], (E, DE), dtype=jnp.float32)
    inp["globals_"] = jax.random.normal(ks[2], (DG,), dtype=jnp.float32)
    inp["senders"] = jax.random.randint(ks[3], (E,), 0, N)
    inp["receivers"] = jax.random.randint(ks[4], (E,), 0, N)
    # block 1 (hidden 256)
    inp["W_e1"] = w(5, DE, H1); inp["b_e1"] = jnp.zeros((H1,), dtype=jnp.float32)
    inp["W_n1"] = w(6, DN, H1); inp["W_in1"] = w(7, H1, H1); inp["W_out1"] = w(8, H1, H1); inp["b_n1"] = jnp.zeros((H1,), dtype=jnp.float32)
    inp["W_g1"] = w(9, DG, H1); inp["W_gn1"] = w(10, H1, H1); inp["W_ge1"] = w(11, H1, H1); inp["b_g1"] = jnp.zeros((H1,), dtype=jnp.float32)
    # block 2 (hidden 128)
    inp["W_e2"] = w(12, H1, H2); inp["b_e2"] = jnp.zeros((H2,), dtype=jnp.float32)
    inp["W_n2"] = w(13, H1, H2); inp["W_in2"] = w(14, H2, H2); inp["W_out2"] = w(15, H2, H2); inp["b_n2"] = jnp.zeros((H2,), dtype=jnp.float32)
    inp["W_g2"] = w(16, H1, H2); inp["W_gn2"] = w(17, H2, H2); inp["W_ge2"] = w(18, H2, H2); inp["b_g2"] = jnp.zeros((H2,), dtype=jnp.float32)
    return inp


def reference(nodes, edges, globals_, senders, receivers,
              W_e1, b_e1, W_n1, W_in1, W_out1, b_n1, W_g1, W_gn1, W_ge1, b_g1,
              W_e2, b_e2, W_n2, W_in2, W_out2, b_n2, W_g2, W_gn2, W_ge2, b_g2):
    n = nodes.shape[0]
    # edge1 + relu
    e1 = jax.nn.relu(edges @ W_e1 + b_e1)
    # node1 + relu: node feats + avg incoming (by receiver) + avg outgoing (by sender)
    inc1 = _seg_mean(e1, receivers, n)
    outg1 = _seg_mean(e1, senders, n)
    n1 = jax.nn.relu(nodes @ W_n1 + inc1 @ W_in1 + outg1 @ W_out1 + b_n1)
    # global1 + relu: global feats + avg nodes + avg edges
    g1 = jax.nn.relu(globals_ @ W_g1 + jnp.mean(n1, axis=0) @ W_gn1 + jnp.mean(e1, axis=0) @ W_ge1 + b_g1)
    # edge2 + relu
    e2 = jax.nn.relu(e1 @ W_e2 + b_e2)
    # node2 + relu
    inc2 = _seg_mean(e2, receivers, n)
    outg2 = _seg_mean(e2, senders, n)
    n2 = jax.nn.relu(n1 @ W_n2 + inc2 @ W_in2 + outg2 @ W_out2 + b_n2)
    # global2 + relu
    g2 = jax.nn.relu(g1 @ W_g2 + jnp.mean(n2, axis=0) @ W_gn2 + jnp.mean(e2, axis=0) @ W_ge2 + b_g2)
    return (n2, e2, g2)

if __name__ == "__main__":
    import jax
    _d = setup_inputs()
    print(jax.jit(kernel)(*tuple(_d.values())))

</pallas_src>

<mosaic_0001>
#map = affine_map<(d0, d1) -> (0, 0, 0)>
#map1 = affine_map<(d0, d1) -> (0)>
module attributes {stable_mosaic.version = 14 : i64} {
  func.func @seg_sum_e1_send(%arg0: i32, %arg1: i32, %arg2: memref<2x320000x128xf32, #tpu.memory_space<hbm>>, %arg3: memref<320000xi32, #tpu.memory_space<hbm>>, %arg4: memref<2x10000x128xf32, #tpu.memory_space<hbm>>, %arg5: memref<128x128xf32, #tpu.memory_space<vmem>>, %arg6: memref<128x128xf32, #tpu.memory_space<vmem>>, %arg7: memref<128xi32, #tpu.memory_space<vmem>>, %arg8: memref<128xi32, #tpu.memory_space<vmem>>, %arg9: memref<125x128xf32, #tpu.memory_space<vmem>>, %arg10: memref<10000x128xf32, #tpu.memory_space<vmem_shared>>, %arg11: memref<!tpu.dma_semaphore, #tpu.memory_space<semaphore_mem>>, %arg12: memref<!tpu.dma_semaphore, #tpu.memory_space<semaphore_mem>>, %arg13: memref<!tpu.dma_semaphore, #tpu.memory_space<semaphore_mem>>, %arg14: memref<!tpu.dma_semaphore, #tpu.memory_space<semaphore_mem>>) attributes {dimension_semantics = [#tpu.dimension_semantics<core_parallel>, #tpu.dimension_semantics<subcore_parallel>], iteration_bounds = array<i64: 2, 16>, scalar_prefetch = 0 : i64, scratch_operands = 10 : i64, tpu.core_type = #tpu.core_type<sc_vector_subcore>, window_params = [{transform_indices = #map}, {transform_indices = #map1}, {transform_indices = #map}]} {
    %broadcast_in_dim3A = arith.constant 0.000000e+00 : f32
    %broadcast_in_dim3A_0 = vector.broadcast %broadcast_in_dim3A : f32 to vector<16xf32>
    %scan3A = arith.constant 0 : i32
    %scan3A_1 = arith.constant 0 : i32
    %scan3A_2 = arith.constant 125 : i32
    %scan3A_3 = arith.addi %scan3A_1, %scan3A_2 : i32
    %scan3A_4 = arith.constant 1 : i32
    %scan3A_5 = scf.for %scan3A_48 = %scan3A_1 to %scan3A_3 step %scan3A_4 iter_args(%scan3A_49 = %scan3A) -> (i32)  : i32 {
      %swap3A = arith.index_cast %scan3A_48 : i32 to index
      %swap3A_50 = arith.constant 0 : index
      %swap3A_51 = tpu.vector_load %arg9[%swap3A, %swap3A_50] {strides = array<i32>} : memref<125x128xf32, #tpu.memory_space<vmem>>, vector<1x16xf32>,
      %swap3A_52 = vector.shape_cast %swap3A_51 : vector<1x16xf32> to vector<16xf32>
      %swap3A_53 = vector.shape_cast %broadcast_in_dim3A_0 : vector<16xf32> to vector<1x16xf32>
      tpu.vector_store %arg9[%swap3A, %swap3A_50], %swap3A_53 {strides = array<i32>} : memref<125x128xf32, #tpu.memory_space<vmem>>, vector<1x16xf32>,
      %swap3A_54 = arith.index_cast %scan3A_48 : i32 to index
      %swap3A_55 = arith.constant 16 : index
      %swap3A_56 = tpu.vector_load %arg9[%swap3A_54, %swap3A_55] {strides = array<i32>} : memref<125x128xf32, #tpu.memory_space<vmem>>, vector<1x16xf32>,
      %swap3A_57 = vector.shape_cast %swap3A_56 : vector<1x16xf32> to vector<16xf32>
      %swap3A_58 = vector.shape_cast %broadcast_in_dim3A_0 : vector<16xf32> to vector<1x16xf32>
      tpu.vector_store %arg9[%swap3A_54, %swap3A_55], %swap3A_58 {strides = array<i32>} : memref<125x128xf32, #tpu.memory_space<vmem>>, vector<1x16xf32>,
      %swap3A_59 = arith.index_cast %scan3A_48 : i32 to index
      %swap3A_60 = arith.constant 32 : index
      %swap3A_61 = tpu.vector_load %arg9[%swap3A_59, %swap3A_60] {strides = array<i32>} : memref<125x128xf32, #tpu.memory_space<vmem>>, vector<1x16xf32>,
      %swap3A_62 = vector.shape_cast %swap3A_61 : vector<1x16xf32> to vector<16xf32>
      %swap3A_63 = vector.shape_cast %broadcast_in_dim3A_0 : vector<16xf32> to vector<1x16xf32>
      tpu.vector_store %arg9[%swap3A_59, %swap3A_60], %swap3A_63 {strides = array<i32>} : memref<125x128xf32, #tpu.memory_space<vmem>>, vector<1x16xf32>,
      %swap3A_64 = arith.index_cast %scan3A_48 : i32 to index
      %swap3A_65 = arith.constant 48 : index
      %swap3A_66 = tpu.vector_load %arg9[%swap3A_64, %swap3A_65] {strides = array<i32>} : memref<125x128xf32, #tpu.memory_space<vmem>>, vector<1x16xf32>,
      %swap3A_67 = vector.shape_cast %swap3A_66 : vector<1x16xf32> to vector<16xf32>
      %swap3A_68 = vector.shape_cast %broadcast_in_dim3A_0 : vector<16xf32> to vector<1x16xf32>
      tpu.vector_store %arg9[%swap3A_64, %swap3A_65], %swap3A_68 {strides = array<i32>} : memref<125x128xf32, #tpu.memory_space<vmem>>, vector<1x16xf32>,
      %swap3A_69 = arith.index_cast %scan3A_48 : i32 to index
      %swap3A_70 = arith.constant 64 : index
      %swap3A_71 = tpu.vector_load %arg9[%swap3A_69, %swap3A_70] {strides = array<i32>} : memref<125x128xf32, #tpu.memory_space<vmem>>, vector<1x16xf32>,
      %swap3A_72 = vector.shape_cast %swap3A_71 : vector<1x16xf32> to vector<16xf32>
      %swap3A_73 = vector.shape_cast %broadcast_in_dim3A_0 : vector<16xf32> to vector<1x16xf32>
      tpu.vector_store %arg9[%swap3A_69, %swap3A_70], %swap3A_73 {strides = array<i32>} : memref<125x128xf32, #tpu.memory_space<vmem>>, vector<1x16xf32>,
      %swap3A_74 = arith.index_cast %scan3A_48 : i32 to index
      %swap3A_75 = arith.constant 80 : index
      %swap3A_76 = tpu.vector_load %arg9[%swap3A_74, %swap3A_75] {strides = array<i32>} : memref<125x128xf32, #tpu.memory_space<vmem>>, vector<1x16xf32>,
      %swap3A_77 = vector.shape_cast %swap3A_76 : vector<1x16xf32> to vector<16xf32>
      %swap3A_78 = vector.shape_cast %broadcast_in_dim3A_0 : vector<16xf32> to vector<1x16xf32>
      tpu.vector_store %arg9[%swap3A_74, %swap3A_75], %swap3A_78 {strides = array<i32>} : memref<125x128xf32, #tpu.memory_space<vmem>>, vector<1x16xf32>,
      %swap3A_79 = arith.index_cast %scan3A_48 : i32 to index
      %swap3A_80 = arith.constant 96 : index
      %swap3A_81 = tpu.vector_load %arg9[%swap3A_79, %swap3A_80] {strides = array<i32>} : memref<125x128xf32, #tpu.memory_space<vmem>>, vector<1x16xf32>,
      %swap3A_82 = vector.shape_cast %swap3A_81 : vector<1x16xf32> to vector<16xf32>
      %swap3A_83 = vector.shape_cast %broadcast_in_dim3A_0 : vector<16xf32> to vector<1x16xf32>
      tpu.vector_store %arg9[%swap3A_79, %swap3A_80], %swap3A_83 {strides = array<i32>} : memref<125x128xf32, #tpu.memory_space<vmem>>, vector<1x16xf32>,
      %swap3A_84 = arith.index_cast %scan3A_48 : i32 to index
      %swap3A_85 = arith.constant 112 : index
      %swap3A_86 = tpu.vector_load %arg9[%swap3A_84, %swap3A_85] {strides = array<i32>} : memref<125x128xf32, #tpu.memory_space<vmem>>, vector<1x16xf32>,
      %swap3A_87 = vector.shape_cast %swap3A_86 : vector<1x16xf32> to vector<16xf32>
      %swap3A_88 = vector.shape_cast %broadcast_in_dim3A_0 : vector<16xf32> to vector<1x16xf32>
      tpu.vector_store %arg9[%swap3A_84, %swap3A_85], %swap3A_88 {strides = array<i32>} : memref<125x128xf32, #tpu.memory_space<vmem>>, vector<1x16xf32>,
      %scan3A_89 = arith.constant 0 : i32
      scf.yield %scan3A_89 : i32
    }
    %scan3A_6 = arith.constant 125 : i32
    %mul3A = arith.constant 625 : i32
    %mul3A_7 = arith.muli %arg1, %mul3A : i32
    %add3A = arith.constant 0 : i32
    %add3A_8 = arith.addi %mul3A_7, %add3A : i32
    "tpu.region"() ({
      %run_scoped3A = tpu.sem_alloc : memref<!tpu.dma_semaphore, #tpu.memory_space<semaphore_mem>>
      %dma_start3A = arith.constant 0 : i32
      %dma_start3A_48 = tpu.memref_slice %arg10[%add3A_8, %dma_start3A] : memref<10000x128xf32, #tpu.memory_space<vmem_shared>> -> memref<125x128xf32, #tpu.memory_space<vmem_shared>>
      %dma_start3A_49 = arith.constant 0 : i32
      %dma_start3A_50 = tpu.memref_slice %arg10[%add3A_8, %dma_start3A_49] : memref<10000x128xf32, #tpu.memory_space<vmem_shared>> -> memref<125x128xf32, #tpu.memory_space<vmem_shared>>
      tpu.enqueue_dma source(%arg9 : memref<125x128xf32, #tpu.memory_space<vmem>>) target(%dma_start3A_50 : memref<125x128xf32, #tpu.memory_space<vmem_shared>>) target_semaphore(%run_scoped3A : memref<!tpu.dma_semaphore, #tpu.memory_space<semaphore_mem>>)
      %dma_wait3A = arith.constant 0 : i32
      %dma_wait3A_51 = tpu.memref_slice %arg10[%add3A_8, %dma_wait3A] : memref<10000x128xf32, #tpu.memory_space<vmem_shared>> -> memref<125x128xf32, #tpu.memory_space<vmem_shared>>
      %dma_wait3A_52 = arith.constant 0 : i32
      %dma_wait3A_53 = tpu.memref_slice %arg10[%add3A_8, %dma_wait3A_52] : memref<10000x128xf32, #tpu.memory_space<vmem_shared>> -> memref<125x128xf32, #tpu.memory_space<vmem_shared>>
      tpu.wait_dma2 semaphore(%run_scoped3A : memref<!tpu.dma_semaphore, #tpu.memory_space<semaphore_mem>>) src(%arg9 : memref<125x128xf32, #tpu.memory_space<vmem>>) dst(%dma_wait3A_53 : memref<125x128xf32, #tpu.memory_space<vmem_shared>>)
      tpu.yield
    }) : () -> ()
    %add3A_9 = arith.constant 125 : i32
    %add3A_10 = arith.addi %mul3A_7, %add3A_9 : i32
    "tpu.region"() ({
      %run_scoped3A = tpu.sem_alloc : memref<!tpu.dma_semaphore, #tpu.memory_space<semaphore_mem>>
      %dma_start3A = arith.constant 0 : i32
      %dma_start3A_48 = tpu.memref_slice %arg10[%add3A_10, %dma_start3A] : memref<10000x128xf32, #tpu.memory_space<vmem_shared>> -> memref<125x128xf32, #tpu.memory_space<vmem_shared>>
      %dma_start3A_49 = arith.constant 0 : i32
      %dma_start3A_50 = tpu.memref_slice %arg10[%add3A_10, %dma_start3A_49] : memref<10000x128xf32, #tpu.memory_space<vmem_shared>> -> memref<125x128xf32, #tpu.memory_space<vmem_shared>>
      tpu.enqueue_dma source(%arg9 : memref<125x128xf32, #tpu.memory_space<vmem>>) target(%dma_start3A_50 : memref<125x128xf32, #tpu.memory_space<vmem_shared>>) target_semaphore(%run_scoped3A : memref<!tpu.dma_semaphore, #tpu.memory_space<semaphore_mem>>)
      %dma_wait3A = arith.constant 0 : i32
      %dma_wait3A_51 = tpu.memref_slice %arg10[%add3A_10, %dma_wait3A] : memref<10000x128xf32, #tpu.memory_space<vmem_shared>> -> memref<125x128xf32, #tpu.memory_space<vmem_shared>>
      %dma_wait3A_52 = arith.constant 0 : i32
      %dma_wait3A_53 = tpu.memref_slice %arg10[%add3A_10, %dma_wait3A_52] : memref<10000x128xf32, #tpu.memory_space<vmem_shared>> -> memref<125x128xf32, #tpu.memory_space<vmem_shared>>
      tpu.wait_dma2 semaphore(%run_scoped3A : memref<!tpu.dma_semaphore, #tpu.memory_space<semaphore_mem>>) src(%arg9 : memref<125x128xf32, #tpu.memory_space<vmem>>) dst(%dma_wait3A_53 : memref<125x128xf32, #tpu.memory_space<vmem_shared>>)
      tpu.yield
    }) : () -> ()
    %add3A_11 = arith.constant 250 : i32
    %add3A_12 = arith.addi %mul3A_7, %add3A_11 : i32
    "tpu.region"() ({
      %run_scoped3A = tpu.sem_alloc : memref<!tpu.dma_semaphore, #tpu.memory_space<semaphore_mem>>
      %dma_start3A = arith.constant 0 : i32
      %dma_start3A_48 = tpu.memref_slice %arg10[%add3A_12, %dma_start3A] : memref<10000x128xf32, #tpu.memory_space<vmem_shared>> -> memref<125x128xf32, #tpu.memory_space<vmem_shared>>
      %dma_start3A_49 = arith.constant 0 : i32
      %dma_start3A_50 = tpu.memref_slice %arg10[%add3A_12, %dma_start3A_49] : memref<10000x128xf32, #tpu.memory_space<vmem_shared>> -> memref<125x128xf32, #tpu.memory_space<vmem_shared>>
      tpu.enqueue_dma source(%arg9 : memref<125x128xf32, #tpu.memory_space<vmem>>) target(%dma_start3A_50 : memref<125x128xf32, #tpu.memory_space<vmem_shared>>) target_semaphore(%run_scoped3A : memref<!tpu.dma_semaphore, #tpu.memory_space<semaphore_mem>>)
      %dma_wait3A = arith.constant 0 : i32
      %dma_wait3A_51 = tpu.memref_slice %arg10[%add3A_12, %dma_wait3A] : memref<10000x128xf32, #tpu.memory_space<vmem_shared>> -> memref<125x128xf32, #tpu.memory_space<vmem_shared>>
      %dma_wait3A_52 = arith.constant 0 : i32
      %dma_wait3A_53 = tpu.memref_slice %arg10[%add3A_12, %dma_wait3A_52] : memref<10000x128xf32, #tpu.memory_space<vmem_shared>> -> memref<125x128xf32, #tpu.memory_space<vmem_shared>>
      tpu.wait_dma2 semaphore(%run_scoped3A : memref<!tpu.dma_semaphore, #tpu.memory_space<semaphore_mem>>) src(%arg9 : memref<125x128xf32, #tpu.memory_space<vmem>>) dst(%dma_wait3A_53 : memref<125x128xf32, #tpu.memory_space<vmem_shared>>)
      tpu.yield
    }) : () -> ()
    %add3A_13 = arith.constant 375 : i32
    %add3A_14 = arith.addi %mul3A_7, %add3A_13 : i32
    "tpu.region"() ({
      %run_scoped3A = tpu.sem_alloc : memref<!tpu.dma_semaphore, #tpu.memory_space<semaphore_mem>>
      %dma_start3A = arith.constant 0 : i32
      %dma_start3A_48 = tpu.memref_slice %arg10[%add3A_14, %dma_start3A] : memref<10000x128xf32, #tpu.memory_space<vmem_shared>> -> memref<125x128xf32, #tpu.memory_space<vmem_shared>>
      %dma_start3A_49 = arith.constant 0 : i32
      %dma_start3A_50 = tpu.memref_slice %arg10[%add3A_14, %dma_start3A_49] : memref<10000x128xf32, #tpu.memory_space<vmem_shared>> -> memref<125x128xf32, #tpu.memory_space<vmem_shared>>
      tpu.enqueue_dma source(%arg9 : memref<125x128xf32, #tpu.memory_space<vmem>>) target(%dma_start3A_50 : memref<125x128xf32, #tpu.memory_space<vmem_shared>>) target_semaphore(%run_scoped3A : memref<!tpu.dma_semaphore, #tpu.memory_space<semaphore_mem>>)
      %dma_wait3A = arith.constant 0 : i32
      %dma_wait3A_51 = tpu.memref_slice %arg10[%add3A_14, %dma_wait3A] : memref<10000x128xf32, #tpu.memory_space<vmem_shared>> -> memref<125x128xf32, #tpu.memory_space<vmem_shared>>
      %dma_wait3A_52 = arith.constant 0 : i32
      %dma_wait3A_53 = tpu.memref_slice %arg10[%add3A_14, %dma_wait3A_52] : memref<10000x128xf32, #tpu.memory_space<vmem_shared>> -> memref<125x128xf32, #tpu.memory_space<vmem_shared>>
      tpu.wait_dma2 semaphore(%run_scoped3A : memref<!tpu.dma_semaphore, #tpu.memory_space<semaphore_mem>>) src(%arg9 : memref<125x128xf32, #tpu.memory_space<vmem>>) dst(%dma_wait3A_53 : memref<125x128xf32, #tpu.memory_space<vmem_shared>>)
      tpu.yield
    }) : () -> ()
    %add3A_15 = arith.constant 500 : i32
    %add3A_16 = arith.addi %mul3A_7, %add3A_15 : i32
    "tpu.region"() ({
      %run_scoped3A = tpu.sem_alloc : memref<!tpu.dma_semaphore, #tpu.memory_space<semaphore_mem>>
      %dma_start3A = arith.constant 0 : i32
      %dma_start3A_48 = tpu.memref_slice %arg10[%add3A_16, %dma_start3A] : memref<10000x128xf32, #tpu.memory_space<vmem_shared>> -> memref<125x128xf32, #tpu.memory_space<vmem_shared>>
      %dma_start3A_49 = arith.constant 0 : i32
      %dma_start3A_50 = tpu.memref_slice %arg10[%add3A_16, %dma_start3A_49] : memref<10000x128xf32, #tpu.memory_space<vmem_shared>> -> memref<125x128xf32, #tpu.memory_space<vmem_shared>>
      tpu.enqueue_dma source(%arg9 : memref<125x128xf32, #tpu.memory_space<vmem>>) target(%dma_start3A_50 : memref<125x128xf32, #tpu.memory_space<vmem_shared>>) target_semaphore(%run_scoped3A : memref<!tpu.dma_semaphore, #tpu.memory_space<semaphore_mem>>)
      %dma_wait3A = arith.constant 0 : i32
      %dma_wait3A_51 = tpu.memref_slice %arg10[%add3A_16, %dma_wait3A] : memref<10000x128xf32, #tpu.memory_space<vmem_shared>> -> memref<125x128xf32, #tpu.memory_space<vmem_shared>>
      %dma_wait3A_52 = arith.constant 0 : i32
      %dma_wait3A_53 = tpu.memref_slice %arg10[%add3A_16, %dma_wait3A_52] : memref<10000x128xf32, #tpu.memory_space<vmem_shared>> -> memref<125x128xf32, #tpu.memory_space<vmem_shared>>
      tpu.wait_dma2 semaphore(%run_scoped3A : memref<!tpu.dma_semaphore, #tpu.memory_space<semaphore_mem>>) src(%arg9 : memref<125x128xf32, #tpu.memory_space<vmem>>) dst(%dma_wait3A_53 : memref<125x128xf32, #tpu.memory_space<vmem_shared>>)
      tpu.yield
    }) : () -> ()
    %barrier3A = arith.constant 0 : index
    tpu.barrier barrier_id(%barrier3A)
    %mul3A_17 = arith.constant 156 : i32
    %mul3A_18 = arith.muli %arg1, %mul3A_17 : i32
    %min3A = arith.constant 4 : i32
    %min3A_19 = arith.minsi %arg1, %min3A : i32
    %add3A_20 = arith.addi %mul3A_18, %min3A_19 : i32
    %lt3A = arith.constant 4 : i32
    %lt3A_21 = arith.cmpi slt, %arg1, %lt3A : i32
    %jit3A = arith.constant 1 : i32
    %jit3A_22 = arith.constant 0 : i32
    %select_n3A = arith.select %lt3A_21, %jit3A, %jit3A_22 : i32
    %add3A_23 = arith.constant 156 : i32
    %add3A_24 = arith.addi %add3A_23, %select_n3A : i32
    %add3A_25 = arith.addi %add3A_20, %add3A_24 : i32
    %add3A_26 = arith.constant 0 : i32
    %add3A_27 = arith.addi %add3A_20, %add3A_26 : i32
    %lt3A_28 = arith.cmpi slt, %add3A_27, %add3A_25 : i32
    %convert_element_type3A = arith.extui %lt3A_28 : i1 to i32
    %cond3A = arith.constant 0 : i32
    %cond3A_29 = arith.cmpi ne, %convert_element_type3A, %cond3A : i32
    scf.if %cond3A_29 {
      %add3A_48 = arith.constant 0 : i32
      %add3A_49 = arith.addi %add3A_20, %add3A_48 : i32
      %mul3A_50 = arith.constant 128 : i32
      %mul3A_51 = arith.muli %add3A_49, %mul3A_50 : i32
      %dma_start3A = tpu.memref_slice %arg3[%mul3A_51] : memref<320000xi32, #tpu.memory_space<hbm>> -> memref<128xi32, #tpu.memory_space<hbm>>
      %dma_start3A_52 = tpu.memref_slice %arg3[%mul3A_51] : memref<320000xi32, #tpu.memory_space<hbm>> -> memref<128xi32, #tpu.memory_space<hbm>>
      tpu.enqueue_dma source(%dma_start3A_52 : memref<128xi32, #tpu.memory_space<hbm>>) target(%arg7 : memref<128xi32, #tpu.memory_space<vmem>>) target_semaphore(%arg11 : memref<!tpu.dma_semaphore, #tpu.memory_space<semaphore_mem>>)
      %mul3A_53 = arith.constant 128 : i32
      %mul3A_54 = arith.muli %add3A_49, %mul3A_53 : i32
      %dma_start3A_55 = arith.constant 0 : i32
      %dma_start3A_56 = tpu.memref_slice %arg2[%arg0, %mul3A_54, %dma_start3A_55] : memref<2x320000x128xf32, #tpu.memory_space<hbm>> -> memref<1x128x128xf32, #tpu.memory_space<hbm>>
      %dma_start3A_57 = tpu.memref_squeeze %dma_start3A_56 : memref<1x128x128xf32, #tpu.memory_space<hbm>> -> memref<128x128xf32, #tpu.memory_space<hbm>>
      %dma_start3A_58 = arith.constant 0 : i32
      %dma_start3A_59 = tpu.memref_slice %arg2[%arg0, %mul3A_54, %dma_start3A_58] : memref<2x320000x128xf32, #tpu.memory_space<hbm>> -> memref<1x128x128xf32, #tpu.memory_space<hbm>>
      %dma_start3A_60 = tpu.memref_squeeze %dma_start3A_59 : memref<1x128x128xf32, #tpu.memory_space<hbm>> -> memref<128x128xf32, #tpu.memory_space<hbm>>
      tpu.enqueue_dma source(%dma_start3A_60 : memref<128x128xf32, #tpu.memory_space<hbm>>) target(%arg5 : memref<128x128xf32, #tpu.memory_space<vmem>>) target_semaphore(%arg13 : memref<!tpu.dma_semaphore, #tpu.memory_space<semaphore_mem>>)
    } else {
    }
    %add3A_30 = arith.constant 1 : i32
    %add3A_31 = arith.addi %add3A_20, %add3A_30 : i32
    %lt3A_32 = arith.cmpi slt, %add3A_31, %add3A_25 : i32
    %convert_element_type3A_33 = arith.extui %lt3A_32 : i1 to i32
    %cond3A_34 = arith.constant 0 : i32
    %cond3A_35 = arith.cmpi ne, %convert_element_type3A_33, %cond3A_34 : i32
    scf.if %cond3A_35 {
      %add3A_48 = arith.constant 1 : i32
      %add3A_49 = arith.addi %add3A_20, %add3A_48 : i32
      %mul3A_50 = arith.constant 128 : i32
      %mul3A_51 = arith.muli %add3A_49, %mul3A_50 : i32
      %dma_start3A = tpu.memref_slice %arg3[%mul3A_51] : memref<320000xi32, #tpu.memory_space<hbm>> -> memref<128xi32, #tpu.memory_space<hbm>>
      %dma_start3A_52 = tpu.memref_slice %arg3[%mul3A_51] : memref<320000xi32, #tpu.memory_space<hbm>> -> memref<128xi32, #tpu.memory_space<hbm>>
      tpu.enqueue_dma source(%dma_start3A_52 : memref<128xi32, #tpu.memory_space<hbm>>) target(%arg8 : memref<128xi32, #tpu.memory_space<vmem>>) target_semaphore(%arg12 : memref<!tpu.dma_semaphore, #tpu.memory_space<semaphore_mem>>)
      %mul3A_53 = arith.constant 128 : i32
      %mul3A_54 = arith.muli %add3A_49, %mul3A_53 : i32
      %dma_start3A_55 = arith.constant 0 : i32
      %dma_start3A_56 = tpu.memref_slice %arg2[%arg0, %mul3A_54, %dma_start3A_55] : memref<2x320000x128xf32, #tpu.memory_space<hbm>> -> memref<1x128x128xf32, #tpu.memory_space<hbm>>
      %dma_start3A_57 = tpu.memref_squeeze %dma_start3A_56 : memref<1x128x128xf32, #tpu.memory_space<hbm>> -> memref<128x128xf32, #tpu.memory_space<hbm>>
      %dma_start3A_58 = arith.constant 0 : i32
      %dma_start3A_59 = tpu.memref_slice %arg2[%arg0, %mul3A_54, %dma_start3A_58] : memref<2x320000x128xf32, #tpu.memory_space<hbm>> -> memref<1x128x128xf32, #tpu.memory_space<hbm>>
      %dma_start3A_60 = tpu.memref_squeeze %dma_start3A_59 : memref<1x128x128xf32, #tpu.memory_space<hbm>> -> memref<128x128xf32, #tpu.memory_space<hbm>>
      tpu.enqueue_dma source(%dma_start3A_60 : memref<128x128xf32, #tpu.memory_space<hbm>>) target(%arg6 : memref<128x128xf32, #tpu.memory_space<vmem>>) target_semaphore(%arg14 : memref<!tpu.dma_semaphore, #tpu.memory_space<semaphore_mem>>)
    } else {
    }
    %scan3A_36 = arith.constant 0 : i32
    %scan3A_37 = arith.constant 0 : i32
    %scan3A_38 = arith.constant 79 : i32
    %scan3A_39 = arith.addi %scan3A_37, %scan3A_38 : i32
    %scan3A_40 = arith.constant 1 : i32
    %scan3A_41 = scf.for %scan3A_48 = %scan3A_37 to %scan3A_39 step %scan3A_40 iter_args(%scan3A_49 = %scan3A_36) -> (i32)  : i32 {
      %mul3A_50 = arith.constant 2 : i32
      %mul3A_51 = arith.muli %scan3A_48, %mul3A_50 : i32
      %add3A_52 = arith.addi %add3A_20, %mul3A_51 : i32
      %add3A_53 = arith.constant 0 : i32
      %add3A_54 = arith.addi %add3A_52, %add3A_53 : i32
      %lt3A_55 = arith.cmpi slt, %add3A_54, %add3A_25 : i32
      %convert_element_type3A_56 = arith.extui %lt3A_55 : i1 to i32
      %cond3A_57 = arith.constant 0 : i32
      %cond3A_58 = arith.cmpi ne, %convert_element_type3A_56, %cond3A_57 : i32
      scf.if %cond3A_58 {
        %dma_wait3A = arith.constant 0 : i32
        %dma_wait3A_78 = tpu.memref_slice %arg3[%dma_wait3A] : memref<320000xi32, #tpu.memory_space<hbm>> -> memref<128xi32, #tpu.memory_space<hbm>>
        %dma_wait3A_79 = arith.constant 0 : i32
        %dma_wait3A_80 = tpu.memref_slice %arg3[%dma_wait3A_79] : memref<320000xi32, #tpu.memory_space<hbm>> -> memref<128xi32, #tpu.memory_space<hbm>>
        tpu.wait_dma2 semaphore(%arg11 : memref<!tpu.dma_semaphore, #tpu.memory_space<semaphore_mem>>) src(%dma_wait3A_80 : memref<128xi32, #tpu.memory_space<hbm>>) dst(%arg7 : memref<128xi32, #tpu.memory_space<vmem>>)
        %mul3A_81 = arith.constant 128 : i32
        %mul3A_82 = arith.muli %add3A_20, %mul3A_81 : i32
        %dma_wait3A_83 = arith.constant 0 : i32
        %dma_wait3A_84 = tpu.memref_slice %arg2[%arg0, %mul3A_82, %dma_wait3A_83] : memref<2x320000x128xf32, #tpu.memory_space<hbm>> -> memref<1x128x128xf32, #tpu.memory_space<hbm>>
        %dma_wait3A_85 = tpu.memref_squeeze %dma_wait3A_84 : memref<1x128x128xf32, #tpu.memory_space<hbm>> -> memref<128x128xf32, #tpu.memory_space<hbm>>
        %dma_wait3A_86 = arith.constant 0 : i32
        %dma_wait3A_87 = tpu.memref_slice %arg2[%arg0, %mul3A_82, %dma_wait3A_86] : memref<2x320000x128xf32, #tpu.memory_space<hbm>> -> memref<1x128x128xf32, #tpu.memory_space<hbm>>
        %dma_wait3A_88 = tpu.memref_squeeze %dma_wait3A_87 : memref<1x128x128xf32, #tpu.memory_space<hbm>> -> memref<128x128xf32, #tpu.memory_space<hbm>>
        tpu.wait_dma2 semaphore(%arg13 : memref<!tpu.dma_semaphore, #tpu.memory_space<semaphore_mem>>) src(%dma_wait3A_88 : memref<128x128xf32, #tpu.memory_space<hbm>>) dst(%arg5 : memref<128x128xf32, #tpu.memory_space<vmem>>)
        "tpu.region"() ({
          %run_scoped3A = tpu.sem_alloc : memref<!tpu.dma_semaphore, #tpu.memory_space<semaphore_mem>>
          %dma_start3A = arith.constant 0 : i32
          %dma_start3A_89 = arith.constant 0 : i32
          %dma_start3A_90 = tpu.memref_slice %arg10[%dma_start3A, %dma_start3A_89] : memref<10000x128xf32, #tpu.memory_space<vmem_shared>> -> memref<10000x128xf32, #tpu.memory_space<vmem_shared>>
          tpu.enqueue_indirect_dma source(%arg5 : memref<128x128xf32, #tpu.memory_space<vmem>>) target(%dma_start3A_90 : memref<10000x128xf32, #tpu.memory_space<vmem_shared>>) offsets(%arg7 : memref<128xi32, #tpu.memory_space<vmem>>) semaphore(%run_scoped3A : memref<!tpu.dma_semaphore, #tpu.memory_space<semaphore_mem>>) {add = true}
          %dma_wait3A_91 = arith.constant 0 : i32
          %dma_wait3A_92 = arith.constant 0 : i32
          %dma_wait3A_93 = tpu.memref_slice %arg10[%dma_wait3A_91, %dma_wait3A_92] : memref<10000x128xf32, #tpu.memory_space<vmem_shared>> -> memref<10000x128xf32, #tpu.memory_space<vmem_shared>>
          tpu.wait_indirect_dma semaphore(%run_scoped3A : memref<!tpu.dma_semaphore, #tpu.memory_space<semaphore_mem>>) src(%arg5 : memref<128x128xf32, #tpu.memory_space<vmem>>) dst(%dma_wait3A_93 : memref<10000x128xf32, #tpu.memory_space<vmem_shared>>)
          tpu.yield
        }) : () -> ()
      } else {
      }
      %add3A_59 = arith.constant 2 : i32
      %add3A_60 = arith.addi %add3A_54, %add3A_59 : i32
      %lt3A_61 = arith.cmpi slt, %add3A_60, %add3A_25 : i32
      %convert_element_type3A_62 = arith.extui %lt3A_61 : i1 to i32
      %cond3A_63 = arith.constant 0 : i32
      %cond3A_64 = arith.cmpi ne, %convert_element_type3A_62, %cond3A_63 : i32
      scf.if %cond3A_64 {
        %add3A_78 = arith.constant 2 : i32
        %add3A_79 = arith.addi %add3A_54, %add3A_78 : i32
        %mul3A_80 = arith.constant 128 : i32
        %mul3A_81 = arith.muli %add3A_79, %mul3A_80 : i32
        %dma_start3A = tpu.memref_slice %arg3[%mul3A_81] : memref<320000xi32, #tpu.memory_space<hbm>> -> memref<128xi32, #tpu.memory_space<hbm>>
        %dma_start3A_82 = tpu.memref_slice %arg3[%mul3A_81] : memref<320000xi32, #tpu.memory_space<hbm>> -> memref<128xi32, #tpu.memory_space<hbm>>
        tpu.enqueue_dma source(%dma_start3A_82 : memref<128xi32, #tpu.memory_space<hbm>>) target(%arg7 : memref<128xi32, #tpu.memory_space<vmem>>) target_semaphore(%arg11 : memref<!tpu.dma_semaphore, #tpu.memory_space<semaphore_mem>>)
        %mul3A_83 = arith.constant 128 : i32
        %mul3A_84 = arith.muli %add3A_79, %mul3A_83 : i32
        %dma_start3A_85 = arith.constant 0 : i32
        %dma_start3A_86 = tpu.memref_slice %arg2[%arg0, %mul3A_84, %dma_start3A_85] : memref<2x320000x128xf32, #tpu.memory_space<hbm>> -> memref<1x128x128xf32, #tpu.memory_space<hbm>>
        %dma_start3A_87 = tpu.memref_squeeze %dma_start3A_86 : memref<1x128x128xf32, #tpu.memory_space<hbm>> -> memref<128x128xf32, #tpu.memory_space<hbm>>
        %dma_start3A_88 = arith.constant 0 : i32
        %dma_start3A_89 = tpu.memref_slice %arg2[%arg0, %mul3A_84, %dma_start3A_88] : memref<2x320000x128xf32, #tpu.memory_space<hbm>> -> memref<1x128x128xf32, #tpu.memory_space<hbm>>
        %dma_start3A_90 = tpu.memref_squeeze %dma_start3A_89 : memref<1x128x128xf32, #tpu.memory_space<hbm>> -> memref<128x128xf32, #tpu.memory_space<hbm>>
        tpu.enqueue_dma source(%dma_start3A_90 : memref<128x128xf32, #tpu.memory_space<hbm>>) target(%arg5 : memref<128x128xf32, #tpu.memory_space<vmem>>) target_semaphore(%arg13 : memref<!tpu.dma_semaphore, #tpu.memory_space<semaphore_mem>>)
      } else {
      }
      %add3A_65 = arith.constant 1 : i32
      %add3A_66 = arith.addi %add3A_52, %add3A_65 : i32
      %lt3A_67 = arith.cmpi slt, %add3A_66, %add3A_25 : i32
      %convert_element_type3A_68 = arith.extui %lt3A_67 : i1 to i32
      %cond3A_69 = arith.constant 0 : i32
      %cond3A_70 = arith.cmpi ne, %convert_element_type3A_68, %cond3A_69 : i32
      scf.if %cond3A_70 {
        %dma_wait3A = arith.constant 0 : i32
        %dma_wait3A_78 = tpu.memref_slice %arg3[%dma_wait3A] : memref<320000xi32, #tpu.memory_space<hbm>> -> memref<128xi32, #tpu.memory_space<hbm>>
        %dma_wait3A_79 = arith.constant 0 : i32
        %dma_wait3A_80 = tpu.memref_slice %arg3[%dma_wait3A_79] : memref<320000xi32, #tpu.memory_space<hbm>> -> memref<128xi32, #tpu.memory_space<hbm>>
        tpu.wait_dma2 semaphore(%arg12 : memref<!tpu.dma_semaphore, #tpu.memory_space<semaphore_mem>>) src(%dma_wait3A_80 : memref<128xi32, #tpu.memory_space<hbm>>) dst(%arg8 : memref<128xi32, #tpu.memory_space<vmem>>)
        %mul3A_81 = arith.constant 128 : i32
        %mul3A_82 = arith.muli %add3A_20, %mul3A_81 : i32
        %dma_wait3A_83 = arith.constant 0 : i32
        %dma_wait3A_84 = tpu.memref_slice %arg2[%arg0, %mul3A_82, %dma_wait3A_83] : memref<2x320000x128xf32, #tpu.memory_space<hbm>> -> memref<1x128x128xf32, #tpu.memory_space<hbm>>
        %dma_wait3A_85 = tpu.memref_squeeze %dma_wait3A_84 : memref<1x128x128xf32, #tpu.memory_space<hbm>> -> memref<128x128xf32, #tpu.memory_space<hbm>>
        %dma_wait3A_86 = arith.constant 0 : i32
        %dma_wait3A_87 = tpu.memref_slice %arg2[%arg0, %mul3A_82, %dma_wait3A_86] : memref<2x320000x128xf32, #tpu.memory_space<hbm>> -> memref<1x128x128xf32, #tpu.memory_space<hbm>>
        %dma_wait3A_88 = tpu.memref_squeeze %dma_wait3A_87 : memref<1x128x128xf32, #tpu.memory_space<hbm>> -> memref<128x128xf32, #tpu.memory_space<hbm>>
        tpu.wait_dma2 semaphore(%arg14 : memref<!tpu.dma_semaphore, #tpu.memory_space<semaphore_mem>>) src(%dma_wait3A_88 : memref<128x128xf32, #tpu.memory_space<hbm>>) dst(%arg6 : memref<128x128xf32, #tpu.memory_space<vmem>>)
        "tpu.region"() ({
          %run_scoped3A = tpu.sem_alloc : memref<!tpu.dma_semaphore, #tpu.memory_space<semaphore_mem>>
          %dma_start3A = arith.constant 0 : i32
          %dma_start3A_89 = arith.constant 0 : i32
          %dma_start3A_90 = tpu.memref_slice %arg10[%dma_start3A, %dma_start3A_89] : memref<10000x128xf32, #tpu.memory_space<vmem_shared>> -> memref<10000x128xf32, #tpu.memory_space<vmem_shared>>
          tpu.enqueue_indirect_dma source(%arg6 : memref<128x128xf32, #tpu.memory_space<vmem>>) target(%dma_start3A_90 : memref<10000x128xf32, #tpu.memory_space<vmem_shared>>) offsets(%arg8 : memref<128xi32, #tpu.memory_space<vmem>>) semaphore(%run_scoped3A : memref<!tpu.dma_semaphore, #tpu.memory_space<semaphore_mem>>) {add = true}
          %dma_wait3A_91 = arith.constant 0 : i32
          %dma_wait3A_92 = arith.constant 0 : i32
          %dma_wait3A_93 = tpu.memref_slice %arg10[%dma_wait3A_91, %dma_wait3A_92] : memref<10000x128xf32, #tpu.memory_space<vmem_shared>> -> memref<10000x128xf32, #tpu.memory_space<vmem_shared>>
          tpu.wait_indirect_dma semaphore(%run_scoped3A : memref<!tpu.dma_semaphore, #tpu.memory_space<semaphore_mem>>) src(%arg6 : memref<128x128xf32, #tpu.memory_space<vmem>>) dst(%dma_wait3A_93 : memref<10000x128xf32, #tpu.memory_space<vmem_shared>>)
          tpu.yield
        }) : () -> ()
      } else {
      }
      %add3A_71 = arith.constant 2 : i32
      %add3A_72 = arith.addi %add3A_66, %add3A_71 : i32
      %lt3A_73 = arith.cmpi slt, %add3A_72, %add3A_25 : i32
      %convert_element_type3A_74 = arith.extui %lt3A_73 : i1 to i32
      %cond3A_75 = arith.constant 0 : i32
      %cond3A_76 = arith.cmpi ne, %convert_element_type3A_74, %cond3A_75 : i32
      scf.if %cond3A_76 {
        %add3A_78 = arith.constant 2 : i32
        %add3A_79 = arith.addi %add3A_66, %add3A_78 : i32
        %mul3A_80 = arith.constant 128 : i32
        %mul3A_81 = arith.muli %add3A_79, %mul3A_80 : i32
        %dma_start3A = tpu.memref_slice %arg3[%mul3A_81] : memref<320000xi32, #tpu.memory_space<hbm>> -> memref<128xi32, #tpu.memory_space<hbm>>
        %dma_start3A_82 = tpu.memref_slice %arg3[%mul3A_81] : memref<320000xi32, #tpu.memory_space<hbm>> -> memref<128xi32, #tpu.memory_space<hbm>>
        tpu.enqueue_dma source(%dma_start3A_82 : memref<128xi32, #tpu.memory_space<hbm>>) target(%arg8 : memref<128xi32, #tpu.memory_space<vmem>>) target_semaphore(%arg12 : memref<!tpu.dma_semaphore, #tpu.memory_space<semaphore_mem>>)
        %mul3A_83 = arith.constant 128 : i32
        %mul3A_84 = arith.muli %add3A_79, %mul3A_83 : i32
        %dma_start3A_85 = arith.constant 0 : i32
        %dma_start3A_86 = tpu.memref_slice %arg2[%arg0, %mul3A_84, %dma_start3A_85] : memref<2x320000x128xf32, #tpu.memory_space<hbm>> -> memref<1x128x128xf32, #tpu.memory_space<hbm>>
        %dma_start3A_87 = tpu.memref_squeeze %dma_start3A_86 : memref<1x128x128xf32, #tpu.memory_space<hbm>> -> memref<128x128xf32, #tpu.memory_space<hbm>>
        %dma_start3A_88 = arith.constant 0 : i32
        %dma_start3A_89 = tpu.memref_slice %arg2[%arg0, %mul3A_84, %dma_start3A_88] : memref<2x320000x128xf32, #tpu.memory_space<hbm>> -> memref<1x128x128xf32, #tpu.memory_space<hbm>>
        %dma_start3A_90 = tpu.memref_squeeze %dma_start3A_89 : memref<1x128x128xf32, #tpu.memory_space<hbm>> -> memref<128x128xf32, #tpu.memory_space<hbm>>
        tpu.enqueue_dma source(%dma_start3A_90 : memref<128x128xf32, #tpu.memory_space<hbm>>) target(%arg6 : memref<128x128xf32, #tpu.memory_space<vmem>>) target_semaphore(%arg14 : memref<!tpu.dma_semaphore, #tpu.memory_space<semaphore_mem>>)
      } else {
      }
      %scan3A_77 = arith.constant 0 : i32
      scf.yield %scan3A_77 : i32
    }
    %scan3A_42 = arith.constant 79 : i32
    %barrier3A_43 = arith.constant 0 : index
    tpu.barrier barrier_id(%barrier3A_43)
    %eq3A = arith.constant 0 : i32
    %eq3A_44 = arith.cmpi eq, %arg1, %eq3A : i32
    %convert_element_type3A_45 = arith.extui %eq3A_44 : i1 to i32
    %cond3A_46 = arith.constant 0 : i32
    %cond3A_47 = arith.cmpi ne, %convert_element_type3A_45, %cond3A_46 : i32
    scf.if %cond3A_47 {
      "tpu.region"() ({
        %run_scoped3A = tpu.sem_alloc : memref<!tpu.dma_semaphore, #tpu.memory_space<semaphore_mem>>
        %dma_start3A = arith.constant 0 : i32
        %dma_start3A_48 = arith.constant 0 : i32
        %dma_start3A_49 = tpu.memref_slice %arg4[%arg0, %dma_start3A, %dma_start3A_48] : memref<2x10000x128xf32, #tpu.memory_space<hbm>> -> memref<1x10000x128xf32, #tpu.memory_space<hbm>>
        %dma_start3A_50 = tpu.memref_squeeze %dma_start3A_49 : memref<1x10000x128xf32, #tpu.memory_space<hbm>> -> memref<10000x128xf32, #tpu.memory_space<hbm>>
        tpu.enqueue_dma source(%arg10 : memref<10000x128xf32, #tpu.memory_space<vmem_shared>>) target(%dma_start3A_50 : memref<10000x128xf32, #tpu.memory_space<hbm>>) target_semaphore(%run_scoped3A : memref<!tpu.dma_semaphore, #tpu.memory_space<semaphore_mem>>)
        %dma_wait3A = arith.constant 0 : i32
        %dma_wait3A_51 = arith.constant 0 : i32
        %dma_wait3A_52 = tpu.memref_slice %arg4[%arg0, %dma_wait3A, %dma_wait3A_51] : memref<2x10000x128xf32, #tpu.memory_space<hbm>> -> memref<1x10000x128xf32, #tpu.memory_space<hbm>>
        %dma_wait3A_53 = tpu.memref_squeeze %dma_wait3A_52 : memref<1x10000x128xf32, #tpu.memory_space<hbm>> -> memref<10000x128xf32, #tpu.memory_space<hbm>>
        tpu.wait_dma2 semaphore(%run_scoped3A : memref<!tpu.dma_semaphore, #tpu.memory_space<semaphore_mem>>) src(%arg10 : memref<10000x128xf32, #tpu.memory_space<vmem_shared>>) dst(%dma_wait3A_53 : memref<10000x128xf32, #tpu.memory_space<hbm>>)
        tpu.yield
      }) : () -> ()
    } else {
    }
    return
  }
}

#map = affine_map<(d0, d1) -> (0, 0, 0)>
#map1 = affine_map<(d0, d1) -> (0)>
module attributes {stable_mosaic.version = 14 : i64} {
  func.func @seg_sum_e1_recv(%arg0: i32, %arg1: i32, %arg2: memref<2x320000x128xf32, #tpu.memory_space<hbm>>, %arg3: memref<320000xi32, #tpu.memory_space<hbm>>, %arg4: memref<2x10000x128xf32, #tpu.memory_space<hbm>>, %arg5: memref<128x128xf32, #tpu.memory_space<vmem>>, %arg6: memref<128x128xf32, #tpu.memory_space<vmem>>, %arg7: memref<128xi32, #tpu.memory_space<vmem>>, %arg8: memref<128xi32, #tpu.memory_space<vmem>>, %arg9: memref<125x128xf32, #tpu.memory_space<vmem>>, %arg10: memref<10000x128xf32, #tpu.memory_space<vmem_shared>>, %arg11: memref<!tpu.dma_semaphore, #tpu.memory_space<semaphore_mem>>, %arg12: memref<!tpu.dma_semaphore, #tpu.memory_space<semaphore_mem>>, %arg13: memref<!tpu.dma_semaphore, #tpu.memory_space<semaphore_mem>>, %arg14: memref<!tpu.dma_semaphore, #tpu.memory_space<semaphore_mem>>) attributes {dimension_semantics = [#tpu.dimension_semantics<core_parallel>, #tpu.dimension_semantics<subcore_parallel>], iteration_bounds = array<i64: 2, 16>, scalar_prefetch = 0 : i64, scratch_operands = 10 : i64, tpu.core_type = #tpu.core_type<sc_vector_subcore>, window_params = [{transform_indices = #map}, {transform_indices = #map1}, {transform_indices = #map}]} {
    %broadcast_in_dim3A = arith.constant 0.000000e+00 : f32
    %broadcast_in_dim3A_0 = vector.broadcast %broadcast_in_dim3A : f32 to vector<16xf32>
    %scan3A = arith.constant 0 : i32
    %scan3A_1 = arith.constant 0 : i32
    %scan3A_2 = arith.constant 125 : i32
    %scan3A_3 = arith.addi %scan3A_1, %scan3A_2 : i32
    %scan3A_4 = arith.constant 1 : i32
    %scan3A_5 = scf.for %scan3A_48 = %scan3A_1 to %scan3A_3 step %scan3A_4 iter_args(%scan3A_49 = %scan3A) -> (i32)  : i32 {
      %swap3A = arith.index_cast %scan3A_48 : i32 to index
      %swap3A_50 = arith.constant 0 : index
      %swap3A_51 = tpu.vector_load %arg9[%swap3A, %swap3A_50] {strides = array<i32>} : memref<125x128xf32, #tpu.memory_space<vmem>>, vector<1x16xf32>,
      %swap3A_52 = vector.shape_cast %swap3A_51 : vector<1x16xf32> to vector<16xf32>
      %swap3A_53 = vector.shape_cast %broadcast_in_dim3A_0 : vector<16xf32> to vector<1x16xf32>
      tpu.vector_store %arg9[%swap3A, %swap3A_50], %swap3A_53 {strides = array<i32>} : memref<125x128xf32, #tpu.memory_space<vmem>>, vector<1x16xf32>,
      %swap3A_54 = arith.index_cast %scan3A_48 : i32 to index
      %swap3A_55 = arith.constant 16 : index
      %swap3A_56 = tpu.vector_load %arg9[%swap3A_54, %swap3A_55] {strides = array<i32>} : memref<125x128xf32, #tpu.memory_space<vmem>>, vector<1x16xf32>,
      %swap3A_57 = vector.shape_cast %swap3A_56 : vector<1x16xf32> to vector<16xf32>
      %swap3A_58 = vector.shape_cast %broadcast_in_dim3A_0 : vector<16xf32> to vector<1x16xf32>
      tpu.vector_store %arg9[%swap3A_54, %swap3A_55], %swap3A_58 {strides = array<i32>} : memref<125x128xf32, #tpu.memory_space<vmem>>, vector<1x16xf32>,
      %swap3A_59 = arith.index_cast %scan3A_48 : i32 to index
      %swap3A_60 = arith.constant 32 : index
      %swap3A_61 = tpu.vector_load %arg9[%swap3A_59, %swap3A_60] {strides = array<i32>} : memref<125x128xf32, #tpu.memory_space<vmem>>, vector<1x16xf32>,
      %swap3A_62 = vector.shape_cast %swap3A_61 : vector<1x16xf32> to vector<16xf32>
      %swap3A_63 = vector.shape_cast %broadcast_in_dim3A_0 : vector<16xf32> to vector<1x16xf32>
      tpu.vector_store %arg9[%swap3A_59, %swap3A_60], %swap3A_63 {strides = array<i32>} : memref<125x128xf32, #tpu.memory_space<vmem>>, vector<1x16xf32>,
      %swap3A_64 = arith.index_cast %scan3A_48 : i32 to index
      %swap3A_65 = arith.constant 48 : index
      %swap3A_66 = tpu.vector_load %arg9[%swap3A_64, %swap3A_65] {strides = array<i32>} : memref<125x128xf32, #tpu.memory_space<vmem>>, vector<1x16xf32>,
      %swap3A_67 = vector.shape_cast %swap3A_66 : vector<1x16xf32> to vector<16xf32>
      %swap3A_68 = vector.shape_cast %broadcast_in_dim3A_0 : vector<16xf32> to vector<1x16xf32>
      tpu.vector_store %arg9[%swap3A_64, %swap3A_65], %swap3A_68 {strides = array<i32>} : memref<125x128xf32, #tpu.memory_space<vmem>>, vector<1x16xf32>,
      %swap3A_69 = arith.index_cast %scan3A_48 : i32 to index
      %swap3A_70 = arith.constant 64 : index
      %swap3A_71 = tpu.vector_load %arg9[%swap3A_69, %swap3A_70] {strides = array<i32>} : memref<125x128xf32, #tpu.memory_space<vmem>>, vector<1x16xf32>,
      %swap3A_72 = vector.shape_cast %swap3A_71 : vector<1x16xf32> to vector<16xf32>
      %swap3A_73 = vector.shape_cast %broadcast_in_dim3A_0 : vector<16xf32> to vector<1x16xf32>
      tpu.vector_store %arg9[%swap3A_69, %swap3A_70], %swap3A_73 {strides = array<i32>} : memref<125x128xf32, #tpu.memory_space<vmem>>, vector<1x16xf32>,
      %swap3A_74 = arith.index_cast %scan3A_48 : i32 to index
      %swap3A_75 = arith.constant 80 : index
      %swap3A_76 = tpu.vector_load %arg9[%swap3A_74, %swap3A_75] {strides = array<i32>} : memref<125x128xf32, #tpu.memory_space<vmem>>, vector<1x16xf32>,
      %swap3A_77 = vector.shape_cast %swap3A_76 : vector<1x16xf32> to vector<16xf32>
      %swap3A_78 = vector.shape_cast %broadcast_in_dim3A_0 : vector<16xf32> to vector<1x16xf32>
      tpu.vector_store %arg9[%swap3A_74, %swap3A_75], %swap3A_78 {strides = array<i32>} : memref<125x128xf32, #tpu.memory_space<vmem>>, vector<1x16xf32>,
      %swap3A_79 = arith.index_cast %scan3A_48 : i32 to index
      %swap3A_80 = arith.constant 96 : index
      %swap3A_81 = tpu.vector_load %arg9[%swap3A_79, %swap3A_80] {strides = array<i32>} : memref<125x128xf32, #tpu.memory_space<vmem>>, vector<1x16xf32>,
      %swap3A_82 = vector.shape_cast %swap3A_81 : vector<1x16xf32> to vector<16xf32>
      %swap3A_83 = vector.shape_cast %broadcast_in_dim3A_0 : vector<16xf32> to vector<1x16xf32>
      tpu.vector_store %arg9[%swap3A_79, %swap3A_80], %swap3A_83 {strides = array<i32>} : memref<125x128xf32, #tpu.memory_space<vmem>>, vector<1x16xf32>,
      %swap3A_84 = arith.index_cast %scan3A_48 : i32 to index
      %swap3A_85 = arith.constant 112 : index
      %swap3A_86 = tpu.vector_load %arg9[%swap3A_84, %swap3A_85] {strides = array<i32>} : memref<125x128xf32, #tpu.memory_space<vmem>>, vector<1x16xf32>,
      %swap3A_87 = vector.shape_cast %swap3A_86 : vector<1x16xf32> to vector<16xf32>
      %swap3A_88 = vector.shape_cast %broadcast_in_dim3A_0 : vector<16xf32> to vector<1x16xf32>
      tpu.vector_store %arg9[%swap3A_84, %swap3A_85], %swap3A_88 {strides = array<i32>} : memref<125x128xf32, #tpu.memory_space<vmem>>, vector<1x16xf32>,
      %scan3A_89 = arith.constant 0 : i32
      scf.yield %scan3A_89 : i32
    }
    %scan3A_6 = arith.constant 125 : i32
    %mul3A = arith.constant 625 : i32
    %mul3A_7 = arith.muli %arg1, %mul3A : i32
    %add3A = arith.constant 0 : i32
    %add3A_8 = arith.addi %mul3A_7, %add3A : i32
    "tpu.region"() ({
      %run_scoped3A = tpu.sem_alloc : memref<!tpu.dma_semaphore, #tpu.memory_space<semaphore_mem>>
      %dma_start3A = arith.constant 0 : i32
      %dma_start3A_48 = tpu.memref_slice %arg10[%add3A_8, %dma_start3A] : memref<10000x128xf32, #tpu.memory_space<vmem_shared>> -> memref<125x128xf32, #tpu.memory_space<vmem_shared>>
      %dma_start3A_49 = arith.constant 0 : i32
      %dma_start3A_50 = tpu.memref_slice %arg10[%add3A_8, %dma_start3A_49] : memref<10000x128xf32, #tpu.memory_space<vmem_shared>> -> memref<125x128xf32, #tpu.memory_space<vmem_shared>>
      tpu.enqueue_dma source(%arg9 : memref<125x128xf32, #tpu.memory_space<vmem>>) target(%dma_start3A_50 : memref<125x128xf32, #tpu.memory_space<vmem_shared>>) target_semaphore(%run_scoped3A : memref<!tpu.dma_semaphore, #tpu.memory_space<semaphore_mem>>)
      %dma_wait3A = arith.constant 0 : i32
      %dma_wait3A_51 = tpu.memref_slice %arg10[%add3A_8, %dma_wait3A] : memref<10000x128xf32, #tpu.memory_space<vmem_shared>> -> memref<125x128xf32, #tpu.memory_space<vmem_shared>>
      %dma_wait3A_52 = arith.constant 0 : i32
      %dma_wait3A_53 = tpu.memref_slice %arg10[%add3A_8, %dma_wait3A_52] : memref<10000x128xf32, #tpu.memory_space<vmem_shared>> -> memref<125x128xf32, #tpu.memory_space<vmem_shared>>
      tpu.wait_dma2 semaphore(%run_scoped3A : memref<!tpu.dma_semaphore, #tpu.memory_space<semaphore_mem>>) src(%arg9 : memref<125x128xf32, #tpu.memory_space<vmem>>) dst(%dma_wait3A_53 : memref<125x128xf32, #tpu.memory_space<vmem_shared>>)
      tpu.yield
    }) : () -> ()
    %add3A_9 = arith.constant 125 : i32
    %add3A_10 = arith.addi %mul3A_7, %add3A_9 : i32
    "tpu.region"() ({
      %run_scoped3A = tpu.sem_alloc : memref<!tpu.dma_semaphore, #tpu.memory_space<semaphore_mem>>
      %dma_start3A = arith.constant 0 : i32
      %dma_start3A_48 = tpu.memref_slice %arg10[%add3A_10, %dma_start3A] : memref<10000x128xf32, #tpu.memory_space<vmem_shared>> -> memref<125x128xf32, #tpu.memory_space<vmem_shared>>
      %dma_start3A_49 = arith.constant 0 : i32
      %dma_start3A_50 = tpu.memref_slice %arg10[%add3A_10, %dma_start3A_49] : memref<10000x128xf32, #tpu.memory_space<vmem_shared>> -> memref<125x128xf32, #tpu.memory_space<vmem_shared>>
      tpu.enqueue_dma source(%arg9 : memref<125x128xf32, #tpu.memory_space<vmem>>) target(%dma_start3A_50 : memref<125x128xf32, #tpu.memory_space<vmem_shared>>) target_semaphore(%run_scoped3A : memref<!tpu.dma_semaphore, #tpu.memory_space<semaphore_mem>>)
      %dma_wait3A = arith.constant 0 : i32
      %dma_wait3A_51 = tpu.memref_slice %arg10[%add3A_10, %dma_wait3A] : memref<10000x128xf32, #tpu.memory_space<vmem_shared>> -> memref<125x128xf32, #tpu.memory_space<vmem_shared>>
      %dma_wait3A_52 = arith.constant 0 : i32
      %dma_wait3A_53 = tpu.memref_slice %arg10[%add3A_10, %dma_wait3A_52] : memref<10000x128xf32, #tpu.memory_space<vmem_shared>> -> memref<125x128xf32, #tpu.memory_space<vmem_shared>>
      tpu.wait_dma2 semaphore(%run_scoped3A : memref<!tpu.dma_semaphore, #tpu.memory_space<semaphore_mem>>) src(%arg9 : memref<125x128xf32, #tpu.memory_space<vmem>>) dst(%dma_wait3A_53 : memref<125x128xf32, #tpu.memory_space<vmem_shared>>)
      tpu.yield
    }) : () -> ()
    %add3A_11 = arith.constant 250 : i32
    %add3A_12 = arith.addi %mul3A_7, %add3A_11 : i32
    "tpu.region"() ({
      %run_scoped3A = tpu.sem_alloc : memref<!tpu.dma_semaphore, #tpu.memory_space<semaphore_mem>>
      %dma_start3A = arith.constant 0 : i32
      %dma_start3A_48 = tpu.memref_slice %arg10[%add3A_12, %dma_start3A] : memref<10000x128xf32, #tpu.memory_space<vmem_shared>> -> memref<125x128xf32, #tpu.memory_space<vmem_shared>>
      %dma_start3A_49 = arith.constant 0 : i32
      %dma_start3A_50 = tpu.memref_slice %arg10[%add3A_12, %dma_start3A_49] : memref<10000x128xf32, #tpu.memory_space<vmem_shared>> -> memref<125x128xf32, #tpu.memory_space<vmem_shared>>
      tpu.enqueue_dma source(%arg9 : memref<125x128xf32, #tpu.memory_space<vmem>>) target(%dma_start3A_50 : memref<125x128xf32, #tpu.memory_space<vmem_shared>>) target_semaphore(%run_scoped3A : memref<!tpu.dma_semaphore, #tpu.memory_space<semaphore_mem>>)
      %dma_wait3A = arith.constant 0 : i32
      %dma_wait3A_51 = tpu.memref_slice %arg10[%add3A_12, %dma_wait3A] : memref<10000x128xf32, #tpu.memory_space<vmem_shared>> -> memref<125x128xf32, #tpu.memory_space<vmem_shared>>
      %dma_wait3A_52 = arith.constant 0 : i32
      %dma_wait3A_53 = tpu.memref_slice %arg10[%add3A_12, %dma_wait3A_52] : memref<10000x128xf32, #tpu.memory_space<vmem_shared>> -> memref<125x128xf32, #tpu.memory_space<vmem_shared>>
      tpu.wait_dma2 semaphore(%run_scoped3A : memref<!tpu.dma_semaphore, #tpu.memory_space<semaphore_mem>>) src(%arg9 : memref<125x128xf32, #tpu.memory_space<vmem>>) dst(%dma_wait3A_53 : memref<125x128xf32, #tpu.memory_space<vmem_shared>>)
      tpu.yield
    }) : () -> ()
    %add3A_13 = arith.constant 375 : i32
    %add3A_14 = arith.addi %mul3A_7, %add3A_13 : i32
    "tpu.region"() ({
      %run_scoped3A = tpu.sem_alloc : memref<!tpu.dma_semaphore, #tpu.memory_space<semaphore_mem>>
      %dma_start3A = arith.constant 0 : i32
      %dma_start3A_48 = tpu.memref_slice %arg10[%add3A_14, %dma_start3A] : memref<10000x128xf32, #tpu.memory_space<vmem_shared>> -> memref<125x128xf32, #tpu.memory_space<vmem_shared>>
      %dma_start3A_49 = arith.constant 0 : i32
      %dma_start3A_50 = tpu.memref_slice %arg10[%add3A_14, %dma_start3A_49] : memref<10000x128xf32, #tpu.memory_space<vmem_shared>> -> memref<125x128xf32, #tpu.memory_space<vmem_shared>>
      tpu.enqueue_dma source(%arg9 : memref<125x128xf32, #tpu.memory_space<vmem>>) target(%dma_start3A_50 : memref<125x128xf32, #tpu.memory_space<vmem_shared>>) target_semaphore(%run_scoped3A : memref<!tpu.dma_semaphore, #tpu.memory_space<semaphore_mem>>)
      %dma_wait3A = arith.constant 0 : i32
      %dma_wait3A_51 = tpu.memref_slice %arg10[%add3A_14, %dma_wait3A] : memref<10000x128xf32, #tpu.memory_space<vmem_shared>> -> memref<125x128xf32, #tpu.memory_space<vmem_shared>>
      %dma_wait3A_52 = arith.constant 0 : i32
      %dma_wait3A_53 = tpu.memref_slice %arg10[%add3A_14, %dma_wait3A_52] : memref<10000x128xf32, #tpu.memory_space<vmem_shared>> -> memref<125x128xf32, #tpu.memory_space<vmem_shared>>
      tpu.wait_dma2 semaphore(%run_scoped3A : memref<!tpu.dma_semaphore, #tpu.memory_space<semaphore_mem>>) src(%arg9 : memref<125x128xf32, #tpu.memory_space<vmem>>) dst(%dma_wait3A_53 : memref<125x128xf32, #tpu.memory_space<vmem_shared>>)
      tpu.yield
    }) : () -> ()
    %add3A_15 = arith.constant 500 : i32
    %add3A_16 = arith.addi %mul3A_7, %add3A_15 : i32
    "tpu.region"() ({
      %run_scoped3A = tpu.sem_alloc : memref<!tpu.dma_semaphore, #tpu.memory_space<semaphore_mem>>
      %dma_start3A = arith.constant 0 : i32
      %dma_start3A_48 = tpu.memref_slice %arg10[%add3A_16, %dma_start3A] : memref<10000x128xf32, #tpu.memory_space<vmem_shared>> -> memref<125x128xf32, #tpu.memory_space<vmem_shared>>
      %dma_start3A_49 = arith.constant 0 : i32
      %dma_start3A_50 = tpu.memref_slice %arg10[%add3A_16, %dma_start3A_49] : memref<10000x128xf32, #tpu.memory_space<vmem_shared>> -> memref<125x128xf32, #tpu.memory_space<vmem_shared>>
      tpu.enqueue_dma source(%arg9 : memref<125x128xf32, #tpu.memory_space<vmem>>) target(%dma_start3A_50 : memref<125x128xf32, #tpu.memory_space<vmem_shared>>) target_semaphore(%run_scoped3A : memref<!tpu.dma_semaphore, #tpu.memory_space<semaphore_mem>>)
      %dma_wait3A = arith.constant 0 : i32
      %dma_wait3A_51 = tpu.memref_slice %arg10[%add3A_16, %dma_wait3A] : memref<10000x128xf32, #tpu.memory_space<vmem_shared>> -> memref<125x128xf32, #tpu.memory_space<vmem_shared>>
      %dma_wait3A_52 = arith.constant 0 : i32
      %dma_wait3A_53 = tpu.memref_slice %arg10[%add3A_16, %dma_wait3A_52] : memref<10000x128xf32, #tpu.memory_space<vmem_shared>> -> memref<125x128xf32, #tpu.memory_space<vmem_shared>>
      tpu.wait_dma2 semaphore(%run_scoped3A : memref<!tpu.dma_semaphore, #tpu.memory_space<semaphore_mem>>) src(%arg9 : memref<125x128xf32, #tpu.memory_space<vmem>>) dst(%dma_wait3A_53 : memref<125x128xf32, #tpu.memory_space<vmem_shared>>)
      tpu.yield
    }) : () -> ()
    %barrier3A = arith.constant 0 : index
    tpu.barrier barrier_id(%barrier3A)
    %mul3A_17 = arith.constant 156 : i32
    %mul3A_18 = arith.muli %arg1, %mul3A_17 : i32
    %min3A = arith.constant 4 : i32
    %min3A_19 = arith.minsi %arg1, %min3A : i32
    %add3A_20 = arith.addi %mul3A_18, %min3A_19 : i32
    %lt3A = arith.constant 4 : i32
    %lt3A_21 = arith.cmpi slt, %arg1, %lt3A : i32
    %jit3A = arith.constant 1 : i32
    %jit3A_22 = arith.constant 0 : i32
    %select_n3A = arith.select %lt3A_21, %jit3A, %jit3A_22 : i32
    %add3A_23 = arith.constant 156 : i32
    %add3A_24 = arith.addi %add3A_23, %select_n3A : i32
    %add3A_25 = arith.addi %add3A_20, %add3A_24 : i32
    %add3A_26 = arith.constant 0 : i32
    %add3A_27 = arith.addi %add3A_20, %add3A_26 : i32
    %lt3A_28 = arith.cmpi slt, %add3A_27, %add3A_25 : i32
    %convert_element_type3A = arith.extui %lt3A_28 : i1 to i32
    %cond3A = arith.constant 0 : i32
    %cond3A_29 = arith.cmpi ne, %convert_element_type3A, %cond3A : i32
    scf.if %cond3A_29 {
      %add3A_48 = arith.constant 0 : i32
      %add3A_49 = arith.addi %add3A_20, %add3A_48 : i32
      %mul3A_50 = arith.constant 128 : i32
      %mul3A_51 = arith.muli %add3A_49, %mul3A_50 : i32
      %dma_start3A = tpu.memref_slice %arg3[%mul3A_51] : memref<320000xi32, #tpu.memory_space<hbm>> -> memref<128xi32, #tpu.memory_space<hbm>>
      %dma_start3A_52 = tpu.memref_slice %arg3[%mul3A_51] : memref<320000xi32, #tpu.memory_space<hbm>> -> memref<128xi32, #tpu.memory_space<hbm>>
      tpu.enqueue_dma source(%dma_start3A_52 : memref<128xi32, #tpu.memory_space<hbm>>) target(%arg7 : memref<128xi32, #tpu.memory_space<vmem>>) target_semaphore(%arg11 : memref<!tpu.dma_semaphore, #tpu.memory_space<semaphore_mem>>)
      %mul3A_53 = arith.constant 128 : i32
      %mul3A_54 = arith.muli %add3A_49, %mul3A_53 : i32
      %dma_start3A_55 = arith.constant 0 : i32
      %dma_start3A_56 = tpu.memref_slice %arg2[%arg0, %mul3A_54, %dma_start3A_55] : memref<2x320000x128xf32, #tpu.memory_space<hbm>> -> memref<1x128x128xf32, #tpu.memory_space<hbm>>
      %dma_start3A_57 = tpu.memref_squeeze %dma_start3A_56 : memref<1x128x128xf32, #tpu.memory_space<hbm>> -> memref<128x128xf32, #tpu.memory_space<hbm>>
      %dma_start3A_58 = arith.constant 0 : i32
      %dma_start3A_59 = tpu.memref_slice %arg2[%arg0, %mul3A_54, %dma_start3A_58] : memref<2x320000x128xf32, #tpu.memory_space<hbm>> -> memref<1x128x128xf32, #tpu.memory_space<hbm>>
      %dma_start3A_60 = tpu.memref_squeeze %dma_start3A_59 : memref<1x128x128xf32, #tpu.memory_space<hbm>> -> memref<128x128xf32, #tpu.memory_space<hbm>>
      tpu.enqueue_dma source(%dma_start3A_60 : memref<128x128xf32, #tpu.memory_space<hbm>>) target(%arg5 : memref<128x128xf32, #tpu.memory_space<vmem>>) target_semaphore(%arg13 : memref<!tpu.dma_semaphore, #tpu.memory_space<semaphore_mem>>)
    } else {
    }
    %add3A_30 = arith.constant 1 : i32
    %add3A_31 = arith.addi %add3A_20, %add3A_30 : i32
    %lt3A_32 = arith.cmpi slt, %add3A_31, %add3A_25 : i32
    %convert_element_type3A_33 = arith.extui %lt3A_32 : i1 to i32
    %cond3A_34 = arith.constant 0 : i32
    %cond3A_35 = arith.cmpi ne, %convert_element_type3A_33, %cond3A_34 : i32
    scf.if %cond3A_35 {
      %add3A_48 = arith.constant 1 : i32
      %add3A_49 = arith.addi %add3A_20, %add3A_48 : i32
      %mul3A_50 = arith.constant 128 : i32
      %mul3A_51 = arith.muli %add3A_49, %mul3A_50 : i32
      %dma_start3A = tpu.memref_slice %arg3[%mul3A_51] : memref<320000xi32, #tpu.memory_space<hbm>> -> memref<128xi32, #tpu.memory_space<hbm>>
      %dma_start3A_52 = tpu.memref_slice %arg3[%mul3A_51] : memref<320000xi32, #tpu.memory_space<hbm>> -> memref<128xi32, #tpu.memory_space<hbm>>
      tpu.enqueue_dma source(%dma_start3A_52 : memref<128xi32, #tpu.memory_space<hbm>>) target(%arg8 : memref<128xi32, #tpu.memory_space<vmem>>) target_semaphore(%arg12 : memref<!tpu.dma_semaphore, #tpu.memory_space<semaphore_mem>>)
      %mul3A_53 = arith.constant 128 : i32
      %mul3A_54 = arith.muli %add3A_49, %mul3A_53 : i32
      %dma_start3A_55 = arith.constant 0 : i32
      %dma_start3A_56 = tpu.memref_slice %arg2[%arg0, %mul3A_54, %dma_start3A_55] : memref<2x320000x128xf32, #tpu.memory_space<hbm>> -> memref<1x128x128xf32, #tpu.memory_space<hbm>>
      %dma_start3A_57 = tpu.memref_squeeze %dma_start3A_56 : memref<1x128x128xf32, #tpu.memory_space<hbm>> -> memref<128x128xf32, #tpu.memory_space<hbm>>
      %dma_start3A_58 = arith.constant 0 : i32
      %dma_start3A_59 = tpu.memref_slice %arg2[%arg0, %mul3A_54, %dma_start3A_58] : memref<2x320000x128xf32, #tpu.memory_space<hbm>> -> memref<1x128x128xf32, #tpu.memory_space<hbm>>
      %dma_start3A_60 = tpu.memref_squeeze %dma_start3A_59 : memref<1x128x128xf32, #tpu.memory_space<hbm>> -> memref<128x128xf32, #tpu.memory_space<hbm>>
      tpu.enqueue_dma source(%dma_start3A_60 : memref<128x128xf32, #tpu.memory_space<hbm>>) target(%arg6 : memref<128x128xf32, #tpu.memory_space<vmem>>) target_semaphore(%arg14 : memref<!tpu.dma_semaphore, #tpu.memory_space<semaphore_mem>>)
    } else {
    }
    %scan3A_36 = arith.constant 0 : i32
    %scan3A_37 = arith.constant 0 : i32
    %scan3A_38 = arith.constant 79 : i32
    %scan3A_39 = arith.addi %scan3A_37, %scan3A_38 : i32
    %scan3A_40 = arith.constant 1 : i32
    %scan3A_41 = scf.for %scan3A_48 = %scan3A_37 to %scan3A_39 step %scan3A_40 iter_args(%scan3A_49 = %scan3A_36) -> (i32)  : i32 {
      %mul3A_50 = arith.constant 2 : i32
      %mul3A_51 = arith.muli %scan3A_48, %mul3A_50 : i32
      %add3A_52 = arith.addi %add3A_20, %mul3A_51 : i32
      %add3A_53 = arith.constant 0 : i32
      %add3A_54 = arith.addi %add3A_52, %add3A_53 : i32
      %lt3A_55 = arith.cmpi slt, %add3A_54, %add3A_25 : i32
      %convert_element_type3A_56 = arith.extui %lt3A_55 : i1 to i32
      %cond3A_57 = arith.constant 0 : i32
      %cond3A_58 = arith.cmpi ne, %convert_element_type3A_56, %cond3A_57 : i32
      scf.if %cond3A_58 {
        %dma_wait3A = arith.constant 0 : i32
        %dma_wait3A_78 = tpu.memref_slice %arg3[%dma_wait3A] : memref<320000xi32, #tpu.memory_space<hbm>> -> memref<128xi32, #tpu.memory_space<hbm>>
        %dma_wait3A_79 = arith.constant 0 : i32
        %dma_wait3A_80 = tpu.memref_slice %arg3[%dma_wait3A_79] : memref<320000xi32, #tpu.memory_space<hbm>> -> memref<128xi32, #tpu.memory_space<hbm>>
        tpu.wait_dma2 semaphore(%arg11 : memref<!tpu.dma_semaphore, #tpu.memory_space<semaphore_mem>>) src(%dma_wait3A_80 : memref<128xi32, #tpu.memory_space<hbm>>) dst(%arg7 : memref<128xi32, #tpu.memory_space<vmem>>)
        %mul3A_81 = arith.constant 128 : i32
        %mul3A_82 = arith.muli %add3A_20, %mul3A_81 : i32
        %dma_wait3A_83 = arith.constant 0 : i32
        %dma_wait3A_84 = tpu.memref_slice %arg2[%arg0, %mul3A_82, %dma_wait3A_83] : memref<2x320000x128xf32, #tpu.memory_space<hbm>> -> memref<1x128x128xf32, #tpu.memory_space<hbm>>
        %dma_wait3A_85 = tpu.memref_squeeze %dma_wait3A_84 : memref<1x128x128xf32, #tpu.memory_space<hbm>> -> memref<128x128xf32, #tpu.memory_space<hbm>>
        %dma_wait3A_86 = arith.constant 0 : i32
        %dma_wait3A_87 = tpu.memref_slice %arg2[%arg0, %mul3A_82, %dma_wait3A_86] : memref<2x320000x128xf32, #tpu.memory_space<hbm>> -> memref<1x128x128xf32, #tpu.memory_space<hbm>>
        %dma_wait3A_88 = tpu.memref_squeeze %dma_wait3A_87 : memref<1x128x128xf32, #tpu.memory_space<hbm>> -> memref<128x128xf32, #tpu.memory_space<hbm>>
        tpu.wait_dma2 semaphore(%arg13 : memref<!tpu.dma_semaphore, #tpu.memory_space<semaphore_mem>>) src(%dma_wait3A_88 : memref<128x128xf32, #tpu.memory_space<hbm>>) dst(%arg5 : memref<128x128xf32, #tpu.memory_space<vmem>>)
        "tpu.region"() ({
          %run_scoped3A = tpu.sem_alloc : memref<!tpu.dma_semaphore, #tpu.memory_space<semaphore_mem>>
          %dma_start3A = arith.constant 0 : i32
          %dma_start3A_89 = arith.constant 0 : i32
          %dma_start3A_90 = tpu.memref_slice %arg10[%dma_start3A, %dma_start3A_89] : memref<10000x128xf32, #tpu.memory_space<vmem_shared>> -> memref<10000x128xf32, #tpu.memory_space<vmem_shared>>
          tpu.enqueue_indirect_dma source(%arg5 : memref<128x128xf32, #tpu.memory_space<vmem>>) target(%dma_start3A_90 : memref<10000x128xf32, #tpu.memory_space<vmem_shared>>) offsets(%arg7 : memref<128xi32, #tpu.memory_space<vmem>>) semaphore(%run_scoped3A : memref<!tpu.dma_semaphore, #tpu.memory_space<semaphore_mem>>) {add = true}
          %dma_wait3A_91 = arith.constant 0 : i32
          %dma_wait3A_92 = arith.constant 0 : i32
          %dma_wait3A_93 = tpu.memref_slice %arg10[%dma_wait3A_91, %dma_wait3A_92] : memref<10000x128xf32, #tpu.memory_space<vmem_shared>> -> memref<10000x128xf32, #tpu.memory_space<vmem_shared>>
          tpu.wait_indirect_dma semaphore(%run_scoped3A : memref<!tpu.dma_semaphore, #tpu.memory_space<semaphore_mem>>) src(%arg5 : memref<128x128xf32, #tpu.memory_space<vmem>>) dst(%dma_wait3A_93 : memref<10000x128xf32, #tpu.memory_space<vmem_shared>>)
          tpu.yield
        }) : () -> ()
      } else {
      }
      %add3A_59 = arith.constant 2 : i32
      %add3A_60 = arith.addi %add3A_54, %add3A_59 : i32
      %lt3A_61 = arith.cmpi slt, %add3A_60, %add3A_25 : i32
      %convert_element_type3A_62 = arith.extui %lt3A_61 : i1 to i32
      %cond3A_63 = arith.constant 0 : i32
      %cond3A_64 = arith.cmpi ne, %convert_element_type3A_62, %cond3A_63 : i32
      scf.if %cond3A_64 {
        %add3A_78 = arith.constant 2 : i32
        %add3A_79 = arith.addi %add3A_54, %add3A_78 : i32
        %mul3A_80 = arith.constant 128 : i32
        %mul3A_81 = arith.muli %add3A_79, %mul3A_80 : i32
        %dma_start3A = tpu.memref_slice %arg3[%mul3A_81] : memref<320000xi32, #tpu.memory_space<hbm>> -> memref<128xi32, #tpu.memory_space<hbm>>
        %dma_start3A_82 = tpu.memref_slice %arg3[%mul3A_81] : memref<320000xi32, #tpu.memory_space<hbm>> -> memref<128xi32, #tpu.memory_space<hbm>>
        tpu.enqueue_dma source(%dma_start3A_82 : memref<128xi32, #tpu.memory_space<hbm>>) target(%arg7 : memref<128xi32, #tpu.memory_space<vmem>>) target_semaphore(%arg11 : memref<!tpu.dma_semaphore, #tpu.memory_space<semaphore_mem>>)
        %mul3A_83 = arith.constant 128 : i32
        %mul3A_84 = arith.muli %add3A_79, %mul3A_83 : i32
        %dma_start3A_85 = arith.constant 0 : i32
        %dma_start3A_86 = tpu.memref_slice %arg2[%arg0, %mul3A_84, %dma_start3A_85] : memref<2x320000x128xf32, #tpu.memory_space<hbm>> -> memref<1x128x128xf32, #tpu.memory_space<hbm>>
        %dma_start3A_87 = tpu.memref_squeeze %dma_start3A_86 : memref<1x128x128xf32, #tpu.memory_space<hbm>> -> memref<128x128xf32, #tpu.memory_space<hbm>>
        %dma_start3A_88 = arith.constant 0 : i32
        %dma_start3A_89 = tpu.memref_slice %arg2[%arg0, %mul3A_84, %dma_start3A_88] : memref<2x320000x128xf32, #tpu.memory_space<hbm>> -> memref<1x128x128xf32, #tpu.memory_space<hbm>>
        %dma_start3A_90 = tpu.memref_squeeze %dma_start3A_89 : memref<1x128x128xf32, #tpu.memory_space<hbm>> -> memref<128x128xf32, #tpu.memory_space<hbm>>
        tpu.enqueue_dma source(%dma_start3A_90 : memref<128x128xf32, #tpu.memory_space<hbm>>) target(%arg5 : memref<128x128xf32, #tpu.memory_space<vmem>>) target_semaphore(%arg13 : memref<!tpu.dma_semaphore, #tpu.memory_space<semaphore_mem>>)
      } else {
      }
      %add3A_65 = arith.constant 1 : i32
      %add3A_66 = arith.addi %add3A_52, %add3A_65 : i32
      %lt3A_67 = arith.cmpi slt, %add3A_66, %add3A_25 : i32
      %convert_element_type3A_68 = arith.extui %lt3A_67 : i1 to i32
      %cond3A_69 = arith.constant 0 : i32
      %cond3A_70 = arith.cmpi ne, %convert_element_type3A_68, %cond3A_69 : i32
      scf.if %cond3A_70 {
        %dma_wait3A = arith.constant 0 : i32
        %dma_wait3A_78 = tpu.memref_slice %arg3[%dma_wait3A] : memref<320000xi32, #tpu.memory_space<hbm>> -> memref<128xi32, #tpu.memory_space<hbm>>
        %dma_wait3A_79 = arith.constant 0 : i32
        %dma_wait3A_80 = tpu.memref_slice %arg3[%dma_wait3A_79] : memref<320000xi32, #tpu.memory_space<hbm>> -> memref<128xi32, #tpu.memory_space<hbm>>
        tpu.wait_dma2 semaphore(%arg12 : memref<!tpu.dma_semaphore, #tpu.memory_space<semaphore_mem>>) src(%dma_wait3A_80 : memref<128xi32, #tpu.memory_space<hbm>>) dst(%arg8 : memref<128xi32, #tpu.memory_space<vmem>>)
        %mul3A_81 = arith.constant 128 : i32
        %mul3A_82 = arith.muli %add3A_20, %mul3A_81 : i32
        %dma_wait3A_83 = arith.constant 0 : i32
        %dma_wait3A_84 = tpu.memref_slice %arg2[%arg0, %mul3A_82, %dma_wait3A_83] : memref<2x320000x128xf32, #tpu.memory_space<hbm>> -> memref<1x128x128xf32, #tpu.memory_space<hbm>>
        %dma_wait3A_85 = tpu.memref_squeeze %dma_wait3A_84 : memref<1x128x128xf32, #tpu.memory_space<hbm>> -> memref<128x128xf32, #tpu.memory_space<hbm>>
        %dma_wait3A_86 = arith.constant 0 : i32
        %dma_wait3A_87 = tpu.memref_slice %arg2[%arg0, %mul3A_82, %dma_wait3A_86] : memref<2x320000x128xf32, #tpu.memory_space<hbm>> -> memref<1x128x128xf32, #tpu.memory_space<hbm>>
        %dma_wait3A_88 = tpu.memref_squeeze %dma_wait3A_87 : memref<1x128x128xf32, #tpu.memory_space<hbm>> -> memref<128x128xf32, #tpu.memory_space<hbm>>
        tpu.wait_dma2 semaphore(%arg14 : memref<!tpu.dma_semaphore, #tpu.memory_space<semaphore_mem>>) src(%dma_wait3A_88 : memref<128x128xf32, #tpu.memory_space<hbm>>) dst(%arg6 : memref<128x128xf32, #tpu.memory_space<vmem>>)
        "tpu.region"() ({
          %run_scoped3A = tpu.sem_alloc : memref<!tpu.dma_semaphore, #tpu.memory_space<semaphore_mem>>
          %dma_start3A = arith.constant 0 : i32
          %dma_start3A_89 = arith.constant 0 : i32
          %dma_start3A_90 = tpu.memref_slice %arg10[%dma_start3A, %dma_start3A_89] : memref<10000x128xf32, #tpu.memory_space<vmem_shared>> -> memref<10000x128xf32, #tpu.memory_space<vmem_shared>>
          tpu.enqueue_indirect_dma source(%arg6 : memref<128x128xf32, #tpu.memory_space<vmem>>) target(%dma_start3A_90 : memref<10000x128xf32, #tpu.memory_space<vmem_shared>>) offsets(%arg8 : memref<128xi32, #tpu.memory_space<vmem>>) semaphore(%run_scoped3A : memref<!tpu.dma_semaphore, #tpu.memory_space<semaphore_mem>>) {add = true}
          %dma_wait3A_91 = arith.constant 0 : i32
          %dma_wait3A_92 = arith.constant 0 : i32
          %dma_wait3A_93 = tpu.memref_slice %arg10[%dma_wait3A_91, %dma_wait3A_92] : memref<10000x128xf32, #tpu.memory_space<vmem_shared>> -> memref<10000x128xf32, #tpu.memory_space<vmem_shared>>
          tpu.wait_indirect_dma semaphore(%run_scoped3A : memref<!tpu.dma_semaphore, #tpu.memory_space<semaphore_mem>>) src(%arg6 : memref<128x128xf32, #tpu.memory_space<vmem>>) dst(%dma_wait3A_93 : memref<10000x128xf32, #tpu.memory_space<vmem_shared>>)
          tpu.yield
        }) : () -> ()
      } else {
      }
      %add3A_71 = arith.constant 2 : i32
      %add3A_72 = arith.addi %add3A_66, %add3A_71 : i32
      %lt3A_73 = arith.cmpi slt, %add3A_72, %add3A_25 : i32
      %convert_element_type3A_74 = arith.extui %lt3A_73 : i1 to i32
      %cond3A_75 = arith.constant 0 : i32
      %cond3A_76 = arith.cmpi ne, %convert_element_type3A_74, %cond3A_75 : i32
      scf.if %cond3A_76 {
        %add3A_78 = arith.constant 2 : i32
        %add3A_79 = arith.addi %add3A_66, %add3A_78 : i32
        %mul3A_80 = arith.constant 128 : i32
        %mul3A_81 = arith.muli %add3A_79, %mul3A_80 : i32
        %dma_start3A = tpu.memref_slice %arg3[%mul3A_81] : memref<320000xi32, #tpu.memory_space<hbm>> -> memref<128xi32, #tpu.memory_space<hbm>>
        %dma_start3A_82 = tpu.memref_slice %arg3[%mul3A_81] : memref<320000xi32, #tpu.memory_space<hbm>> -> memref<128xi32, #tpu.memory_space<hbm>>
        tpu.enqueue_dma source(%dma_start3A_82 : memref<128xi32, #tpu.memory_space<hbm>>) target(%arg8 : memref<128xi32, #tpu.memory_space<vmem>>) target_semaphore(%arg12 : memref<!tpu.dma_semaphore, #tpu.memory_space<semaphore_mem>>)
        %mul3A_83 = arith.constant 128 : i32
        %mul3A_84 = arith.muli %add3A_79, %mul3A_83 : i32
        %dma_start3A_85 = arith.constant 0 : i32
        %dma_start3A_86 = tpu.memref_slice %arg2[%arg0, %mul3A_84, %dma_start3A_85] : memref<2x320000x128xf32, #tpu.memory_space<hbm>> -> memref<1x128x128xf32, #tpu.memory_space<hbm>>
        %dma_start3A_87 = tpu.memref_squeeze %dma_start3A_86 : memref<1x128x128xf32, #tpu.memory_space<hbm>> -> memref<128x128xf32, #tpu.memory_space<hbm>>
        %dma_start3A_88 = arith.constant 0 : i32
        %dma_start3A_89 = tpu.memref_slice %arg2[%arg0, %mul3A_84, %dma_start3A_88] : memref<2x320000x128xf32, #tpu.memory_space<hbm>> -> memref<1x128x128xf32, #tpu.memory_space<hbm>>
        %dma_start3A_90 = tpu.memref_squeeze %dma_start3A_89 : memref<1x128x128xf32, #tpu.memory_space<hbm>> -> memref<128x128xf32, #tpu.memory_space<hbm>>
        tpu.enqueue_dma source(%dma_start3A_90 : memref<128x128xf32, #tpu.memory_space<hbm>>) target(%arg6 : memref<128x128xf32, #tpu.memory_space<vmem>>) target_semaphore(%arg14 : memref<!tpu.dma_semaphore, #tpu.memory_space<semaphore_mem>>)
      } else {
      }
      %scan3A_77 = arith.constant 0 : i32
      scf.yield %scan3A_77 : i32
    }
    %scan3A_42 = arith.constant 79 : i32
    %barrier3A_43 = arith.constant 0 : index
    tpu.barrier barrier_id(%barrier3A_43)
    %eq3A = arith.constant 0 : i32
    %eq3A_44 = arith.cmpi eq, %arg1, %eq3A : i32
    %convert_element_type3A_45 = arith.extui %eq3A_44 : i1 to i32
    %cond3A_46 = arith.constant 0 : i32
    %cond3A_47 = arith.cmpi ne, %convert_element_type3A_45, %cond3A_46 : i32
    scf.if %cond3A_47 {
      "tpu.region"() ({
        %run_scoped3A = tpu.sem_alloc : memref<!tpu.dma_semaphore, #tpu.memory_space<semaphore_mem>>
        %dma_start3A = arith.constant 0 : i32
        %dma_start3A_48 = arith.constant 0 : i32
        %dma_start3A_49 = tpu.memref_slice %arg4[%arg0, %dma_start3A, %dma_start3A_48] : memref<2x10000x128xf32, #tpu.memory_space<hbm>> -> memref<1x10000x128xf32, #tpu.memory_space<hbm>>
        %dma_start3A_50 = tpu.memref_squeeze %dma_start3A_49 : memref<1x10000x128xf32, #tpu.memory_space<hbm>> -> memref<10000x128xf32, #tpu.memory_space<hbm>>
        tpu.enqueue_dma source(%arg10 : memref<10000x128xf32, #tpu.memory_space<vmem_shared>>) target(%dma_start3A_50 : memref<10000x128xf32, #tpu.memory_space<hbm>>) target_semaphore(%run_scoped3A : memref<!tpu.dma_semaphore, #tpu.memory_space<semaphore_mem>>)
        %dma_wait3A = arith.constant 0 : i32
        %dma_wait3A_51 = arith.constant 0 : i32
        %dma_wait3A_52 = tpu.memref_slice %arg4[%arg0, %dma_wait3A, %dma_wait3A_51] : memref<2x10000x128xf32, #tpu.memory_space<hbm>> -> memref<1x10000x128xf32, #tpu.memory_space<hbm>>
        %dma_wait3A_53 = tpu.memref_squeeze %dma_wait3A_52 : memref<1x10000x128xf32, #tpu.memory_space<hbm>> -> memref<10000x128xf32, #tpu.memory_space<hbm>>
        tpu.wait_dma2 semaphore(%run_scoped3A : memref<!tpu.dma_semaphore, #tpu.memory_space<semaphore_mem>>) src(%arg10 : memref<10000x128xf32, #tpu.memory_space<vmem_shared>>) dst(%dma_wait3A_53 : memref<10000x128xf32, #tpu.memory_space<hbm>>)
        tpu.yield
      }) : () -> ()
    } else {
    }
    return
  }
}

#map = affine_map<(d0, d1) -> (0)>
#map1 = affine_map<(d0, d1) -> (0, 0, 0)>
module attributes {stable_mosaic.version = 14 : i64} {
  func.func @idx_counts(%arg0: i32, %arg1: i32, %arg2: memref<320000xi32, #tpu.memory_space<hbm>>, %arg3: memref<320000xi32, #tpu.memory_space<hbm>>, %arg4: memref<2x10000x128xf32, #tpu.memory_space<hbm>>, %arg5: memref<128x128xf32, #tpu.memory_space<vmem>>, %arg6: memref<128xi32, #tpu.memory_space<vmem>>, %arg7: memref<128xi32, #tpu.memory_space<vmem>>, %arg8: memref<!tpu.dma_semaphore, #tpu.memory_space<semaphore_mem>>, %arg9: memref<!tpu.dma_semaphore, #tpu.memory_space<semaphore_mem>>, %arg10: memref<125x128xf32, #tpu.memory_space<vmem>>, %arg11: memref<10000x128xf32, #tpu.memory_space<vmem_shared>>) attributes {dimension_semantics = [#tpu.dimension_semantics<core_parallel>, #tpu.dimension_semantics<subcore_parallel>], iteration_bounds = array<i64: 2, 16>, scalar_prefetch = 0 : i64, scratch_operands = 7 : i64, tpu.core_type = #tpu.core_type<sc_vector_subcore>, window_params = [{transform_indices = #map}, {transform_indices = #map}, {transform_indices = #map1}]} {
    %broadcast_in_dim3A = arith.constant 0.000000e+00 : f32
    %broadcast_in_dim3A_0 = vector.broadcast %broadcast_in_dim3A : f32 to vector<16xf32>
    %scan3A = arith.constant 0 : i32
    %scan3A_1 = arith.constant 0 : i32
    %scan3A_2 = arith.constant 125 : i32
    %scan3A_3 = arith.addi %scan3A_1, %scan3A_2 : i32
    %scan3A_4 = arith.constant 1 : i32
    %scan3A_5 = scf.for %scan3A_39 = %scan3A_1 to %scan3A_3 step %scan3A_4 iter_args(%scan3A_40 = %scan3A) -> (i32)  : i32 {
      %swap3A = arith.index_cast %scan3A_39 : i32 to index
      %swap3A_41 = arith.constant 0 : index
      %swap3A_42 = tpu.vector_load %arg10[%swap3A, %swap3A_41] {strides = array<i32>} : memref<125x128xf32, #tpu.memory_space<vmem>>, vector<1x16xf32>,
      %swap3A_43 = vector.shape_cast %swap3A_42 : vector<1x16xf32> to vector<16xf32>
      %swap3A_44 = vector.shape_cast %broadcast_in_dim3A_0 : vector<16xf32> to vector<1x16xf32>
      tpu.vector_store %arg10[%swap3A, %swap3A_41], %swap3A_44 {strides = array<i32>} : memref<125x128xf32, #tpu.memory_space<vmem>>, vector<1x16xf32>,
      %swap3A_45 = arith.index_cast %scan3A_39 : i32 to index
      %swap3A_46 = arith.constant 16 : index
      %swap3A_47 = tpu.vector_load %arg10[%swap3A_45, %swap3A_46] {strides = array<i32>} : memref<125x128xf32, #tpu.memory_space<vmem>>, vector<1x16xf32>,
      %swap3A_48 = vector.shape_cast %swap3A_47 : vector<1x16xf32> to vector<16xf32>
      %swap3A_49 = vector.shape_cast %broadcast_in_dim3A_0 : vector<16xf32> to vector<1x16xf32>
      tpu.vector_store %arg10[%swap3A_45, %swap3A_46], %swap3A_49 {strides = array<i32>} : memref<125x128xf32, #tpu.memory_space<vmem>>, vector<1x16xf32>,
      %swap3A_50 = arith.index_cast %scan3A_39 : i32 to index
      %swap3A_51 = arith.constant 32 : index
      %swap3A_52 = tpu.vector_load %arg10[%swap3A_50, %swap3A_51] {strides = array<i32>} : memref<125x128xf32, #tpu.memory_space<vmem>>, vector<1x16xf32>,
      %swap3A_53 = vector.shape_cast %swap3A_52 : vector<1x16xf32> to vector<16xf32>
      %swap3A_54 = vector.shape_cast %broadcast_in_dim3A_0 : vector<16xf32> to vector<1x16xf32>
      tpu.vector_store %arg10[%swap3A_50, %swap3A_51], %swap3A_54 {strides = array<i32>} : memref<125x128xf32, #tpu.memory_space<vmem>>, vector<1x16xf32>,
      %swap3A_55 = arith.index_cast %scan3A_39 : i32 to index
      %swap3A_56 = arith.constant 48 : index
      %swap3A_57 = tpu.vector_load %arg10[%swap3A_55, %swap3A_56] {strides = array<i32>} : memref<125x128xf32, #tpu.memory_space<vmem>>, vector<1x16xf32>,
      %swap3A_58 = vector.shape_cast %swap3A_57 : vector<1x16xf32> to vector<16xf32>
      %swap3A_59 = vector.shape_cast %broadcast_in_dim3A_0 : vector<16xf32> to vector<1x16xf32>
      tpu.vector_store %arg10[%swap3A_55, %swap3A_56], %swap3A_59 {strides = array<i32>} : memref<125x128xf32, #tpu.memory_space<vmem>>, vector<1x16xf32>,
      %swap3A_60 = arith.index_cast %scan3A_39 : i32 to index
      %swap3A_61 = arith.constant 64 : index
      %swap3A_62 = tpu.vector_load %arg10[%swap3A_60, %swap3A_61] {strides = array<i32>} : memref<125x128xf32, #tpu.memory_space<vmem>>, vector<1x16xf32>,
      %swap3A_63 = vector.shape_cast %swap3A_62 : vector<1x16xf32> to vector<16xf32>
      %swap3A_64 = vector.shape_cast %broadcast_in_dim3A_0 : vector<16xf32> to vector<1x16xf32>
      tpu.vector_store %arg10[%swap3A_60, %swap3A_61], %swap3A_64 {strides = array<i32>} : memref<125x128xf32, #tpu.memory_space<vmem>>, vector<1x16xf32>,
      %swap3A_65 = arith.index_cast %scan3A_39 : i32 to index
      %swap3A_66 = arith.constant 80 : index
      %swap3A_67 = tpu.vector_load %arg10[%swap3A_65, %swap3A_66] {strides = array<i32>} : memref<125x128xf32, #tpu.memory_space<vmem>>, vector<1x16xf32>,
      %swap3A_68 = vector.shape_cast %swap3A_67 : vector<1x16xf32> to vector<16xf32>
      %swap3A_69 = vector.shape_cast %broadcast_in_dim3A_0 : vector<16xf32> to vector<1x16xf32>
      tpu.vector_store %arg10[%swap3A_65, %swap3A_66], %swap3A_69 {strides = array<i32>} : memref<125x128xf32, #tpu.memory_space<vmem>>, vector<1x16xf32>,
      %swap3A_70 = arith.index_cast %scan3A_39 : i32 to index
      %swap3A_71 = arith.constant 96 : index
      %swap3A_72 = tpu.vector_load %arg10[%swap3A_70, %swap3A_71] {strides = array<i32>} : memref<125x128xf32, #tpu.memory_space<vmem>>, vector<1x16xf32>,
      %swap3A_73 = vector.shape_cast %swap3A_72 : vector<1x16xf32> to vector<16xf32>
      %swap3A_74 = vector.shape_cast %broadcast_in_dim3A_0 : vector<16xf32> to vector<1x16xf32>
      tpu.vector_store %arg10[%swap3A_70, %swap3A_71], %swap3A_74 {strides = array<i32>} : memref<125x128xf32, #tpu.memory_space<vmem>>, vector<1x16xf32>,
      %swap3A_75 = arith.index_cast %scan3A_39 : i32 to index
      %swap3A_76 = arith.constant 112 : index
      %swap3A_77 = tpu.vector_load %arg10[%swap3A_75, %swap3A_76] {strides = array<i32>} : memref<125x128xf32, #tpu.memory_space<vmem>>, vector<1x16xf32>,
      %swap3A_78 = vector.shape_cast %swap3A_77 : vector<1x16xf32> to vector<16xf32>
      %swap3A_79 = vector.shape_cast %broadcast_in_dim3A_0 : vector<16xf32> to vector<1x16xf32>
      tpu.vector_store %arg10[%swap3A_75, %swap3A_76], %swap3A_79 {strides = array<i32>} : memref<125x128xf32, #tpu.memory_space<vmem>>, vector<1x16xf32>,
      %scan3A_80 = arith.constant 0 : i32
      scf.yield %scan3A_80 : i32
    }
    %scan3A_6 = arith.constant 125 : i32
    %broadcast_in_dim3A_7 = arith.constant 1.000000e+00 : f32
    %broadcast_in_dim3A_8 = vector.broadcast %broadcast_in_dim3A_7 : f32 to vector<16xf32>
    %scan3A_9 = arith.constant 0 : i32
    %scan3A_10 = arith.constant 0 : i32
    %scan3A_11 = arith.constant 128 : i32
    %scan3A_12 = arith.addi %scan3A_10, %scan3A_11 : i32
    %scan3A_13 = arith.constant 1 : i32
    %scan3A_14 = scf.for %scan3A_39 = %scan3A_10 to %scan3A_12 step %scan3A_13 iter_args(%scan3A_40 = %scan3A_9) -> (i32)  : i32 {
      %swap3A = arith.index_cast %scan3A_39 : i32 to index
      %swap3A_41 = arith.constant 0 : index
      %swap3A_42 = tpu.vector_load %arg5[%swap3A, %swap3A_41] {strides = array<i32>} : memref<128x128xf32, #tpu.memory_space<vmem>>, vector<1x16xf32>,
      %swap3A_43 = vector.shape_cast %swap3A_42 : vector<1x16xf32> to vector<16xf32>
      %swap3A_44 = vector.shape_cast %broadcast_in_dim3A_8 : vector<16xf32> to vector<1x16xf32>
      tpu.vector_store %arg5[%swap3A, %swap3A_41], %swap3A_44 {strides = array<i32>} : memref<128x128xf32, #tpu.memory_space<vmem>>, vector<1x16xf32>,
      %swap3A_45 = arith.index_cast %scan3A_39 : i32 to index
      %swap3A_46 = arith.constant 16 : index
      %swap3A_47 = tpu.vector_load %arg5[%swap3A_45, %swap3A_46] {strides = array<i32>} : memref<128x128xf32, #tpu.memory_space<vmem>>, vector<1x16xf32>,
      %swap3A_48 = vector.shape_cast %swap3A_47 : vector<1x16xf32> to vector<16xf32>
      %swap3A_49 = vector.shape_cast %broadcast_in_dim3A_8 : vector<16xf32> to vector<1x16xf32>
      tpu.vector_store %arg5[%swap3A_45, %swap3A_46], %swap3A_49 {strides = array<i32>} : memref<128x128xf32, #tpu.memory_space<vmem>>, vector<1x16xf32>,
      %swap3A_50 = arith.index_cast %scan3A_39 : i32 to index
      %swap3A_51 = arith.constant 32 : index
      %swap3A_52 = tpu.vector_load %arg5[%swap3A_50, %swap3A_51] {strides = array<i32>} : memref<128x128xf32, #tpu.memory_space<vmem>>, vector<1x16xf32>,
      %swap3A_53 = vector.shape_cast %swap3A_52 : vector<1x16xf32> to vector<16xf32>
      %swap3A_54 = vector.shape_cast %broadcast_in_dim3A_8 : vector<16xf32> to vector<1x16xf32>
      tpu.vector_store %arg5[%swap3A_50, %swap3A_51], %swap3A_54 {strides = array<i32>} : memref<128x128xf32, #tpu.memory_space<vmem>>, vector<1x16xf32>,
      %swap3A_55 = arith.index_cast %scan3A_39 : i32 to index
      %swap3A_56 = arith.constant 48 : index
      %swap3A_57 = tpu.vector_load %arg5[%swap3A_55, %swap3A_56] {strides = array<i32>} : memref<128x128xf32, #tpu.memory_space<vmem>>, vector<1x16xf32>,
      %swap3A_58 = vector.shape_cast %swap3A_57 : vector<1x16xf32> to vector<16xf32>
      %swap3A_59 = vector.shape_cast %broadcast_in_dim3A_8 : vector<16xf32> to vector<1x16xf32>
      tpu.vector_store %arg5[%swap3A_55, %swap3A_56], %swap3A_59 {strides = array<i32>} : memref<128x128xf32, #tpu.memory_space<vmem>>, vector<1x16xf32>,
      %swap3A_60 = arith.index_cast %scan3A_39 : i32 to index
      %swap3A_61 = arith.constant 64 : index
      %swap3A_62 = tpu.vector_load %arg5[%swap3A_60, %swap3A_61] {strides = array<i32>} : memref<128x128xf32, #tpu.memory_space<vmem>>, vector<1x16xf32>,
      %swap3A_63 = vector.shape_cast %swap3A_62 : vector<1x16xf32> to vector<16xf32>
      %swap3A_64 = vector.shape_cast %broadcast_in_dim3A_8 : vector<16xf32> to vector<1x16xf32>
      tpu.vector_store %arg5[%swap3A_60, %swap3A_61], %swap3A_64 {strides = array<i32>} : memref<128x128xf32, #tpu.memory_space<vmem>>, vector<1x16xf32>,
      %swap3A_65 = arith.index_cast %scan3A_39 : i32 to index
      %swap3A_66 = arith.constant 80 : index
      %swap3A_67 = tpu.vector_load %arg5[%swap3A_65, %swap3A_66] {strides = array<i32>} : memref<128x128xf32, #tpu.memory_space<vmem>>, vector<1x16xf32>,
      %swap3A_68 = vector.shape_cast %swap3A_67 : vector<1x16xf32> to vector<16xf32>
      %swap3A_69 = vector.shape_cast %broadcast_in_dim3A_8 : vector<16xf32> to vector<1x16xf32>
      tpu.vector_store %arg5[%swap3A_65, %swap3A_66], %swap3A_69 {strides = array<i32>} : memref<128x128xf32, #tpu.memory_space<vmem>>, vector<1x16xf32>,
      %swap3A_70 = arith.index_cast %scan3A_39 : i32 to index
      %swap3A_71 = arith.constant 96 : index
      %swap3A_72 = tpu.vector_load %arg5[%swap3A_70, %swap3A_71] {strides = array<i32>} : memref<128x128xf32, #tpu.memory_space<vmem>>, vector<1x16xf32>,
      %swap3A_73 = vector.shape_cast %swap3A_72 : vector<1x16xf32> to vector<16xf32>
      %swap3A_74 = vector.shape_cast %broadcast_in_dim3A_8 : vector<16xf32> to vector<1x16xf32>
      tpu.vector_store %arg5[%swap3A_70, %swap3A_71], %swap3A_74 {strides = array<i32>} : memref<128x128xf32, #tpu.memory_space<vmem>>, vector<1x16xf32>,
      %swap3A_75 = arith.index_cast %scan3A_39 : i32 to index
      %swap3A_76 = arith.constant 112 : index
      %swap3A_77 = tpu.vector_load %arg5[%swap3A_75, %swap3A_76] {strides = array<i32>} : memref<128x128xf32, #tpu.memory_space<vmem>>, vector<1x16xf32>,
      %swap3A_78 = vector.shape_cast %swap3A_77 : vector<1x16xf32> to vector<16xf32>
      %swap3A_79 = vector.shape_cast %broadcast_in_dim3A_8 : vector<16xf32> to vector<1x16xf32>
      tpu.vector_store %arg5[%swap3A_75, %swap3A_76], %swap3A_79 {strides = array<i32>} : memref<128x128xf32, #tpu.memory_space<vmem>>, vector<1x16xf32>,
      %scan3A_80 = arith.constant 0 : i32
      scf.yield %scan3A_80 : i32
    }
    %scan3A_15 = arith.constant 128 : i32
    %mul3A = arith.constant 625 : i32
    %mul3A_16 = arith.muli %arg1, %mul3A : i32
    %add3A = arith.constant 0 : i32
    %add3A_17 = arith.addi %mul3A_16, %add3A : i32
    "tpu.region"() ({
      %run_scoped3A = tpu.sem_alloc : memref<!tpu.dma_semaphore, #tpu.memory_space<semaphore_mem>>
      %dma_start3A = arith.constant 0 : i32
      %dma_start3A_39 = tpu.memref_slice %arg11[%add3A_17, %dma_start3A] : memref<10000x128xf32, #tpu.memory_space<vmem_shared>> -> memref<125x128xf32, #tpu.memory_space<vmem_shared>>
      %dma_start3A_40 = arith.constant 0 : i32
      %dma_start3A_41 = tpu.memref_slice %arg11[%add3A_17, %dma_start3A_40] : memref<10000x128xf32, #tpu.memory_space<vmem_shared>> -> memref<125x128xf32, #tpu.memory_space<vmem_shared>>
      tpu.enqueue_dma source(%arg10 : memref<125x128xf32, #tpu.memory_space<vmem>>) target(%dma_start3A_41 : memref<125x128xf32, #tpu.memory_space<vmem_shared>>) target_semaphore(%run_scoped3A : memref<!tpu.dma_semaphore, #tpu.memory_space<semaphore_mem>>)
      %dma_wait3A = arith.constant 0 : i32
      %dma_wait3A_42 = tpu.memref_slice %arg11[%add3A_17, %dma_wait3A] : memref<10000x128xf32, #tpu.memory_space<vmem_shared>> -> memref<125x128xf32, #tpu.memory_space<vmem_shared>>
      %dma_wait3A_43 = arith.constant 0 : i32
      %dma_wait3A_44 = tpu.memref_slice %arg11[%add3A_17, %dma_wait3A_43] : memref<10000x128xf32, #tpu.memory_space<vmem_shared>> -> memref<125x128xf32, #tpu.memory_space<vmem_shared>>
      tpu.wait_dma2 semaphore(%run_scoped3A : memref<!tpu.dma_semaphore, #tpu.memory_space<semaphore_mem>>) src(%arg10 : memref<125x128xf32, #tpu.memory_space<vmem>>) dst(%dma_wait3A_44 : memref<125x128xf32, #tpu.memory_space<vmem_shared>>)
      tpu.yield
    }) : () -> ()
    %add3A_18 = arith.constant 125 : i32
    %add3A_19 = arith.addi %mul3A_16, %add3A_18 : i32
    "tpu.region"() ({
      %run_scoped3A = tpu.sem_alloc : memref<!tpu.dma_semaphore, #tpu.memory_space<semaphore_mem>>
      %dma_start3A = arith.constant 0 : i32
      %dma_start3A_39 = tpu.memref_slice %arg11[%add3A_19, %dma_start3A] : memref<10000x128xf32, #tpu.memory_space<vmem_shared>> -> memref<125x128xf32, #tpu.memory_space<vmem_shared>>
      %dma_start3A_40 = arith.constant 0 : i32
      %dma_start3A_41 = tpu.memref_slice %arg11[%add3A_19, %dma_start3A_40] : memref<10000x128xf32, #tpu.memory_space<vmem_shared>> -> memref<125x128xf32, #tpu.memory_space<vmem_shared>>
      tpu.enqueue_dma source(%arg10 : memref<125x128xf32, #tpu.memory_space<vmem>>) target(%dma_start3A_41 : memref<125x128xf32, #tpu.memory_space<vmem_shared>>) target_semaphore(%run_scoped3A : memref<!tpu.dma_semaphore, #tpu.memory_space<semaphore_mem>>)
      %dma_wait3A = arith.constant 0 : i32
      %dma_wait3A_42 = tpu.memref_slice %arg11[%add3A_19, %dma_wait3A] : memref<10000x128xf32, #tpu.memory_space<vmem_shared>> -> memref<125x128xf32, #tpu.memory_space<vmem_shared>>
      %dma_wait3A_43 = arith.constant 0 : i32
      %dma_wait3A_44 = tpu.memref_slice %arg11[%add3A_19, %dma_wait3A_43] : memref<10000x128xf32, #tpu.memory_space<vmem_shared>> -> memref<125x128xf32, #tpu.memory_space<vmem_shared>>
      tpu.wait_dma2 semaphore(%run_scoped3A : memref<!tpu.dma_semaphore, #tpu.memory_space<semaphore_mem>>) src(%arg10 : memref<125x128xf32, #tpu.memory_space<vmem>>) dst(%dma_wait3A_44 : memref<125x128xf32, #tpu.memory_space<vmem_shared>>)
      tpu.yield
    }) : () -> ()
    %add3A_20 = arith.constant 250 : i32
    %add3A_21 = arith.addi %mul3A_16, %add3A_20 : i32
    "tpu.region"() ({
      %run_scoped3A = tpu.sem_alloc : memref<!tpu.dma_semaphore, #tpu.memory_space<semaphore_mem>>
      %dma_start3A = arith.constant 0 : i32
      %dma_start3A_39 = tpu.memref_slice %arg11[%add3A_21, %dma_start3A] : memref<10000x128xf32, #tpu.memory_space<vmem_shared>> -> memref<125x128xf32, #tpu.memory_space<vmem_shared>>
      %dma_start3A_40 = arith.constant 0 : i32
      %dma_start3A_41 = tpu.memref_slice %arg11[%add3A_21, %dma_start3A_40] : memref<10000x128xf32, #tpu.memory_space<vmem_shared>> -> memref<125x128xf32, #tpu.memory_space<vmem_shared>>
      tpu.enqueue_dma source(%arg10 : memref<125x128xf32, #tpu.memory_space<vmem>>) target(%dma_start3A_41 : memref<125x128xf32, #tpu.memory_space<vmem_shared>>) target_semaphore(%run_scoped3A : memref<!tpu.dma_semaphore, #tpu.memory_space<semaphore_mem>>)
      %dma_wait3A = arith.constant 0 : i32
      %dma_wait3A_42 = tpu.memref_slice %arg11[%add3A_21, %dma_wait3A] : memref<10000x128xf32, #tpu.memory_space<vmem_shared>> -> memref<125x128xf32, #tpu.memory_space<vmem_shared>>
      %dma_wait3A_43 = arith.constant 0 : i32
      %dma_wait3A_44 = tpu.memref_slice %arg11[%add3A_21, %dma_wait3A_43] : memref<10000x128xf32, #tpu.memory_space<vmem_shared>> -> memref<125x128xf32, #tpu.memory_space<vmem_shared>>
      tpu.wait_dma2 semaphore(%run_scoped3A : memref<!tpu.dma_semaphore, #tpu.memory_space<semaphore_mem>>) src(%arg10 : memref<125x128xf32, #tpu.memory_space<vmem>>) dst(%dma_wait3A_44 : memref<125x128xf32, #tpu.memory_space<vmem_shared>>)
      tpu.yield
    }) : () -> ()
    %add3A_22 = arith.constant 375 : i32
    %add3A_23 = arith.addi %mul3A_16, %add3A_22 : i32
    "tpu.region"() ({
      %run_scoped3A = tpu.sem_alloc : memref<!tpu.dma_semaphore, #tpu.memory_space<semaphore_mem>>
      %dma_start3A = arith.constant 0 : i32
      %dma_start3A_39 = tpu.memref_slice %arg11[%add3A_23, %dma_start3A] : memref<10000x128xf32, #tpu.memory_space<vmem_shared>> -> memref<125x128xf32, #tpu.memory_space<vmem_shared>>
      %dma_start3A_40 = arith.constant 0 : i32
      %dma_start3A_41 = tpu.memref_slice %arg11[%add3A_23, %dma_start3A_40] : memref<10000x128xf32, #tpu.memory_space<vmem_shared>> -> memref<125x128xf32, #tpu.memory_space<vmem_shared>>
      tpu.enqueue_dma source(%arg10 : memref<125x128xf32, #tpu.memory_space<vmem>>) target(%dma_start3A_41 : memref<125x128xf32, #tpu.memory_space<vmem_shared>>) target_semaphore(%run_scoped3A : memref<!tpu.dma_semaphore, #tpu.memory_space<semaphore_mem>>)
      %dma_wait3A = arith.constant 0 : i32
      %dma_wait3A_42 = tpu.memref_slice %arg11[%add3A_23, %dma_wait3A] : memref<10000x128xf32, #tpu.memory_space<vmem_shared>> -> memref<125x128xf32, #tpu.memory_space<vmem_shared>>
      %dma_wait3A_43 = arith.constant 0 : i32
      %dma_wait3A_44 = tpu.memref_slice %arg11[%add3A_23, %dma_wait3A_43] : memref<10000x128xf32, #tpu.memory_space<vmem_shared>> -> memref<125x128xf32, #tpu.memory_space<vmem_shared>>
      tpu.wait_dma2 semaphore(%run_scoped3A : memref<!tpu.dma_semaphore, #tpu.memory_space<semaphore_mem>>) src(%arg10 : memref<125x128xf32, #tpu.memory_space<vmem>>) dst(%dma_wait3A_44 : memref<125x128xf32, #tpu.memory_space<vmem_shared>>)
      tpu.yield
    }) : () -> ()
    %add3A_24 = arith.constant 500 : i32
    %add3A_25 = arith.addi %mul3A_16, %add3A_24 : i32
    "tpu.region"() ({
      %run_scoped3A = tpu.sem_alloc : memref<!tpu.dma_semaphore, #tpu.memory_space<semaphore_mem>>
      %dma_start3A = arith.constant 0 : i32
      %dma_start3A_39 = tpu.memref_slice %arg11[%add3A_25, %dma_start3A] : memref<10000x128xf32, #tpu.memory_space<vmem_shared>> -> memref<125x128xf32, #tpu.memory_space<vmem_shared>>
      %dma_start3A_40 = arith.constant 0 : i32
      %dma_start3A_41 = tpu.memref_slice %arg11[%add3A_25, %dma_start3A_40] : memref<10000x128xf32, #tpu.memory_space<vmem_shared>> -> memref<125x128xf32, #tpu.memory_space<vmem_shared>>
      tpu.enqueue_dma source(%arg10 : memref<125x128xf32, #tpu.memory_space<vmem>>) target(%dma_start3A_41 : memref<125x128xf32, #tpu.memory_space<vmem_shared>>) target_semaphore(%run_scoped3A : memref<!tpu.dma_semaphore, #tpu.memory_space<semaphore_mem>>)
      %dma_wait3A = arith.constant 0 : i32
      %dma_wait3A_42 = tpu.memref_slice %arg11[%add3A_25, %dma_wait3A] : memref<10000x128xf32, #tpu.memory_space<vmem_shared>> -> memref<125x128xf32, #tpu.memory_space<vmem_shared>>
      %dma_wait3A_43 = arith.constant 0 : i32
      %dma_wait3A_44 = tpu.memref_slice %arg11[%add3A_25, %dma_wait3A_43] : memref<10000x128xf32, #tpu.memory_space<vmem_shared>> -> memref<125x128xf32, #tpu.memory_space<vmem_shared>>
      tpu.wait_dma2 semaphore(%run_scoped3A : memref<!tpu.dma_semaphore, #tpu.memory_space<semaphore_mem>>) src(%arg10 : memref<125x128xf32, #tpu.memory_space<vmem>>) dst(%dma_wait3A_44 : memref<125x128xf32, #tpu.memory_space<vmem_shared>>)
      tpu.yield
    }) : () -> ()
    %barrier3A = arith.constant 0 : index
    tpu.barrier barrier_id(%barrier3A)
    %eq3A = arith.constant 0 : i32
    %eq3A_26 = arith.cmpi eq, %arg0, %eq3A : i32
    %convert_element_type3A = arith.extui %eq3A_26 : i1 to i32
    %cond3A = arith.constant 0 : i32
    %cond3A_27 = arith.cmpi ne, %convert_element_type3A, %cond3A : i32
    scf.if %cond3A_27 {
      %mul3A_39 = arith.constant 156 : i32
      %mul3A_40 = arith.muli %arg1, %mul3A_39 : i32
      %min3A = arith.constant 4 : i32
      %min3A_41 = arith.minsi %arg1, %min3A : i32
      %add3A_42 = arith.addi %mul3A_40, %min3A_41 : i32
      %lt3A = arith.constant 4 : i32
      %lt3A_43 = arith.cmpi slt, %arg1, %lt3A : i32
      %jit3A = arith.constant 1 : i32
      %jit3A_44 = arith.constant 0 : i32
      %select_n3A = arith.select %lt3A_43, %jit3A, %jit3A_44 : i32
      %add3A_45 = arith.constant 156 : i32
      %add3A_46 = arith.addi %add3A_45, %select_n3A : i32
      %add3A_47 = arith.addi %add3A_42, %add3A_46 : i32
      %add3A_48 = arith.constant 0 : i32
      %add3A_49 = arith.addi %add3A_42, %add3A_48 : i32
      %lt3A_50 = arith.cmpi slt, %add3A_49, %add3A_47 : i32
      %convert_element_type3A_51 = arith.extui %lt3A_50 : i1 to i32
      %cond3A_52 = arith.constant 0 : i32
      %cond3A_53 = arith.cmpi ne, %convert_element_type3A_51, %cond3A_52 : i32
      scf.if %cond3A_53 {
        %add3A_67 = arith.constant 0 : i32
        %add3A_68 = arith.addi %add3A_42, %add3A_67 : i32
        %mul3A_69 = arith.constant 128 : i32
        %mul3A_70 = arith.muli %add3A_68, %mul3A_69 : i32
        %dma_start3A = tpu.memref_slice %arg2[%mul3A_70] : memref<320000xi32, #tpu.memory_space<hbm>> -> memref<128xi32, #tpu.memory_space<hbm>>
        %dma_start3A_71 = tpu.memref_slice %arg2[%mul3A_70] : memref<320000xi32, #tpu.memory_space<hbm>> -> memref<128xi32, #tpu.memory_space<hbm>>
        tpu.enqueue_dma source(%dma_start3A_71 : memref<128xi32, #tpu.memory_space<hbm>>) target(%arg6 : memref<128xi32, #tpu.memory_space<vmem>>) target_semaphore(%arg8 : memref<!tpu.dma_semaphore, #tpu.memory_space<semaphore_mem>>)
      } else {
      }
      %add3A_54 = arith.constant 1 : i32
      %add3A_55 = arith.addi %add3A_42, %add3A_54 : i32
      %lt3A_56 = arith.cmpi slt, %add3A_55, %add3A_47 : i32
      %convert_element_type3A_57 = arith.extui %lt3A_56 : i1 to i32
      %cond3A_58 = arith.constant 0 : i32
      %cond3A_59 = arith.cmpi ne, %convert_element_type3A_57, %cond3A_58 : i32
      scf.if %cond3A_59 {
        %add3A_67 = arith.constant 1 : i32
        %add3A_68 = arith.addi %add3A_42, %add3A_67 : i32
        %mul3A_69 = arith.constant 128 : i32
        %mul3A_70 = arith.muli %add3A_68, %mul3A_69 : i32
        %dma_start3A = tpu.memref_slice %arg2[%mul3A_70] : memref<320000xi32, #tpu.memory_space<hbm>> -> memref<128xi32, #tpu.memory_space<hbm>>
        %dma_start3A_71 = tpu.memref_slice %arg2[%mul3A_70] : memref<320000xi32, #tpu.memory_space<hbm>> -> memref<128xi32, #tpu.memory_space<hbm>>
        tpu.enqueue_dma source(%dma_start3A_71 : memref<128xi32, #tpu.memory_space<hbm>>) target(%arg7 : memref<128xi32, #tpu.memory_space<vmem>>) target_semaphore(%arg9 : memref<!tpu.dma_semaphore, #tpu.memory_space<semaphore_mem>>)
      } else {
      }
      %scan3A_60 = arith.constant 0 : i32
      %scan3A_61 = arith.constant 0 : i32
      %scan3A_62 = arith.constant 79 : i32
      %scan3A_63 = arith.addi %scan3A_61, %scan3A_62 : i32
      %scan3A_64 = arith.constant 1 : i32
      %scan3A_65 = scf.for %scan3A_67 = %scan3A_61 to %scan3A_63 step %scan3A_64 iter_args(%scan3A_68 = %scan3A_60) -> (i32)  : i32 {
        %mul3A_69 = arith.constant 2 : i32
        %mul3A_70 = arith.muli %scan3A_67, %mul3A_69 : i32
        %add3A_71 = arith.addi %add3A_42, %mul3A_70 : i32
        %add3A_72 = arith.constant 0 : i32
        %add3A_73 = arith.addi %add3A_71, %add3A_72 : i32
        %lt3A_74 = arith.cmpi slt, %add3A_73, %add3A_47 : i32
        %convert_element_type3A_75 = arith.extui %lt3A_74 : i1 to i32
        %cond3A_76 = arith.constant 0 : i32
        %cond3A_77 = arith.cmpi ne, %convert_element_type3A_75, %cond3A_76 : i32
        scf.if %cond3A_77 {
          %dma_wait3A = arith.constant 0 : i32
          %dma_wait3A_97 = tpu.memref_slice %arg2[%dma_wait3A] : memref<320000xi32, #tpu.memory_space<hbm>> -> memref<128xi32, #tpu.memory_space<hbm>>
          %dma_wait3A_98 = arith.constant 0 : i32
          %dma_wait3A_99 = tpu.memref_slice %arg2[%dma_wait3A_98] : memref<320000xi32, #tpu.memory_space<hbm>> -> memref<128xi32, #tpu.memory_space<hbm>>
          tpu.wait_dma2 semaphore(%arg8 : memref<!tpu.dma_semaphore, #tpu.memory_space<semaphore_mem>>) src(%dma_wait3A_99 : memref<128xi32, #tpu.memory_space<hbm>>) dst(%arg6 : memref<128xi32, #tpu.memory_space<vmem>>)
          "tpu.region"() ({
            %run_scoped3A = tpu.sem_alloc : memref<!tpu.dma_semaphore, #tpu.memory_space<semaphore_mem>>
            %dma_start3A = arith.constant 0 : i32
            %dma_start3A_100 = arith.constant 0 : i32
            %dma_start3A_101 = tpu.memref_slice %arg11[%dma_start3A, %dma_start3A_100] : memref<10000x128xf32, #tpu.memory_space<vmem_shared>> -> memref<10000x128xf32, #tpu.memory_space<vmem_shared>>
            tpu.enqueue_indirect_dma source(%arg5 : memref<128x128xf32, #tpu.memory_space<vmem>>) target(%dma_start3A_101 : memref<10000x128xf32, #tpu.memory_space<vmem_shared>>) offsets(%arg6 : memref<128xi32, #tpu.memory_space<vmem>>) semaphore(%run_scoped3A : memref<!tpu.dma_semaphore, #tpu.memory_space<semaphore_mem>>) {add = true}
            %dma_wait3A_102 = arith.constant 0 : i32
            %dma_wait3A_103 = arith.constant 0 : i32
            %dma_wait3A_104 = tpu.memref_slice %arg11[%dma_wait3A_102, %dma_wait3A_103] : memref<10000x128xf32, #tpu.memory_space<vmem_shared>> -> memref<10000x128xf32, #tpu.memory_space<vmem_shared>>
            tpu.wait_indirect_dma semaphore(%run_scoped3A : memref<!tpu.dma_semaphore, #tpu.memory_space<semaphore_mem>>) src(%arg5 : memref<128x128xf32, #tpu.memory_space<vmem>>) dst(%dma_wait3A_104 : memref<10000x128xf32, #tpu.memory_space<vmem_shared>>)
            tpu.yield
          }) : () -> ()
        } else {
        }
        %add3A_78 = arith.constant 2 : i32
        %add3A_79 = arith.addi %add3A_73, %add3A_78 : i32
        %lt3A_80 = arith.cmpi slt, %add3A_79, %add3A_47 : i32
        %convert_element_type3A_81 = arith.extui %lt3A_80 : i1 to i32
        %cond3A_82 = arith.constant 0 : i32
        %cond3A_83 = arith.cmpi ne, %convert_element_type3A_81, %cond3A_82 : i32
        scf.if %cond3A_83 {
          %add3A_97 = arith.constant 2 : i32
          %add3A_98 = arith.addi %add3A_73, %add3A_97 : i32
          %mul3A_99 = arith.constant 128 : i32
          %mul3A_100 = arith.muli %add3A_98, %mul3A_99 : i32
          %dma_start3A = tpu.memref_slice %arg2[%mul3A_100] : memref<320000xi32, #tpu.memory_space<hbm>> -> memref<128xi32, #tpu.memory_space<hbm>>
          %dma_start3A_101 = tpu.memref_slice %arg2[%mul3A_100] : memref<320000xi32, #tpu.memory_space<hbm>> -> memref<128xi32, #tpu.memory_space<hbm>>
          tpu.enqueue_dma source(%dma_start3A_101 : memref<128xi32, #tpu.memory_space<hbm>>) target(%arg6 : memref<128xi32, #tpu.memory_space<vmem>>) target_semaphore(%arg8 : memref<!tpu.dma_semaphore, #tpu.memory_space<semaphore_mem>>)
        } else {
        }
        %add3A_84 = arith.constant 1 : i32
        %add3A_85 = arith.addi %add3A_71, %add3A_84 : i32
        %lt3A_86 = arith.cmpi slt, %add3A_85, %add3A_47 : i32
        %convert_element_type3A_87 = arith.extui %lt3A_86 : i1 to i32
        %cond3A_88 = arith.constant 0 : i32
        %cond3A_89 = arith.cmpi ne, %convert_element_type3A_87, %cond3A_88 : i32
        scf.if %cond3A_89 {
          %dma_wait3A = arith.constant 0 : i32
          %dma_wait3A_97 = tpu.memref_slice %arg2[%dma_wait3A] : memref<320000xi32, #tpu.memory_space<hbm>> -> memref<128xi32, #tpu.memory_space<hbm>>
          %dma_wait3A_98 = arith.constant 0 : i32
          %dma_wait3A_99 = tpu.memref_slice %arg2[%dma_wait3A_98] : memref<320000xi32, #tpu.memory_space<hbm>> -> memref<128xi32, #tpu.memory_space<hbm>>
          tpu.wait_dma2 semaphore(%arg9 : memref<!tpu.dma_semaphore, #tpu.memory_space<semaphore_mem>>) src(%dma_wait3A_99 : memref<128xi32, #tpu.memory_space<hbm>>) dst(%arg7 : memref<128xi32, #tpu.memory_space<vmem>>)
          "tpu.region"() ({
            %run_scoped3A = tpu.sem_alloc : memref<!tpu.dma_semaphore, #tpu.memory_space<semaphore_mem>>
            %dma_start3A = arith.constant 0 : i32
            %dma_start3A_100 = arith.constant 0 : i32
            %dma_start3A_101 = tpu.memref_slice %arg11[%dma_start3A, %dma_start3A_100] : memref<10000x128xf32, #tpu.memory_space<vmem_shared>> -> memref<10000x128xf32, #tpu.memory_space<vmem_shared>>
            tpu.enqueue_indirect_dma source(%arg5 : memref<128x128xf32, #tpu.memory_space<vmem>>) target(%dma_start3A_101 : memref<10000x128xf32, #tpu.memory_space<vmem_shared>>) offsets(%arg7 : memref<128xi32, #tpu.memory_space<vmem>>) semaphore(%run_scoped3A : memref<!tpu.dma_semaphore, #tpu.memory_space<semaphore_mem>>) {add = true}
            %dma_wait3A_102 = arith.constant 0 : i32
            %dma_wait3A_103 = arith.constant 0 : i32
            %dma_wait3A_104 = tpu.memref_slice %arg11[%dma_wait3A_102, %dma_wait3A_103] : memref<10000x128xf32, #tpu.memory_space<vmem_shared>> -> memref<10000x128xf32, #tpu.memory_space<vmem_shared>>
            tpu.wait_indirect_dma semaphore(%run_scoped3A : memref<!tpu.dma_semaphore, #tpu.memory_space<semaphore_mem>>) src(%arg5 : memref<128x128xf32, #tpu.memory_space<vmem>>) dst(%dma_wait3A_104 : memref<10000x128xf32, #tpu.memory_space<vmem_shared>>)
            tpu.yield
          }) : () -> ()
        } else {
        }
        %add3A_90 = arith.constant 2 : i32
        %add3A_91 = arith.addi %add3A_85, %add3A_90 : i32
        %lt3A_92 = arith.cmpi slt, %add3A_91, %add3A_47 : i32
        %convert_element_type3A_93 = arith.extui %lt3A_92 : i1 to i32
        %cond3A_94 = arith.constant 0 : i32
        %cond3A_95 = arith.cmpi ne, %convert_element_type3A_93, %cond3A_94 : i32
        scf.if %cond3A_95 {
          %add3A_97 = arith.constant 2 : i32
          %add3A_98 = arith.addi %add3A_85, %add3A_97 : i32
          %mul3A_99 = arith.constant 128 : i32
          %mul3A_100 = arith.muli %add3A_98, %mul3A_99 : i32
          %dma_start3A = tpu.memref_slice %arg2[%mul3A_100] : memref<320000xi32, #tpu.memory_space<hbm>> -> memref<128xi32, #tpu.memory_space<hbm>>
          %dma_start3A_101 = tpu.memref_slice %arg2[%mul3A_100] : memref<320000xi32, #tpu.memory_space<hbm>> -> memref<128xi32, #tpu.memory_space<hbm>>
          tpu.enqueue_dma source(%dma_start3A_101 : memref<128xi32, #tpu.memory_space<hbm>>) target(%arg7 : memref<128xi32, #tpu.memory_space<vmem>>) target_semaphore(%arg9 : memref<!tpu.dma_semaphore, #tpu.memory_space<semaphore_mem>>)
        } else {
        }
        %scan3A_96 = arith.constant 0 : i32
        scf.yield %scan3A_96 : i32
      }
      %scan3A_66 = arith.constant 79 : i32
    } else {
    }
    %eq3A_28 = arith.constant 1 : i32
    %eq3A_29 = arith.cmpi eq, %arg0, %eq3A_28 : i32
    %convert_element_type3A_30 = arith.extui %eq3A_29 : i1 to i32
    %cond3A_31 = arith.constant 0 : i32
    %cond3A_32 = arith.cmpi ne, %convert_element_type3A_30, %cond3A_31 : i32
    scf.if %cond3A_32 {
      %mul3A_39 = arith.constant 156 : i32
      %mul3A_40 = arith.muli %arg1, %mul3A_39 : i32
      %min3A = arith.constant 4 : i32
      %min3A_41 = arith.minsi %arg1, %min3A : i32
      %add3A_42 = arith.addi %mul3A_40, %min3A_41 : i32
      %lt3A = arith.constant 4 : i32
      %lt3A_43 = arith.cmpi slt, %arg1, %lt3A : i32
      %jit3A = arith.constant 1 : i32
      %jit3A_44 = arith.constant 0 : i32
      %select_n3A = arith.select %lt3A_43, %jit3A, %jit3A_44 : i32
      %add3A_45 = arith.constant 156 : i32
      %add3A_46 = arith.addi %add3A_45, %select_n3A : i32
      %add3A_47 = arith.addi %add3A_42, %add3A_46 : i32
      %add3A_48 = arith.constant 0 : i32
      %add3A_49 = arith.addi %add3A_42, %add3A_48 : i32
      %lt3A_50 = arith.cmpi slt, %add3A_49, %add3A_47 : i32
      %convert_element_type3A_51 = arith.extui %lt3A_50 : i1 to i32
      %cond3A_52 = arith.constant 0 : i32
      %cond3A_53 = arith.cmpi ne, %convert_element_type3A_51, %cond3A_52 : i32
      scf.if %cond3A_53 {
        %add3A_67 = arith.constant 0 : i32
        %add3A_68 = arith.addi %add3A_42, %add3A_67 : i32
        %mul3A_69 = arith.constant 128 : i32
        %mul3A_70 = arith.muli %add3A_68, %mul3A_69 : i32
        %dma_start3A = tpu.memref_slice %arg3[%mul3A_70] : memref<320000xi32, #tpu.memory_space<hbm>> -> memref<128xi32, #tpu.memory_space<hbm>>
        %dma_start3A_71 = tpu.memref_slice %arg3[%mul3A_70] : memref<320000xi32, #tpu.memory_space<hbm>> -> memref<128xi32, #tpu.memory_space<hbm>>
        tpu.enqueue_dma source(%dma_start3A_71 : memref<128xi32, #tpu.memory_space<hbm>>) target(%arg6 : memref<128xi32, #tpu.memory_space<vmem>>) target_semaphore(%arg8 : memref<!tpu.dma_semaphore, #tpu.memory_space<semaphore_mem>>)
      } else {
      }
      %add3A_54 = arith.constant 1 : i32
      %add3A_55 = arith.addi %add3A_42, %add3A_54 : i32
      %lt3A_56 = arith.cmpi slt, %add3A_55, %add3A_47 : i32
      %convert_element_type3A_57 = arith.extui %lt3A_56 : i1 to i32
      %cond3A_58 = arith.constant 0 : i32
      %cond3A_59 = arith.cmpi ne, %convert_element_type3A_57, %cond3A_58 : i32
      scf.if %cond3A_59 {
        %add3A_67 = arith.constant 1 : i32
        %add3A_68 = arith.addi %add3A_42, %add3A_67 : i32
        %mul3A_69 = arith.constant 128 : i32
        %mul3A_70 = arith.muli %add3A_68, %mul3A_69 : i32
        %dma_start3A = tpu.memref_slice %arg3[%mul3A_70] : memref<320000xi32, #tpu.memory_space<hbm>> -> memref<128xi32, #tpu.memory_space<hbm>>
        %dma_start3A_71 = tpu.memref_slice %arg3[%mul3A_70] : memref<320000xi32, #tpu.memory_space<hbm>> -> memref<128xi32, #tpu.memory_space<hbm>>
        tpu.enqueue_dma source(%dma_start3A_71 : memref<128xi32, #tpu.memory_space<hbm>>) target(%arg7 : memref<128xi32, #tpu.memory_space<vmem>>) target_semaphore(%arg9 : memref<!tpu.dma_semaphore, #tpu.memory_space<semaphore_mem>>)
      } else {
      }
      %scan3A_60 = arith.constant 0 : i32
      %scan3A_61 = arith.constant 0 : i32
      %scan3A_62 = arith.constant 79 : i32
      %scan3A_63 = arith.addi %scan3A_61, %scan3A_62 : i32
      %scan3A_64 = arith.constant 1 : i32
      %scan3A_65 = scf.for %scan3A_67 = %scan3A_61 to %scan3A_63 step %scan3A_64 iter_args(%scan3A_68 = %scan3A_60) -> (i32)  : i32 {
        %mul3A_69 = arith.constant 2 : i32
        %mul3A_70 = arith.muli %scan3A_67, %mul3A_69 : i32
        %add3A_71 = arith.addi %add3A_42, %mul3A_70 : i32
        %add3A_72 = arith.constant 0 : i32
        %add3A_73 = arith.addi %add3A_71, %add3A_72 : i32
        %lt3A_74 = arith.cmpi slt, %add3A_73, %add3A_47 : i32
        %convert_element_type3A_75 = arith.extui %lt3A_74 : i1 to i32
        %cond3A_76 = arith.constant 0 : i32
        %cond3A_77 = arith.cmpi ne, %convert_element_type3A_75, %cond3A_76 : i32
        scf.if %cond3A_77 {
          %dma_wait3A = arith.constant 0 : i32
          %dma_wait3A_97 = tpu.memref_slice %arg3[%dma_wait3A] : memref<320000xi32, #tpu.memory_space<hbm>> -> memref<128xi32, #tpu.memory_space<hbm>>
          %dma_wait3A_98 = arith.constant 0 : i32
          %dma_wait3A_99 = tpu.memref_slice %arg3[%dma_wait3A_98] : memref<320000xi32, #tpu.memory_space<hbm>> -> memref<128xi32, #tpu.memory_space<hbm>>
          tpu.wait_dma2 semaphore(%arg8 : memref<!tpu.dma_semaphore, #tpu.memory_space<semaphore_mem>>) src(%dma_wait3A_99 : memref<128xi32, #tpu.memory_space<hbm>>) dst(%arg6 : memref<128xi32, #tpu.memory_space<vmem>>)
          "tpu.region"() ({
            %run_scoped3A = tpu.sem_alloc : memref<!tpu.dma_semaphore, #tpu.memory_space<semaphore_mem>>
            %dma_start3A = arith.constant 0 : i32
            %dma_start3A_100 = arith.constant 0 : i32
            %dma_start3A_101 = tpu.memref_slice %arg11[%dma_start3A, %dma_start3A_100] : memref<10000x128xf32, #tpu.memory_space<vmem_shared>> -> memref<10000x128xf32, #tpu.memory_space<vmem_shared>>
            tpu.enqueue_indirect_dma source(%arg5 : memref<128x128xf32, #tpu.memory_space<vmem>>) target(%dma_start3A_101 : memref<10000x128xf32, #tpu.memory_space<vmem_shared>>) offsets(%arg6 : memref<128xi32, #tpu.memory_space<vmem>>) semaphore(%run_scoped3A : memref<!tpu.dma_semaphore, #tpu.memory_space<semaphore_mem>>) {add = true}
            %dma_wait3A_102 = arith.constant 0 : i32
            %dma_wait3A_103 = arith.constant 0 : i32
            %dma_wait3A_104 = tpu.memref_slice %arg11[%dma_wait3A_102, %dma_wait3A_103] : memref<10000x128xf32, #tpu.memory_space<vmem_shared>> -> memref<10000x128xf32, #tpu.memory_space<vmem_shared>>
            tpu.wait_indirect_dma semaphore(%run_scoped3A : memref<!tpu.dma_semaphore, #tpu.memory_space<semaphore_mem>>) src(%arg5 : memref<128x128xf32, #tpu.memory_space<vmem>>) dst(%dma_wait3A_104 : memref<10000x128xf32, #tpu.memory_space<vmem_shared>>)
            tpu.yield
          }) : () -> ()
        } else {
        }
        %add3A_78 = arith.constant 2 : i32
        %add3A_79 = arith.addi %add3A_73, %add3A_78 : i32
        %lt3A_80 = arith.cmpi slt, %add3A_79, %add3A_47 : i32
        %convert_element_type3A_81 = arith.extui %lt3A_80 : i1 to i32
        %cond3A_82 = arith.constant 0 : i32
        %cond3A_83 = arith.cmpi ne, %convert_element_type3A_81, %cond3A_82 : i32
        scf.if %cond3A_83 {
          %add3A_97 = arith.constant 2 : i32
          %add3A_98 = arith.addi %add3A_73, %add3A_97 : i32
          %mul3A_99 = arith.constant 128 : i32
          %mul3A_100 = arith.muli %add3A_98, %mul3A_99 : i32
          %dma_start3A = tpu.memref_slice %arg3[%mul3A_100] : memref<320000xi32, #tpu.memory_space<hbm>> -> memref<128xi32, #tpu.memory_space<hbm>>
          %dma_start3A_101 = tpu.memref_slice %arg3[%mul3A_100] : memref<320000xi32, #tpu.memory_space<hbm>> -> memref<128xi32, #tpu.memory_space<hbm>>
          tpu.enqueue_dma source(%dma_start3A_101 : memref<128xi32, #tpu.memory_space<hbm>>) target(%arg6 : memref<128xi32, #tpu.memory_space<vmem>>) target_semaphore(%arg8 : memref<!tpu.dma_semaphore, #tpu.memory_space<semaphore_mem>>)
        } else {
        }
        %add3A_84 = arith.constant 1 : i32
        %add3A_85 = arith.addi %add3A_71, %add3A_84 : i32
        %lt3A_86 = arith.cmpi slt, %add3A_85, %add3A_47 : i32
        %convert_element_type3A_87 = arith.extui %lt3A_86 : i1 to i32
        %cond3A_88 = arith.constant 0 : i32
        %cond3A_89 = arith.cmpi ne, %convert_element_type3A_87, %cond3A_88 : i32
        scf.if %cond3A_89 {
          %dma_wait3A = arith.constant 0 : i32
          %dma_wait3A_97 = tpu.memref_slice %arg3[%dma_wait3A] : memref<320000xi32, #tpu.memory_space<hbm>> -> memref<128xi32, #tpu.memory_space<hbm>>
          %dma_wait3A_98 = arith.constant 0 : i32
          %dma_wait3A_99 = tpu.memref_slice %arg3[%dma_wait3A_98] : memref<320000xi32, #tpu.memory_space<hbm>> -> memref<128xi32, #tpu.memory_space<hbm>>
          tpu.wait_dma2 semaphore(%arg9 : memref<!tpu.dma_semaphore, #tpu.memory_space<semaphore_mem>>) src(%dma_wait3A_99 : memref<128xi32, #tpu.memory_space<hbm>>) dst(%arg7 : memref<128xi32, #tpu.memory_space<vmem>>)
          "tpu.region"() ({
            %run_scoped3A = tpu.sem_alloc : memref<!tpu.dma_semaphore, #tpu.memory_space<semaphore_mem>>
            %dma_start3A = arith.constant 0 : i32
            %dma_start3A_100 = arith.constant 0 : i32
            %dma_start3A_101 = tpu.memref_slice %arg11[%dma_start3A, %dma_start3A_100] : memref<10000x128xf32, #tpu.memory_space<vmem_shared>> -> memref<10000x128xf32, #tpu.memory_space<vmem_shared>>
            tpu.enqueue_indirect_dma source(%arg5 : memref<128x128xf32, #tpu.memory_space<vmem>>) target(%dma_start3A_101 : memref<10000x128xf32, #tpu.memory_space<vmem_shared>>) offsets(%arg7 : memref<128xi32, #tpu.memory_space<vmem>>) semaphore(%run_scoped3A : memref<!tpu.dma_semaphore, #tpu.memory_space<semaphore_mem>>) {add = true}
            %dma_wait3A_102 = arith.constant 0 : i32
            %dma_wait3A_103 = arith.constant 0 : i32
            %dma_wait3A_104 = tpu.memref_slice %arg11[%dma_wait3A_102, %dma_wait3A_103] : memref<10000x128xf32, #tpu.memory_space<vmem_shared>> -> memref<10000x128xf32, #tpu.memory_space<vmem_shared>>
            tpu.wait_indirect_dma semaphore(%run_scoped3A : memref<!tpu.dma_semaphore, #tpu.memory_space<semaphore_mem>>) src(%arg5 : memref<128x128xf32, #tpu.memory_space<vmem>>) dst(%dma_wait3A_104 : memref<10000x128xf32, #tpu.memory_space<vmem_shared>>)
            tpu.yield
          }) : () -> ()
        } else {
        }
        %add3A_90 = arith.constant 2 : i32
        %add3A_91 = arith.addi %add3A_85, %add3A_90 : i32
        %lt3A_92 = arith.cmpi slt, %add3A_91, %add3A_47 : i32
        %convert_element_type3A_93 = arith.extui %lt3A_92 : i1 to i32
        %cond3A_94 = arith.constant 0 : i32
        %cond3A_95 = arith.cmpi ne, %convert_element_type3A_93, %cond3A_94 : i32
        scf.if %cond3A_95 {
          %add3A_97 = arith.constant 2 : i32
          %add3A_98 = arith.addi %add3A_85, %add3A_97 : i32
          %mul3A_99 = arith.constant 128 : i32
          %mul3A_100 = arith.muli %add3A_98, %mul3A_99 : i32
          %dma_start3A = tpu.memref_slice %arg3[%mul3A_100] : memref<320000xi32, #tpu.memory_space<hbm>> -> memref<128xi32, #tpu.memory_space<hbm>>
          %dma_start3A_101 = tpu.memref_slice %arg3[%mul3A_100] : memref<320000xi32, #tpu.memory_space<hbm>> -> memref<128xi32, #tpu.memory_space<hbm>>
          tpu.enqueue_dma source(%dma_start3A_101 : memref<128xi32, #tpu.memory_space<hbm>>) target(%arg7 : memref<128xi32, #tpu.memory_space<vmem>>) target_semaphore(%arg9 : memref<!tpu.dma_semaphore, #tpu.memory_space<semaphore_mem>>)
        } else {
        }
        %scan3A_96 = arith.constant 0 : i32
        scf.yield %scan3A_96 : i32
      }
      %scan3A_66 = arith.constant 79 : i32
    } else {
    }
    %barrier3A_33 = arith.constant 0 : index
    tpu.barrier barrier_id(%barrier3A_33)
    %eq3A_34 = arith.constant 0 : i32
    %eq3A_35 = arith.cmpi eq, %arg1, %eq3A_34 : i32
    %convert_element_type3A_36 = arith.extui %eq3A_35 : i1 to i32
    %cond3A_37 = arith.constant 0 : i32
    %cond3A_38 = arith.cmpi ne, %convert_element_type3A_36, %cond3A_37 : i32
    scf.if %cond3A_38 {
      "tpu.region"() ({
        %run_scoped3A = tpu.sem_alloc : memref<!tpu.dma_semaphore, #tpu.memory_space<semaphore_mem>>
        %dma_start3A = arith.constant 0 : i32
        %dma_start3A_39 = arith.constant 0 : i32
        %dma_start3A_40 = tpu.memref_slice %arg4[%arg0, %dma_start3A, %dma_start3A_39] : memref<2x10000x128xf32, #tpu.memory_space<hbm>> -> memref<1x10000x128xf32, #tpu.memory_space<hbm>>
        %dma_start3A_41 = tpu.memref_squeeze %dma_start3A_40 : memref<1x10000x128xf32, #tpu.memory_space<hbm>> -> memref<10000x128xf32, #tpu.memory_space<hbm>>
        tpu.enqueue_dma source(%arg11 : memref<10000x128xf32, #tpu.memory_space<vmem_shared>>) target(%dma_start3A_41 : memref<10000x128xf32, #tpu.memory_space<hbm>>) target_semaphore(%run_scoped3A : memref<!tpu.dma_semaphore, #tpu.memory_space<semaphore_mem>>)
        %dma_wait3A = arith.constant 0 : i32
        %dma_wait3A_42 = arith.constant 0 : i32
        %dma_wait3A_43 = tpu.memref_slice %arg4[%arg0, %dma_wait3A, %dma_wait3A_42] : memref<2x10000x128xf32, #tpu.memory_space<hbm>> -> memref<1x10000x128xf32, #tpu.memory_space<hbm>>
        %dma_wait3A_44 = tpu.memref_squeeze %dma_wait3A_43 : memref<1x10000x128xf32, #tpu.memory_space<hbm>> -> memref<10000x128xf32, #tpu.memory_space<hbm>>
        tpu.wait_dma2 semaphore(%run_scoped3A : memref<!tpu.dma_semaphore, #tpu.memory_space<semaphore_mem>>) src(%arg11 : memref<10000x128xf32, #tpu.memory_space<vmem_shared>>) dst(%dma_wait3A_44 : memref<10000x128xf32, #tpu.memory_space<hbm>>)
        tpu.yield
      }) : () -> ()
    } else {
    }
    return
  }
}

#map = affine_map<(d0, d1) -> (0, 0)>
#map1 = affine_map<(d0, d1) -> (0)>
#map2 = affine_map<(d0, d1) -> (0, 0, 0)>
module attributes {stable_mosaic.version = 14 : i64} {
  func.func @seg_sum_e2(%arg0: i32, %arg1: i32, %arg2: memref<320000x128xf32, #tpu.memory_space<hbm>>, %arg3: memref<320000xi32, #tpu.memory_space<hbm>>, %arg4: memref<320000xi32, #tpu.memory_space<hbm>>, %arg5: memref<2x10000x128xf32, #tpu.memory_space<hbm>>, %arg6: memref<128x128xf32, #tpu.memory_space<vmem>>, %arg7: memref<128x128xf32, #tpu.memory_space<vmem>>, %arg8: memref<128xi32, #tpu.memory_space<vmem>>, %arg9: memref<128xi32, #tpu.memory_space<vmem>>, %arg10: memref<125x128xf32, #tpu.memory_space<vmem>>, %arg11: memref<10000x128xf32, #tpu.memory_space<vmem_shared>>, %arg12: memref<!tpu.dma_semaphore, #tpu.memory_space<semaphore_mem>>, %arg13: memref<!tpu.dma_semaphore, #tpu.memory_space<semaphore_mem>>, %arg14: memref<!tpu.dma_semaphore, #tpu.memory_space<semaphore_mem>>, %arg15: memref<!tpu.dma_semaphore, #tpu.memory_space<semaphore_mem>>) attributes {dimension_semantics = [#tpu.dimension_semantics<core_parallel>, #tpu.dimension_semantics<subcore_parallel>], iteration_bounds = array<i64: 2, 16>, scalar_prefetch = 0 : i64, scratch_operands = 10 : i64, tpu.core_type = #tpu.core_type<sc_vector_subcore>, window_params = [{transform_indices = #map}, {transform_indices = #map1}, {transform_indices = #map1}, {transform_indices = #map2}]} {
    %broadcast_in_dim3A = arith.constant 0.000000e+00 : f32
    %broadcast_in_dim3A_0 = vector.broadcast %broadcast_in_dim3A : f32 to vector<16xf32>
    %scan3A = arith.constant 0 : i32
    %scan3A_1 = arith.constant 0 : i32
    %scan3A_2 = arith.constant 125 : i32
    %scan3A_3 = arith.addi %scan3A_1, %scan3A_2 : i32
    %scan3A_4 = arith.constant 1 : i32
    %scan3A_5 = scf.for %scan3A_30 = %scan3A_1 to %scan3A_3 step %scan3A_4 iter_args(%scan3A_31 = %scan3A) -> (i32)  : i32 {
      %swap3A = arith.index_cast %scan3A_30 : i32 to index
      %swap3A_32 = arith.constant 0 : index
      %swap3A_33 = tpu.vector_load %arg10[%swap3A, %swap3A_32] {strides = array<i32>} : memref<125x128xf32, #tpu.memory_space<vmem>>, vector<1x16xf32>,
      %swap3A_34 = vector.shape_cast %swap3A_33 : vector<1x16xf32> to vector<16xf32>
      %swap3A_35 = vector.shape_cast %broadcast_in_dim3A_0 : vector<16xf32> to vector<1x16xf32>
      tpu.vector_store %arg10[%swap3A, %swap3A_32], %swap3A_35 {strides = array<i32>} : memref<125x128xf32, #tpu.memory_space<vmem>>, vector<1x16xf32>,
      %swap3A_36 = arith.index_cast %scan3A_30 : i32 to index
      %swap3A_37 = arith.constant 16 : index
      %swap3A_38 = tpu.vector_load %arg10[%swap3A_36, %swap3A_37] {strides = array<i32>} : memref<125x128xf32, #tpu.memory_space<vmem>>, vector<1x16xf32>,
      %swap3A_39 = vector.shape_cast %swap3A_38 : vector<1x16xf32> to vector<16xf32>
      %swap3A_40 = vector.shape_cast %broadcast_in_dim3A_0 : vector<16xf32> to vector<1x16xf32>
      tpu.vector_store %arg10[%swap3A_36, %swap3A_37], %swap3A_40 {strides = array<i32>} : memref<125x128xf32, #tpu.memory_space<vmem>>, vector<1x16xf32>,
      %swap3A_41 = arith.index_cast %scan3A_30 : i32 to index
      %swap3A_42 = arith.constant 32 : index
      %swap3A_43 = tpu.vector_load %arg10[%swap3A_41, %swap3A_42] {strides = array<i32>} : memref<125x128xf32, #tpu.memory_space<vmem>>, vector<1x16xf32>,
      %swap3A_44 = vector.shape_cast %swap3A_43 : vector<1x16xf32> to vector<16xf32>
      %swap3A_45 = vector.shape_cast %broadcast_in_dim3A_0 : vector<16xf32> to vector<1x16xf32>
      tpu.vector_store %arg10[%swap3A_41, %swap3A_42], %swap3A_45 {strides = array<i32>} : memref<125x128xf32, #tpu.memory_space<vmem>>, vector<1x16xf32>,
      %swap3A_46 = arith.index_cast %scan3A_30 : i32 to index
      %swap3A_47 = arith.constant 48 : index
      %swap3A_48 = tpu.vector_load %arg10[%swap3A_46, %swap3A_47] {strides = array<i32>} : memref<125x128xf32, #tpu.memory_space<vmem>>, vector<1x16xf32>,
      %swap3A_49 = vector.shape_cast %swap3A_48 : vector<1x16xf32> to vector<16xf32>
      %swap3A_50 = vector.shape_cast %broadcast_in_dim3A_0 : vector<16xf32> to vector<1x16xf32>
      tpu.vector_store %arg10[%swap3A_46, %swap3A_47], %swap3A_50 {strides = array<i32>} : memref<125x128xf32, #tpu.memory_space<vmem>>, vector<1x16xf32>,
      %swap3A_51 = arith.index_cast %scan3A_30 : i32 to index
      %swap3A_52 = arith.constant 64 : index
      %swap3A_53 = tpu.vector_load %arg10[%swap3A_51, %swap3A_52] {strides = array<i32>} : memref<125x128xf32, #tpu.memory_space<vmem>>, vector<1x16xf32>,
      %swap3A_54 = vector.shape_cast %swap3A_53 : vector<1x16xf32> to vector<16xf32>
      %swap3A_55 = vector.shape_cast %broadcast_in_dim3A_0 : vector<16xf32> to vector<1x16xf32>
      tpu.vector_store %arg10[%swap3A_51, %swap3A_52], %swap3A_55 {strides = array<i32>} : memref<125x128xf32, #tpu.memory_space<vmem>>, vector<1x16xf32>,
      %swap3A_56 = arith.index_cast %scan3A_30 : i32 to index
      %swap3A_57 = arith.constant 80 : index
      %swap3A_58 = tpu.vector_load %arg10[%swap3A_56, %swap3A_57] {strides = array<i32>} : memref<125x128xf32, #tpu.memory_space<vmem>>, vector<1x16xf32>,
      %swap3A_59 = vector.shape_cast %swap3A_58 : vector<1x16xf32> to vector<16xf32>
      %swap3A_60 = vector.shape_cast %broadcast_in_dim3A_0 : vector<16xf32> to vector<1x16xf32>
      tpu.vector_store %arg10[%swap3A_56, %swap3A_57], %swap3A_60 {strides = array<i32>} : memref<125x128xf32, #tpu.memory_space<vmem>>, vector<1x16xf32>,
      %swap3A_61 = arith.index_cast %scan3A_30 : i32 to index
      %swap3A_62 = arith.constant 96 : index
      %swap3A_63 = tpu.vector_load %arg10[%swap3A_61, %swap3A_62] {strides = array<i32>} : memref<125x128xf32, #tpu.memory_space<vmem>>, vector<1x16xf32>,
      %swap3A_64 = vector.shape_cast %swap3A_63 : vector<1x16xf32> to vector<16xf32>
      %swap3A_65 = vector.shape_cast %broadcast_in_dim3A_0 : vector<16xf32> to vector<1x16xf32>
      tpu.vector_store %arg10[%swap3A_61, %swap3A_62], %swap3A_65 {strides = array<i32>} : memref<125x128xf32, #tpu.memory_space<vmem>>, vector<1x16xf32>,
      %swap3A_66 = arith.index_cast %scan3A_30 : i32 to index
      %swap3A_67 = arith.constant 112 : index
      %swap3A_68 = tpu.vector_load %arg10[%swap3A_66, %swap3A_67] {strides = array<i32>} : memref<125x128xf32, #tpu.memory_space<vmem>>, vector<1x16xf32>,
      %swap3A_69 = vector.shape_cast %swap3A_68 : vector<1x16xf32> to vector<16xf32>
      %swap3A_70 = vector.shape_cast %broadcast_in_dim3A_0 : vector<16xf32> to vector<1x16xf32>
      tpu.vector_store %arg10[%swap3A_66, %swap3A_67], %swap3A_70 {strides = array<i32>} : memref<125x128xf32, #tpu.memory_space<vmem>>, vector<1x16xf32>,
      %scan3A_71 = arith.constant 0 : i32
      scf.yield %scan3A_71 : i32
    }
    %scan3A_6 = arith.constant 125 : i32
    %mul3A = arith.constant 625 : i32
    %mul3A_7 = arith.muli %arg1, %mul3A : i32
    %add3A = arith.constant 0 : i32
    %add3A_8 = arith.addi %mul3A_7, %add3A : i32
    "tpu.region"() ({
      %run_scoped3A = tpu.sem_alloc : memref<!tpu.dma_semaphore, #tpu.memory_space<semaphore_mem>>
      %dma_start3A = arith.constant 0 : i32
      %dma_start3A_30 = tpu.memref_slice %arg11[%add3A_8, %dma_start3A] : memref<10000x128xf32, #tpu.memory_space<vmem_shared>> -> memref<125x128xf32, #tpu.memory_space<vmem_shared>>
      %dma_start3A_31 = arith.constant 0 : i32
      %dma_start3A_32 = tpu.memref_slice %arg11[%add3A_8, %dma_start3A_31] : memref<10000x128xf32, #tpu.memory_space<vmem_shared>> -> memref<125x128xf32, #tpu.memory_space<vmem_shared>>
      tpu.enqueue_dma source(%arg10 : memref<125x128xf32, #tpu.memory_space<vmem>>) target(%dma_start3A_32 : memref<125x128xf32, #tpu.memory_space<vmem_shared>>) target_semaphore(%run_scoped3A : memref<!tpu.dma_semaphore, #tpu.memory_space<semaphore_mem>>)
      %dma_wait3A = arith.constant 0 : i32
      %dma_wait3A_33 = tpu.memref_slice %arg11[%add3A_8, %dma_wait3A] : memref<10000x128xf32, #tpu.memory_space<vmem_shared>> -> memref<125x128xf32, #tpu.memory_space<vmem_shared>>
      %dma_wait3A_34 = arith.constant 0 : i32
      %dma_wait3A_35 = tpu.memref_slice %arg11[%add3A_8, %dma_wait3A_34] : memref<10000x128xf32, #tpu.memory_space<vmem_shared>> -> memref<125x128xf32, #tpu.memory_space<vmem_shared>>
      tpu.wait_dma2 semaphore(%run_scoped3A : memref<!tpu.dma_semaphore, #tpu.memory_space<semaphore_mem>>) src(%arg10 : memref<125x128xf32, #tpu.memory_space<vmem>>) dst(%dma_wait3A_35 : memref<125x128xf32, #tpu.memory_space<vmem_shared>>)
      tpu.yield
    }) : () -> ()
    %add3A_9 = arith.constant 125 : i32
    %add3A_10 = arith.addi %mul3A_7, %add3A_9 : i32
    "tpu.region"() ({
      %run_scoped3A = tpu.sem_alloc : memref<!tpu.dma_semaphore, #tpu.memory_space<semaphore_mem>>
      %dma_start3A = arith.constant 0 : i32
      %dma_start3A_30 = tpu.memref_slice %arg11[%add3A_10, %dma_start3A] : memref<10000x128xf32, #tpu.memory_space<vmem_shared>> -> memref<125x128xf32, #tpu.memory_space<vmem_shared>>
      %dma_start3A_31 = arith.constant 0 : i32
      %dma_start3A_32 = tpu.memref_slice %arg11[%add3A_10, %dma_start3A_31] : memref<10000x128xf32, #tpu.memory_space<vmem_shared>> -> memref<125x128xf32, #tpu.memory_space<vmem_shared>>
      tpu.enqueue_dma source(%arg10 : memref<125x128xf32, #tpu.memory_space<vmem>>) target(%dma_start3A_32 : memref<125x128xf32, #tpu.memory_space<vmem_shared>>) target_semaphore(%run_scoped3A : memref<!tpu.dma_semaphore, #tpu.memory_space<semaphore_mem>>)
      %dma_wait3A = arith.constant 0 : i32
      %dma_wait3A_33 = tpu.memref_slice %arg11[%add3A_10, %dma_wait3A] : memref<10000x128xf32, #tpu.memory_space<vmem_shared>> -> memref<125x128xf32, #tpu.memory_space<vmem_shared>>
      %dma_wait3A_34 = arith.constant 0 : i32
      %dma_wait3A_35 = tpu.memref_slice %arg11[%add3A_10, %dma_wait3A_34] : memref<10000x128xf32, #tpu.memory_space<vmem_shared>> -> memref<125x128xf32, #tpu.memory_space<vmem_shared>>
      tpu.wait_dma2 semaphore(%run_scoped3A : memref<!tpu.dma_semaphore, #tpu.memory_space<semaphore_mem>>) src(%arg10 : memref<125x128xf32, #tpu.memory_space<vmem>>) dst(%dma_wait3A_35 : memref<125x128xf32, #tpu.memory_space<vmem_shared>>)
      tpu.yield
    }) : () -> ()
    %add3A_11 = arith.constant 250 : i32
    %add3A_12 = arith.addi %mul3A_7, %add3A_11 : i32
    "tpu.region"() ({
      %run_scoped3A = tpu.sem_alloc : memref<!tpu.dma_semaphore, #tpu.memory_space<semaphore_mem>>
      %dma_start3A = arith.constant 0 : i32
      %dma_start3A_30 = tpu.memref_slice %arg11[%add3A_12, %dma_start3A] : memref<10000x128xf32, #tpu.memory_space<vmem_shared>> -> memref<125x128xf32, #tpu.memory_space<vmem_shared>>
      %dma_start3A_31 = arith.constant 0 : i32
      %dma_start3A_32 = tpu.memref_slice %arg11[%add3A_12, %dma_start3A_31] : memref<10000x128xf32, #tpu.memory_space<vmem_shared>> -> memref<125x128xf32, #tpu.memory_space<vmem_shared>>
      tpu.enqueue_dma source(%arg10 : memref<125x128xf32, #tpu.memory_space<vmem>>) target(%dma_start3A_32 : memref<125x128xf32, #tpu.memory_space<vmem_shared>>) target_semaphore(%run_scoped3A : memref<!tpu.dma_semaphore, #tpu.memory_space<semaphore_mem>>)
      %dma_wait3A = arith.constant 0 : i32
      %dma_wait3A_33 = tpu.memref_slice %arg11[%add3A_12, %dma_wait3A] : memref<10000x128xf32, #tpu.memory_space<vmem_shared>> -> memref<125x128xf32, #tpu.memory_space<vmem_shared>>
      %dma_wait3A_34 = arith.constant 0 : i32
      %dma_wait3A_35 = tpu.memref_slice %arg11[%add3A_12, %dma_wait3A_34] : memref<10000x128xf32, #tpu.memory_space<vmem_shared>> -> memref<125x128xf32, #tpu.memory_space<vmem_shared>>
      tpu.wait_dma2 semaphore(%run_scoped3A : memref<!tpu.dma_semaphore, #tpu.memory_space<semaphore_mem>>) src(%arg10 : memref<125x128xf32, #tpu.memory_space<vmem>>) dst(%dma_wait3A_35 : memref<125x128xf32, #tpu.memory_space<vmem_shared>>)
      tpu.yield
    }) : () -> ()
    %add3A_13 = arith.constant 375 : i32
    %add3A_14 = arith.addi %mul3A_7, %add3A_13 : i32
    "tpu.region"() ({
      %run_scoped3A = tpu.sem_alloc : memref<!tpu.dma_semaphore, #tpu.memory_space<semaphore_mem>>
      %dma_start3A = arith.constant 0 : i32
      %dma_start3A_30 = tpu.memref_slice %arg11[%add3A_14, %dma_start3A] : memref<10000x128xf32, #tpu.memory_space<vmem_shared>> -> memref<125x128xf32, #tpu.memory_space<vmem_shared>>
      %dma_start3A_31 = arith.constant 0 : i32
      %dma_start3A_32 = tpu.memref_slice %arg11[%add3A_14, %dma_start3A_31] : memref<10000x128xf32, #tpu.memory_space<vmem_shared>> -> memref<125x128xf32, #tpu.memory_space<vmem_shared>>
      tpu.enqueue_dma source(%arg10 : memref<125x128xf32, #tpu.memory_space<vmem>>) target(%dma_start3A_32 : memref<125x128xf32, #tpu.memory_space<vmem_shared>>) target_semaphore(%run_scoped3A : memref<!tpu.dma_semaphore, #tpu.memory_space<semaphore_mem>>)
      %dma_wait3A = arith.constant 0 : i32
      %dma_wait3A_33 = tpu.memref_slice %arg11[%add3A_14, %dma_wait3A] : memref<10000x128xf32, #tpu.memory_space<vmem_shared>> -> memref<125x128xf32, #tpu.memory_space<vmem_shared>>
      %dma_wait3A_34 = arith.constant 0 : i32
      %dma_wait3A_35 = tpu.memref_slice %arg11[%add3A_14, %dma_wait3A_34] : memref<10000x128xf32, #tpu.memory_space<vmem_shared>> -> memref<125x128xf32, #tpu.memory_space<vmem_shared>>
      tpu.wait_dma2 semaphore(%run_scoped3A : memref<!tpu.dma_semaphore, #tpu.memory_space<semaphore_mem>>) src(%arg10 : memref<125x128xf32, #tpu.memory_space<vmem>>) dst(%dma_wait3A_35 : memref<125x128xf32, #tpu.memory_space<vmem_shared>>)
      tpu.yield
    }) : () -> ()
    %add3A_15 = arith.constant 500 : i32
    %add3A_16 = arith.addi %mul3A_7, %add3A_15 : i32
    "tpu.region"() ({
      %run_scoped3A = tpu.sem_alloc : memref<!tpu.dma_semaphore, #tpu.memory_space<semaphore_mem>>
      %dma_start3A = arith.constant 0 : i32
      %dma_start3A_30 = tpu.memref_slice %arg11[%add3A_16, %dma_start3A] : memref<10000x128xf32, #tpu.memory_space<vmem_shared>> -> memref<125x128xf32, #tpu.memory_space<vmem_shared>>
      %dma_start3A_31 = arith.constant 0 : i32
      %dma_start3A_32 = tpu.memref_slice %arg11[%add3A_16, %dma_start3A_31] : memref<10000x128xf32, #tpu.memory_space<vmem_shared>> -> memref<125x128xf32, #tpu.memory_space<vmem_shared>>
      tpu.enqueue_dma source(%arg10 : memref<125x128xf32, #tpu.memory_space<vmem>>) target(%dma_start3A_32 : memref<125x128xf32, #tpu.memory_space<vmem_shared>>) target_semaphore(%run_scoped3A : memref<!tpu.dma_semaphore, #tpu.memory_space<semaphore_mem>>)
      %dma_wait3A = arith.constant 0 : i32
      %dma_wait3A_33 = tpu.memref_slice %arg11[%add3A_16, %dma_wait3A] : memref<10000x128xf32, #tpu.memory_space<vmem_shared>> -> memref<125x128xf32, #tpu.memory_space<vmem_shared>>
      %dma_wait3A_34 = arith.constant 0 : i32
      %dma_wait3A_35 = tpu.memref_slice %arg11[%add3A_16, %dma_wait3A_34] : memref<10000x128xf32, #tpu.memory_space<vmem_shared>> -> memref<125x128xf32, #tpu.memory_space<vmem_shared>>
      tpu.wait_dma2 semaphore(%run_scoped3A : memref<!tpu.dma_semaphore, #tpu.memory_space<semaphore_mem>>) src(%arg10 : memref<125x128xf32, #tpu.memory_space<vmem>>) dst(%dma_wait3A_35 : memref<125x128xf32, #tpu.memory_space<vmem_shared>>)
      tpu.yield
    }) : () -> ()
    %barrier3A = arith.constant 0 : index
    tpu.barrier barrier_id(%barrier3A)
    %eq3A = arith.constant 0 : i32
    %eq3A_17 = arith.cmpi eq, %arg0, %eq3A : i32
    %convert_element_type3A = arith.extui %eq3A_17 : i1 to i32
    %cond3A = arith.constant 0 : i32
    %cond3A_18 = arith.cmpi ne, %convert_element_type3A, %cond3A : i32
    scf.if %cond3A_18 {
      %mul3A_30 = arith.constant 156 : i32
      %mul3A_31 = arith.muli %arg1, %mul3A_30 : i32
      %min3A = arith.constant 4 : i32
      %min3A_32 = arith.minsi %arg1, %min3A : i32
      %add3A_33 = arith.addi %mul3A_31, %min3A_32 : i32
      %lt3A = arith.constant 4 : i32
      %lt3A_34 = arith.cmpi slt, %arg1, %lt3A : i32
      %jit3A = arith.constant 1 : i32
      %jit3A_35 = arith.constant 0 : i32
      %select_n3A = arith.select %lt3A_34, %jit3A, %jit3A_35 : i32
      %add3A_36 = arith.constant 156 : i32
      %add3A_37 = arith.addi %add3A_36, %select_n3A : i32
      %add3A_38 = arith.addi %add3A_33, %add3A_37 : i32
      %add3A_39 = arith.constant 0 : i32
      %add3A_40 = arith.addi %add3A_33, %add3A_39 : i32
      %lt3A_41 = arith.cmpi slt, %add3A_40, %add3A_38 : i32
      %convert_element_type3A_42 = arith.extui %lt3A_41 : i1 to i32
      %cond3A_43 = arith.constant 0 : i32
      %cond3A_44 = arith.cmpi ne, %convert_element_type3A_42, %cond3A_43 : i32
      scf.if %cond3A_44 {
        %add3A_58 = arith.constant 0 : i32
        %add3A_59 = arith.addi %add3A_33, %add3A_58 : i32
        %mul3A_60 = arith.constant 128 : i32
        %mul3A_61 = arith.muli %add3A_59, %mul3A_60 : i32
        %dma_start3A = tpu.memref_slice %arg3[%mul3A_61] : memref<320000xi32, #tpu.memory_space<hbm>> -> memref<128xi32, #tpu.memory_space<hbm>>
        %dma_start3A_62 = tpu.memref_slice %arg3[%mul3A_61] : memref<320000xi32, #tpu.memory_space<hbm>> -> memref<128xi32, #tpu.memory_space<hbm>>
        tpu.enqueue_dma source(%dma_start3A_62 : memref<128xi32, #tpu.memory_space<hbm>>) target(%arg8 : memref<128xi32, #tpu.memory_space<vmem>>) target_semaphore(%arg12 : memref<!tpu.dma_semaphore, #tpu.memory_space<semaphore_mem>>)
        %mul3A_63 = arith.constant 128 : i32
        %mul3A_64 = arith.muli %add3A_59, %mul3A_63 : i32
        %dma_start3A_65 = arith.constant 0 : i32
        %dma_start3A_66 = tpu.memref_slice %arg2[%mul3A_64, %dma_start3A_65] : memref<320000x128xf32, #tpu.memory_space<hbm>> -> memref<128x128xf32, #tpu.memory_space<hbm>>
        %dma_start3A_67 = arith.constant 0 : i32
        %dma_start3A_68 = tpu.memref_slice %arg2[%mul3A_64, %dma_start3A_67] : memref<320000x128xf32, #tpu.memory_space<hbm>> -> memref<128x128xf32, #tpu.memory_space<hbm>>
        tpu.enqueue_dma source(%dma_start3A_68 : memref<128x128xf32, #tpu.memory_space<hbm>>) target(%arg6 : memref<128x128xf32, #tpu.memory_space<vmem>>) target_semaphore(%arg14 : memref<!tpu.dma_semaphore, #tpu.memory_space<semaphore_mem>>)
      } else {
      }
      %add3A_45 = arith.constant 1 : i32
      %add3A_46 = arith.addi %add3A_33, %add3A_45 : i32
      %lt3A_47 = arith.cmpi slt, %add3A_46, %add3A_38 : i32
      %convert_element_type3A_48 = arith.extui %lt3A_47 : i1 to i32
      %cond3A_49 = arith.constant 0 : i32
      %cond3A_50 = arith.cmpi ne, %convert_element_type3A_48, %cond3A_49 : i32
      scf.if %cond3A_50 {
        %add3A_58 = arith.constant 1 : i32
        %add3A_59 = arith.addi %add3A_33, %add3A_58 : i32
        %mul3A_60 = arith.constant 128 : i32
        %mul3A_61 = arith.muli %add3A_59, %mul3A_60 : i32
        %dma_start3A = tpu.memref_slice %arg3[%mul3A_61] : memref<320000xi32, #tpu.memory_space<hbm>> -> memref<128xi32, #tpu.memory_space<hbm>>
        %dma_start3A_62 = tpu.memref_slice %arg3[%mul3A_61] : memref<320000xi32, #tpu.memory_space<hbm>> -> memref<128xi32, #tpu.memory_space<hbm>>
        tpu.enqueue_dma source(%dma_start3A_62 : memref<128xi32, #tpu.memory_space<hbm>>) target(%arg9 : memref<128xi32, #tpu.memory_space<vmem>>) target_semaphore(%arg13 : memref<!tpu.dma_semaphore, #tpu.memory_space<semaphore_mem>>)
        %mul3A_63 = arith.constant 128 : i32
        %mul3A_64 = arith.muli %add3A_59, %mul3A_63 : i32
        %dma_start3A_65 = arith.constant 0 : i32
        %dma_start3A_66 = tpu.memref_slice %arg2[%mul3A_64, %dma_start3A_65] : memref<320000x128xf32, #tpu.memory_space<hbm>> -> memref<128x128xf32, #tpu.memory_space<hbm>>
        %dma_start3A_67 = arith.constant 0 : i32
        %dma_start3A_68 = tpu.memref_slice %arg2[%mul3A_64, %dma_start3A_67] : memref<320000x128xf32, #tpu.memory_space<hbm>> -> memref<128x128xf32, #tpu.memory_space<hbm>>
        tpu.enqueue_dma source(%dma_start3A_68 : memref<128x128xf32, #tpu.memory_space<hbm>>) target(%arg7 : memref<128x128xf32, #tpu.memory_space<vmem>>) target_semaphore(%arg15 : memref<!tpu.dma_semaphore, #tpu.memory_space<semaphore_mem>>)
      } else {
      }
      %scan3A_51 = arith.constant 0 : i32
      %scan3A_52 = arith.constant 0 : i32
      %scan3A_53 = arith.constant 79 : i32
      %scan3A_54 = arith.addi %scan3A_52, %scan3A_53 : i32
      %scan3A_55 = arith.constant 1 : i32
      %scan3A_56 = scf.for %scan3A_58 = %scan3A_52 to %scan3A_54 step %scan3A_55 iter_args(%scan3A_59 = %scan3A_51) -> (i32)  : i32 {
        %mul3A_60 = arith.constant 2 : i32
        %mul3A_61 = arith.muli %scan3A_58, %mul3A_60 : i32
        %add3A_62 = arith.addi %add3A_33, %mul3A_61 : i32
        %add3A_63 = arith.constant 0 : i32
        %add3A_64 = arith.addi %add3A_62, %add3A_63 : i32
        %lt3A_65 = arith.cmpi slt, %add3A_64, %add3A_38 : i32
        %convert_element_type3A_66 = arith.extui %lt3A_65 : i1 to i32
        %cond3A_67 = arith.constant 0 : i32
        %cond3A_68 = arith.cmpi ne, %convert_element_type3A_66, %cond3A_67 : i32
        scf.if %cond3A_68 {
          %dma_wait3A = arith.constant 0 : i32
          %dma_wait3A_88 = tpu.memref_slice %arg3[%dma_wait3A] : memref<320000xi32, #tpu.memory_space<hbm>> -> memref<128xi32, #tpu.memory_space<hbm>>
          %dma_wait3A_89 = arith.constant 0 : i32
          %dma_wait3A_90 = tpu.memref_slice %arg3[%dma_wait3A_89] : memref<320000xi32, #tpu.memory_space<hbm>> -> memref<128xi32, #tpu.memory_space<hbm>>
          tpu.wait_dma2 semaphore(%arg12 : memref<!tpu.dma_semaphore, #tpu.memory_space<semaphore_mem>>) src(%dma_wait3A_90 : memref<128xi32, #tpu.memory_space<hbm>>) dst(%arg8 : memref<128xi32, #tpu.memory_space<vmem>>)
          %mul3A_91 = arith.constant 128 : i32
          %mul3A_92 = arith.muli %add3A_33, %mul3A_91 : i32
          %dma_wait3A_93 = arith.constant 0 : i32
          %dma_wait3A_94 = tpu.memref_slice %arg2[%mul3A_92, %dma_wait3A_93] : memref<320000x128xf32, #tpu.memory_space<hbm>> -> memref<128x128xf32, #tpu.memory_space<hbm>>
          %dma_wait3A_95 = arith.constant 0 : i32
          %dma_wait3A_96 = tpu.memref_slice %arg2[%mul3A_92, %dma_wait3A_95] : memref<320000x128xf32, #tpu.memory_space<hbm>> -> memref<128x128xf32, #tpu.memory_space<hbm>>
          tpu.wait_dma2 semaphore(%arg14 : memref<!tpu.dma_semaphore, #tpu.memory_space<semaphore_mem>>) src(%dma_wait3A_96 : memref<128x128xf32, #tpu.memory_space<hbm>>) dst(%arg6 : memref<128x128xf32, #tpu.memory_space<vmem>>)
          "tpu.region"() ({
            %run_scoped3A = tpu.sem_alloc : memref<!tpu.dma_semaphore, #tpu.memory_space<semaphore_mem>>
            %dma_start3A = arith.constant 0 : i32
            %dma_start3A_97 = arith.constant 0 : i32
            %dma_start3A_98 = tpu.memref_slice %arg11[%dma_start3A, %dma_start3A_97] : memref<10000x128xf32, #tpu.memory_space<vmem_shared>> -> memref<10000x128xf32, #tpu.memory_space<vmem_shared>>
            tpu.enqueue_indirect_dma source(%arg6 : memref<128x128xf32, #tpu.memory_space<vmem>>) target(%dma_start3A_98 : memref<10000x128xf32, #tpu.memory_space<vmem_shared>>) offsets(%arg8 : memref<128xi32, #tpu.memory_space<vmem>>) semaphore(%run_scoped3A : memref<!tpu.dma_semaphore, #tpu.memory_space<semaphore_mem>>) {add = true}
            %dma_wait3A_99 = arith.constant 0 : i32
            %dma_wait3A_100 = arith.constant 0 : i32
            %dma_wait3A_101 = tpu.memref_slice %arg11[%dma_wait3A_99, %dma_wait3A_100] : memref<10000x128xf32, #tpu.memory_space<vmem_shared>> -> memref<10000x128xf32, #tpu.memory_space<vmem_shared>>
            tpu.wait_indirect_dma semaphore(%run_scoped3A : memref<!tpu.dma_semaphore, #tpu.memory_space<semaphore_mem>>) src(%arg6 : memref<128x128xf32, #tpu.memory_space<vmem>>) dst(%dma_wait3A_101 : memref<10000x128xf32, #tpu.memory_space<vmem_shared>>)
            tpu.yield
          }) : () -> ()
        } else {
        }
        %add3A_69 = arith.constant 2 : i32
        %add3A_70 = arith.addi %add3A_64, %add3A_69 : i32
        %lt3A_71 = arith.cmpi slt, %add3A_70, %add3A_38 : i32
        %convert_element_type3A_72 = arith.extui %lt3A_71 : i1 to i32
        %cond3A_73 = arith.constant 0 : i32
        %cond3A_74 = arith.cmpi ne, %convert_element_type3A_72, %cond3A_73 : i32
        scf.if %cond3A_74 {
          %add3A_88 = arith.constant 2 : i32
          %add3A_89 = arith.addi %add3A_64, %add3A_88 : i32
          %mul3A_90 = arith.constant 128 : i32
          %mul3A_91 = arith.muli %add3A_89, %mul3A_90 : i32
          %dma_start3A = tpu.memref_slice %arg3[%mul3A_91] : memref<320000xi32, #tpu.memory_space<hbm>> -> memref<128xi32, #tpu.memory_space<hbm>>
          %dma_start3A_92 = tpu.memref_slice %arg3[%mul3A_91] : memref<320000xi32, #tpu.memory_space<hbm>> -> memref<128xi32, #tpu.memory_space<hbm>>
          tpu.enqueue_dma source(%dma_start3A_92 : memref<128xi32, #tpu.memory_space<hbm>>) target(%arg8 : memref<128xi32, #tpu.memory_space<vmem>>) target_semaphore(%arg12 : memref<!tpu.dma_semaphore, #tpu.memory_space<semaphore_mem>>)
          %mul3A_93 = arith.constant 128 : i32
          %mul3A_94 = arith.muli %add3A_89, %mul3A_93 : i32
          %dma_start3A_95 = arith.constant 0 : i32
          %dma_start3A_96 = tpu.memref_slice %arg2[%mul3A_94, %dma_start3A_95] : memref<320000x128xf32, #tpu.memory_space<hbm>> -> memref<128x128xf32, #tpu.memory_space<hbm>>
          %dma_start3A_97 = arith.constant 0 : i32
          %dma_start3A_98 = tpu.memref_slice %arg2[%mul3A_94, %dma_start3A_97] : memref<320000x128xf32, #tpu.memory_space<hbm>> -> memref<128x128xf32, #tpu.memory_space<hbm>>
          tpu.enqueue_dma source(%dma_start3A_98 : memref<128x128xf32, #tpu.memory_space<hbm>>) target(%arg6 : memref<128x128xf32, #tpu.memory_space<vmem>>) target_semaphore(%arg14 : memref<!tpu.dma_semaphore, #tpu.memory_space<semaphore_mem>>)
        } else {
        }
        %add3A_75 = arith.constant 1 : i32
        %add3A_76 = arith.addi %add3A_62, %add3A_75 : i32
        %lt3A_77 = arith.cmpi slt, %add3A_76, %add3A_38 : i32
        %convert_element_type3A_78 = arith.extui %lt3A_77 : i1 to i32
        %cond3A_79 = arith.constant 0 : i32
        %cond3A_80 = arith.cmpi ne, %convert_element_type3A_78, %cond3A_79 : i32
        scf.if %cond3A_80 {
          %dma_wait3A = arith.constant 0 : i32
          %dma_wait3A_88 = tpu.memref_slice %arg3[%dma_wait3A] : memref<320000xi32, #tpu.memory_space<hbm>> -> memref<128xi32, #tpu.memory_space<hbm>>
          %dma_wait3A_89 = arith.constant 0 : i32
          %dma_wait3A_90 = tpu.memref_slice %arg3[%dma_wait3A_89] : memref<320000xi32, #tpu.memory_space<hbm>> -> memref<128xi32, #tpu.memory_space<hbm>>
          tpu.wait_dma2 semaphore(%arg13 : memref<!tpu.dma_semaphore, #tpu.memory_space<semaphore_mem>>) src(%dma_wait3A_90 : memref<128xi32, #tpu.memory_space<hbm>>) dst(%arg9 : memref<128xi32, #tpu.memory_space<vmem>>)
          %mul3A_91 = arith.constant 128 : i32
          %mul3A_92 = arith.muli %add3A_33, %mul3A_91 : i32
          %dma_wait3A_93 = arith.constant 0 : i32
          %dma_wait3A_94 = tpu.memref_slice %arg2[%mul3A_92, %dma_wait3A_93] : memref<320000x128xf32, #tpu.memory_space<hbm>> -> memref<128x128xf32, #tpu.memory_space<hbm>>
          %dma_wait3A_95 = arith.constant 0 : i32
          %dma_wait3A_96 = tpu.memref_slice %arg2[%mul3A_92, %dma_wait3A_95] : memref<320000x128xf32, #tpu.memory_space<hbm>> -> memref<128x128xf32, #tpu.memory_space<hbm>>
          tpu.wait_dma2 semaphore(%arg15 : memref<!tpu.dma_semaphore, #tpu.memory_space<semaphore_mem>>) src(%dma_wait3A_96 : memref<128x128xf32, #tpu.memory_space<hbm>>) dst(%arg7 : memref<128x128xf32, #tpu.memory_space<vmem>>)
          "tpu.region"() ({
            %run_scoped3A = tpu.sem_alloc : memref<!tpu.dma_semaphore, #tpu.memory_space<semaphore_mem>>
            %dma_start3A = arith.constant 0 : i32
            %dma_start3A_97 = arith.constant 0 : i32
            %dma_start3A_98 = tpu.memref_slice %arg11[%dma_start3A, %dma_start3A_97] : memref<10000x128xf32, #tpu.memory_space<vmem_shared>> -> memref<10000x128xf32, #tpu.memory_space<vmem_shared>>
            tpu.enqueue_indirect_dma source(%arg7 : memref<128x128xf32, #tpu.memory_space<vmem>>) target(%dma_start3A_98 : memref<10000x128xf32, #tpu.memory_space<vmem_shared>>) offsets(%arg9 : memref<128xi32, #tpu.memory_space<vmem>>) semaphore(%run_scoped3A : memref<!tpu.dma_semaphore, #tpu.memory_space<semaphore_mem>>) {add = true}
            %dma_wait3A_99 = arith.constant 0 : i32
            %dma_wait3A_100 = arith.constant 0 : i32
            %dma_wait3A_101 = tpu.memref_slice %arg11[%dma_wait3A_99, %dma_wait3A_100] : memref<10000x128xf32, #tpu.memory_space<vmem_shared>> -> memref<10000x128xf32, #tpu.memory_space<vmem_shared>>
            tpu.wait_indirect_dma semaphore(%run_scoped3A : memref<!tpu.dma_semaphore, #tpu.memory_space<semaphore_mem>>) src(%arg7 : memref<128x128xf32, #tpu.memory_space<vmem>>) dst(%dma_wait3A_101 : memref<10000x128xf32, #tpu.memory_space<vmem_shared>>)
            tpu.yield
          }) : () -> ()
        } else {
        }
        %add3A_81 = arith.constant 2 : i32
        %add3A_82 = arith.addi %add3A_76, %add3A_81 : i32
        %lt3A_83 = arith.cmpi slt, %add3A_82, %add3A_38 : i32
        %convert_element_type3A_84 = arith.extui %lt3A_83 : i1 to i32
        %cond3A_85 = arith.constant 0 : i32
        %cond3A_86 = arith.cmpi ne, %convert_element_type3A_84, %cond3A_85 : i32
        scf.if %cond3A_86 {
          %add3A_88 = arith.constant 2 : i32
          %add3A_89 = arith.addi %add3A_76, %add3A_88 : i32
          %mul3A_90 = arith.constant 128 : i32
          %mul3A_91 = arith.muli %add3A_89, %mul3A_90 : i32
          %dma_start3A = tpu.memref_slice %arg3[%mul3A_91] : memref<320000xi32, #tpu.memory_space<hbm>> -> memref<128xi32, #tpu.memory_space<hbm>>
          %dma_start3A_92 = tpu.memref_slice %arg3[%mul3A_91] : memref<320000xi32, #tpu.memory_space<hbm>> -> memref<128xi32, #tpu.memory_space<hbm>>
          tpu.enqueue_dma source(%dma_start3A_92 : memref<128xi32, #tpu.memory_space<hbm>>) target(%arg9 : memref<128xi32, #tpu.memory_space<vmem>>) target_semaphore(%arg13 : memref<!tpu.dma_semaphore, #tpu.memory_space<semaphore_mem>>)
          %mul3A_93 = arith.constant 128 : i32
          %mul3A_94 = arith.muli %add3A_89, %mul3A_93 : i32
          %dma_start3A_95 = arith.constant 0 : i32
          %dma_start3A_96 = tpu.memref_slice %arg2[%mul3A_94, %dma_start3A_95] : memref<320000x128xf32, #tpu.memory_space<hbm>> -> memref<128x128xf32, #tpu.memory_space<hbm>>
          %dma_start3A_97 = arith.constant 0 : i32
          %dma_start3A_98 = tpu.memref_slice %arg2[%mul3A_94, %dma_start3A_97] : memref<320000x128xf32, #tpu.memory_space<hbm>> -> memref<128x128xf32, #tpu.memory_space<hbm>>
          tpu.enqueue_dma source(%dma_start3A_98 : memref<128x128xf32, #tpu.memory_space<hbm>>) target(%arg7 : memref<128x128xf32, #tpu.memory_space<vmem>>) target_semaphore(%arg15 : memref<!tpu.dma_semaphore, #tpu.memory_space<semaphore_mem>>)
        } else {
        }
        %scan3A_87 = arith.constant 0 : i32
        scf.yield %scan3A_87 : i32
      }
      %scan3A_57 = arith.constant 79 : i32
    } else {
    }
    %eq3A_19 = arith.constant 1 : i32
    %eq3A_20 = arith.cmpi eq, %arg0, %eq3A_19 : i32
    %convert_element_type3A_21 = arith.extui %eq3A_20 : i1 to i32
    %cond3A_22 = arith.constant 0 : i32
    %cond3A_23 = arith.cmpi ne, %convert_element_type3A_21, %cond3A_22 : i32
    scf.if %cond3A_23 {
      %mul3A_30 = arith.constant 156 : i32
      %mul3A_31 = arith.muli %arg1, %mul3A_30 : i32
      %min3A = arith.constant 4 : i32
      %min3A_32 = arith.minsi %arg1, %min3A : i32
      %add3A_33 = arith.addi %mul3A_31, %min3A_32 : i32
      %lt3A = arith.constant 4 : i32
      %lt3A_34 = arith.cmpi slt, %arg1, %lt3A : i32
      %jit3A = arith.constant 1 : i32
      %jit3A_35 = arith.constant 0 : i32
      %select_n3A = arith.select %lt3A_34, %jit3A, %jit3A_35 : i32
      %add3A_36 = arith.constant 156 : i32
      %add3A_37 = arith.addi %add3A_36, %select_n3A : i32
      %add3A_38 = arith.addi %add3A_33, %add3A_37 : i32
      %add3A_39 = arith.constant 0 : i32
      %add3A_40 = arith.addi %add3A_33, %add3A_39 : i32
      %lt3A_41 = arith.cmpi slt, %add3A_40, %add3A_38 : i32
      %convert_element_type3A_42 = arith.extui %lt3A_41 : i1 to i32
      %cond3A_43 = arith.constant 0 : i32
      %cond3A_44 = arith.cmpi ne, %convert_element_type3A_42, %cond3A_43 : i32
      scf.if %cond3A_44 {
        %add3A_58 = arith.constant 0 : i32
        %add3A_59 = arith.addi %add3A_33, %add3A_58 : i32
        %mul3A_60 = arith.constant 128 : i32
        %mul3A_61 = arith.muli %add3A_59, %mul3A_60 : i32
        %dma_start3A = tpu.memref_slice %arg4[%mul3A_61] : memref<320000xi32, #tpu.memory_space<hbm>> -> memref<128xi32, #tpu.memory_space<hbm>>
        %dma_start3A_62 = tpu.memref_slice %arg4[%mul3A_61] : memref<320000xi32, #tpu.memory_space<hbm>> -> memref<128xi32, #tpu.memory_space<hbm>>
        tpu.enqueue_dma source(%dma_start3A_62 : memref<128xi32, #tpu.memory_space<hbm>>) target(%arg8 : memref<128xi32, #tpu.memory_space<vmem>>) target_semaphore(%arg12 : memref<!tpu.dma_semaphore, #tpu.memory_space<semaphore_mem>>)
        %mul3A_63 = arith.constant 128 : i32
        %mul3A_64 = arith.muli %add3A_59, %mul3A_63 : i32
        %dma_start3A_65 = arith.constant 0 : i32
        %dma_start3A_66 = tpu.memref_slice %arg2[%mul3A_64, %dma_start3A_65] : memref<320000x128xf32, #tpu.memory_space<hbm>> -> memref<128x128xf32, #tpu.memory_space<hbm>>
        %dma_start3A_67 = arith.constant 0 : i32
        %dma_start3A_68 = tpu.memref_slice %arg2[%mul3A_64, %dma_start3A_67] : memref<320000x128xf32, #tpu.memory_space<hbm>> -> memref<128x128xf32, #tpu.memory_space<hbm>>
        tpu.enqueue_dma source(%dma_start3A_68 : memref<128x128xf32, #tpu.memory_space<hbm>>) target(%arg6 : memref<128x128xf32, #tpu.memory_space<vmem>>) target_semaphore(%arg14 : memref<!tpu.dma_semaphore, #tpu.memory_space<semaphore_mem>>)
      } else {
      }
      %add3A_45 = arith.constant 1 : i32
      %add3A_46 = arith.addi %add3A_33, %add3A_45 : i32
      %lt3A_47 = arith.cmpi slt, %add3A_46, %add3A_38 : i32
      %convert_element_type3A_48 = arith.extui %lt3A_47 : i1 to i32
      %cond3A_49 = arith.constant 0 : i32
      %cond3A_50 = arith.cmpi ne, %convert_element_type3A_48, %cond3A_49 : i32
      scf.if %cond3A_50 {
        %add3A_58 = arith.constant 1 : i32
        %add3A_59 = arith.addi %add3A_33, %add3A_58 : i32
        %mul3A_60 = arith.constant 128 : i32
        %mul3A_61 = arith.muli %add3A_59, %mul3A_60 : i32
        %dma_start3A = tpu.memref_slice %arg4[%mul3A_61] : memref<320000xi32, #tpu.memory_space<hbm>> -> memref<128xi32, #tpu.memory_space<hbm>>
        %dma_start3A_62 = tpu.memref_slice %arg4[%mul3A_61] : memref<320000xi32, #tpu.memory_space<hbm>> -> memref<128xi32, #tpu.memory_space<hbm>>
        tpu.enqueue_dma source(%dma_start3A_62 : memref<128xi32, #tpu.memory_space<hbm>>) target(%arg9 : memref<128xi32, #tpu.memory_space<vmem>>) target_semaphore(%arg13 : memref<!tpu.dma_semaphore, #tpu.memory_space<semaphore_mem>>)
        %mul3A_63 = arith.constant 128 : i32
        %mul3A_64 = arith.muli %add3A_59, %mul3A_63 : i32
        %dma_start3A_65 = arith.constant 0 : i32
        %dma_start3A_66 = tpu.memref_slice %arg2[%mul3A_64, %dma_start3A_65] : memref<320000x128xf32, #tpu.memory_space<hbm>> -> memref<128x128xf32, #tpu.memory_space<hbm>>
        %dma_start3A_67 = arith.constant 0 : i32
        %dma_start3A_68 = tpu.memref_slice %arg2[%mul3A_64, %dma_start3A_67] : memref<320000x128xf32, #tpu.memory_space<hbm>> -> memref<128x128xf32, #tpu.memory_space<hbm>>
        tpu.enqueue_dma source(%dma_start3A_68 : memref<128x128xf32, #tpu.memory_space<hbm>>) target(%arg7 : memref<128x128xf32, #tpu.memory_space<vmem>>) target_semaphore(%arg15 : memref<!tpu.dma_semaphore, #tpu.memory_space<semaphore_mem>>)
      } else {
      }
      %scan3A_51 = arith.constant 0 : i32
      %scan3A_52 = arith.constant 0 : i32
      %scan3A_53 = arith.constant 79 : i32
      %scan3A_54 = arith.addi %scan3A_52, %scan3A_53 : i32
      %scan3A_55 = arith.constant 1 : i32
      %scan3A_56 = scf.for %scan3A_58 = %scan3A_52 to %scan3A_54 step %scan3A_55 iter_args(%scan3A_59 = %scan3A_51) -> (i32)  : i32 {
        %mul3A_60 = arith.constant 2 : i32
        %mul3A_61 = arith.muli %scan3A_58, %mul3A_60 : i32
        %add3A_62 = arith.addi %add3A_33, %mul3A_61 : i32
        %add3A_63 = arith.constant 0 : i32
        %add3A_64 = arith.addi %add3A_62, %add3A_63 : i32
        %lt3A_65 = arith.cmpi slt, %add3A_64, %add3A_38 : i32
        %convert_element_type3A_66 = arith.extui %lt3A_65 : i1 to i32
        %cond3A_67 = arith.constant 0 : i32
        %cond3A_68 = arith.cmpi ne, %convert_element_type3A_66, %cond3A_67 : i32
        scf.if %cond3A_68 {
          %dma_wait3A = arith.constant 0 : i32
          %dma_wait3A_88 = tpu.memref_slice %arg4[%dma_wait3A] : memref<320000xi32, #tpu.memory_space<hbm>> -> memref<128xi32, #tpu.memory_space<hbm>>
          %dma_wait3A_89 = arith.constant 0 : i32
          %dma_wait3A_90 = tpu.memref_slice %arg4[%dma_wait3A_89] : memref<320000xi32, #tpu.memory_space<hbm>> -> memref<128xi32, #tpu.memory_space<hbm>>
          tpu.wait_dma2 semaphore(%arg12 : memref<!tpu.dma_semaphore, #tpu.memory_space<semaphore_mem>>) src(%dma_wait3A_90 : memref<128xi32, #tpu.memory_space<hbm>>) dst(%arg8 : memref<128xi32, #tpu.memory_space<vmem>>)
          %mul3A_91 = arith.constant 128 : i32
          %mul3A_92 = arith.muli %add3A_33, %mul3A_91 : i32
          %dma_wait3A_93 = arith.constant 0 : i32
          %dma_wait3A_94 = tpu.memref_slice %arg2[%mul3A_92, %dma_wait3A_93] : memref<320000x128xf32, #tpu.memory_space<hbm>> -> memref<128x128xf32, #tpu.memory_space<hbm>>
          %dma_wait3A_95 = arith.constant 0 : i32
          %dma_wait3A_96 = tpu.memref_slice %arg2[%mul3A_92, %dma_wait3A_95] : memref<320000x128xf32, #tpu.memory_space<hbm>> -> memref<128x128xf32, #tpu.memory_space<hbm>>
          tpu.wait_dma2 semaphore(%arg14 : memref<!tpu.dma_semaphore, #tpu.memory_space<semaphore_mem>>) src(%dma_wait3A_96 : memref<128x128xf32, #tpu.memory_space<hbm>>) dst(%arg6 : memref<128x128xf32, #tpu.memory_space<vmem>>)
          "tpu.region"() ({
            %run_scoped3A = tpu.sem_alloc : memref<!tpu.dma_semaphore, #tpu.memory_space<semaphore_mem>>
            %dma_start3A = arith.constant 0 : i32
            %dma_start3A_97 = arith.constant 0 : i32
            %dma_start3A_98 = tpu.memref_slice %arg11[%dma_start3A, %dma_start3A_97] : memref<10000x128xf32, #tpu.memory_space<vmem_shared>> -> memref<10000x128xf32, #tpu.memory_space<vmem_shared>>
            tpu.enqueue_indirect_dma source(%arg6 : memref<128x128xf32, #tpu.memory_space<vmem>>) target(%dma_start3A_98 : memref<10000x128xf32, #tpu.memory_space<vmem_shared>>) offsets(%arg8 : memref<128xi32, #tpu.memory_space<vmem>>) semaphore(%run_scoped3A : memref<!tpu.dma_semaphore, #tpu.memory_space<semaphore_mem>>) {add = true}
            %dma_wait3A_99 = arith.constant 0 : i32
            %dma_wait3A_100 = arith.constant 0 : i32
            %dma_wait3A_101 = tpu.memref_slice %arg11[%dma_wait3A_99, %dma_wait3A_100] : memref<10000x128xf32, #tpu.memory_space<vmem_shared>> -> memref<10000x128xf32, #tpu.memory_space<vmem_shared>>
            tpu.wait_indirect_dma semaphore(%run_scoped3A : memref<!tpu.dma_semaphore, #tpu.memory_space<semaphore_mem>>) src(%arg6 : memref<128x128xf32, #tpu.memory_space<vmem>>) dst(%dma_wait3A_101 : memref<10000x128xf32, #tpu.memory_space<vmem_shared>>)
            tpu.yield
          }) : () -> ()
        } else {
        }
        %add3A_69 = arith.constant 2 : i32
        %add3A_70 = arith.addi %add3A_64, %add3A_69 : i32
        %lt3A_71 = arith.cmpi slt, %add3A_70, %add3A_38 : i32
        %convert_element_type3A_72 = arith.extui %lt3A_71 : i1 to i32
        %cond3A_73 = arith.constant 0 : i32
        %cond3A_74 = arith.cmpi ne, %convert_element_type3A_72, %cond3A_73 : i32
        scf.if %cond3A_74 {
          %add3A_88 = arith.constant 2 : i32
          %add3A_89 = arith.addi %add3A_64, %add3A_88 : i32
          %mul3A_90 = arith.constant 128 : i32
          %mul3A_91 = arith.muli %add3A_89, %mul3A_90 : i32
          %dma_start3A = tpu.memref_slice %arg4[%mul3A_91] : memref<320000xi32, #tpu.memory_space<hbm>> -> memref<128xi32, #tpu.memory_space<hbm>>
          %dma_start3A_92 = tpu.memref_slice %arg4[%mul3A_91] : memref<320000xi32, #tpu.memory_space<hbm>> -> memref<128xi32, #tpu.memory_space<hbm>>
          tpu.enqueue_dma source(%dma_start3A_92 : memref<128xi32, #tpu.memory_space<hbm>>) target(%arg8 : memref<128xi32, #tpu.memory_space<vmem>>) target_semaphore(%arg12 : memref<!tpu.dma_semaphore, #tpu.memory_space<semaphore_mem>>)
          %mul3A_93 = arith.constant 128 : i32
          %mul3A_94 = arith.muli %add3A_89, %mul3A_93 : i32
          %dma_start3A_95 = arith.constant 0 : i32
          %dma_start3A_96 = tpu.memref_slice %arg2[%mul3A_94, %dma_start3A_95] : memref<320000x128xf32, #tpu.memory_space<hbm>> -> memref<128x128xf32, #tpu.memory_space<hbm>>
          %dma_start3A_97 = arith.constant 0 : i32
          %dma_start3A_98 = tpu.memref_slice %arg2[%mul3A_94, %dma_start3A_97] : memref<320000x128xf32, #tpu.memory_space<hbm>> -> memref<128x128xf32, #tpu.memory_space<hbm>>
          tpu.enqueue_dma source(%dma_start3A_98 : memref<128x128xf32, #tpu.memory_space<hbm>>) target(%arg6 : memref<128x128xf32, #tpu.memory_space<vmem>>) target_semaphore(%arg14 : memref<!tpu.dma_semaphore, #tpu.memory_space<semaphore_mem>>)
        } else {
        }
        %add3A_75 = arith.constant 1 : i32
        %add3A_76 = arith.addi %add3A_62, %add3A_75 : i32
        %lt3A_77 = arith.cmpi slt, %add3A_76, %add3A_38 : i32
        %convert_element_type3A_78 = arith.extui %lt3A_77 : i1 to i32
        %cond3A_79 = arith.constant 0 : i32
        %cond3A_80 = arith.cmpi ne, %convert_element_type3A_78, %cond3A_79 : i32
        scf.if %cond3A_80 {
          %dma_wait3A = arith.constant 0 : i32
          %dma_wait3A_88 = tpu.memref_slice %arg4[%dma_wait3A] : memref<320000xi32, #tpu.memory_space<hbm>> -> memref<128xi32, #tpu.memory_space<hbm>>
          %dma_wait3A_89 = arith.constant 0 : i32
          %dma_wait3A_90 = tpu.memref_slice %arg4[%dma_wait3A_89] : memref<320000xi32, #tpu.memory_space<hbm>> -> memref<128xi32, #tpu.memory_space<hbm>>
          tpu.wait_dma2 semaphore(%arg13 : memref<!tpu.dma_semaphore, #tpu.memory_space<semaphore_mem>>) src(%dma_wait3A_90 : memref<128xi32, #tpu.memory_space<hbm>>) dst(%arg9 : memref<128xi32, #tpu.memory_space<vmem>>)
          %mul3A_91 = arith.constant 128 : i32
          %mul3A_92 = arith.muli %add3A_33, %mul3A_91 : i32
          %dma_wait3A_93 = arith.constant 0 : i32
          %dma_wait3A_94 = tpu.memref_slice %arg2[%mul3A_92, %dma_wait3A_93] : memref<320000x128xf32, #tpu.memory_space<hbm>> -> memref<128x128xf32, #tpu.memory_space<hbm>>
          %dma_wait3A_95 = arith.constant 0 : i32
          %dma_wait3A_96 = tpu.memref_slice %arg2[%mul3A_92, %dma_wait3A_95] : memref<320000x128xf32, #tpu.memory_space<hbm>> -> memref<128x128xf32, #tpu.memory_space<hbm>>
          tpu.wait_dma2 semaphore(%arg15 : memref<!tpu.dma_semaphore, #tpu.memory_space<semaphore_mem>>) src(%dma_wait3A_96 : memref<128x128xf32, #tpu.memory_space<hbm>>) dst(%arg7 : memref<128x128xf32, #tpu.memory_space<vmem>>)
          "tpu.region"() ({
            %run_scoped3A = tpu.sem_alloc : memref<!tpu.dma_semaphore, #tpu.memory_space<semaphore_mem>>
            %dma_start3A = arith.constant 0 : i32
            %dma_start3A_97 = arith.constant 0 : i32
            %dma_start3A_98 = tpu.memref_slice %arg11[%dma_start3A, %dma_start3A_97] : memref<10000x128xf32, #tpu.memory_space<vmem_shared>> -> memref<10000x128xf32, #tpu.memory_space<vmem_shared>>
            tpu.enqueue_indirect_dma source(%arg7 : memref<128x128xf32, #tpu.memory_space<vmem>>) target(%dma_start3A_98 : memref<10000x128xf32, #tpu.memory_space<vmem_shared>>) offsets(%arg9 : memref<128xi32, #tpu.memory_space<vmem>>) semaphore(%run_scoped3A : memref<!tpu.dma_semaphore, #tpu.memory_space<semaphore_mem>>) {add = true}
            %dma_wait3A_99 = arith.constant 0 : i32
            %dma_wait3A_100 = arith.constant 0 : i32
            %dma_wait3A_101 = tpu.memref_slice %arg11[%dma_wait3A_99, %dma_wait3A_100] : memref<10000x128xf32, #tpu.memory_space<vmem_shared>> -> memref<10000x128xf32, #tpu.memory_space<vmem_shared>>
            tpu.wait_indirect_dma semaphore(%run_scoped3A : memref<!tpu.dma_semaphore, #tpu.memory_space<semaphore_mem>>) src(%arg7 : memref<128x128xf32, #tpu.memory_space<vmem>>) dst(%dma_wait3A_101 : memref<10000x128xf32, #tpu.memory_space<vmem_shared>>)
            tpu.yield
          }) : () -> ()
        } else {
        }
        %add3A_81 = arith.constant 2 : i32
        %add3A_82 = arith.addi %add3A_76, %add3A_81 : i32
        %lt3A_83 = arith.cmpi slt, %add3A_82, %add3A_38 : i32
        %convert_element_type3A_84 = arith.extui %lt3A_83 : i1 to i32
        %cond3A_85 = arith.constant 0 : i32
        %cond3A_86 = arith.cmpi ne, %convert_element_type3A_84, %cond3A_85 : i32
        scf.if %cond3A_86 {
          %add3A_88 = arith.constant 2 : i32
          %add3A_89 = arith.addi %add3A_76, %add3A_88 : i32
          %mul3A_90 = arith.constant 128 : i32
          %mul3A_91 = arith.muli %add3A_89, %mul3A_90 : i32
          %dma_start3A = tpu.memref_slice %arg4[%mul3A_91] : memref<320000xi32, #tpu.memory_space<hbm>> -> memref<128xi32, #tpu.memory_space<hbm>>
          %dma_start3A_92 = tpu.memref_slice %arg4[%mul3A_91] : memref<320000xi32, #tpu.memory_space<hbm>> -> memref<128xi32, #tpu.memory_space<hbm>>
          tpu.enqueue_dma source(%dma_start3A_92 : memref<128xi32, #tpu.memory_space<hbm>>) target(%arg9 : memref<128xi32, #tpu.memory_space<vmem>>) target_semaphore(%arg13 : memref<!tpu.dma_semaphore, #tpu.memory_space<semaphore_mem>>)
          %mul3A_93 = arith.constant 128 : i32
          %mul3A_94 = arith.muli %add3A_89, %mul3A_93 : i32
          %dma_start3A_95 = arith.constant 0 : i32
          %dma_start3A_96 = tpu.memref_slice %arg2[%mul3A_94, %dma_start3A_95] : memref<320000x128xf32, #tpu.memory_space<hbm>> -> memref<128x128xf32, #tpu.memory_space<hbm>>
          %dma_start3A_97 = arith.constant 0 : i32
          %dma_start3A_98 = tpu.memref_slice %arg2[%mul3A_94, %dma_start3A_97] : memref<320000x128xf32, #tpu.memory_space<hbm>> -> memref<128x128xf32, #tpu.memory_space<hbm>>
          tpu.enqueue_dma source(%dma_start3A_98 : memref<128x128xf32, #tpu.memory_space<hbm>>) target(%arg7 : memref<128x128xf32, #tpu.memory_space<vmem>>) target_semaphore(%arg15 : memref<!tpu.dma_semaphore, #tpu.memory_space<semaphore_mem>>)
        } else {
        }
        %scan3A_87 = arith.constant 0 : i32
        scf.yield %scan3A_87 : i32
      }
      %scan3A_57 = arith.constant 79 : i32
    } else {
    }
    %barrier3A_24 = arith.constant 0 : index
    tpu.barrier barrier_id(%barrier3A_24)
    %eq3A_25 = arith.constant 0 : i32
    %eq3A_26 = arith.cmpi eq, %arg1, %eq3A_25 : i32
    %convert_element_type3A_27 = arith.extui %eq3A_26 : i1 to i32
    %cond3A_28 = arith.constant 0 : i32
    %cond3A_29 = arith.cmpi ne, %convert_element_type3A_27, %cond3A_28 : i32
    scf.if %cond3A_29 {
      "tpu.region"() ({
        %run_scoped3A = tpu.sem_alloc : memref<!tpu.dma_semaphore, #tpu.memory_space<semaphore_mem>>
        %dma_start3A = arith.constant 0 : i32
        %dma_start3A_30 = arith.constant 0 : i32
        %dma_start3A_31 = tpu.memref_slice %arg5[%arg0, %dma_start3A, %dma_start3A_30] : memref<2x10000x128xf32, #tpu.memory_space<hbm>> -> memref<1x10000x128xf32, #tpu.memory_space<hbm>>
        %dma_start3A_32 = tpu.memref_squeeze %dma_start3A_31 : memref<1x10000x128xf32, #tpu.memory_space<hbm>> -> memref<10000x128xf32, #tpu.memory_space<hbm>>
        tpu.enqueue_dma source(%arg11 : memref<10000x128xf32, #tpu.memory_space<vmem_shared>>) target(%dma_start3A_32 : memref<10000x128xf32, #tpu.memory_space<hbm>>) target_semaphore(%run_scoped3A : memref<!tpu.dma_semaphore, #tpu.memory_space<semaphore_mem>>)
        %dma_wait3A = arith.constant 0 : i32
        %dma_wait3A_33 = arith.constant 0 : i32
        %dma_wait3A_34 = tpu.memref_slice %arg5[%arg0, %dma_wait3A, %dma_wait3A_33] : memref<2x10000x128xf32, #tpu.memory_space<hbm>> -> memref<1x10000x128xf32, #tpu.memory_space<hbm>>
        %dma_wait3A_35 = tpu.memref_squeeze %dma_wait3A_34 : memref<1x10000x128xf32, #tpu.memory_space<hbm>> -> memref<10000x128xf32, #tpu.memory_space<hbm>>
        tpu.wait_dma2 semaphore(%run_scoped3A : memref<!tpu.dma_semaphore, #tpu.memory_space<semaphore_mem>>) src(%arg11 : memref<10000x128xf32, #tpu.memory_space<vmem_shared>>) dst(%dma_wait3A_35 : memref<10000x128xf32, #tpu.memory_space<hbm>>)
        tpu.yield
      }) : () -> ()
    } else {
    }
    return
  }
}

module attributes {stable_mosaic.version = 14 : i64} {
  func.func @_node_body(%arg0: i32, %arg1: memref<2000x128xf32, #tpu.memory_space<vmem>>, %arg2: memref<1x128xf32, #tpu.memory_space<vmem>>, %arg3: memref<2x2000x128xf32, #tpu.memory_space<vmem>>, %arg4: memref<2x2000x128xf32, #tpu.memory_space<vmem>>, %arg5: memref<2x2000x128xf32, #tpu.memory_space<vmem>>, %arg6: memref<2x2000x128xf32, #tpu.memory_space<vmem>>, %arg7: memref<1x256xf32, #tpu.memory_space<vmem>>, %arg8: memref<1x128xf32, #tpu.memory_space<vmem>>, %arg9: memref<128x256xf32, #tpu.memory_space<vmem>>, %arg10: memref<256x256xf32, #tpu.memory_space<vmem>>, %arg11: memref<256x256xf32, #tpu.memory_space<vmem>>, %arg12: memref<1x256xf32, #tpu.memory_space<vmem>>, %arg13: memref<128x256xf32, #tpu.memory_space<vmem>>, %arg14: memref<256x256xf32, #tpu.memory_space<vmem>>, %arg15: memref<256x256xf32, #tpu.memory_space<vmem>>, %arg16: memref<1x256xf32, #tpu.memory_space<vmem>>, %arg17: memref<256x128xf32, #tpu.memory_space<vmem>>, %arg18: memref<128x128xf32, #tpu.memory_space<vmem>>, %arg19: memref<128x128xf32, #tpu.memory_space<vmem>>, %arg20: memref<1x128xf32, #tpu.memory_space<vmem>>, %arg21: memref<256x128xf32, #tpu.memory_space<vmem>>, %arg22: memref<128x128xf32, #tpu.memory_space<vmem>>, %arg23: memref<128x128xf32, #tpu.memory_space<vmem>>, %arg24: memref<1x128xf32, #tpu.memory_space<vmem>>, %arg25: memref<2000x128xf32, #tpu.memory_space<vmem>>, %arg26: memref<1x128xf32, #tpu.memory_space<vmem>>, %arg27: memref<1x256xf32, #tpu.memory_space<vmem>>, %arg28: memref<1x128xf32, #tpu.memory_space<vmem>>) attributes {dimension_semantics = [#tpu.dimension_semantics<arbitrary>], iteration_bounds = array<i64: 5>, scalar_prefetch = 0 : i64, scratch_operands = 2 : i64, tpu.core_type = #tpu.core_type<tc>, window_params = [{transform_indices = @transform_0, window_bounds = array<i64: 2000, 128>}, {pipeline_mode = #tpu.pipeline_mode<synchronous>, transform_indices = @transform_1, window_bounds = array<i64: 1, 128>}, {transform_indices = @transform_2, window_bounds = array<i64: 2, 2000, 128>}, {transform_indices = @transform_3, window_bounds = array<i64: 2, 2000, 128>}, {transform_indices = @transform_4, window_bounds = array<i64: 2, 2000, 128>}, {transform_indices = @transform_5, window_bounds = array<i64: 2, 2000, 128>}, {pipeline_mode = #tpu.pipeline_mode<synchronous>, transform_indices = @transform_6, window_bounds = array<i64: 1, 256>}, {pipeline_mode = #tpu.pipeline_mode<synchronous>, transform_indices = @transform_7, window_bounds = array<i64: 1, 128>}, {pipeline_mode = #tpu.pipeline_mode<synchronous>, transform_indices = @transform_8, window_bounds = array<i64: 128, 256>}, {pipeline_mode = #tpu.pipeline_mode<synchronous>, transform_indices = @transform_9, window_bounds = array<i64: 256, 256>}, {pipeline_mode = #tpu.pipeline_mode<synchronous>, transform_indices = @transform_10, window_bounds = array<i64: 256, 256>}, {pipeline_mode = #tpu.pipeline_mode<synchronous>, transform_indices = @transform_11, window_bounds = array<i64: 1, 256>}, {pipeline_mode = #tpu.pipeline_mode<synchronous>, transform_indices = @transform_12, window_bounds = array<i64: 128, 256>}, {pipeline_mode = #tpu.pipeline_mode<synchronous>, transform_indices = @transform_13, window_bounds = array<i64: 256, 256>}, {pipeline_mode = #tpu.pipeline_mode<synchronous>, transform_indices = @transform_14, window_bounds = array<i64: 256, 256>}, {pipeline_mode = #tpu.pipeline_mode<synchronous>, transform_indices = @transform_15, window_bounds = array<i64: 1, 256>}, {pipeline_mode = #tpu.pipeline_mode<synchronous>, transform_indices = @transform_16, window_bounds = array<i64: 256, 128>}, {pipeline_mode = #tpu.pipeline_mode<synchronous>, transform_indices = @transform_17, window_bounds = array<i64: 128, 128>}, {pipeline_mode = #tpu.pipeline_mode<synchronous>, transform_indices = @transform_18, window_bounds = array<i64: 128, 128>}, {pipeline_mode = #tpu.pipeline_mode<synchronous>, transform_indices = @transform_19, window_bounds = array<i64: 1, 128>}, {pipeline_mode = #tpu.pipeline_mode<synchronous>, transform_indices = @transform_20, window_bounds = array<i64: 256, 128>}, {pipeline_mode = #tpu.pipeline_mode<synchronous>, transform_indices = @transform_21, window_bounds = array<i64: 128, 128>}, {pipeline_mode = #tpu.pipeline_mode<synchronous>, transform_indices = @transform_22, window_bounds = array<i64: 128, 128>}, {pipeline_mode = #tpu.pipeline_mode<synchronous>, transform_indices = @transform_23, window_bounds = array<i64: 1, 128>}, {transform_indices = @transform_24, window_bounds = array<i64: 2000, 128>}, {pipeline_mode = #tpu.pipeline_mode<synchronous>, transform_indices = @transform_25, window_bounds = array<i64: 1, 128>}]} {
    %get3A = arith.constant 0 : index
    %get3A_0 = arith.constant 0 : index
    %get3A_1 = arith.constant 0 : index
    %get3A_2 = vector.load %arg6[%get3A, %get3A_0, %get3A_1] : memref<2x2000x128xf32, #tpu.memory_space<vmem>>, vector<1x2000x1xf32>
    %get3A_3 = vector.shape_cast %get3A_2 : vector<1x2000x1xf32> to vector<2000x1xf32>
    %max3A = arith.constant 1.000000e+00 : f32
    %max3A_4 = vector.broadcast %max3A : f32 to vector<2000x1xf32>
    %max3A_5 = arith.maximumf %get3A_3, %max3A_4 : vector<2000x1xf32>
    %div3A = arith.constant 1.000000e+00 : f32
    %div3A_6 = vector.broadcast %div3A : f32 to vector<2000x1xf32>
    %div3A_7 = arith.divf %div3A_6, %max3A_5 : vector<2000x1xf32>
    %get3A_8 = arith.constant 1 : index
    %get3A_9 = arith.constant 0 : index
    %get3A_10 = arith.constant 0 : index
    %get3A_11 = vector.load %arg6[%get3A_8, %get3A_9, %get3A_10] : memref<2x2000x128xf32, #tpu.memory_space<vmem>>, vector<1x2000x1xf32>
    %get3A_12 = vector.shape_cast %get3A_11 : vector<1x2000x1xf32> to vector<2000x1xf32>
    %max3A_13 = arith.constant 1.000000e+00 : f32
    %max3A_14 = vector.broadcast %max3A_13 : f32 to vector<2000x1xf32>
    %max3A_15 = arith.maximumf %get3A_12, %max3A_14 : vector<2000x1xf32>
    %div3A_16 = arith.constant 1.000000e+00 : f32
    %div3A_17 = vector.broadcast %div3A_16 : f32 to vector<2000x1xf32>
    %div3A_18 = arith.divf %div3A_17, %max3A_15 : vector<2000x1xf32>
    %get3A_19 = arith.constant 0 : index
    %get3A_20 = arith.constant 0 : index
    %get3A_21 = vector.load %arg1[%get3A_19, %get3A_20] : memref<2000x128xf32, #tpu.memory_space<vmem>>, vector<2000x128xf32>
    %get3A_22 = arith.constant 0 : index
    %get3A_23 = arith.constant 0 : index
    %get3A_24 = vector.load %arg9[%get3A_22, %get3A_23] : memref<128x256xf32, #tpu.memory_space<vmem>>, vector<128x256xf32>
    %dot_general3A = arith.constant dense<0.000000e+00> : vector<2000x256xf32>
    %dot_general3A_25 = tpu.matmul %get3A_21, %get3A_24, %dot_general3A {dimension_numbers = #tpu.dot_dimension_numbers<[1], [0], [0], [1], [0, 0, 1, 1], [], []>, transpose_lhs_hint = false} : vector<2000x128xf32>, vector<128x256xf32>, vector<2000x256xf32> -> vector<2000x256xf32>
    %get3A_26 = arith.constant 0 : index
    %get3A_27 = arith.constant 0 : index
    %get3A_28 = arith.constant 0 : index
    %get3A_29 = vector.load %arg3[%get3A_26, %get3A_27, %get3A_28] : memref<2x2000x128xf32, #tpu.memory_space<vmem>>, vector<1x2000x128xf32>
    %get3A_30 = vector.shape_cast %get3A_29 : vector<1x2000x128xf32> to vector<2000x128xf32>
    %mul3A = vector.broadcast %div3A_7 : vector<2000x1xf32> to vector<2000x128xf32>
    %mul3A_31 = arith.mulf %get3A_30, %mul3A : vector<2000x128xf32>
    %get3A_32 = arith.constant 0 : index
    %get3A_33 = arith.constant 0 : index
    %get3A_34 = vector.load %arg10[%get3A_32, %get3A_33] : memref<256x256xf32, #tpu.memory_space<vmem>>, vector<128x256xf32>
    %dot_general3A_35 = arith.constant dense<0.000000e+00> : vector<2000x256xf32>
    %dot_general3A_36 = tpu.matmul %mul3A_31, %get3A_34, %dot_general3A_35 {dimension_numbers = #tpu.dot_dimension_numbers<[1], [0], [0], [1], [0, 0, 1, 1], [], []>, transpose_lhs_hint = false} : vector<2000x128xf32>, vector<128x256xf32>, vector<2000x256xf32> -> vector<2000x256xf32>
    %get3A_37 = arith.constant 1 : index
    %get3A_38 = arith.constant 0 : index
    %get3A_39 = arith.constant 0 : index
    %get3A_40 = vector.load %arg3[%get3A_37, %get3A_38, %get3A_39] : memref<2x2000x128xf32, #tpu.memory_space<vmem>>, vector<1x2000x128xf32>
    %get3A_41 = vector.shape_cast %get3A_40 : vector<1x2000x128xf32> to vector<2000x128xf32>
    %mul3A_42 = vector.broadcast %div3A_7 : vector<2000x1xf32> to vector<2000x128xf32>
    %mul3A_43 = arith.mulf %get3A_41, %mul3A_42 : vector<2000x128xf32>
    %get3A_44 = arith.constant 128 : index
    %get3A_45 = arith.constant 0 : index
    %get3A_46 = vector.load %arg10[%get3A_44, %get3A_45] : memref<256x256xf32, #tpu.memory_space<vmem>>, vector<128x256xf32>
    %dot_general3A_47 = arith.constant dense<0.000000e+00> : vector<2000x256xf32>
    %dot_general3A_48 = tpu.matmul %mul3A_43, %get3A_46, %dot_general3A_47 {dimension_numbers = #tpu.dot_dimension_numbers<[1], [0], [0], [1], [0, 0, 1, 1], [], []>, transpose_lhs_hint = false} : vector<2000x128xf32>, vector<128x256xf32>, vector<2000x256xf32> -> vector<2000x256xf32>
    %add3A = arith.addf %dot_general3A_36, %dot_general3A_48 : vector<2000x256xf32>
    %add3A_49 = arith.addf %dot_general3A_25, %add3A : vector<2000x256xf32>
    %get3A_50 = arith.constant 0 : index
    %get3A_51 = arith.constant 0 : index
    %get3A_52 = arith.constant 0 : index
    %get3A_53 = vector.load %arg4[%get3A_50, %get3A_51, %get3A_52] : memref<2x2000x128xf32, #tpu.memory_space<vmem>>, vector<1x2000x128xf32>
    %get3A_54 = vector.shape_cast %get3A_53 : vector<1x2000x128xf32> to vector<2000x128xf32>
    %mul3A_55 = vector.broadcast %div3A_18 : vector<2000x1xf32> to vector<2000x128xf32>
    %mul3A_56 = arith.mulf %get3A_54, %mul3A_55 : vector<2000x128xf32>
    %get3A_57 = arith.constant 0 : index
    %get3A_58 = arith.constant 0 : index
    %get3A_59 = vector.load %arg11[%get3A_57, %get3A_58] : memref<256x256xf32, #tpu.memory_space<vmem>>, vector<128x256xf32>
    %dot_general3A_60 = arith.constant dense<0.000000e+00> : vector<2000x256xf32>
    %dot_general3A_61 = tpu.matmul %mul3A_56, %get3A_59, %dot_general3A_60 {dimension_numbers = #tpu.dot_dimension_numbers<[1], [0], [0], [1], [0, 0, 1, 1], [], []>, transpose_lhs_hint = false} : vector<2000x128xf32>, vector<128x256xf32>, vector<2000x256xf32> -> vector<2000x256xf32>
    %get3A_62 = arith.constant 1 : index
    %get3A_63 = arith.constant 0 : index
    %get3A_64 = arith.constant 0 : index
    %get3A_65 = vector.load %arg4[%get3A_62, %get3A_63, %get3A_64] : memref<2x2000x128xf32, #tpu.memory_space<vmem>>, vector<1x2000x128xf32>
    %get3A_66 = vector.shape_cast %get3A_65 : vector<1x2000x128xf32> to vector<2000x128xf32>
    %mul3A_67 = vector.broadcast %div3A_18 : vector<2000x1xf32> to vector<2000x128xf32>
    %mul3A_68 = arith.mulf %get3A_66, %mul3A_67 : vector<2000x128xf32>
    %get3A_69 = arith.constant 128 : index
    %get3A_70 = arith.constant 0 : index
    %get3A_71 = vector.load %arg11[%get3A_69, %get3A_70] : memref<256x256xf32, #tpu.memory_space<vmem>>, vector<128x256xf32>
    %dot_general3A_72 = arith.constant dense<0.000000e+00> : vector<2000x256xf32>
    %dot_general3A_73 = tpu.matmul %mul3A_68, %get3A_71, %dot_general3A_72 {dimension_numbers = #tpu.dot_dimension_numbers<[1], [0], [0], [1], [0, 0, 1, 1], [], []>, transpose_lhs_hint = false} : vector<2000x128xf32>, vector<128x256xf32>, vector<2000x256xf32> -> vector<2000x256xf32>
    %add3A_74 = arith.addf %dot_general3A_61, %dot_general3A_73 : vector<2000x256xf32>
    %add3A_75 = arith.addf %add3A_49, %add3A_74 : vector<2000x256xf32>
    %get3A_76 = arith.constant 0 : index
    %get3A_77 = arith.constant 0 : index
    %get3A_78 = vector.load %arg12[%get3A_76, %get3A_77] : memref<1x256xf32, #tpu.memory_space<vmem>>, vector<1x256xf32>
    %add3A_79 = vector.broadcast %get3A_78 : vector<1x256xf32> to vector<2000x256xf32>
    %add3A_80 = arith.addf %add3A_75, %add3A_79 : vector<2000x256xf32>
    %max3A_81 = arith.constant 0.000000e+00 : f32
    %max3A_82 = vector.broadcast %max3A_81 : f32 to vector<2000x256xf32>
    %max3A_83 = arith.maximumf %add3A_80, %max3A_82 : vector<2000x256xf32>
    %get3A_84 = arith.constant 0 : index
    %get3A_85 = arith.constant 0 : index
    %get3A_86 = vector.load %arg17[%get3A_84, %get3A_85] : memref<256x128xf32, #tpu.memory_space<vmem>>, vector<256x128xf32>
    %dot_general3A_87 = arith.constant dense<0.000000e+00> : vector<2000x128xf32>
    %dot_general3A_88 = tpu.matmul %max3A_83, %get3A_86, %dot_general3A_87 {dimension_numbers = #tpu.dot_dimension_numbers<[1], [0], [0], [1], [0, 0, 1, 1], [], []>, transpose_lhs_hint = false} : vector<2000x256xf32>, vector<256x128xf32>, vector<2000x128xf32> -> vector<2000x128xf32>
    %get3A_89 = arith.constant 0 : index
    %get3A_90 = arith.constant 0 : index
    %get3A_91 = arith.constant 0 : index
    %get3A_92 = vector.load %arg5[%get3A_89, %get3A_90, %get3A_91] : memref<2x2000x128xf32, #tpu.memory_space<vmem>>, vector<1x2000x128xf32>
    %get3A_93 = vector.shape_cast %get3A_92 : vector<1x2000x128xf32> to vector<2000x128xf32>
    %mul3A_94 = vector.broadcast %div3A_7 : vector<2000x1xf32> to vector<2000x128xf32>
    %mul3A_95 = arith.mulf %get3A_93, %mul3A_94 : vector<2000x128xf32>
    %get3A_96 = arith.constant 0 : index
    %get3A_97 = arith.constant 0 : index
    %get3A_98 = vector.load %arg18[%get3A_96, %get3A_97] : memref<128x128xf32, #tpu.memory_space<vmem>>, vector<128x128xf32>
    %dot_general3A_99 = arith.constant dense<0.000000e+00> : vector<2000x128xf32>
    %dot_general3A_100 = tpu.matmul %mul3A_95, %get3A_98, %dot_general3A_99 {dimension_numbers = #tpu.dot_dimension_numbers<[1], [0], [0], [1], [0, 0, 1, 1], [], []>, transpose_lhs_hint = false} : vector<2000x128xf32>, vector<128x128xf32>, vector<2000x128xf32> -> vector<2000x128xf32>
    %add3A_101 = arith.addf %dot_general3A_88, %dot_general3A_100 : vector<2000x128xf32>
    %get3A_102 = arith.constant 1 : index
    %get3A_103 = arith.constant 0 : index
    %get3A_104 = arith.constant 0 : index
    %get3A_105 = vector.load %arg5[%get3A_102, %get3A_103, %get3A_104] : memref<2x2000x128xf32, #tpu.memory_space<vmem>>, vector<1x2000x128xf32>
    %get3A_106 = vector.shape_cast %get3A_105 : vector<1x2000x128xf32> to vector<2000x128xf32>
    %mul3A_107 = vector.broadcast %div3A_18 : vector<2000x1xf32> to vector<2000x128xf32>
    %mul3A_108 = arith.mulf %get3A_106, %mul3A_107 : vector<2000x128xf32>
    %get3A_109 = arith.constant 0 : index
    %get3A_110 = arith.constant 0 : index
    %get3A_111 = vector.load %arg19[%get3A_109, %get3A_110] : memref<128x128xf32, #tpu.memory_space<vmem>>, vector<128x128xf32>
    %dot_general3A_112 = arith.constant dense<0.000000e+00> : vector<2000x128xf32>
    %dot_general3A_113 = tpu.matmul %mul3A_108, %get3A_111, %dot_general3A_112 {dimension_numbers = #tpu.dot_dimension_numbers<[1], [0], [0], [1], [0, 0, 1, 1], [], []>, transpose_lhs_hint = false} : vector<2000x128xf32>, vector<128x128xf32>, vector<2000x128xf32> -> vector<2000x128xf32>
    %add3A_114 = arith.addf %add3A_101, %dot_general3A_113 : vector<2000x128xf32>
    %get3A_115 = arith.constant 0 : index
    %get3A_116 = arith.constant 0 : index
    %get3A_117 = vector.load %arg20[%get3A_115, %get3A_116] : memref<1x128xf32, #tpu.memory_space<vmem>>, vector<1x128xf32>
    %add3A_118 = vector.broadcast %get3A_117 : vector<1x128xf32> to vector<2000x128xf32>
    %add3A_119 = arith.addf %add3A_114, %add3A_118 : vector<2000x128xf32>
    %max3A_120 = arith.constant 0.000000e+00 : f32
    %max3A_121 = vector.broadcast %max3A_120 : f32 to vector<2000x128xf32>
    %max3A_122 = arith.maximumf %add3A_119, %max3A_121 : vector<2000x128xf32>
    %swap3A = arith.constant 0 : index
    %swap3A_123 = arith.constant 0 : index
    %swap3A_124 = vector.load %arg25[%swap3A, %swap3A_123] : memref<2000x128xf32, #tpu.memory_space<vmem>>, vector<2000x128xf32>
    tpu.vector_store %arg25[%swap3A, %swap3A_123], %max3A_122 {strides = array<i32>} : memref<2000x128xf32, #tpu.memory_space<vmem>>, vector<2000x128xf32>,
    %eq3A = arith.constant 0 : i32
    %eq3A_125 = arith.cmpi eq, %arg0, %eq3A : i32
    %convert_element_type3A = arith.extui %eq3A_125 : i1 to i32
    %cond3A = arith.constant 0 : i32
    %cond3A_126 = arith.cmpi ne, %convert_element_type3A, %cond3A : i32
    scf.if %cond3A_126 {
      %broadcast_in_dim3A_150 = arith.constant 0.000000e+00 : f32
      %broadcast_in_dim3A_151 = vector.broadcast %broadcast_in_dim3A_150 : f32 to vector<1x256xf32>
      %swap3A_152 = arith.constant 0 : index
      %swap3A_153 = arith.constant 0 : index
      %swap3A_154 = vector.load %arg27[%swap3A_152, %swap3A_153] : memref<1x256xf32, #tpu.memory_space<vmem>>, vector<1x256xf32>
      tpu.vector_store %arg27[%swap3A_152, %swap3A_153], %broadcast_in_dim3A_151 {strides = array<i32>} : memref<1x256xf32, #tpu.memory_space<vmem>>, vector<1x256xf32>,
      %broadcast_in_dim3A_155 = arith.constant 0.000000e+00 : f32
      %broadcast_in_dim3A_156 = vector.broadcast %broadcast_in_dim3A_155 : f32 to vector<1x128xf32>
      %swap3A_157 = arith.constant 0 : index
      %swap3A_158 = arith.constant 0 : index
      %swap3A_159 = vector.load %arg28[%swap3A_157, %swap3A_158] : memref<1x128xf32, #tpu.memory_space<vmem>>, vector<1x128xf32>
      tpu.vector_store %arg28[%swap3A_157, %swap3A_158], %broadcast_in_dim3A_156 {strides = array<i32>} : memref<1x128xf32, #tpu.memory_space<vmem>>, vector<1x128xf32>,
    } else {
    }
    %get3A_127 = arith.constant 0 : index
    %get3A_128 = arith.constant 0 : index
    %get3A_129 = vector.load %arg27[%get3A_127, %get3A_128] : memref<1x256xf32, #tpu.memory_space<vmem>>, vector<1x256xf32>
    %reduce_sum3A = arith.constant dense<0.000000e+00> : vector<256xf32>
    %reduce_sum3A_130 = vector.multi_reduction <add>, %max3A_83, %reduce_sum3A [0] : vector<2000x256xf32> to vector<256xf32>
    %broadcast_in_dim3A = vector.shape_cast %reduce_sum3A_130 : vector<256xf32> to vector<1x256xf32>
    %add3A_131 = arith.addf %get3A_129, %broadcast_in_dim3A : vector<1x256xf32>
    %swap3A_132 = arith.constant 0 : index
    %swap3A_133 = arith.constant 0 : index
    %swap3A_134 = vector.load %arg27[%swap3A_132, %swap3A_133] : memref<1x256xf32, #tpu.memory_space<vmem>>, vector<1x256xf32>
    tpu.vector_store %arg27[%swap3A_132, %swap3A_133], %add3A_131 {strides = array<i32>} : memref<1x256xf32, #tpu.memory_space<vmem>>, vector<1x256xf32>,
    %get3A_135 = arith.constant 0 : index
    %get3A_136 = arith.constant 0 : index
    %get3A_137 = vector.load %arg28[%get3A_135, %get3A_136] : memref<1x128xf32, #tpu.memory_space<vmem>>, vector<1x128xf32>
    %reduce_sum3A_138 = arith.constant dense<0.000000e+00> : vector<128xf32>
    %reduce_sum3A_139 = vector.multi_reduction <add>, %max3A_122, %reduce_sum3A_138 [0] : vector<2000x128xf32> to vector<128xf32>
    %broadcast_in_dim3A_140 = vector.shape_cast %reduce_sum3A_139 : vector<128xf32> to vector<1x128xf32>
    %add3A_141 = arith.addf %get3A_137, %broadcast_in_dim3A_140 : vector<1x128xf32>
    %swap3A_142 = arith.constant 0 : index
    %swap3A_143 = arith.constant 0 : index
    %swap3A_144 = vector.load %arg28[%swap3A_142, %swap3A_143] : memref<1x128xf32, #tpu.memory_space<vmem>>, vector<1x128xf32>
    tpu.vector_store %arg28[%swap3A_142, %swap3A_143], %add3A_141 {strides = array<i32>} : memref<1x128xf32, #tpu.memory_space<vmem>>, vector<1x128xf32>,
    %eq3A_145 = arith.constant 4 : i32
    %eq3A_146 = arith.cmpi eq, %arg0, %eq3A_145 : i32
    %convert_element_type3A_147 = arith.extui %eq3A_146 : i1 to i32
    %cond3A_148 = arith.constant 0 : i32
    %cond3A_149 = arith.cmpi ne, %convert_element_type3A_147, %cond3A_148 : i32
    scf.if %cond3A_149 {
      %get3A_150 = arith.constant 0 : index
      %get3A_151 = arith.constant 0 : index
      %get3A_152 = vector.load %arg2[%get3A_150, %get3A_151] : memref<1x128xf32, #tpu.memory_space<vmem>>, vector<1x128xf32>
      %get3A_153 = arith.constant 0 : index
      %get3A_154 = arith.constant 0 : index
      %get3A_155 = vector.load %arg13[%get3A_153, %get3A_154] : memref<128x256xf32, #tpu.memory_space<vmem>>, vector<128x256xf32>
      %dot_general3A_156 = arith.constant dense<0.000000e+00> : vector<1x256xf32>
      %dot_general3A_157 = tpu.matmul %get3A_152, %get3A_155, %dot_general3A_156 {dimension_numbers = #tpu.dot_dimension_numbers<[1], [0], [0], [1], [0, 0, 1, 1], [], []>, transpose_lhs_hint = false} : vector<1x128xf32>, vector<128x256xf32>, vector<1x256xf32> -> vector<1x256xf32>
      %get3A_158 = arith.constant 0 : index
      %get3A_159 = arith.constant 0 : index
      %get3A_160 = vector.load %arg27[%get3A_158, %get3A_159] : memref<1x256xf32, #tpu.memory_space<vmem>>, vector<1x256xf32>
      %mul3A_161 = arith.constant 9.99999974E-5 : f32
      %mul3A_162 = vector.broadcast %mul3A_161 : f32 to vector<1x256xf32>
      %mul3A_163 = arith.mulf %get3A_160, %mul3A_162 : vector<1x256xf32>
      %get3A_164 = arith.constant 0 : index
      %get3A_165 = arith.constant 0 : index
      %get3A_166 = vector.load %arg14[%get3A_164, %get3A_165] : memref<256x256xf32, #tpu.memory_space<vmem>>, vector<256x256xf32>
      %dot_general3A_167 = arith.constant dense<0.000000e+00> : vector<1x256xf32>
      %dot_general3A_168 = tpu.matmul %mul3A_163, %get3A_166, %dot_general3A_167 {dimension_numbers = #tpu.dot_dimension_numbers<[1], [0], [0], [1], [0, 0, 1, 1], [], []>, transpose_lhs_hint = false} : vector<1x256xf32>, vector<256x256xf32>, vector<1x256xf32> -> vector<1x256xf32>
      %add3A_169 = arith.addf %dot_general3A_157, %dot_general3A_168 : vector<1x256xf32>
      %get3A_170 = arith.constant 0 : index
      %get3A_171 = arith.constant 0 : index
      %get3A_172 = vector.load %arg7[%get3A_170, %get3A_171] : memref<1x256xf32, #tpu.memory_space<vmem>>, vector<1x256xf32>
      %mul3A_173 = arith.constant 3.125000e-06 : f32
      %mul3A_174 = vector.broadcast %mul3A_173 : f32 to vector<1x256xf32>
      %mul3A_175 = arith.mulf %get3A_172, %mul3A_174 : vector<1x256xf32>
      %get3A_176 = arith.constant 0 : index
      %get3A_177 = arith.constant 0 : index
      %get3A_178 = vector.load %arg15[%get3A_176, %get3A_177] : memref<256x256xf32, #tpu.memory_space<vmem>>, vector<256x256xf32>
      %dot_general3A_179 = arith.constant dense<0.000000e+00> : vector<1x256xf32>
      %dot_general3A_180 = tpu.matmul %mul3A_175, %get3A_178, %dot_general3A_179 {dimension_numbers = #tpu.dot_dimension_numbers<[1], [0], [0], [1], [0, 0, 1, 1], [], []>, transpose_lhs_hint = false} : vector<1x256xf32>, vector<256x256xf32>, vector<1x256xf32> -> vector<1x256xf32>
      %add3A_181 = arith.addf %add3A_169, %dot_general3A_180 : vector<1x256xf32>
      %get3A_182 = arith.constant 0 : index
      %get3A_183 = arith.constant 0 : index
      %get3A_184 = vector.load %arg16[%get3A_182, %get3A_183] : memref<1x256xf32, #tpu.memory_space<vmem>>, vector<1x256xf32>
      %add3A_185 = arith.addf %add3A_181, %get3A_184 : vector<1x256xf32>
      %max3A_186 = arith.constant 0.000000e+00 : f32
      %max3A_187 = vector.broadcast %max3A_186 : f32 to vector<1x256xf32>
      %max3A_188 = arith.maximumf %add3A_185, %max3A_187 : vector<1x256xf32>
      %get3A_189 = arith.constant 0 : index
      %get3A_190 = arith.constant 0 : index
      %get3A_191 = vector.load %arg21[%get3A_189, %get3A_190] : memref<256x128xf32, #tpu.memory_space<vmem>>, vector<256x128xf32>
      %dot_general3A_192 = arith.constant dense<0.000000e+00> : vector<1x128xf32>
      %dot_general3A_193 = tpu.matmul %max3A_188, %get3A_191, %dot_general3A_192 {dimension_numbers = #tpu.dot_dimension_numbers<[1], [0], [0], [1], [0, 0, 1, 1], [], []>, transpose_lhs_hint = false} : vector<1x256xf32>, vector<256x128xf32>, vector<1x128xf32> -> vector<1x128xf32>
      %get3A_194 = arith.constant 0 : index
      %get3A_195 = arith.constant 0 : index
      %get3A_196 = vector.load %arg28[%get3A_194, %get3A_195] : memref<1x128xf32, #tpu.memory_space<vmem>>, vector<1x128xf32>
      %mul3A_197 = arith.constant 9.99999974E-5 : f32
      %mul3A_198 = vector.broadcast %mul3A_197 : f32 to vector<1x128xf32>
      %mul3A_199 = arith.mulf %get3A_196, %mul3A_198 : vector<1x128xf32>
      %get3A_200 = arith.constant 0 : index
      %get3A_201 = arith.constant 0 : index
      %get3A_202 = vector.load %arg22[%get3A_200, %get3A_201] : memref<128x128xf32, #tpu.memory_space<vmem>>, vector<128x128xf32>
      %dot_general3A_203 = arith.constant dense<0.000000e+00> : vector<1x128xf32>
      %dot_general3A_204 = tpu.matmul %mul3A_199, %get3A_202, %dot_general3A_203 {dimension_numbers = #tpu.dot_dimension_numbers<[1], [0], [0], [1], [0, 0, 1, 1], [], []>, transpose_lhs_hint = false} : vector<1x128xf32>, vector<128x128xf32>, vector<1x128xf32> -> vector<1x128xf32>
      %add3A_205 = arith.addf %dot_general3A_193, %dot_general3A_204 : vector<1x128xf32>
      %get3A_206 = arith.constant 0 : index
      %get3A_207 = arith.constant 0 : index
      %get3A_208 = vector.load %arg8[%get3A_206, %get3A_207] : memref<1x128xf32, #tpu.memory_space<vmem>>, vector<1x128xf32>
      %mul3A_209 = arith.constant 3.125000e-06 : f32
      %mul3A_210 = vector.broadcast %mul3A_209 : f32 to vector<1x128xf32>
      %mul3A_211 = arith.mulf %get3A_208, %mul3A_210 : vector<1x128xf32>
      %get3A_212 = arith.constant 0 : index
      %get3A_213 = arith.constant 0 : index
      %get3A_214 = vector.load %arg23[%get3A_212, %get3A_213] : memref<128x128xf32, #tpu.memory_space<vmem>>, vector<128x128xf32>
      %dot_general3A_215 = arith.constant dense<0.000000e+00> : vector<1x128xf32>
      %dot_general3A_216 = tpu.matmul %mul3A_211, %get3A_214, %dot_general3A_215 {dimension_numbers = #tpu.dot_dimension_numbers<[1], [0], [0], [1], [0, 0, 1, 1], [], []>, transpose_lhs_hint = false} : vector<1x128xf32>, vector<128x128xf32>, vector<1x128xf32> -> vector<1x128xf32>
      %add3A_217 = arith.addf %add3A_205, %dot_general3A_216 : vector<1x128xf32>
      %get3A_218 = arith.constant 0 : index
      %get3A_219 = arith.constant 0 : index
      %get3A_220 = vector.load %arg24[%get3A_218, %get3A_219] : memref<1x128xf32, #tpu.memory_space<vmem>>, vector<1x128xf32>
      %add3A_221 = arith.addf %add3A_217, %get3A_220 : vector<1x128xf32>
      %max3A_222 = arith.constant 0.000000e+00 : f32
      %max3A_223 = vector.broadcast %max3A_222 : f32 to vector<1x128xf32>
      %max3A_224 = arith.maximumf %add3A_221, %max3A_223 : vector<1x128xf32>
      %swap3A_225 = arith.constant 0 : index
      %swap3A_226 = arith.constant 0 : index
      %swap3A_227 = vector.load %arg26[%swap3A_225, %swap3A_226] : memref<1x128xf32, #tpu.memory_space<vmem>>, vector<1x128xf32>
      tpu.vector_store %arg26[%swap3A_225, %swap3A_226], %max3A_224 {strides = array<i32>} : memref<1x128xf32, #tpu.memory_space<vmem>>, vector<1x128xf32>,
    } else {
    }
    return
  }
  func.func @transform_0(%arg0: i32) -> (i32, i32) {
    %c0_i32 = arith.constant 0 : i32
    %c0_i32_0 = arith.constant 0 : i32
    return %arg0, %c0_i32 : i32, i32
  }
  func.func @transform_1(%arg0: i32) -> (i32, i32) {
    %c0_i32 = arith.constant 0 : i32
    %c0_i32_0 = arith.constant 0 : i32
    %c0_i32_1 = arith.constant 0 : i32
    return %c0_i32, %c0_i32_0 : i32, i32
  }
  func.func @transform_2(%arg0: i32) -> (i32, i32, i32) {
    %c0_i32 = arith.constant 0 : i32
    %c0_i32_0 = arith.constant 0 : i32
    %c0_i32_1 = arith.constant 0 : i32
    return %c0_i32, %arg0, %c0_i32_0 : i32, i32, i32
  }
  func.func @transform_3(%arg0: i32) -> (i32, i32, i32) {
    %c0_i32 = arith.constant 0 : i32
    %c0_i32_0 = arith.constant 0 : i32
    %c0_i32_1 = arith.constant 0 : i32
    return %c0_i32, %arg0, %c0_i32_0 : i32, i32, i32
  }
  func.func @transform_4(%arg0: i32) -> (i32, i32, i32) {
    %c0_i32 = arith.constant 0 : i32
    %c0_i32_0 = arith.constant 0 : i32
    %c0_i32_1 = arith.constant 0 : i32
    return %c0_i32, %arg0, %c0_i32_0 : i32, i32, i32
  }
  func.func @transform_5(%arg0: i32) -> (i32, i32, i32) {
    %c0_i32 = arith.constant 0 : i32
    %c0_i32_0 = arith.constant 0 : i32
    %c0_i32_1 = arith.constant 0 : i32
    return %c0_i32, %arg0, %c0_i32_0 : i32, i32, i32
  }
  func.func @transform_6(%arg0: i32) -> (i32, i32) {
    %c0_i32 = arith.constant 0 : i32
    %c0_i32_0 = arith.constant 0 : i32
    %c0_i32_1 = arith.constant 0 : i32
    return %c0_i32, %c0_i32_0 : i32, i32
  }
  func.func @transform_7(%arg0: i32) -> (i32, i32) {
    %c0_i32 = arith.constant 0 : i32
    %c0_i32_0 = arith.constant 0 : i32
    %c0_i32_1 = arith.constant 0 : i32
    return %c0_i32, %c0_i32_0 : i32, i32
  }
  func.func @transform_8(%arg0: i32) -> (i32, i32) {
    %c0_i32 = arith.constant 0 : i32
    %c0_i32_0 = arith.constant 0 : i32
    %c0_i32_1 = arith.constant 0 : i32
    return %c0_i32, %c0_i32_0 : i32, i32
  }
  func.func @transform_9(%arg0: i32) -> (i32, i32) {
    %c0_i32 = arith.constant 0 : i32
    %c0_i32_0 = arith.constant 0 : i32
    %c0_i32_1 = arith.constant 0 : i32
    return %c0_i32, %c0_i32_0 : i32, i32
  }
  func.func @transform_10(%arg0: i32) -> (i32, i32) {
    %c0_i32 = arith.constant 0 : i32
    %c0_i32_0 = arith.constant 0 : i32
    %c0_i32_1 = arith.constant 0 : i32
    return %c0_i32, %c0_i32_0 : i32, i32
  }
  func.func @transform_11(%arg0: i32) -> (i32, i32) {
    %c0_i32 = arith.constant 0 : i32
    %c0_i32_0 = arith.constant 0 : i32
    %c0_i32_1 = arith.constant 0 : i32
    return %c0_i32, %c0_i32_0 : i32, i32
  }
  func.func @transform_12(%arg0: i32) -> (i32, i32) {
    %c0_i32 = arith.constant 0 : i32
    %c0_i32_0 = arith.constant 0 : i32
    %c0_i32_1 = arith.constant 0 : i32
    return %c0_i32, %c0_i32_0 : i32, i32
  }
  func.func @transform_13(%arg0: i32) -> (i32, i32) {
    %c0_i32 = arith.constant 0 : i32
    %c0_i32_0 = arith.constant 0 : i32
    %c0_i32_1 = arith.constant 0 : i32
    return %c0_i32, %c0_i32_0 : i32, i32
  }
  func.func @transform_14(%arg0: i32) -> (i32, i32) {
    %c0_i32 = arith.constant 0 : i32
    %c0_i32_0 = arith.constant 0 : i32
    %c0_i32_1 = arith.constant 0 : i32
    return %c0_i32, %c0_i32_0 : i32, i32
  }
  func.func @transform_15(%arg0: i32) -> (i32, i32) {
    %c0_i32 = arith.constant 0 : i32
    %c0_i32_0 = arith.constant 0 : i32
    %c0_i32_1 = arith.constant 0 : i32
    return %c0_i32, %c0_i32_0 : i32, i32
  }
  func.func @transform_16(%arg0: i32) -> (i32, i32) {
    %c0_i32 = arith.constant 0 : i32
    %c0_i32_0 = arith.constant 0 : i32
    %c0_i32_1 = arith.constant 0 : i32
    return %c0_i32, %c0_i32_0 : i32, i32
  }
  func.func @transform_17(%arg0: i32) -> (i32, i32) {
    %c0_i32 = arith.constant 0 : i32
    %c0_i32_0 = arith.constant 0 : i32
    %c0_i32_1 = arith.constant 0 : i32
    return %c0_i32, %c0_i32_0 : i32, i32
  }
  func.func @transform_18(%arg0: i32) -> (i32, i32) {
    %c0_i32 = arith.constant 0 : i32
    %c0_i32_0 = arith.constant 0 : i32
    %c0_i32_1 = arith.constant 0 : i32
    return %c0_i32, %c0_i32_0 : i32, i32
  }
  func.func @transform_19(%arg0: i32) -> (i32, i32) {
    %c0_i32 = arith.constant 0 : i32
    %c0_i32_0 = arith.constant 0 : i32
    %c0_i32_1 = arith.constant 0 : i32
    return %c0_i32, %c0_i32_0 : i32, i32
  }
  func.func @transform_20(%arg0: i32) -> (i32, i32) {
    %c0_i32 = arith.constant 0 : i32
    %c0_i32_0 = arith.constant 0 : i32
    %c0_i32_1 = arith.constant 0 : i32
    return %c0_i32, %c0_i32_0 : i32, i32
  }
  func.func @transform_21(%arg0: i32) -> (i32, i32) {
    %c0_i32 = arith.constant 0 : i32
    %c0_i32_0 = arith.constant 0 : i32
    %c0_i32_1 = arith.constant 0 : i32
    return %c0_i32, %c0_i32_0 : i32, i32
  }
  func.func @transform_22(%arg0: i32) -> (i32, i32) {
    %c0_i32 = arith.constant 0 : i32
    %c0_i32_0 = arith.constant 0 : i32
    %c0_i32_1 = arith.constant 0 : i32
    return %c0_i32, %c0_i32_0 : i32, i32
  }
  func.func @transform_23(%arg0: i32) -> (i32, i32) {
    %c0_i32 = arith.constant 0 : i32
    %c0_i32_0 = arith.constant 0 : i32
    %c0_i32_1 = arith.constant 0 : i32
    return %c0_i32, %c0_i32_0 : i32, i32
  }
  func.func @transform_24(%arg0: i32) -> (i32, i32) {
    %c0_i32 = arith.constant 0 : i32
    %c0_i32_0 = arith.constant 0 : i32
    return %arg0, %c0_i32 : i32, i32
  }
  func.func @transform_25(%arg0: i32) -> (i32, i32) {
    %c0_i32 = arith.constant 0 : i32
    %c0_i32_0 = arith.constant 0 : i32
    %c0_i32_1 = arith.constant 0 : i32
    return %c0_i32, %c0_i32_0 : i32, i32
  }
}

module attributes {stable_mosaic.version = 14 : i64} {
  func.func @_edge_body(%arg0: i32, %arg1: memref<4000x16xf32, #tpu.memory_space<vmem>>, %arg2: memref<16x256xf32, #tpu.memory_space<vmem>>, %arg3: memref<1x256xf32, #tpu.memory_space<vmem>>, %arg4: memref<256x128xf32, #tpu.memory_space<vmem>>, %arg5: memref<1x128xf32, #tpu.memory_space<vmem>>, %arg6: memref<2x4000x128xf32, #tpu.memory_space<vmem>>, %arg7: memref<4000x128xf32, #tpu.memory_space<vmem>>, %arg8: memref<1x256xf32, #tpu.memory_space<vmem>>, %arg9: memref<1x128xf32, #tpu.memory_space<vmem>>) attributes {dimension_semantics = [#tpu.dimension_semantics<arbitrary>], iteration_bounds = array<i64: 80>, scalar_prefetch = 0 : i64, scratch_operands = 0 : i64, tpu.core_type = #tpu.core_type<tc>, window_params = [{transform_indices = @transform_0, window_bounds = array<i64: 4000, 16>}, {pipeline_mode = #tpu.pipeline_mode<synchronous>, transform_indices = @transform_1, window_bounds = array<i64: 16, 256>}, {pipeline_mode = #tpu.pipeline_mode<synchronous>, transform_indices = @transform_2, window_bounds = array<i64: 1, 256>}, {pipeline_mode = #tpu.pipeline_mode<synchronous>, transform_indices = @transform_3, window_bounds = array<i64: 256, 128>}, {pipeline_mode = #tpu.pipeline_mode<synchronous>, transform_indices = @transform_4, window_bounds = array<i64: 1, 128>}, {transform_indices = @transform_5, window_bounds = array<i64: 2, 4000, 128>}, {transform_indices = @transform_6, window_bounds = array<i64: 4000, 128>}, {pipeline_mode = #tpu.pipeline_mode<synchronous>, transform_indices = @transform_7, window_bounds = array<i64: 1, 256>}, {pipeline_mode = #tpu.pipeline_mode<synchronous>, transform_indices = @transform_8, window_bounds = array<i64: 1, 128>}]} {
    %get3A = arith.constant 0 : index
    %get3A_0 = arith.constant 0 : index
    %get3A_1 = vector.load %arg1[%get3A, %get3A_0] : memref<4000x16xf32, #tpu.memory_space<vmem>>, vector<4000x16xf32>
    %get3A_2 = arith.constant 0 : index
    %get3A_3 = arith.constant 0 : index
    %get3A_4 = vector.load %arg2[%get3A_2, %get3A_3] : memref<16x256xf32, #tpu.memory_space<vmem>>, vector<16x256xf32>
    %dot_general3A = arith.constant dense<0.000000e+00> : vector<4000x256xf32>
    %dot_general3A_5 = tpu.matmul %get3A_1, %get3A_4, %dot_general3A {dimension_numbers = #tpu.dot_dimension_numbers<[1], [0], [0], [1], [0, 0, 1, 1], [], []>, transpose_lhs_hint = false} : vector<4000x16xf32>, vector<16x256xf32>, vector<4000x256xf32> -> vector<4000x256xf32>
    %get3A_6 = arith.constant 0 : index
    %get3A_7 = arith.constant 0 : index
    %get3A_8 = vector.load %arg3[%get3A_6, %get3A_7] : memref<1x256xf32, #tpu.memory_space<vmem>>, vector<1x256xf32>
    %add3A = vector.broadcast %get3A_8 : vector<1x256xf32> to vector<4000x256xf32>
    %add3A_9 = arith.addf %dot_general3A_5, %add3A : vector<4000x256xf32>
    %max3A = arith.constant 0.000000e+00 : f32
    %max3A_10 = vector.broadcast %max3A : f32 to vector<4000x256xf32>
    %max3A_11 = arith.maximumf %add3A_9, %max3A_10 : vector<4000x256xf32>
    %slice3A = vector.extract_strided_slice %max3A_11 {offsets = [0, 0], sizes = [4000, 128], strides = [1, 1]} : vector<4000x256xf32> to vector<4000x128xf32>
    %swap3A = arith.constant 0 : index
    %swap3A_12 = arith.constant 0 : index
    %swap3A_13 = arith.constant 0 : index
    %swap3A_14 = vector.load %arg6[%swap3A, %swap3A_12, %swap3A_13] : memref<2x4000x128xf32, #tpu.memory_space<vmem>>, vector<1x4000x128xf32>
    %swap3A_15 = vector.shape_cast %swap3A_14 : vector<1x4000x128xf32> to vector<4000x128xf32>
    %swap3A_16 = vector.shape_cast %slice3A : vector<4000x128xf32> to vector<1x4000x128xf32>
    tpu.vector_store %arg6[%swap3A, %swap3A_12, %swap3A_13], %swap3A_16 {strides = array<i32>} : memref<2x4000x128xf32, #tpu.memory_space<vmem>>, vector<1x4000x128xf32>,
    %slice3A_17 = vector.extract_strided_slice %max3A_11 {offsets = [0, 128], sizes = [4000, 128], strides = [1, 1]} : vector<4000x256xf32> to vector<4000x128xf32>
    %swap3A_18 = arith.constant 1 : index
    %swap3A_19 = arith.constant 0 : index
    %swap3A_20 = arith.constant 0 : index
    %swap3A_21 = vector.load %arg6[%swap3A_18, %swap3A_19, %swap3A_20] : memref<2x4000x128xf32, #tpu.memory_space<vmem>>, vector<1x4000x128xf32>
    %swap3A_22 = vector.shape_cast %swap3A_21 : vector<1x4000x128xf32> to vector<4000x128xf32>
    %swap3A_23 = vector.shape_cast %slice3A_17 : vector<4000x128xf32> to vector<1x4000x128xf32>
    tpu.vector_store %arg6[%swap3A_18, %swap3A_19, %swap3A_20], %swap3A_23 {strides = array<i32>} : memref<2x4000x128xf32, #tpu.memory_space<vmem>>, vector<1x4000x128xf32>,
    %convert_element_type3A = arith.truncf %max3A_11 : vector<4000x256xf32> to vector<4000x256xbf16>
    %get3A_24 = arith.constant 0 : index
    %get3A_25 = arith.constant 0 : index
    %get3A_26 = vector.load %arg4[%get3A_24, %get3A_25] : memref<256x128xf32, #tpu.memory_space<vmem>>, vector<256x128xf32>
    %convert_element_type3A_27 = arith.truncf %get3A_26 : vector<256x128xf32> to vector<256x128xbf16>
    %dot_general3A_28 = arith.constant dense<0.000000e+00> : vector<4000x128xf32>
    %dot_general3A_29 = tpu.matmul %convert_element_type3A, %convert_element_type3A_27, %dot_general3A_28 {dimension_numbers = #tpu.dot_dimension_numbers<[1], [0], [0], [1], [0, 0, 1, 1], [], []>, transpose_lhs_hint = false} : vector<4000x256xbf16>, vector<256x128xbf16>, vector<4000x128xf32> -> vector<4000x128xf32>
    %get3A_30 = arith.constant 0 : index
    %get3A_31 = arith.constant 0 : index
    %get3A_32 = vector.load %arg5[%get3A_30, %get3A_31] : memref<1x128xf32, #tpu.memory_space<vmem>>, vector<1x128xf32>
    %add3A_33 = vector.broadcast %get3A_32 : vector<1x128xf32> to vector<4000x128xf32>
    %add3A_34 = arith.addf %dot_general3A_29, %add3A_33 : vector<4000x128xf32>
    %max3A_35 = arith.constant 0.000000e+00 : f32
    %max3A_36 = vector.broadcast %max3A_35 : f32 to vector<4000x128xf32>
    %max3A_37 = arith.maximumf %add3A_34, %max3A_36 : vector<4000x128xf32>
    %swap3A_38 = arith.constant 0 : index
    %swap3A_39 = arith.constant 0 : index
    %swap3A_40 = vector.load %arg7[%swap3A_38, %swap3A_39] : memref<4000x128xf32, #tpu.memory_space<vmem>>, vector<4000x128xf32>
    tpu.vector_store %arg7[%swap3A_38, %swap3A_39], %max3A_37 {strides = array<i32>} : memref<4000x128xf32, #tpu.memory_space<vmem>>, vector<4000x128xf32>,
    %eq3A = arith.constant 0 : i32
    %eq3A_41 = arith.cmpi eq, %arg0, %eq3A : i32
    %convert_element_type3A_42 = arith.extui %eq3A_41 : i1 to i32
    %cond3A = arith.constant 0 : i32
    %cond3A_43 = arith.cmpi ne, %convert_element_type3A_42, %cond3A : i32
    scf.if %cond3A_43 {
      %broadcast_in_dim3A_62 = arith.constant 0.000000e+00 : f32
      %broadcast_in_dim3A_63 = vector.broadcast %broadcast_in_dim3A_62 : f32 to vector<1x256xf32>
      %swap3A_64 = arith.constant 0 : index
      %swap3A_65 = arith.constant 0 : index
      %swap3A_66 = vector.load %arg8[%swap3A_64, %swap3A_65] : memref<1x256xf32, #tpu.memory_space<vmem>>, vector<1x256xf32>
      tpu.vector_store %arg8[%swap3A_64, %swap3A_65], %broadcast_in_dim3A_63 {strides = array<i32>} : memref<1x256xf32, #tpu.memory_space<vmem>>, vector<1x256xf32>,
      %broadcast_in_dim3A_67 = arith.constant 0.000000e+00 : f32
      %broadcast_in_dim3A_68 = vector.broadcast %broadcast_in_dim3A_67 : f32 to vector<1x128xf32>
      %swap3A_69 = arith.constant 0 : index
      %swap3A_70 = arith.constant 0 : index
      %swap3A_71 = vector.load %arg9[%swap3A_69, %swap3A_70] : memref<1x128xf32, #tpu.memory_space<vmem>>, vector<1x128xf32>
      tpu.vector_store %arg9[%swap3A_69, %swap3A_70], %broadcast_in_dim3A_68 {strides = array<i32>} : memref<1x128xf32, #tpu.memory_space<vmem>>, vector<1x128xf32>,
    } else {
    }
    %get3A_44 = arith.constant 0 : index
    %get3A_45 = arith.constant 0 : index
    %get3A_46 = vector.load %arg8[%get3A_44, %get3A_45] : memref<1x256xf32, #tpu.memory_space<vmem>>, vector<1x256xf32>
    %reduce_sum3A = arith.constant dense<0.000000e+00> : vector<256xf32>
    %reduce_sum3A_47 = vector.multi_reduction <add>, %max3A_11, %reduce_sum3A [0] : vector<4000x256xf32> to vector<256xf32>
    %broadcast_in_dim3A = vector.shape_cast %reduce_sum3A_47 : vector<256xf32> to vector<1x256xf32>
    %add3A_48 = arith.addf %get3A_46, %broadcast_in_dim3A : vector<1x256xf32>
    %swap3A_49 = arith.constant 0 : index
    %swap3A_50 = arith.constant 0 : index
    %swap3A_51 = vector.load %arg8[%swap3A_49, %swap3A_50] : memref<1x256xf32, #tpu.memory_space<vmem>>, vector<1x256xf32>
    tpu.vector_store %arg8[%swap3A_49, %swap3A_50], %add3A_48 {strides = array<i32>} : memref<1x256xf32, #tpu.memory_space<vmem>>, vector<1x256xf32>,
    %get3A_52 = arith.constant 0 : index
    %get3A_53 = arith.constant 0 : index
    %get3A_54 = vector.load %arg9[%get3A_52, %get3A_53] : memref<1x128xf32, #tpu.memory_space<vmem>>, vector<1x128xf32>
    %reduce_sum3A_55 = arith.constant dense<0.000000e+00> : vector<128xf32>
    %reduce_sum3A_56 = vector.multi_reduction <add>, %max3A_37, %reduce_sum3A_55 [0] : vector<4000x128xf32> to vector<128xf32>
    %broadcast_in_dim3A_57 = vector.shape_cast %reduce_sum3A_56 : vector<128xf32> to vector<1x128xf32>
    %add3A_58 = arith.addf %get3A_54, %broadcast_in_dim3A_57 : vector<1x128xf32>
    %swap3A_59 = arith.constant 0 : index
    %swap3A_60 = arith.constant 0 : index
    %swap3A_61 = vector.load %arg9[%swap3A_59, %swap3A_60] : memref<1x128xf32, #tpu.memory_space<vmem>>, vector<1x128xf32>
    tpu.vector_store %arg9[%swap3A_59, %swap3A_60], %add3A_58 {strides = array<i32>} : memref<1x128xf32, #tpu.memory_space<vmem>>, vector<1x128xf32>,
    return
  }
  func.func @transform_0(%arg0: i32) -> (i32, i32) {
    %c0_i32 = arith.constant 0 : i32
    %c0_i32_0 = arith.constant 0 : i32
    return %arg0, %c0_i32 : i32, i32
  }
  func.func @transform_1(%arg0: i32) -> (i32, i32) {
    %c0_i32 = arith.constant 0 : i32
    %c0_i32_0 = arith.constant 0 : i32
    %c0_i32_1 = arith.constant 0 : i32
    return %c0_i32, %c0_i32_0 : i32, i32
  }
  func.func @transform_2(%arg0: i32) -> (i32, i32) {
    %c0_i32 = arith.constant 0 : i32
    %c0_i32_0 = arith.constant 0 : i32
    %c0_i32_1 = arith.constant 0 : i32
    return %c0_i32, %c0_i32_0 : i32, i32
  }
  func.func @transform_3(%arg0: i32) -> (i32, i32) {
    %c0_i32 = arith.constant 0 : i32
    %c0_i32_0 = arith.constant 0 : i32
    %c0_i32_1 = arith.constant 0 : i32
    return %c0_i32, %c0_i32_0 : i32, i32
  }
  func.func @transform_4(%arg0: i32) -> (i32, i32) {
    %c0_i32 = arith.constant 0 : i32
    %c0_i32_0 = arith.constant 0 : i32
    %c0_i32_1 = arith.constant 0 : i32
    return %c0_i32, %c0_i32_0 : i32, i32
  }
  func.func @transform_5(%arg0: i32) -> (i32, i32, i32) {
    %c0_i32 = arith.constant 0 : i32
    %c0_i32_0 = arith.constant 0 : i32
    %c0_i32_1 = arith.constant 0 : i32
    return %c0_i32, %arg0, %c0_i32_0 : i32, i32, i32
  }
  func.func @transform_6(%arg0: i32) -> (i32, i32) {
    %c0_i32 = arith.constant 0 : i32
    %c0_i32_0 = arith.constant 0 : i32
    return %arg0, %c0_i32 : i32, i32
  }
  func.func @transform_7(%arg0: i32) -> (i32, i32) {
    %c0_i32 = arith.constant 0 : i32
    %c0_i32_0 = arith.constant 0 : i32
    %c0_i32_1 = arith.constant 0 : i32
    return %c0_i32, %c0_i32_0 : i32, i32
  }
  func.func @transform_8(%arg0: i32) -> (i32, i32) {
    %c0_i32 = arith.constant 0 : i32
    %c0_i32_0 = arith.constant 0 : i32
    %c0_i32_1 = arith.constant 0 : i32
    return %c0_i32, %c0_i32_0 : i32, i32
  }
}

</mosaic_0001>

<sc_bundles>
// kernel: idx_counts.3.cloned.1.call-start
scs
__scs_entry_jumppad:
0x0: {  	(pc) =	sbr.rel $0x88, $3  }
0x1: {  	(tag) =	ssettag $0x0;
	lr =	simm.s32 $0x1  }
0x2: {  	[smem:$0x3F88] =	sst lr;
	_ =	strace $0xD0000000  }
0x3: {  	_ = 	snop  }
0x4: {  	_ = 	snop  }
0x5: {  	_ = 	snop  }
0x6: {  	_ = 	snop  }
0x7: {  	_ = 	snop  }
__scs_overlays_trampoline_lowered:
0x8: {  	[smem:$0x3F97] =	sst s0  }
0x9: {  	[smem:$0x3F98] =	sst s1  }
0xa: {  	[smem:$0x3F99] =	sst s2  }
0xb: {  	[smem:$0x3F9A] =	sst s3  }
0xc: {  	[smem:$0x3F9B] =	sst s4  }
0xd: {  	[smem:$0x3F9C] =	sst s5  }
0xe: {  	[smem:$0x3F9D] =	sst s6  }
0xf: {  	[smem:$0x3F9E] =	sst s7  }
0x10: {  	[smem:$0x3F9F] =	sst s8  }
0x11: {  	[smem:$0x3FA0] =	sst s9;
	s0 =	simm.s32 @!p0 $0x0  }
0x12: {  	s1 =	sld [smem:$0x3F86];
	s0 =	simm.s32 @p0 $0x1  }
0x13: {  	[smem:$0x3FA1] =	sst s0;
	s0 =	simm.s32 @!p1 $0x0  }
0x14: {  	s2 =	sld [smem:$0x3F85];
	s0 =	simm.s32 @p1 $0x1  }
0x15: {  	[smem:$0x3FA2] =	sst s0;
	s0 =	simm.s32 @!p2 $0x0  }
0x16: {  	s3 =	sld [smem:$0x3FDB];
	s0 =	simm.s32 @p2 $0x1  }
0x17: {  	s4 =	simm.s32 $0x1BF5;
	[smem:$0x3FA4] =	sst s0  }
0x18: {  	s0 =	sld [smem:$0x3F87];
	_ =	swait.ge [sflag:s4], $0x0  }
0x19: {  	s7 =	sld [smem:$0x3F88]  }
0x1a: {  	s8 =	sadd.s32 $0xFFFFE003, lr  }
0x1b: {  	s9 =	sadd.s32 $0xFFFFFEF7, lr;
	s5 =	simm.s32 $0xFFFFFFFF;
	p2 =	slt.u32 s8, $0xFFFFF086  }
0x1c: {  	p1 =	slt.u32 s9, $0xF7A;
	s5 =	simm.s32 @!p2 $0x0  }
0x1d: {  	s5 =	simm.s32 @p1 $0x1;
	p0 =	seq.s32 s7, s2  }
0x1e: {  	s7 =	smul.u32 @!p0 $0xF7A, s2;
	p2 =	seq.s32 @!p0 s5, $0x0  }
0x1f: {  	s9 =	smul.u32 $0xF7A, s1;
	s8 =	simm.s32 @!p0 $0x1BF5;
	p2 =	por !p2, p0  }
0x20: {  	[sflag:s8] =	ssyncset.s32 @!p0 $0xFFFFF086;
	s6 =	sadd.s32 @!p0 s3, s7;
	s7 =	simm.s32 @!p0 $0x108  }
0x21: {  	s3 =	sadd.s32 s3, s9;
	s6 =	sadd.s32 @!p0 $0x88, s6;
	s7 =	simm.s32 @p2 $0x1082  }
0x22: {  	[simem:s7], [sflag:s8] =	dma.local @!p0 [hbm:s6], $0xF7A  }
0x23: {  	s9 =	sor.u32 $0xD0000000, s2;
	s6 =	simm.s32 $0x108;
	_ =	swait.ge @!p0 [sflag:s8], $0x0  }
0x24: {  	s3 =	sadd.s32 $0x88, s3;
	s6 =	simm.s32 @!p1 $0x1082;
	[sflag:s4] =	ssyncset.s32 $0xFFFFF086  }
0x25: {  	[simem:s6], [sflag:s4] =	dma.local [hbm:s3], $0xF7A  }
0x26: {  	[smem:$0x3F88] =	sst s1;
	(tag) =	ssettag s2;
	_ =	strace s9  }
0x27: {  	s1 =	sld [smem:$0x3F98]  }
0x28: {  	s2 =	sld [smem:$0x3F99]  }
0x29: {  	s4 =	sld [smem:$0x3F9B]  }
0x2a: {  	p0 =	seq.s32 s5, $0x0;
	s5 =	sld [smem:$0x3F9C]  }
0x2b: {  	s6 =	sld [smem:$0x3F9D]  }
0x2c: {  	s7 =	sld [smem:$0x3F9E]  }
0x2d: {  	s3 =	simm.s32 $0x108;
	s8 =	sld [smem:$0x3F9F]  }
0x2e: {  	s3 =	simm.s32 @!p0 $0x1082;
	s9 =	sld [smem:$0x3FA0]  }
0x2f: {  	lr =	sadd.s32 s0, s3;
	s0 =	sld [smem:$0x3F97]  }
0x30: {  	s3 =	sld [smem:$0x3F9A]  }
0x31: {  	[smem:$0x3FA3] =	sst s10  }
0x32: {  	s10 =	sld [smem:$0x3FA1];
	_ =	sdelay $0x3  }
0x33: {  	p0 =	seq.s32 s10, $0x1;
	s10 =	sld [smem:$0x3FA3];
	_ =	sdelay $0x3  }
0x34: {  	[smem:$0x3FA3] =	sst s10  }
0x35: {  	s10 =	sld [smem:$0x3FA2];
	_ =	sdelay $0x3  }
0x36: {  	p1 =	seq.s32 s10, $0x1;
	s10 =	sld [smem:$0x3FA3];
	_ =	sdelay $0x3  }
0x37: {  	[smem:$0x3FA3] =	sst s10  }
0x38: {  	s10 =	sld [smem:$0x3FA4]  }
0x39: {  	_ = 	snop;
	(pc) =	sbr.ind lr, $3  }
0x3a: {  	_ = 	snop  }
0x3b: {  	_ = 	snop  }
0x3c: {  	p2 =	seq.s32 s10, $0x1;
	s10 =	sld [smem:$0x3FA3]  }
0x3d: {  	_ =	shalt  }
0x3e: {  	_ =	shalt  }
0x3f: {  	_ =	shalt  }
0x40: {  	_ =	shalt  }
0x41: {  	_ =	shalt  }
0x42: {  	_ =	shalt  }
0x43: {  	_ =	shalt  }
0x44: {  	_ =	shalt  }
0x45: {  	_ =	shalt  }
0x46: {  	_ =	shalt  }
0x47: {  	_ =	shalt  }
0x48: {  	_ =	shalt  }
0x49: {  	_ =	shalt  }
0x4a: {  	_ =	shalt  }
0x4b: {  	_ =	shalt  }
0x4c: {  	_ =	shalt  }
0x4d: {  	_ =	shalt  }
0x4e: {  	_ =	shalt  }
0x4f: {  	_ =	shalt  }
0x50: {  	_ =	shalt  }
0x51: {  	_ =	shalt  }
0x52: {  	_ =	shalt  }
0x53: {  	_ =	shalt  }
0x54: {  	_ =	shalt  }
0x55: {  	_ =	shalt  }
0x56: {  	_ =	shalt  }
0x57: {  	_ =	shalt  }
0x58: {  	_ =	shalt  }
0x59: {  	_ =	shalt  }
0x5a: {  	_ =	shalt  }
0x5b: {  	_ =	shalt  }
0x5c: {  	_ =	shalt  }
0x5d: {  	_ =	shalt  }
0x5e: {  	_ =	shalt  }
0x5f: {  	_ =	shalt  }
0x60: {  	_ =	shalt  }
0x61: {  	_ =	shalt  }
0x62: {  	_ =	shalt  }
0x63: {  	_ =	shalt  }
0x64: {  	_ =	shalt  }
0x65: {  	_ =	shalt  }
0x66: {  	_ =	shalt  }
0x67: {  	_ =	shalt  }
0x68: {  	_ =	shalt  }
0x69: {  	_ =	shalt  }
0x6a: {  	_ =	shalt  }
0x6b: {  	_ =	shalt  }
0x6c: {  	_ =	shalt  }
0x6d: {  	_ =	shalt  }
0x6e: {  	_ =	shalt  }
0x6f: {  	_ =	shalt  }
0x70: {  	_ =	shalt  }
0x71: {  	_ =	shalt  }
0x72: {  	_ =	shalt  }
0x73: {  	_ =	shalt  }
0x74: {  	_ =	shalt  }
0x75: {  	_ =	shalt  }
0x76: {  	_ =	shalt  }
0x77: {  	_ =	shalt  }
0x78: {  	_ =	shalt  }
0x79: {  	_ =	shalt  }
0x7a: {  	_ =	shalt  }
0x7b: {  	_ =	shalt  }
0x7c: {  	_ =	shalt  }
0x7d: {  	_ =	shalt  }
0x7e: {  	_ =	shalt  }
0x7f: {  	_ =	shalt  }
0x80: {  	_ =	shalt  }
0x81: {  	_ =	shalt  }
0x82: {  	_ =	shalt  }
0x83: {  	_ =	shalt  }
0x84: {  	_ =	shalt  }
0x85: {  	_ =	shalt  }
0x86: {  	_ =	shalt  }
0x87: {  	_ =	shalt  }
.Lfunc_end0:
.L_simem_size_0:
called_computation_lowered:
.L_overlay_start_0:
0x88: {  	s2 =	sld [smem:$0x3FD9]  }
0x89: {  	s3 =	sld [smem:$0x3FFE];
	_ =	sdelay $0x1  }
0x8a: {  	s1 =	srdreg.scid  }
0x8b: {  	s0 =	sand.u32 $0x1, s1  }
0x8c: {  	s17 =	sshll.u32 s0, $0xA;
	s2 =	sadd.s32 s3, s2  }
0x8d: {  	s2 =	sadd.s32 s2, s17  }
0x8e: {  	[smem:$0x3FAF] =	sst s2  }
0x8f: {  	_ = 	snop  }
0x90: {  	s18 =	sld [smem:$0x3FC6]  }
0x91: {  	s4 =	sld [smem:$0x3FC5];
	(tm) =	ssettm $0x1  }
0x92: {  	s19 =	sld [smem:$0x3FFB];
	_ =	sdelay $0x3  }
0x93: {  	_ =	strace s19  }
0x94: {  	s2 =	sld [smem:$0x3FFC];
	_ =	sdelay $0x3  }
0x95: {  	_ =	strace s2  }
0x96: {  	s2 =	sld [smem:$0x3FFD];
	_ =	sdelay $0x3  }
0x97: {  	_ =	strace s2  }
0x98: {  	_ =	strace $0x8FFFFFFF  }
0x99: {  	s20 =	sld [smem:$0x3FDB];
	_ =	sdelay $0x1  }
0x9a: {  	s5 =	simm.s32 $_scs_section_size  }
0x9b: {  	s6 =	simm.s32 $_size__tile_overlayer_lowered;
	s7 =	simm.s32 $_tile_overlayer_lowered  }
0x9c: {  	s8 =	simm.s32 $0x1BFF;
	s21 =	sshll.u32 s7, $0x1;
	s5 =	sadd.s32 s5, s20  }
0x9d: {  	s22 =	simm.s32 $0x0;
	s6 =	sshll.u32 s6, $0x1;
	s7 =	sadd.s32 s21, s5  }
0x9e: {  	[timem:s22], [sflag:s8] =	dma.local [hbm:s7], s6  }
0x9f: {  	_ =	swait.ge [sflag:s8], s6  }
0xa0: {  	s6 =	ssub.s32 $0x0, s6;
	[sflag:s8] =	ssyncset.done $0x0  }
0xa1: {  	[sflag:s8] =	ssyncadd.s32 s6;
	_ =	sdelay $0x1  }
0xa2: {  	s23 =	simm.s32 $0x1B8B  }
0xa3: {  	_ =	swait.ge [sflag:s23], $0x1  }
0xa4: {  	[sflag:s23] =	ssyncset.done $0x0  }
0xa5: {  	[sflag:s23] =	ssyncadd.s32 $0xFFFFFFFF  }
0xa6: {  	s6 =	sld [smem:$0x0]  }
0xa7: {  	s7 =	sand.u32 $0xFFFFFFFE, s1  }
0xa8: {  	p0 =	sne.s32 s1, s7  }
0xa9: {  	s7 =	sshll.u32 @p0 s7, $0xE  }
0xaa: {  	s7 =	sadd.s32 @p0 $0x11B8D, s7;
	s8 =	sshll.u32 @p0 s6, $0x11  }
0xab: {  	s7 =	sor.u32 @p0 s8, s7  }
0xac: {  	[sflag:s7] =	ssyncadd.remote.s32 @p0 $0x1;
	_ =	sdelay $0x1  }
0xad: {  	s7 =	simm.s32 @p0 $0x1B8D  }
0xae: {  	_ =	swait.eq @p0 [sflag:s7], $0x1  }
0xaf: {  	[sflag:s7] =	ssyncadd.s32 @p0 $0xFFFFFFFF  }
0xb0: {  	s8 =	sshll.u32 @!p0 s1, $0xE  }
0xb1: {  	s8 =	sor.u32 @!p0 $0x4000, s8;
	s7 =	simm.s32 @!p0 $0x1B8D  }
0xb2: {  	s6 =	sshll.u32 @!p0 s6, $0x11;
	s8 =	sadd.s32 @!p0 $0x11B8D, s8;
	_ =	swait.eq @!p0 [sflag:s7], $0x1  }
0xb3: {  	s6 =	sor.u32 @!p0 s6, s8;
	[sflag:s7] =	ssyncadd.s32 @!p0 $0xFFFFFFFF  }
0xb4: {  	s25 =	simm.s32 $0x1B8E;
	s24 =	sld [smem:$0x3FFE];
	[sflag:s6] =	ssyncadd.remote.s32 @!p0 $0x1  }
0xb5: {  	s26 =	simm.s32 $execute0_lowered;
	[smem:$0x3FD2] =	sst s25  }
0xb6: {  	s7 =	sshll.u32 s26, $0x1;
	_ =	strace $0x8000004F;
	[dreg:$0x1] =	wrdreg $0xFFFFFFFF  }
0xb7: {  	s28 =	simm.s32 $_size_execute0_lowered;
	s5 =	sadd.s32 s5, s7;
	[dreg:$0x0] =	wrdreg $0x0  }
0xb8: {  	s7 =	sshll.u32 s28, $0x1;
	[dreg:$0x2] =	wrdreg s5  }
0xb9: {  	[dreg:$0x3] =	wrdreg s7  }
0xba: {  	[dreg:$0x4] =	wrdreg $0xC0  }
0xbb: {  	_ =	task [dreg:s22], $0x5FFFF  }
0xbc: {  	[dreg:$0x1] =	wrdreg $0xFFFFFFFF  }
0xbd: {  	[dreg:$0x0] =	wrdreg $0x60  }
0xbe: {  	[dreg:$0x2] =	wrdreg s4  }
0xbf: {  	[dreg:$0x3] =	wrdreg s18  }
0xc0: {  	[dreg:$0x4] =	wrdreg s24  }
0xc1: {  	[dreg:$0x5] =	wrdreg $0x81000  }
0xc2: {  	[dreg:$0x6] =	wrdreg $0x9  }
0xc3: {  	_ =	task.clear_ibuf [dreg:s22], $0x7FFFF;
	_ =	strace $0x9000004F  }
0xc4: {  	s29 =	simm.s32 $0x9;
	_ =	strace $0x80000051  }
0xc5: {  	_ =	swait.ge [sflag:s29], $0x1  }
0xc6: {  	[sflag:s29] =	ssyncadd.s32 $0xFFFFFFFF  }
0xc7: {  	_ =	strace $0x90000051  }
0xc8: {  	_ =	sfence  }
0xc9: {  	s30 =	sld [smem:$0x0];
	_ =	sdelay $0x2  }
0xca: {  	s31 =	sshll.u32 s1, $0xD;
	s1 =	sshrl.u32 s1, $0x2  }
0xcb: {  	s4 =	sand.u32 $0x4000, s31;
	s1 =	sadd.s32 s1, s30  }
0xcc: {  	s0 =	sor.u32 s4, s0;
	s1 =	sshll.u32 s1, $0x11  }
0xcd: {  	s0 =	sor.u32 s1, s0  }
0xce: {  	s0 =	sadd.s32 $0x8F2B, s0  }
0xcf: {  	[sflag:s0] =	ssyncadd.remote.s32 $0x1  }
0xd0: {  	_ =	sfence.sel $0xFFFF  }
0xd1: {  	[dreg:$0x0] =	wrdreg $0xFFFFFFFF;
	(pc) =	sbr.abs _section_cstart, $3  }
0xd2: {  	[dreg:$0x1] =	wrdreg $0xFFFFFFFF  }
0xd3: {  	_ =	task.clear_ibuf [dreg:s22], $0x2FFFF;
	_ =	strace $0x9FFFFFFF  }
0xd4: {  	(tm) =	ssettm $0x7FFFFFFF  }
0xd5: {  	_ =	shalt  }
tec
execute0_lowered:
.L_overlay_start_1:
0x0: {  	(tag) =	ssettag $0x1  }
0x1: {  	s0 =	rddreg [dreg:$0x0]  }
0x2: {  	s19 =	rddreg [dreg:$0x1]  }
0x3: {  	s3 =	rddreg [dreg:$0x2]  }
0x4: {  	s1 =	rddreg [dreg:$0x3]  }
0x5: {  	s4 =	srdreg.scid;
	s25 =	stileid.u32;
	s2 =	simm.s32 $0x0  }
0x6: {  	s21 =	simm.s32 $0x4100;
	s22 =	simm.s32 $0x3;
	s24 =	simm.s32 $0x4080  }
0x7: {  	s8 =	sand.u32 $0x1, s4;
	s29 =	smul.u32 $0x4E200, s25;
	[smem:$0x7FF] =	sst s2  }
0x8: {  	s9 =	smul.u32 $0x9C, s25;
	s10 =	smin.u32 s25, $0x4;
	p1 =	slt.u32 s25, $0x4  }
0x9: {  	s5 =	smul.u32 $0x27100, s8;
	_ =	strace $0x80000050;
	s6 =	ssub.s32 $0x2, s8  }
0xa: {  	p0 =	seq.s32 s8, $0x1;
	s4 =	sshrl.u32 s29, $0x2;
	s30 =	sshrl.u32 s6, $0x1  }
0xb: {  	s8 =	sadd.s32 s10, s9;
	s9 =	simm.s32 $0x9D;
	s15 =	sadd.s32 s5, s3  }
0xc: {  	s3 =	sadd.s32 s4, s1;
	s16 =	ssub.s32 s6, s30;
	s17 =	sshll.u32 s8, $0x4  }
0xd: {  	s9 =	simm.s32 @!p1 $0x9C;
	p1 =	sne.s32 s25, $0x0;
	s4 =	sadd.s32 $0x3E80, s3  }
0xe: {  	s5 =	sadd.s32 $0x7D00, s3;
	s6 =	sadd.s32 $0xBB80, s3;
	s7 =	sadd.s32 $0xFA00, s3  }
.Ltmp0:
0xf: {  	s10 =	sadd.s32 s0, s17;
	s11 =	sadd.s32 s19, s17;
	(pc) =	sbr.rel .LBB2_1-.Ltmp0, $4  }
0x10: {  	s12 =	sadd.s32 s9, s8;
	s15 =	sadd.s32 $0xEF000, s15;
	s16 =	smax.u32 s16, $0x1  }
0x11: {  	s20 =	sadd.s32 $0x30, s17;
	s13 =	sadd.s32 $0x10, s10;
	s31 =	sadd.s32 $0x10, s11  }
0x12: {  	s17 =	sadd.s32 s20, s0;
	s18 =	sadd.s32 $0x20, s10;
	[dreg:$0x5] =	wrdreg s13  }
0x13: {  	v0 =	vimm.f32 $0.0e+00;
	v1 =	vimm.f32 $1.000000000e+00;
	s19 =	sadd.s32 s20, s19;
	s20 =	sadd.s32 $0x20, s11;
	[dreg:$0x6] =	wrdreg s31  }
.LBB2_8:
0x14: {  	[sflag:s30] =	ssyncadd.s32 @!p2 $0xFFFFC000  }
0x15: {  	[tilespmem:s0], [sflag:$0x2] =	stream.linear.gather @!p5 [hbm4b:s29+s31], $0x80, $0x38;
	[tilespmem:$0x1B980] =	vst v63  }
.LBB2_12:
0x16: {  	[bflag:$0x0] =	sbarrier.arrive $0xFFFF  }
0x17: {  	s0 =	sshrl.u32 @!p1 s1, $0x3;
	s13 =	simm.s32 @!p1 $0x1C03;
	s2 =	sadd.s32 $0x1, s2  }
0x18: {  	[hbm:s15], [sflag:s13] =	dma.local @!p1 [spmem:s0], $0x27100  }
0x19: {  	p2 =	sne.s32 s2, s16  }
.Ltmp1:
0x1a: {  	_ = 	snop;
	(pc) =	sbr.rel @!p2 .LBB2_13-.Ltmp1, $4  }
0x1b: {  	s0 =	simm.s32 @!p1 $0x3  }
0x1c: {  	_ =	swait.ge @!p1 [sflag:s0], $0x27100  }
0x1d: {  	[sflag:s0] =	ssyncset.done @!p1 $0x0  }
0x1e: {  	[sflag:s0] =	ssyncadd.s32 @!p1 $0xFFFD8F00  }
.LBB2_1:
0x1f: {  	s25 =	simm.s32 $0x0;
	s26 =	simm.s32 $0x200  }
.LBB2_2:
0x20: {  	p2 =	sne.s32 s26, $0xF800;
	[tilespmem:s25+$0x4170] =	vst v0  }
0x21: {  	[tilespmem:s25+$0x4100] =	vst v0  }
0x22: {  	[tilespmem:s25+$0x4110] =	vst v0  }
.Ltmp2:
0x23: {  	[tilespmem:s25+$0x4120] =	vst v0;
	(pc) =	sbr.rel @p2 .LBB2_2-.Ltmp2, $4  }
0x24: {  	[tilespmem:s25+$0x4130] =	vst v0  }
0x25: {  	[tilespmem:s25+$0x4140] =	vst v0  }
0x26: {  	[tilespmem:s25+$0x4150] =	vst v0  }
0x27: {  	[tilespmem:s25+$0x4160] =	vst v0;
	s25 =	sshra.s32 s26, $0x2;
	s26 =	sadd.s32 $0x200, s26  }
0x28: {  	[tilespmem:s25+$0x4170] =	vst v0  }
0x29: {  	[tilespmem:s25+$0x4100] =	vst v0  }
0x2a: {  	[tilespmem:s25+$0x4110] =	vst v0  }
0x2b: {  	[tilespmem:s25+$0x4120] =	vst v0  }
0x2c: {  	[tilespmem:s25+$0x4130] =	vst v0  }
0x2d: {  	[tilespmem:s25+$0x4140] =	vst v0  }
0x2e: {  	[tilespmem:s25+$0x4150] =	vst v0  }
0x2f: {  	[tilespmem:s25+$0x4160] =	vst v0;
	s25 =	simm.s32 $0x0;
	s26 =	simm.s32 $0x200  }
.LBB2_4:
0x30: {  	p2 =	sne.s32 s26, $0xFE00;
	[tilespmem:s25+$0x70] =	vst v1  }
0x31: {  	[tilespmem:s25+$0x0] =	vst v1  }
0x32: {  	[tilespmem:s25+$0x10] =	vst v1  }
.Ltmp3:
0x33: {  	[tilespmem:s25+$0x20] =	vst v1;
	(pc) =	sbr.rel @p2 .LBB2_4-.Ltmp3, $4  }
0x34: {  	[tilespmem:s25+$0x30] =	vst v1  }
0x35: {  	[tilespmem:s25+$0x40] =	vst v1  }
0x36: {  	[tilespmem:s25+$0x50] =	vst v1  }
0x37: {  	[tilespmem:s25+$0x60] =	vst v1;
	s25 =	sshra.s32 s26, $0x2;
	s26 =	sadd.s32 $0x200, s26  }
0x38: {  	[tilespmem:s25+$0x70] =	vst v1  }
0x39: {  	[tilespmem:s25+$0x0] =	vst v1  }
0x3a: {  	[tilespmem:s25+$0x10] =	vst v1  }
0x3b: {  	[tilespmem:s25+$0x20] =	vst v1  }
0x3c: {  	[tilespmem:s25+$0x30] =	vst v1  }
0x3d: {  	[tilespmem:s25+$0x40] =	vst v1  }
0x3e: {  	[tilespmem:s25+$0x50] =	vst v1  }
0x3f: {  	[tilespmem:s25+$0x60] =	vst v1  }
0x40: {  	[spmem:s3] =	stream.linear.scatter [tilespmem:s21], [sflag:$0x3], $0x3E80, $0x38;
	[tilespmem:$0x1B980] =	vst v63  }
0x41: {  	_ =	swait.ge [sflag:s22], $0x3E80  }
0x42: {  	[sflag:s22] =	ssyncset.done $0x0  }
0x43: {  	[sflag:s22] =	ssyncadd.s32 $0xFFFFC180  }
0x44: {  	[spmem:s4] =	stream.linear.scatter [tilespmem:s21], [sflag:$0x3], $0x3E80, $0x38;
	[tilespmem:$0x1B980] =	vst v63  }
0x45: {  	_ =	swait.ge [sflag:s22], $0x3E80  }
0x46: {  	[sflag:s22] =	ssyncset.done $0x0  }
0x47: {  	[sflag:s22] =	ssyncadd.s32 $0xFFFFC180  }
0x48: {  	[spmem:s5] =	stream.linear.scatter [tilespmem:s21], [sflag:$0x3], $0x3E80, $0x38;
	[tilespmem:$0x1B980] =	vst v63  }
0x49: {  	_ =	swait.ge [sflag:s22], $0x3E80  }
0x4a: {  	[sflag:s22] =	ssyncset.done $0x0  }
0x4b: {  	[sflag:s22] =	ssyncadd.s32 $0xFFFFC180  }
0x4c: {  	[spmem:s6] =	stream.linear.scatter [tilespmem:s21], [sflag:$0x3], $0x3E80, $0x38;
	[tilespmem:$0x1B980] =	vst v63  }
0x4d: {  	_ =	swait.ge [sflag:s22], $0x3E80  }
0x4e: {  	[sflag:s22] =	ssyncset.done $0x0  }
0x4f: {  	[sflag:s22] =	ssyncadd.s32 $0xFFFFC180  }
0x50: {  	[spmem:s7] =	stream.linear.scatter [tilespmem:s21], [sflag:$0x3], $0x3E80, $0x38;
	[tilespmem:$0x1B980] =	vst v63  }
.Ltmp4:
0x51: {  	_ =	swait.ge [sflag:s22], $0x3E80;
	(pc) =	sbr.rel @!p0 .LBB2_6-.Ltmp4, $4  }
0x52: {  	[sflag:s22] =	ssyncset.done $0x0  }
0x53: {  	[sflag:s22] =	ssyncadd.s32 $0xFFFFC180  }
0x54: {  	[bflag:$0x0] =	sbarrier.arrive $0xFFFF  }
0x55: {  	s0 =	simm.s32 $0x0;
	s13 =	simm.s32 $0x4000  }
0x56: {  	[tilespmem:s13], [sflag:$0x1] =	stream.linear.gather [hbm4b:s11+s0], $0x80, $0x38;
	[tilespmem:$0x1B980] =	vst v63  }
0x57: {  	s23 =	rddreg [dreg:$0x6];
	p3 =	sle.u32 s9, $0x0  }
0x58: {  	[tilespmem:s24], [sflag:$0x2] =	stream.linear.gather [hbm4b:s23+s0], $0x80, $0x38;
	[tilespmem:$0x1B980] =	vst v63  }
0x59: {  	s0 =	simm.s32 @!p3 $0x1  }
0x5a: {  	s13 =	sadd.s32 $0x0, s8;
	_ =	swait.ge @!p3 [sflag:s0], $0x80  }
0x5b: {  	s14 =	simm.s32 @!p3 $0x0;
	s25 =	simm.s32 @!p3 $0x4000;
	[sflag:s0] =	ssyncset.done @!p3 $0x0  }
0x5c: {  	s23 =	simm.s32 @!p3 $0x3;
	[sflag:s0] =	ssyncadd.s32 @!p3 $0xFFFFFF80;
	s0 =	simm.s32 @!p3 $0x80  }
0x5d: {  	[spmem:s1] =	stream.indirect.scatter.add.f32 @!p3 [tilespmem:s14], [sflag:$0x3], $0x80, s25, s0, $0xb8;
	[tilespmem:$0x1B980] =	vst v63  }
0x5e: {  	s26 =	sadd.s32 $0x1, s13;
	s25 =	sadd.s32 $0x2, s13;
	_ =	swait.ge @!p3 [sflag:s23], $0x4000  }
0x5f: {  	p2 =	sge.u32 s26, s12;
	p4 =	sge.u32 s25, s12;
	[sflag:s23] =	ssyncset.done @!p3 $0x0  }
0x60: {  	s0 =	simm.s32 @!p4 $0x0;
	s14 =	simm.s32 @!p4 $0x4000;
	[sflag:s23] =	ssyncadd.s32 @!p3 $0xFFFFC000  }
0x61: {  	[tilespmem:s14], [sflag:$0x1] =	stream.linear.gather @!p4 [hbm4b:s20+s0], $0x80, $0x38;
	[tilespmem:$0x1B980] =	vst v63  }
0x62: {  	s29 =	smov.u32 s19;
	s26 =	sadd.s32 $0x20, s20;
	s0 =	simm.s32 @!p2 $0x2  }
0x63: {  	s28 =	simm.s32 @!p2 $0x80;
	s13 =	sadd.s32 $0x3, s13;
	_ =	swait.ge @!p2 [sflag:s0], $0x80  }
0x64: {  	s30 =	simm.s32 @!p2 $0x3;
	p5 =	sge.u32 s13, s12;
	[sflag:s0] =	ssyncset.done @!p2 $0x0  }
0x65: {  	s23 =	simm.s32 @!p2 $0x0;
	s14 =	simm.s32 @!p2 $0x4080;
	[sflag:s0] =	ssyncadd.s32 @!p2 $0xFFFFFF80  }
0x66: {  	[spmem:s1] =	stream.indirect.scatter.add.f32 @!p2 [tilespmem:s23], [sflag:$0x3], $0x80, s14, s28, $0xb8;
	[tilespmem:$0x1B980] =	vst v63  }
0x67: {  	s25 =	simm.s32 $0x2;
	s31 =	simm.s32 @!p5 $0x0;
	_ =	swait.ge @!p2 [sflag:s30], $0x4000  }
0x68: {  	s0 =	simm.s32 @!p5 $0x4080;
	s28 =	sadd.s32 $0x20, s19;
	[sflag:s30] =	ssyncset.done @!p2 $0x0  }
.LBB2_10:
0x69: {  	p4 =	sge.u32 s25, s9  }
0x6a: {  	[sflag:s30] =	ssyncadd.s32 @!p2 $0xFFFFC000;
	s13 =	smov.u32 s25;
	s25 =	sadd.s32 $0x2, s25  }
0x6b: {  	[tilespmem:s0], [sflag:$0x2] =	stream.linear.gather @!p5 [hbm4b:s29+s31], $0x80, $0x38;
	[tilespmem:$0x1B980] =	vst v63  }
0x6c: {  	s0 =	simm.s32 @!p4 $0x1;
	p3 =	sne.s32 s25, $0x9E;
	s29 =	smov.u32 s28  }
0x6d: {  	s13 =	sadd.s32 s13, s8;
	_ =	swait.ge @!p4 [sflag:s0], $0x80  }
0x6e: {  	s14 =	simm.s32 @!p4 $0x0;
	s23 =	simm.s32 @!p4 $0x3;
	[sflag:s0] =	ssyncset.done @!p4 $0x0  }
0x6f: {  	s30 =	simm.s32 @!p4 $0x4000;
	[sflag:s0] =	ssyncadd.s32 @!p4 $0xFFFFFF80;
	s0 =	simm.s32 @!p4 $0x80  }
0x70: {  	[spmem:s1] =	stream.indirect.scatter.add.f32 @!p4 [tilespmem:s14], [sflag:$0x3], $0x80, s30, s0, $0xb8;
	[tilespmem:$0x1B980] =	vst v63  }
0x71: {  	s0 =	sadd.s32 $0x2, s13;
	s14 =	sadd.s32 $0x1, s13;
	_ =	swait.ge @!p4 [sflag:s23], $0x4000  }
0x72: {  	p5 =	sge.u32 s0, s12;
	p2 =	sge.u32 s14, s12;
	[sflag:s23] =	ssyncset.done @!p4 $0x0  }
0x73: {  	s0 =	simm.s32 @!p5 $0x0;
	s14 =	simm.s32 @!p5 $0x4000;
	[sflag:s23] =	ssyncadd.s32 @!p4 $0xFFFFC000  }
0x74: {  	[tilespmem:s14], [sflag:$0x1] =	stream.linear.gather @!p5 [hbm4b:s26+s0], $0x80, $0x38;
	[tilespmem:$0x1B980] =	vst v63  }
0x75: {  	s13 =	sadd.s32 $0x3, s13;
	s0 =	simm.s32 @!p2 $0x2  }
0x76: {  	s23 =	simm.s32 @!p2 $0x0;
	s14 =	simm.s32 @!p2 $0x4080;
	_ =	swait.ge @!p2 [sflag:s0], $0x80  }
.Ltmp5:
0x77: {  	s31 =	simm.s32 @!p2 $0x80;
	[sflag:s0] =	ssyncset.done @!p2 $0x0;
	(pc) =	sbr.rel @p3 .LBB2_10-.Ltmp5, $4  }
0x78: {  	s30 =	simm.s32 @!p2 $0x3;
	s26 =	sadd.s32 $0x20, s26;
	[sflag:s0] =	ssyncadd.s32 @!p2 $0xFFFFFF80  }
0x79: {  	[spmem:s1] =	stream.indirect.scatter.add.f32 @!p2 [tilespmem:s23], [sflag:$0x3], $0x80, s14, s31, $0xb8;
	[tilespmem:$0x1B980] =	vst v63  }
0x7a: {  	s28 =	sadd.s32 $0x20, s28;
	p5 =	sge.u32 s13, s12;
	_ =	swait.ge @!p2 [sflag:s30], $0x4000  }
0x7b: {  	s0 =	simm.s32 @!p5 $0x4080;
	s31 =	simm.s32 @!p5 $0x0;
	[sflag:s30] =	ssyncset.done @!p2 $0x0  }
.Ltmp6:
0x7c: {  	(pc) =	sbr.rel .LBB2_12-.Ltmp6, $3  }
0x7d: {  	_ =	sdelay $0x1  }
0x7e: {  	[sflag:s30] =	ssyncadd.s32 @!p2 $0xFFFFC000  }
0x7f: {  	[tilespmem:s0], [sflag:$0x2] =	stream.linear.gather @!p5 [hbm4b:s29+s31], $0x80, $0x38;
	[tilespmem:$0x1B980] =	vst v63  }
.LBB2_6:
0x80: {  	[tilespmem:s13], [sflag:$0x1] =	stream.linear.gather [hbm4b:s10+s0], $0x80, $0x38;
	[tilespmem:$0x1B980] =	vst v63  }
0x81: {  	s26 =	rddreg [dreg:$0x5];
	p3 =	sle.u32 s9, $0x0  }
0x82: {  	[tilespmem:s24], [sflag:$0x2] =	stream.linear.gather [hbm4b:s26+s0], $0x80, $0x38;
	[tilespmem:$0x1B980] =	vst v63  }
0x83: {  	s0 =	simm.s32 @!p3 $0x1  }
0x84: {  	s25 =	simm.s32 @!p3 $0x0;
	_ =	swait.ge @!p3 [sflag:s0], $0x80  }
0x85: {  	s28 =	simm.s32 @!p3 $0x3;
	s29 =	simm.s32 @!p3 $0x4000;
	[sflag:s0] =	ssyncset.done @!p3 $0x0  }
0x86: {  	s26 =	sadd.s32 $0x0, s8;
	[sflag:s0] =	ssyncadd.s32 @!p3 $0xFFFFFF80;
	s0 =	simm.s32 @!p3 $0x80  }
0x87: {  	[spmem:s1] =	stream.indirect.scatter.add.f32 @!p3 [tilespmem:s25], [sflag:$0x3], $0x80, s29, s0, $0xb8;
	[tilespmem:$0x1B980] =	vst v63  }
0x88: {  	s14 =	sadd.s32 $0x2, s26;
	s23 =	sadd.s32 $0x1, s26;
	_ =	swait.ge @!p3 [sflag:s28], $0x4000  }
0x89: {  	p4 =	sge.u32 s14, s12;
	p2 =	sge.u32 s23, s12;
	[sflag:s28] =	ssyncset.done @!p3 $0x0  }
0x8a: {  	s0 =	simm.s32 @!p4 $0x0;
	s25 =	simm.s32 @!p4 $0x4000;
	[sflag:s28] =	ssyncadd.s32 @!p3 $0xFFFFC000  }
0x8b: {  	[tilespmem:s25], [sflag:$0x1] =	stream.linear.gather @!p4 [hbm4b:s18+s0], $0x80, $0x38;
	[tilespmem:$0x1B980] =	vst v63  }
0x8c: {  	s31 =	simm.s32 @!p2 $0x0;
	s13 =	simm.s32 @!p2 $0x80;
	s0 =	simm.s32 @!p2 $0x2  }
0x8d: {  	s30 =	simm.s32 @!p2 $0x3;
	s29 =	simm.s32 @!p2 $0x4080;
	_ =	swait.ge @!p2 [sflag:s0], $0x80  }
0x8e: {  	s28 =	sadd.s32 $0x3, s26;
	s26 =	sadd.s32 $0x20, s18;
	[sflag:s0] =	ssyncset.done @!p2 $0x0  }
0x8f: {  	s25 =	simm.s32 $0x2;
	p5 =	sge.u32 s28, s12;
	[sflag:s0] =	ssyncadd.s32 @!p2 $0xFFFFFF80  }
0x90: {  	[spmem:s1] =	stream.indirect.scatter.add.f32 @!p2 [tilespmem:s31], [sflag:$0x3], $0x80, s29, s13, $0xb8;
	[tilespmem:$0x1B980] =	vst v63  }
0x91: {  	s28 =	sadd.s32 $0x20, s17;
	s0 =	simm.s32 @!p5 $0x4080;
	_ =	swait.ge @!p2 [sflag:s30], $0x4000  }
0x92: {  	s31 =	simm.s32 @!p5 $0x0;
	s29 =	smov.u32 s17;
	[sflag:s30] =	ssyncset.done @!p2 $0x0  }
.LBB2_7:
0x93: {  	p4 =	sge.u32 s25, s9  }
0x94: {  	[sflag:s30] =	ssyncadd.s32 @!p2 $0xFFFFC000;
	s13 =	smov.u32 s25;
	s25 =	sadd.s32 $0x2, s25  }
0x95: {  	[tilespmem:s0], [sflag:$0x2] =	stream.linear.gather @!p5 [hbm4b:s29+s31], $0x80, $0x38;
	[tilespmem:$0x1B980] =	vst v63  }
0x96: {  	s0 =	simm.s32 @!p4 $0x1;
	p3 =	seq.s32 s25, $0x9E;
	s29 =	smov.u32 s28  }
0x97: {  	s13 =	sadd.s32 s13, s8;
	_ =	swait.ge @!p4 [sflag:s0], $0x80  }
0x98: {  	s30 =	simm.s32 @!p4 $0x0;
	s31 =	simm.s32 @!p4 $0x3;
	[sflag:s0] =	ssyncset.done @!p4 $0x0  }
0x99: {  	s14 =	simm.s32 @!p4 $0x4000;
	[sflag:s0] =	ssyncadd.s32 @!p4 $0xFFFFFF80;
	s0 =	simm.s32 @!p4 $0x80  }
0x9a: {  	[spmem:s1] =	stream.indirect.scatter.add.f32 @!p4 [tilespmem:s30], [sflag:$0x3], $0x80, s14, s0, $0xb8;
	[tilespmem:$0x1B980] =	vst v63  }
0x9b: {  	s0 =	sadd.s32 $0x2, s13;
	s14 =	sadd.s32 $0x1, s13;
	_ =	swait.ge @!p4 [sflag:s31], $0x4000  }
0x9c: {  	p5 =	sge.u32 s0, s12;
	p2 =	sge.u32 s14, s12;
	[sflag:s31] =	ssyncset.done @!p4 $0x0  }
0x9d: {  	s0 =	simm.s32 @!p5 $0x0;
	s14 =	simm.s32 @!p5 $0x4000;
	[sflag:s31] =	ssyncadd.s32 @!p4 $0xFFFFC000  }
0x9e: {  	[tilespmem:s14], [sflag:$0x1] =	stream.linear.gather @!p5 [hbm4b:s26+s0], $0x80, $0x38;
	[tilespmem:$0x1B980] =	vst v63  }
0x9f: {  	s13 =	sadd.s32 $0x3, s13;
	s0 =	simm.s32 @!p2 $0x2  }
0xa0: {  	s31 =	simm.s32 @!p2 $0x0;
	s14 =	simm.s32 @!p2 $0x4080;
	_ =	swait.ge @!p2 [sflag:s0], $0x80  }
.Ltmp7:
0xa1: {  	s23 =	simm.s32 @!p2 $0x80;
	[sflag:s0] =	ssyncset.done @!p2 $0x0;
	(pc) =	sbr.rel @!p3 .LBB2_7-.Ltmp7, $4  }
0xa2: {  	s30 =	simm.s32 @!p2 $0x3;
	s26 =	sadd.s32 $0x20, s26;
	[sflag:s0] =	ssyncadd.s32 @!p2 $0xFFFFFF80  }
0xa3: {  	[spmem:s1] =	stream.indirect.scatter.add.f32 @!p2 [tilespmem:s31], [sflag:$0x3], $0x80, s14, s23, $0xb8;
	[tilespmem:$0x1B980] =	vst v63  }
0xa4: {  	s28 =	sadd.s32 $0x20, s28;
	p5 =	sge.u32 s13, s12;
	_ =	swait.ge @!p2 [sflag:s30], $0x4000  }
0xa5: {  	s0 =	simm.s32 @!p5 $0x4080;
	s31 =	simm.s32 @!p5 $0x0;
	[sflag:s30] =	ssyncset.done @!p2 $0x0  }
.Ltmp8:
0xa6: {  	_ = 	snop;
	(pc) =	sbr.rel .LBB2_8-.Ltmp8, $1  }
0xa7: {  	_ =	sdelay $0x3  }
.LBB2_13:
0xa8: {  	_ =	sfence.sel $0x180000  }
0xa9: {  	[bflag:$0x0] =	sbarrier.arrive $0xFFFF  }
0xaa: {  	_ =	strace $0x90000050  }
0xab: {  	[bflag:$0x2] =	sbarrier.arrive $0xFFFF  }
0xac: {  	s0 =	rddreg [dreg:$0x4]  }
0xad: {  	s0 =	sadd.s32 @!p1 $0x100000, s0  }
0xae: {  	[sflag:s0] =	ssyncadd.tile.s32 @!p1 $0x1;
	_ =	shalt  }
.Lfunc_end2:
_tile_overlayer_lowered:
.L_overlay_start_2:
0xaf: {  	(tag) =	ssettag $0x2  }
0xb0: {  	s0 =	rddreg [dreg:$0x0];
	s2 =	stileid.u32  }
0xb1: {  	s1 =	rddreg [dreg:$0x1];
	p0 =	sne.s32 s2, $0x0  }
0xb2: {  	s3 =	rddreg [dreg:$0x2];
	[bflag:$0x3] =	sbarrier.arrive $0xFFFF;
	s2 =	simm.s32 @!p0 $0x1C03  }
0xb3: {  	[timem:s3], [sflag:s2] =	dma.local @!p0 [hbm:s0], s1  }
0xb4: {  	s0 =	simm.s32 @!p0 $0x3  }
0xb5: {  	_ =	swait.ge @!p0 [sflag:s0], s1  }
0xb6: {  	s1 =	ssub.s32 @!p0 $0x0, s1;
	[sflag:s0] =	ssyncset.done @!p0 $0x0  }
0xb7: {  	[sflag:s0] =	ssyncadd.s32 @!p0 s1  }
0xb8: {  	[bflag:$0x3] =	sbarrier.arrive $0xFFFF  }
0xb9: {  	_ =	shalt  }

// kernel: seg_sum_e1_recv.3.cloned.1.call-start
scs
__scs_entry_jumppad:
0x0: {  	(pc) =	sbr.rel $0x88, $3  }
0x1: {  	(tag) =	ssettag $0x0;
	lr =	simm.s32 $0x1  }
0x2: {  	[smem:$0x3F88] =	sst lr;
	_ =	strace $0xD0000000  }
0x3: {  	_ = 	snop  }
0x4: {  	_ = 	snop  }
0x5: {  	_ = 	snop  }
0x6: {  	_ = 	snop  }
0x7: {  	_ = 	snop  }
__scs_overlays_trampoline_lowered:
0x8: {  	[smem:$0x3F97] =	sst s0  }
0x9: {  	[smem:$0x3F98] =	sst s1  }
0xa: {  	[smem:$0x3F99] =	sst s2  }
0xb: {  	[smem:$0x3F9A] =	sst s3  }
0xc: {  	[smem:$0x3F9B] =	sst s4  }
0xd: {  	[smem:$0x3F9C] =	sst s5  }
0xe: {  	[smem:$0x3F9D] =	sst s6  }
0xf: {  	[smem:$0x3F9E] =	sst s7  }
0x10: {  	[smem:$0x3F9F] =	sst s8  }
0x11: {  	[smem:$0x3FA0] =	sst s9;
	s0 =	simm.s32 @!p0 $0x0  }
0x12: {  	s1 =	sld [smem:$0x3F86];
	s0 =	simm.s32 @p0 $0x1  }
0x13: {  	[smem:$0x3FA1] =	sst s0;
	s0 =	simm.s32 @!p1 $0x0  }
0x14: {  	s2 =	sld [smem:$0x3F85];
	s0 =	simm.s32 @p1 $0x1  }
0x15: {  	[smem:$0x3FA2] =	sst s0;
	s0 =	simm.s32 @!p2 $0x0  }
0x16: {  	s3 =	sld [smem:$0x3FDB];
	s0 =	simm.s32 @p2 $0x1  }
0x17: {  	s4 =	simm.s32 $0x1BF5;
	[smem:$0x3FA4] =	sst s0  }
0x18: {  	s0 =	sld [smem:$0x3F87];
	_ =	swait.ge [sflag:s4], $0x0  }
0x19: {  	s7 =	sld [smem:$0x3F88]  }
0x1a: {  	s8 =	sadd.s32 $0xFFFFE003, lr  }
0x1b: {  	s9 =	sadd.s32 $0xFFFFFEF7, lr;
	s5 =	simm.s32 $0xFFFFFFFF;
	p2 =	slt.u32 s8, $0xFFFFF086  }
0x1c: {  	p1 =	slt.u32 s9, $0xF7A;
	s5 =	simm.s32 @!p2 $0x0  }
0x1d: {  	s5 =	simm.s32 @p1 $0x1;
	p0 =	seq.s32 s7, s2  }
0x1e: {  	s7 =	smul.u32 @!p0 $0xF7A, s2;
	p2 =	seq.s32 @!p0 s5, $0x0  }
0x1f: {  	s9 =	smul.u32 $0xF7A, s1;
	s8 =	simm.s32 @!p0 $0x1BF5;
	p2 =	por !p2, p0  }
0x20: {  	[sflag:s8] =	ssyncset.s32 @!p0 $0xFFFFF086;
	s6 =	sadd.s32 @!p0 s3, s7;
	s7 =	simm.s32 @!p0 $0x108  }
0x21: {  	s3 =	sadd.s32 s3, s9;
	s6 =	sadd.s32 @!p0 $0x88, s6;
	s7 =	simm.s32 @p2 $0x1082  }
0x22: {  	[simem:s7], [sflag:s8] =	dma.local @!p0 [hbm:s6], $0xF7A  }
0x23: {  	s9 =	sor.u32 $0xD0000000, s2;
	s6 =	simm.s32 $0x108;
	_ =	swait.ge @!p0 [sflag:s8], $0x0  }
0x24: {  	s3 =	sadd.s32 $0x88, s3;
	s6 =	simm.s32 @!p1 $0x1082;
	[sflag:s4] =	ssyncset.s32 $0xFFFFF086  }
0x25: {  	[simem:s6], [sflag:s4] =	dma.local [hbm:s3], $0xF7A  }
0x26: {  	[smem:$0x3F88] =	sst s1;
	(tag) =	ssettag s2;
	_ =	strace s9  }
0x27: {  	s1 =	sld [smem:$0x3F98]  }
0x28: {  	s2 =	sld [smem:$0x3F99]  }
0x29: {  	s4 =	sld [smem:$0x3F9B]  }
0x2a: {  	p0 =	seq.s32 s5, $0x0;
	s5 =	sld [smem:$0x3F9C]  }
0x2b: {  	s6 =	sld [smem:$0x3F9D]  }
0x2c: {  	s7 =	sld [smem:$0x3F9E]  }
0x2d: {  	s3 =	simm.s32 $0x108;
	s8 =	sld [smem:$0x3F9F]  }
0x2e: {  	s3 =	simm.s32 @!p0 $0x1082;
	s9 =	sld [smem:$0x3FA0]  }
0x2f: {  	lr =	sadd.s32 s0, s3;
	s0 =	sld [smem:$0x3F97]  }
0x30: {  	s3 =	sld [smem:$0x3F9A]  }
0x31: {  	[smem:$0x3FA3] =	sst s10  }
0x32: {  	s10 =	sld [smem:$0x3FA1];
	_ =	sdelay $0x3  }
0x33: {  	p0 =	seq.s32 s10, $0x1;
	s10 =	sld [smem:$0x3FA3];
	_ =	sdelay $0x3  }
0x34: {  	[smem:$0x3FA3] =	sst s10  }
0x35: {  	s10 =	sld [smem:$0x3FA2];
	_ =	sdelay $0x3  }
0x36: {  	p1 =	seq.s32 s10, $0x1;
	s10 =	sld [smem:$0x3FA3];
	_ =	sdelay $0x3  }
0x37: {  	[smem:$0x3FA3] =	sst s10  }
0x38: {  	s10 =	sld [smem:$0x3FA4]  }
0x39: {  	_ = 	snop;
	(pc) =	sbr.ind lr, $3  }
0x3a: {  	_ = 	snop  }
0x3b: {  	_ = 	snop  }
0x3c: {  	p2 =	seq.s32 s10, $0x1;
	s10 =	sld [smem:$0x3FA3]  }
0x3d: {  	_ =	shalt  }
0x3e: {  	_ =	shalt  }
0x3f: {  	_ =	shalt  }
0x40: {  	_ =	shalt  }
0x41: {  	_ =	shalt  }
0x42: {  	_ =	shalt  }
0x43: {  	_ =	shalt  }
0x44: {  	_ =	shalt  }
0x45: {  	_ =	shalt  }
0x46: {  	_ =	shalt  }
0x47: {  	_ =	shalt  }
0x48: {  	_ =	shalt  }
0x49: {  	_ =	shalt  }
0x4a: {  	_ =	shalt  }
0x4b: {  	_ =	shalt  }
0x4c: {  	_ =	shalt  }
0x4d: {  	_ =	shalt  }
0x4e: {  	_ =	shalt  }
0x4f: {  	_ =	shalt  }
0x50: {  	_ =	shalt  }
0x51: {  	_ =	shalt  }
0x52: {  	_ =	shalt  }
0x53: {  	_ =	shalt  }
0x54: {  	_ =	shalt  }
0x55: {  	_ =	shalt  }
0x56: {  	_ =	shalt  }
0x57: {  	_ =	shalt  }
0x58: {  	_ =	shalt  }
0x59: {  	_ =	shalt  }
0x5a: {  	_ =	shalt  }
0x5b: {  	_ =	shalt  }
0x5c: {  	_ =	shalt  }
0x5d: {  	_ =	shalt  }
0x5e: {  	_ =	shalt  }
0x5f: {  	_ =	shalt  }
0x60: {  	_ =	shalt  }
0x61: {  	_ =	shalt  }
0x62: {  	_ =	shalt  }
0x63: {  	_ =	shalt  }
0x64: {  	_ =	shalt  }
0x65: {  	_ =	shalt  }
0x66: {  	_ =	shalt  }
0x67: {  	_ =	shalt  }
0x68: {  	_ =	shalt  }
0x69: {  	_ =	shalt  }
0x6a: {  	_ =	shalt  }
0x6b: {  	_ =	shalt  }
0x6c: {  	_ =	shalt  }
0x6d: {  	_ =	shalt  }
0x6e: {  	_ =	shalt  }
0x6f: {  	_ =	shalt  }
0x70: {  	_ =	shalt  }
0x71: {  	_ =	shalt  }
0x72: {  	_ =	shalt  }
0x73: {  	_ =	shalt  }
0x74: {  	_ =	shalt  }
0x75: {  	_ =	shalt  }
0x76: {  	_ =	shalt  }
0x77: {  	_ =	shalt  }
0x78: {  	_ =	shalt  }
0x79: {  	_ =	shalt  }
0x7a: {  	_ =	shalt  }
0x7b: {  	_ =	shalt  }
0x7c: {  	_ =	shalt  }
0x7d: {  	_ =	shalt  }
0x7e: {  	_ =	shalt  }
0x7f: {  	_ =	shalt  }
0x80: {  	_ =	shalt  }
0x81: {  	_ =	shalt  }
0x82: {  	_ =	shalt  }
0x83: {  	_ =	shalt  }
0x84: {  	_ =	shalt  }
0x85: {  	_ =	shalt  }
0x86: {  	_ =	shalt  }
0x87: {  	_ =	shalt  }
.Lfunc_end0:
.L_simem_size_0:
called_computation.1_lowered:
.L_overlay_start_0:
0x88: {  	s2 =	sld [smem:$0x3FD9]  }
0x89: {  	s3 =	sld [smem:$0x3FFE];
	_ =	sdelay $0x1  }
0x8a: {  	s1 =	srdreg.scid  }
0x8b: {  	s0 =	sand.u32 $0x1, s1  }
0x8c: {  	s17 =	sshll.u32 s0, $0xA;
	s2 =	sadd.s32 s3, s2  }
0x8d: {  	s2 =	sadd.s32 s2, s17  }
0x8e: {  	[smem:$0x3FAF] =	sst s2  }
0x8f: {  	_ = 	snop  }
0x90: {  	s2 =	sld [smem:$0x3FC5];
	(tm) =	ssettm $0x1  }
0x91: {  	s18 =	sld [smem:$0x3FFB];
	_ =	sdelay $0x3  }
0x92: {  	_ =	strace s18  }
0x93: {  	s3 =	sld [smem:$0x3FFC];
	_ =	sdelay $0x3  }
0x94: {  	_ =	strace s3  }
0x95: {  	s3 =	sld [smem:$0x3FFD];
	_ =	sdelay $0x3  }
0x96: {  	_ =	strace s3  }
0x97: {  	_ =	strace $0x8FFFFFFF  }
0x98: {  	s19 =	sld [smem:$0x3FDB];
	_ =	sdelay $0x1  }
0x99: {  	s4 =	simm.s32 $_scs_section_size  }
0x9a: {  	s5 =	simm.s32 $_size__tile_overlayer_lowered;
	s6 =	simm.s32 $_tile_overlayer_lowered  }
0x9b: {  	s22 =	simm.s32 $0x1BFF;
	s21 =	sshll.u32 s6, $0x1;
	s3 =	sadd.s32 s4, s19  }
0x9c: {  	s7 =	simm.s32 $0x0;
	s20 =	sshll.u32 s5, $0x1;
	s5 =	sadd.s32 s21, s3  }
0x9d: {  	[timem:s7], [sflag:s22] =	dma.local [hbm:s5], s20  }
0x9e: {  	_ =	swait.ge [sflag:s22], s20  }
0x9f: {  	s4 =	ssub.s32 $0x0, s20;
	[sflag:s22] =	ssyncset.done $0x0  }
0xa0: {  	[sflag:s22] =	ssyncadd.s32 s4;
	_ =	sdelay $0x1  }
0xa1: {  	s23 =	simm.s32 $0x1B8B  }
0xa2: {  	_ =	swait.ge [sflag:s23], $0x1  }
0xa3: {  	[sflag:s23] =	ssyncset.done $0x0  }
0xa4: {  	s25 =	simm.s32 $0x1B8E;
	s24 =	sld [smem:$0x3FFE];
	[sflag:s23] =	ssyncadd.s32 $0xFFFFFFFF  }
0xa5: {  	s26 =	simm.s32 $execute0_lowered;
	[smem:$0x3FD2] =	sst s25  }
0xa6: {  	s5 =	sshll.u32 s26, $0x1;
	_ =	strace $0x80000046;
	[dreg:$0x1] =	wrdreg $0xFFFFFFFF  }
0xa7: {  	s28 =	simm.s32 $_size_execute0_lowered;
	s3 =	sadd.s32 s3, s5;
	[dreg:$0x0] =	wrdreg $0x0  }
0xa8: {  	s5 =	sshll.u32 s28, $0x1;
	[dreg:$0x2] =	wrdreg s3  }
0xa9: {  	[dreg:$0x3] =	wrdreg s5  }
0xaa: {  	[dreg:$0x4] =	wrdreg $0xC0  }
0xab: {  	_ =	task [dreg:s7], $0x5FFFF  }
0xac: {  	[dreg:$0x1] =	wrdreg $0xFFFFFFFF  }
0xad: {  	[dreg:$0x0] =	wrdreg $0x60  }
0xae: {  	[dreg:$0x2] =	wrdreg s24  }
0xaf: {  	[dreg:$0x3] =	wrdreg s2  }
0xb0: {  	[dreg:$0x4] =	wrdreg $0xC1000  }
0xb1: {  	[dreg:$0x5] =	wrdreg $0xA  }
0xb2: {  	_ =	task.clear_ibuf [dreg:s7], $0x6FFFF;
	_ =	strace $0x90000046  }
0xb3: {  	s29 =	simm.s32 $0xA;
	_ =	strace $0x80000048  }
0xb4: {  	_ =	swait.ge [sflag:s29], $0x1  }
0xb5: {  	[sflag:s29] =	ssyncadd.s32 $0xFFFFFFFF  }
0xb6: {  	_ =	strace $0x90000048  }
0xb7: {  	_ =	sfence  }
0xb8: {  	s30 =	sld [smem:$0x0];
	_ =	sdelay $0x2  }
0xb9: {  	s31 =	sshll.u32 s1, $0xD;
	s1 =	sshrl.u32 s1, $0x2  }
0xba: {  	s3 =	sand.u32 $0x4000, s31;
	s1 =	sadd.s32 s1, s30  }
0xbb: {  	s0 =	sor.u32 s3, s0;
	s1 =	sshll.u32 s1, $0x11  }
0xbc: {  	s0 =	sor.u32 s1, s0  }
0xbd: {  	s0 =	sadd.s32 $0x8F2B, s0  }
0xbe: {  	[sflag:s0] =	ssyncadd.remote.s32 $0x1  }
0xbf: {  	_ =	sfence.sel $0xFFFF  }
0xc0: {  	[dreg:$0x0] =	wrdreg $0xFFFFFFFF;
	(pc) =	sbr.abs _section_cstart, $3  }
0xc1: {  	[dreg:$0x1] =	wrdreg $0xFFFFFFFF  }
0xc2: {  	_ =	task.clear_ibuf [dreg:s7], $0x2FFFF;
	_ =	strace $0x9FFFFFFF  }
0xc3: {  	(tm) =	ssettm $0x7FFFFFFF  }
tec
execute0_lowered:
.L_overlay_start_1:
0x0: {  	(tag) =	ssettag $0x1  }
0x1: {  	s0 =	rddreg [dreg:$0x0]  }
0x2: {  	s5 =	rddreg [dreg:$0x1]  }
0x3: {  	s1 =	rddreg [dreg:$0x2]  }
0x4: {  	s2 =	srdreg.scid;
	s19 =	stileid.u32;
	s10 =	simm.s32 $0x9D  }
0x5: {  	s22 =	simm.s32 $0x8100;
	s6 =	sand.u32 $0x1, s2;
	s7 =	smul.u32 $0x4E200, s19  }
0x6: {  	s2 =	simm.s32 $0x0;
	s3 =	sadd.s32 $0x4E6A00, s0;
	s9 =	smul.u32 $0x9C, s19  }
0x7: {  	s14 =	smin.u32 s19, $0x4;
	p0 =	slt.u32 s19, $0x4;
	s16 =	smul.u32 $0x270000, s19  }
0x8: {  	s4 =	smul.u32 $0x27100, s6;
	[smem:$0x7FF] =	sst s2;
	s8 =	ssub.s32 $0x2, s6  }
0x9: {  	s6 =	smul.u32 $0x2710000, s6;
	s10 =	simm.s32 @!p0 $0x9C;
	s29 =	sshll.u32 s14, $0xE  }
0xa: {  	p0 =	sne.s32 s19, $0x0;
	_ =	strace $0x80000047;
	s23 =	sshrl.u32 s8, $0x1  }
0xb: {  	s7 =	sshrl.u32 s7, $0x2;
	s9 =	sadd.s32 s14, s9;
	s0 =	sadd.s32 s4, s0  }
0xc: {  	s17 =	ssub.s32 s8, s23;
	s4 =	sadd.s32 s7, s1;
	s12 =	sshll.u32 s9, $0x4  }
0xd: {  	s13 =	sshll.u32 s9, $0xE;
	s11 =	sadd.s32 s10, s9;
	s15 =	sadd.s32 $0x1, s9  }
0xe: {  	s23 =	simm.s32 $0x5;
	s7 =	sadd.s32 $0x3E80, s4;
	s24 =	sadd.s32 $0x7D00, s4  }
0xf: {  	s25 =	sadd.s32 $0xBB80, s4;
	s26 =	sadd.s32 $0xFA00, s4;
	[dreg:$0x4] =	wrdreg s7  }
0x10: {  	s12 =	sadd.s32 s5, s12;
	s13 =	sadd.s32 s6, s13;
	[dreg:$0x5] =	wrdreg s24  }
0x11: {  	s18 =	sshll.u32 s15, $0x4;
	s15 =	sshll.u32 s15, $0xE;
	[dreg:$0x6] =	wrdreg s25  }
0x12: {  	s17 =	smax.u32 s17, $0x1;
	[dreg:$0x7] =	wrdreg s26;
	s13 =	sshrl.u32 s13, $0x3  }
0x13: {  	s15 =	sadd.s32 s6, s15;
	s6 =	sadd.s32 s16, s6;
	s14 =	sadd.s32 s5, s18  }
0x14: {  	s16 =	sadd.s32 $0x4A00, s0;
	s18 =	sadd.s32 $0x30, s12;
	s6 =	sadd.s32 s29, s6  }
0x15: {  	s20 =	sadd.s32 $0x20, s12;
	s28 =	sadd.s32 s3, s13;
	s31 =	sadd.s32 $0xC000, s6  }
0x16: {  	s30 =	sshrl.u32 s15, $0x3;
	[dreg:$0x8] =	wrdreg s28;
	s0 =	sshrl.u32 s31, $0x3  }
0x17: {  	v0 =	vimm.f32 $0.0e+00;
	s15 =	sadd.s32 s3, s30;
	s21 =	sadd.s32 $0x8000, s6;
	s25 =	sadd.s32 s0, s3  }
.LBB2_1:
0x18: {  	s0 =	simm.s32 $0x0;
	s5 =	simm.s32 $0x200  }
.LBB2_2:
0x19: {  	p1 =	sne.s32 s5, $0xF800;
	[tilespmem:s0+$0x8170] =	vst v0  }
0x1a: {  	[tilespmem:s0+$0x8100] =	vst v0  }
0x1b: {  	[tilespmem:s0+$0x8110] =	vst v0  }
.Ltmp0:
0x1c: {  	[tilespmem:s0+$0x8120] =	vst v0;
	(pc) =	sbr.rel @p1 .LBB2_2-.Ltmp0, $4  }
0x1d: {  	[tilespmem:s0+$0x8130] =	vst v0  }
0x1e: {  	[tilespmem:s0+$0x8140] =	vst v0  }
0x1f: {  	[tilespmem:s0+$0x8150] =	vst v0  }
0x20: {  	[tilespmem:s0+$0x8160] =	vst v0;
	s0 =	sshra.s32 s5, $0x2;
	s5 =	sadd.s32 $0x200, s5  }
0x21: {  	[tilespmem:s0+$0x8170] =	vst v0  }
0x22: {  	[tilespmem:s0+$0x8100] =	vst v0  }
0x23: {  	[tilespmem:s0+$0x8110] =	vst v0  }
0x24: {  	[tilespmem:s0+$0x8120] =	vst v0  }
0x25: {  	[tilespmem:s0+$0x8130] =	vst v0  }
0x26: {  	[tilespmem:s0+$0x8140] =	vst v0  }
0x27: {  	[tilespmem:s0+$0x8150] =	vst v0  }
0x28: {  	[tilespmem:s0+$0x8160] =	vst v0  }
0x29: {  	[spmem:s4] =	stream.linear.scatter [tilespmem:s22], [sflag:$0x5], $0x3E80, $0x38;
	[tilespmem:$0x1F980] =	vst v63  }
0x2a: {  	_ =	swait.ge [sflag:s23], $0x3E80  }
0x2b: {  	[sflag:s23] =	ssyncset.done $0x0  }
0x2c: {  	s8 =	rddreg [dreg:$0x4];
	[sflag:s23] =	ssyncadd.s32 $0xFFFFC180  }
0x2d: {  	[spmem:s8] =	stream.linear.scatter [tilespmem:s22], [sflag:$0x5], $0x3E80, $0x38;
	[tilespmem:$0x1F980] =	vst v63  }
0x2e: {  	_ =	swait.ge [sflag:s23], $0x3E80  }
0x2f: {  	[sflag:s23] =	ssyncset.done $0x0  }
0x30: {  	s13 =	rddreg [dreg:$0x5];
	[sflag:s23] =	ssyncadd.s32 $0xFFFFC180  }
0x31: {  	[spmem:s13] =	stream.linear.scatter [tilespmem:s22], [sflag:$0x5], $0x3E80, $0x38;
	[tilespmem:$0x1F980] =	vst v63  }
0x32: {  	_ =	swait.ge [sflag:s23], $0x3E80  }
0x33: {  	[sflag:s23] =	ssyncset.done $0x0  }
0x34: {  	s19 =	rddreg [dreg:$0x6];
	[sflag:s23] =	ssyncadd.s32 $0xFFFFC180  }
0x35: {  	[spmem:s19] =	stream.linear.scatter [tilespmem:s22], [sflag:$0x5], $0x3E80, $0x38;
	[tilespmem:$0x1F980] =	vst v63  }
0x36: {  	_ =	swait.ge [sflag:s23], $0x3E80  }
0x37: {  	[sflag:s23] =	ssyncset.done $0x0  }
0x38: {  	s24 =	rddreg [dreg:$0x7];
	[sflag:s23] =	ssyncadd.s32 $0xFFFFC180  }
0x39: {  	[spmem:s24] =	stream.linear.scatter [tilespmem:s22], [sflag:$0x5], $0x3E80, $0x38;
	[tilespmem:$0x1F980] =	vst v63  }
0x3a: {  	_ =	swait.ge [sflag:s23], $0x3E80  }
0x3b: {  	[sflag:s23] =	ssyncset.done $0x0  }
0x3c: {  	[sflag:s23] =	ssyncadd.s32 $0xFFFFC180  }
0x3d: {  	s26 =	simm.s32 $0x0;
	s5 =	simm.s32 $0x8000;
	[bflag:$0x0] =	sbarrier.arrive $0xFFFF  }
0x3e: {  	[tilespmem:s5], [sflag:$0x1] =	stream.linear.gather [hbm4b:s12+s26], $0x80, $0x38;
	[tilespmem:$0x1F980] =	vst v63  }
0x3f: {  	p1 =	sle.u32 s10, $0x0;
	s6 =	rddreg [dreg:$0x8]  }
0x40: {  	[tilespmem:s26], [sflag:$0x3] =	stream.linear.gather [hbm4b:s6+s26], $0x4000, $0x38;
	[tilespmem:$0x1F980] =	vst v63  }
0x41: {  	s7 =	simm.s32 $0x8080;
	p1 =	por p1, p1  }
0x42: {  	[tilespmem:s7], [sflag:$0x2] =	stream.linear.gather [hbm4b:s14+s26], $0x80, $0x38;
	[tilespmem:$0x1F980] =	vst v63  }
0x43: {  	s0 =	simm.s32 @!p1 $0x1;
	s8 =	simm.s32 $0x4000  }
0x44: {  	[tilespmem:s8], [sflag:$0x4] =	stream.linear.gather [hbm4b:s15+s26], $0x4000, $0x38;
	[tilespmem:$0x1F980] =	vst v63  }
0x45: {  	_ =	swait.ge @!p1 [sflag:s0], $0x80  }
0x46: {  	[sflag:s0] =	ssyncset.done @!p1 $0x0  }
0x47: {  	[sflag:s0] =	ssyncadd.s32 @!p1 $0xFFFFFF80;
	s0 =	simm.s32 @!p1 $0x3  }
0x48: {  	s13 =	sadd.s32 $0x0, s9;
	_ =	swait.ge @!p1 [sflag:s0], $0x4000  }
0x49: {  	s19 =	simm.s32 @!p1 $0x5;
	s24 =	simm.s32 @!p1 $0x8000;
	[sflag:s0] =	ssyncset.done @!p1 $0x0  }
0x4a: {  	s6 =	simm.s32 @!p1 $0x0;
	[sflag:s0] =	ssyncadd.s32 @!p1 $0xFFFFC000;
	s0 =	simm.s32 @!p1 $0x80  }
0x4b: {  	[spmem:s1] =	stream.indirect.scatter.add.f32 @!p1 [tilespmem:s6], [sflag:$0x5], $0x80, s24, s0, $0xb8;
	[tilespmem:$0x1F980] =	vst v63  }
0x4c: {  	s24 =	sadd.s32 $0x2, s13;
	_ =	swait.ge @!p1 [sflag:s19], $0x4000  }
0x4d: {  	s26 =	sadd.s32 $0x1, s13;
	p2 =	sge.u32 s24, s11;
	[sflag:s19] =	ssyncset.done @!p1 $0x0  }
0x4e: {  	s0 =	simm.s32 @!p2 $0x0;
	[sflag:s19] =	ssyncadd.s32 @!p1 $0xFFFFC000;
	s19 =	simm.s32 @!p2 $0x8000  }
0x4f: {  	[tilespmem:s19], [sflag:$0x1] =	stream.linear.gather @!p2 [hbm4b:s20+s0], $0x80, $0x38;
	[tilespmem:$0x1F980] =	vst v63  }
0x50: {  	p1 =	sge.u32 s26, s11;
	s19 =	sshrl.u32 @!p2 s21, $0x3  }
0x51: {  	s6 =	sadd.s32 @!p2 s3, s19;
	s19 =	simm.s32 @!p1 $0x2  }
0x52: {  	[tilespmem:s0], [sflag:$0x3] =	stream.linear.gather @!p2 [hbm4b:s6+s0], $0x4000, $0x38;
	[tilespmem:$0x1F980] =	vst v63  }
0x53: {  	_ =	swait.ge @!p1 [sflag:s19], $0x80  }
0x54: {  	s30 =	simm.s32 $0x2;
	p6 =	sle.u32 s10, $0x2;
	[sflag:s19] =	ssyncset.done @!p1 $0x0  }
0x55: {  	s31 =	sadd.s32 $0x8000, s21;
	s0 =	simm.s32 @!p1 $0x4;
	[sflag:s19] =	ssyncadd.s32 @!p1 $0xFFFFFF80  }
0x56: {  	s28 =	sadd.s32 $0x1000, s25;
	s5 =	sadd.s32 $0x3, s13;
	_ =	swait.ge @!p1 [sflag:s0], $0x4000  }
0x57: {  	s24 =	simm.s32 @!p1 $0x8080;
	s6 =	simm.s32 @!p1 $0x4000;
	[sflag:s0] =	ssyncset.done @!p1 $0x0  }
0x58: {  	s19 =	simm.s32 @!p1 $0x80;
	[sflag:s0] =	ssyncadd.s32 @!p1 $0xFFFFC000;
	s0 =	simm.s32 @!p1 $0x5  }
0x59: {  	[spmem:s1] =	stream.indirect.scatter.add.f32 @!p1 [tilespmem:s6], [sflag:$0x5], $0x80, s24, s19, $0xb8;
	[tilespmem:$0x1F980] =	vst v63  }
0x5a: {  	s29 =	sadd.s32 $0x20, s18;
	p5 =	sge.u32 s5, s11;
	_ =	swait.ge @!p1 [sflag:s0], $0x4000  }
0x5b: {  	s5 =	simm.s32 @!p5 $0x0;
	s24 =	simm.s32 $0x4;
	[sflag:s0] =	ssyncset.done @!p1 $0x0  }
0x5c: {  	s6 =	simm.s32 @!p5 $0x8080;
	s19 =	smov.u32 s25;
	[sflag:s0] =	ssyncadd.s32 @!p1 $0xFFFFC000  }
0x5d: {  	[tilespmem:s6], [sflag:$0x2] =	stream.linear.gather @!p5 [hbm4b:s18+s5], $0x80, $0x38;
	[tilespmem:$0x1F980] =	vst v63  }
0x5e: {  	p1 =	por p6, p6;
	s0 =	sadd.s32 $0x20, s20;
	s6 =	simm.s32 @!p5 $0x4000  }
.LBB2_4:
0x5f: {  	p3 =	sge.u32 s24, s10;
	s7 =	simm.s32 @!p1 $0x1  }
0x60: {  	s8 =	smov.u32 s24;
	s24 =	sadd.s32 $0x2, s24;
	s26 =	smov.u32 s29  }
0x61: {  	[tilespmem:s6], [sflag:$0x4] =	stream.linear.gather @!p5 [hbm4b:s19+s5], $0x4000, $0x38;
	[tilespmem:$0x1F980] =	vst v63  }
0x62: {  	p2 =	sne.s32 s24, $0x9E;
	s19 =	smov.u32 s28;
	_ =	swait.ge @!p1 [sflag:s7], $0x80  }
0x63: {  	[sflag:s7] =	ssyncset.done @!p1 $0x0  }
0x64: {  	s5 =	simm.s32 @!p1 $0x3;
	[sflag:s7] =	ssyncadd.s32 @!p1 $0xFFFFFF80  }
0x65: {  	s6 =	sadd.s32 s30, s9;
	s30 =	smov.u32 s8;
	_ =	swait.ge @!p1 [sflag:s5], $0x4000  }
0x66: {  	s8 =	simm.s32 @!p1 $0x5;
	s7 =	simm.s32 @!p1 $0x0;
	[sflag:s5] =	ssyncset.done @!p1 $0x0  }
0x67: {  	s13 =	simm.s32 @!p1 $0x8000;
	[sflag:s5] =	ssyncadd.s32 @!p1 $0xFFFFC000;
	s5 =	simm.s32 @!p1 $0x80  }
0x68: {  	[spmem:s1] =	stream.indirect.scatter.add.f32 @!p1 [tilespmem:s7], [sflag:$0x5], $0x80, s13, s5, $0xb8;
	[tilespmem:$0x1F980] =	vst v63  }
0x69: {  	s5 =	sadd.s32 $0x2, s6;
	s7 =	sadd.s32 $0x1, s6;
	_ =	swait.ge @!p1 [sflag:s8], $0x4000  }
0x6a: {  	p5 =	sge.u32 s5, s11;
	s5 =	sadd.s32 $0x3, s6;
	[sflag:s8] =	ssyncset.done @!p1 $0x0  }
0x6b: {  	s6 =	simm.s32 @!p5 $0x0;
	[sflag:s8] =	ssyncadd.s32 @!p1 $0xFFFFC000;
	s8 =	simm.s32 @!p5 $0x8000  }
0x6c: {  	[tilespmem:s8], [sflag:$0x1] =	stream.linear.gather @!p5 [hbm4b:s0+s6], $0x80, $0x38;
	[tilespmem:$0x1F980] =	vst v63  }
0x6d: {  	p4 =	sge.u32 s7, s11;
	p1 =	por p3, p3;
	s8 =	sshrl.u32 @!p5 s31, $0x3  }
0x6e: {  	s7 =	sadd.s32 @!p5 s3, s8;
	s8 =	simm.s32 @!p4 $0x2  }
0x6f: {  	[tilespmem:s6], [sflag:$0x3] =	stream.linear.gather @!p5 [hbm4b:s7+s6], $0x4000, $0x38;
	[tilespmem:$0x1F980] =	vst v63  }
0x70: {  	_ =	swait.ge @!p4 [sflag:s8], $0x80  }
0x71: {  	s6 =	simm.s32 @!p4 $0x4;
	[sflag:s8] =	ssyncset.done @!p4 $0x0  }
0x72: {  	[sflag:s8] =	ssyncadd.s32 @!p4 $0xFFFFFF80  }
0x73: {  	s31 =	sadd.s32 $0x8000, s31;
	s7 =	simm.s32 @!p4 $0x4000;
	_ =	swait.ge @!p4 [sflag:s6], $0x4000  }
0x74: {  	s13 =	simm.s32 @!p4 $0x8080;
	s8 =	simm.s32 @!p4 $0x80;
	[sflag:s6] =	ssyncset.done @!p4 $0x0  }
0x75: {  	s0 =	sadd.s32 $0x20, s0;
	[sflag:s6] =	ssyncadd.s32 @!p4 $0xFFFFC000;
	s6 =	simm.s32 @!p4 $0x5  }
0x76: {  	[spmem:s1] =	stream.indirect.scatter.add.f32 @!p4 [tilespmem:s7], [sflag:$0x5], $0x80, s13, s8, $0xb8;
	[tilespmem:$0x1F980] =	vst v63  }
.Ltmp1:
0x77: {  	_ = 	snop;
	(pc) =	sbr.rel @p2 .LBB2_4-.Ltmp1, $4  }
0x78: {  	s28 =	sadd.s32 $0x1000, s28;
	p5 =	sge.u32 s5, s11;
	_ =	swait.ge @!p4 [sflag:s6], $0x4000  }
0x79: {  	s5 =	simm.s32 @!p5 $0x0;
	s7 =	simm.s32 @!p5 $0x8080;
	[sflag:s6] =	ssyncset.done @!p4 $0x0  }
0x7a: {  	s29 =	sadd.s32 $0x20, s29;
	[sflag:s6] =	ssyncadd.s32 @!p4 $0xFFFFC000;
	s6 =	simm.s32 @!p5 $0x4000  }
0x7b: {  	[tilespmem:s7], [sflag:$0x2] =	stream.linear.gather @!p5 [hbm4b:s26+s5], $0x80, $0x38;
	[tilespmem:$0x1F980] =	vst v63  }
0x7c: {  	s7 =	simm.s32 @!p1 $0x1  }
0x7d: {  	[tilespmem:s6], [sflag:$0x4] =	stream.linear.gather @!p5 [hbm4b:s19+s5], $0x4000, $0x38;
	[tilespmem:$0x1F980] =	vst v63  }
0x7e: {  	_ =	swait.ge @!p1 [sflag:s7], $0x80  }
0x7f: {  	[sflag:s7] =	ssyncset.done @!p1 $0x0  }
0x80: {  	s5 =	simm.s32 @!p1 $0x3;
	[sflag:s7] =	ssyncadd.s32 @!p1 $0xFFFFFF80  }
0x81: {  	s24 =	sadd.s32 s30, s9;
	_ =	swait.ge @!p1 [sflag:s5], $0x4000  }
0x82: {  	s8 =	simm.s32 @!p1 $0x5;
	s13 =	simm.s32 @!p1 $0x8000;
	[sflag:s5] =	ssyncset.done @!p1 $0x0  }
0x83: {  	s7 =	simm.s32 @!p1 $0x0;
	[sflag:s5] =	ssyncadd.s32 @!p1 $0xFFFFC000;
	s5 =	simm.s32 @!p1 $0x80  }
0x84: {  	[spmem:s1] =	stream.indirect.scatter.add.f32 @!p1 [tilespmem:s7], [sflag:$0x5], $0x80, s13, s5, $0xb8;
	[tilespmem:$0x1F980] =	vst v63  }
0x85: {  	s26 =	sadd.s32 $0x2, s24;
	_ =	swait.ge @!p1 [sflag:s8], $0x4000  }
0x86: {  	s30 =	sadd.s32 $0x1, s24;
	p2 =	sge.u32 s26, s11;
	[sflag:s8] =	ssyncset.done @!p1 $0x0  }
0x87: {  	s5 =	simm.s32 @!p2 $0x0;
	[sflag:s8] =	ssyncadd.s32 @!p1 $0xFFFFC000;
	s8 =	simm.s32 @!p2 $0x8000  }
0x88: {  	[tilespmem:s8], [sflag:$0x1] =	stream.linear.gather @!p2 [hbm4b:s0+s5], $0x80, $0x38;
	[tilespmem:$0x1F980] =	vst v63  }
0x89: {  	p1 =	sge.u32 s30, s11;
	s0 =	sshrl.u32 @!p2 s31, $0x3  }
0x8a: {  	s7 =	simm.s32 @!p1 $0x2;
	s0 =	sadd.s32 @!p2 s3, s0  }
0x8b: {  	[tilespmem:s5], [sflag:$0x3] =	stream.linear.gather @!p2 [hbm4b:s0+s5], $0x4000, $0x38;
	[tilespmem:$0x1F980] =	vst v63  }
0x8c: {  	_ =	swait.ge @!p1 [sflag:s7], $0x80  }
0x8d: {  	[sflag:s7] =	ssyncset.done @!p1 $0x0  }
0x8e: {  	s0 =	simm.s32 @!p1 $0x4;
	[sflag:s7] =	ssyncadd.s32 @!p1 $0xFFFFFF80  }
0x8f: {  	_ =	swait.ge @!p1 [sflag:s0], $0x4000  }
0x90: {  	s8 =	simm.s32 @!p1 $0x8080;
	s5 =	simm.s32 @!p1 $0x4000;
	[sflag:s0] =	ssyncset.done @!p1 $0x0  }
0x91: {  	s7 =	simm.s32 @!p1 $0x80;
	[sflag:s0] =	ssyncadd.s32 @!p1 $0xFFFFC000;
	s0 =	simm.s32 @!p1 $0x5  }
0x92: {  	[spmem:s1] =	stream.indirect.scatter.add.f32 @!p1 [tilespmem:s5], [sflag:$0x5], $0x80, s8, s7, $0xb8;
	[tilespmem:$0x1F980] =	vst v63  }
0x93: {  	s31 =	sadd.s32 $0x3, s24;
	_ =	swait.ge @!p1 [sflag:s0], $0x4000  }
0x94: {  	s2 =	sadd.s32 $0x1, s2;
	p2 =	sge.u32 s31, s11;
	[sflag:s0] =	ssyncset.done @!p1 $0x0  }
0x95: {  	s6 =	simm.s32 @!p2 $0x8080;
	s5 =	simm.s32 @!p2 $0x0;
	[sflag:s0] =	ssyncadd.s32 @!p1 $0xFFFFC000  }
0x96: {  	[tilespmem:s6], [sflag:$0x2] =	stream.linear.gather @!p2 [hbm4b:s29+s5], $0x80, $0x38;
	[tilespmem:$0x1F980] =	vst v63  }
0x97: {  	s0 =	simm.s32 @!p2 $0x4000;
	p1 =	sne.s32 s2, s17  }
0x98: {  	[tilespmem:s0], [sflag:$0x4] =	stream.linear.gather @!p2 [hbm4b:s28+s5], $0x4000, $0x38;
	[tilespmem:$0x1F980] =	vst v63  }
0x99: {  	s0 =	sshrl.u32 @!p0 s1, $0x3;
	s5 =	simm.s32 @!p0 $0x1C05;
	[bflag:$0x0] =	sbarrier.arrive $0xFFFF  }
0x9a: {  	[hbm:s16], [sflag:s5] =	dma.local @!p0 [spmem:s0], $0x27100  }
.Ltmp2:
0x9b: {  	_ = 	snop;
	(pc) =	sbr.rel @p1 .LBB2_1-.Ltmp2, $4  }
0x9c: {  	s0 =	simm.s32 @!p0 $0x5  }
0x9d: {  	_ =	swait.ge @!p0 [sflag:s0], $0x27100  }
0x9e: {  	[sflag:s0] =	ssyncset.done @!p0 $0x0  }
0x9f: {  	[sflag:s0] =	ssyncadd.s32 @!p0 $0xFFFD8F00  }
0xa0: {  	_ =	sfence.sel $0x180000  }
0xa1: {  	[bflag:$0x0] =	sbarrier.arrive $0xFFFF  }
0xa2: {  	_ =	strace $0x90000047  }
0xa3: {  	[bflag:$0x2] =	sbarrier.arrive $0xFFFF  }
0xa4: {  	s0 =	rddreg [dreg:$0x3]  }
0xa5: {  	s0 =	sadd.s32 @!p0 $0x100000, s0  }
0xa6: {  	[sflag:s0] =	ssyncadd.tile.s32 @!p0 $0x1;
	_ =	shalt  }
.Lfunc_end2:
_tile_overlayer_lowered:
.L_overlay_start_2:
0xa7: {  	(tag) =	ssettag $0x2  }
0xa8: {  	s0 =	rddreg [dreg:$0x0];
	s2 =	stileid.u32  }
0xa9: {  	s1 =	rddreg [dreg:$0x1];
	p0 =	sne.s32 s2, $0x0  }
0xaa: {  	s3 =	rddreg [dreg:$0x2];
	[bflag:$0x3] =	sbarrier.arrive $0xFFFF;
	s2 =	simm.s32 @!p0 $0x1C05  }
0xab: {  	[timem:s3], [sflag:s2] =	dma.local @!p0 [hbm:s0], s1  }
0xac: {  	s0 =	simm.s32 @!p0 $0x5  }
0xad: {  	_ =	swait.ge @!p0 [sflag:s0], s1  }
0xae: {  	s1 =	ssub.s32 @!p0 $0x0, s1;
	[sflag:s0] =	ssyncset.done @!p0 $0x0  }
0xaf: {  	[sflag:s0] =	ssyncadd.s32 @!p0 s1  }
0xb0: {  	[bflag:$0x3] =	sbarrier.arrive $0xFFFF  }
0xb1: {  	_ =	shalt  }

// kernel: seg_sum_e1_send.3.cloned.1.call-start
scs
__scs_entry_jumppad:
0x0: {  	(pc) =	sbr.rel $0x88, $3  }
0x1: {  	(tag) =	ssettag $0x0;
	lr =	simm.s32 $0x1  }
0x2: {  	[smem:$0x3F88] =	sst lr;
	_ =	strace $0xD0000000  }
0x3: {  	_ = 	snop  }
0x4: {  	_ = 	snop  }
0x5: {  	_ = 	snop  }
0x6: {  	_ = 	snop  }
0x7: {  	_ = 	snop  }
__scs_overlays_trampoline_lowered:
0x8: {  	[smem:$0x3F97] =	sst s0  }
0x9: {  	[smem:$0x3F98] =	sst s1  }
0xa: {  	[smem:$0x3F99] =	sst s2  }
0xb: {  	[smem:$0x3F9A] =	sst s3  }
0xc: {  	[smem:$0x3F9B] =	sst s4  }
0xd: {  	[smem:$0x3F9C] =	sst s5  }
0xe: {  	[smem:$0x3F9D] =	sst s6  }
0xf: {  	[smem:$0x3F9E] =	sst s7  }
0x10: {  	[smem:$0x3F9F] =	sst s8  }
0x11: {  	[smem:$0x3FA0] =	sst s9;
	s0 =	simm.s32 @!p0 $0x0  }
0x12: {  	s1 =	sld [smem:$0x3F86];
	s0 =	simm.s32 @p0 $0x1  }
0x13: {  	[smem:$0x3FA1] =	sst s0;
	s0 =	simm.s32 @!p1 $0x0  }
0x14: {  	s2 =	sld [smem:$0x3F85];
	s0 =	simm.s32 @p1 $0x1  }
0x15: {  	[smem:$0x3FA2] =	sst s0;
	s0 =	simm.s32 @!p2 $0x0  }
0x16: {  	s3 =	sld [smem:$0x3FDB];
	s0 =	simm.s32 @p2 $0x1  }
0x17: {  	s4 =	simm.s32 $0x1BF5;
	[smem:$0x3FA4] =	sst s0  }
0x18: {  	s0 =	sld [smem:$0x3F87];
	_ =	swait.ge [sflag:s4], $0x0  }
0x19: {  	s7 =	sld [smem:$0x3F88]  }
0x1a: {  	s8 =	sadd.s32 $0xFFFFE003, lr  }
0x1b: {  	s9 =	sadd.s32 $0xFFFFFEF7, lr;
	s5 =	simm.s32 $0xFFFFFFFF;
	p2 =	slt.u32 s8, $0xFFFFF086  }
0x1c: {  	p1 =	slt.u32 s9, $0xF7A;
	s5 =	simm.s32 @!p2 $0x0  }
0x1d: {  	s5 =	simm.s32 @p1 $0x1;
	p0 =	seq.s32 s7, s2  }
0x1e: {  	s7 =	smul.u32 @!p0 $0xF7A, s2;
	p2 =	seq.s32 @!p0 s5, $0x0  }
0x1f: {  	s9 =	smul.u32 $0xF7A, s1;
	s8 =	simm.s32 @!p0 $0x1BF5;
	p2 =	por !p2, p0  }
0x20: {  	[sflag:s8] =	ssyncset.s32 @!p0 $0xFFFFF086;
	s6 =	sadd.s32 @!p0 s3, s7;
	s7 =	simm.s32 @!p0 $0x108  }
0x21: {  	s3 =	sadd.s32 s3, s9;
	s6 =	sadd.s32 @!p0 $0x88, s6;
	s7 =	simm.s32 @p2 $0x1082  }
0x22: {  	[simem:s7], [sflag:s8] =	dma.local @!p0 [hbm:s6], $0xF7A  }
0x23: {  	s9 =	sor.u32 $0xD0000000, s2;
	s6 =	simm.s32 $0x108;
	_ =	swait.ge @!p0 [sflag:s8], $0x0  }
0x24: {  	s3 =	sadd.s32 $0x88, s3;
	s6 =	simm.s32 @!p1 $0x1082;
	[sflag:s4] =	ssyncset.s32 $0xFFFFF086  }
0x25: {  	[simem:s6], [sflag:s4] =	dma.local [hbm:s3], $0xF7A  }
0x26: {  	[smem:$0x3F88] =	sst s1;
	(tag) =	ssettag s2;
	_ =	strace s9  }
0x27: {  	s1 =	sld [smem:$0x3F98]  }
0x28: {  	s2 =	sld [smem:$0x3F99]  }
0x29: {  	s4 =	sld [smem:$0x3F9B]  }
0x2a: {  	p0 =	seq.s32 s5, $0x0;
	s5 =	sld [smem:$0x3F9C]  }
0x2b: {  	s6 =	sld [smem:$0x3F9D]  }
0x2c: {  	s7 =	sld [smem:$0x3F9E]  }
0x2d: {  	s3 =	simm.s32 $0x108;
	s8 =	sld [smem:$0x3F9F]  }
0x2e: {  	s3 =	simm.s32 @!p0 $0x1082;
	s9 =	sld [smem:$0x3FA0]  }
0x2f: {  	lr =	sadd.s32 s0, s3;
	s0 =	sld [smem:$0x3F97]  }
0x30: {  	s3 =	sld [smem:$0x3F9A]  }
0x31: {  	[smem:$0x3FA3] =	sst s10  }
0x32: {  	s10 =	sld [smem:$0x3FA1];
	_ =	sdelay $0x3  }
0x33: {  	p0 =	seq.s32 s10, $0x1;
	s10 =	sld [smem:$0x3FA3];
	_ =	sdelay $0x3  }
0x34: {  	[smem:$0x3FA3] =	sst s10  }
0x35: {  	s10 =	sld [smem:$0x3FA2];
	_ =	sdelay $0x3  }
0x36: {  	p1 =	seq.s32 s10, $0x1;
	s10 =	sld [smem:$0x3FA3];
	_ =	sdelay $0x3  }
0x37: {  	[smem:$0x3FA3] =	sst s10  }
0x38: {  	s10 =	sld [smem:$0x3FA4]  }
0x39: {  	_ = 	snop;
	(pc) =	sbr.ind lr, $3  }
0x3a: {  	_ = 	snop  }
0x3b: {  	_ = 	snop  }
0x3c: {  	p2 =	seq.s32 s10, $0x1;
	s10 =	sld [smem:$0x3FA3]  }
0x3d: {  	_ =	shalt  }
0x3e: {  	_ =	shalt  }
0x3f: {  	_ =	shalt  }
0x40: {  	_ =	shalt  }
0x41: {  	_ =	shalt  }
0x42: {  	_ =	shalt  }
0x43: {  	_ =	shalt  }
0x44: {  	_ =	shalt  }
0x45: {  	_ =	shalt  }
0x46: {  	_ =	shalt  }
0x47: {  	_ =	shalt  }
0x48: {  	_ =	shalt  }
0x49: {  	_ =	shalt  }
0x4a: {  	_ =	shalt  }
0x4b: {  	_ =	shalt  }
0x4c: {  	_ =	shalt  }
0x4d: {  	_ =	shalt  }
0x4e: {  	_ =	shalt  }
0x4f: {  	_ =	shalt  }
0x50: {  	_ =	shalt  }
0x51: {  	_ =	shalt  }
0x52: {  	_ =	shalt  }
0x53: {  	_ =	shalt  }
0x54: {  	_ =	shalt  }
0x55: {  	_ =	shalt  }
0x56: {  	_ =	shalt  }
0x57: {  	_ =	shalt  }
0x58: {  	_ =	shalt  }
0x59: {  	_ =	shalt  }
0x5a: {  	_ =	shalt  }
0x5b: {  	_ =	shalt  }
0x5c: {  	_ =	shalt  }
0x5d: {  	_ =	shalt  }
0x5e: {  	_ =	shalt  }
0x5f: {  	_ =	shalt  }
0x60: {  	_ =	shalt  }
0x61: {  	_ =	shalt  }
0x62: {  	_ =	shalt  }
0x63: {  	_ =	shalt  }
0x64: {  	_ =	shalt  }
0x65: {  	_ =	shalt  }
0x66: {  	_ =	shalt  }
0x67: {  	_ =	shalt  }
0x68: {  	_ =	shalt  }
0x69: {  	_ =	shalt  }
0x6a: {  	_ =	shalt  }
0x6b: {  	_ =	shalt  }
0x6c: {  	_ =	shalt  }
0x6d: {  	_ =	shalt  }
0x6e: {  	_ =	shalt  }
0x6f: {  	_ =	shalt  }
0x70: {  	_ =	shalt  }
0x71: {  	_ =	shalt  }
0x72: {  	_ =	shalt  }
0x73: {  	_ =	shalt  }
0x74: {  	_ =	shalt  }
0x75: {  	_ =	shalt  }
0x76: {  	_ =	shalt  }
0x77: {  	_ =	shalt  }
0x78: {  	_ =	shalt  }
0x79: {  	_ =	shalt  }
0x7a: {  	_ =	shalt  }
0x7b: {  	_ =	shalt  }
0x7c: {  	_ =	shalt  }
0x7d: {  	_ =	shalt  }
0x7e: {  	_ =	shalt  }
0x7f: {  	_ =	shalt  }
0x80: {  	_ =	shalt  }
0x81: {  	_ =	shalt  }
0x82: {  	_ =	shalt  }
0x83: {  	_ =	shalt  }
0x84: {  	_ =	shalt  }
0x85: {  	_ =	shalt  }
0x86: {  	_ =	shalt  }
0x87: {  	_ =	shalt  }
.Lfunc_end0:
.L_simem_size_0:
called_computation.2_lowered:
.L_overlay_start_0:
0x88: {  	s2 =	sld [smem:$0x3FD9]  }
0x89: {  	s3 =	sld [smem:$0x3FFE];
	_ =	sdelay $0x1  }
0x8a: {  	s1 =	srdreg.scid  }
0x8b: {  	s0 =	sand.u32 $0x1, s1  }
0x8c: {  	s17 =	sshll.u32 s0, $0xA;
	s2 =	sadd.s32 s3, s2  }
0x8d: {  	s2 =	sadd.s32 s2, s17  }
0x8e: {  	[smem:$0x3FAF] =	sst s2  }
0x8f: {  	_ = 	snop  }
0x90: {  	s18 =	sld [smem:$0x3FC6];
	(tm) =	ssettm $0x1  }
0x91: {  	s19 =	sld [smem:$0x3FFB];
	_ =	sdelay $0x3  }
0x92: {  	_ =	strace s19  }
0x93: {  	s2 =	sld [smem:$0x3FFC];
	_ =	sdelay $0x3  }
0x94: {  	_ =	strace s2  }
0x95: {  	s2 =	sld [smem:$0x3FFD];
	_ =	sdelay $0x3  }
0x96: {  	_ =	strace s2  }
0x97: {  	_ =	strace $0x8FFFFFFF  }
0x98: {  	s20 =	sld [smem:$0x3FDB];
	_ =	sdelay $0x1  }
0x99: {  	s4 =	simm.s32 $_scs_section_size  }
0x9a: {  	s5 =	simm.s32 $_size__tile_overlayer_lowered;
	s6 =	simm.s32 $_tile_overlayer_lowered  }
0x9b: {  	s7 =	simm.s32 $0x1BFF;
	s21 =	sshll.u32 s6, $0x1;
	s4 =	sadd.s32 s4, s20  }
0x9c: {  	s22 =	simm.s32 $0x0;
	s5 =	sshll.u32 s5, $0x1;
	s6 =	sadd.s32 s21, s4  }
0x9d: {  	[timem:s22], [sflag:s7] =	dma.local [hbm:s6], s5  }
0x9e: {  	_ =	swait.ge [sflag:s7], s5  }
0x9f: {  	s5 =	ssub.s32 $0x0, s5;
	[sflag:s7] =	ssyncset.done $0x0  }
0xa0: {  	[sflag:s7] =	ssyncadd.s32 s5;
	_ =	sdelay $0x1  }
0xa1: {  	s23 =	simm.s32 $0x1B8B  }
0xa2: {  	_ =	swait.ge [sflag:s23], $0x1  }
0xa3: {  	[sflag:s23] =	ssyncset.done $0x0  }
0xa4: {  	[sflag:s23] =	ssyncadd.s32 $0xFFFFFFFF  }
0xa5: {  	s5 =	sld [smem:$0x0]  }
0xa6: {  	s6 =	sand.u32 $0xFFFFFFFE, s1  }
0xa7: {  	p0 =	sne.s32 s1, s6  }
0xa8: {  	s6 =	sshll.u32 @p0 s6, $0xE  }
0xa9: {  	s6 =	sadd.s32 @p0 $0x11B8D, s6;
	s7 =	sshll.u32 @p0 s5, $0x11  }
0xaa: {  	s6 =	sor.u32 @p0 s7, s6  }
0xab: {  	[sflag:s6] =	ssyncadd.remote.s32 @p0 $0x1;
	_ =	sdelay $0x1  }
0xac: {  	s6 =	simm.s32 @p0 $0x1B8D  }
0xad: {  	_ =	swait.eq @p0 [sflag:s6], $0x1  }
0xae: {  	[sflag:s6] =	ssyncadd.s32 @p0 $0xFFFFFFFF  }
0xaf: {  	s7 =	sshll.u32 @!p0 s1, $0xE  }
0xb0: {  	s7 =	sor.u32 @!p0 $0x4000, s7;
	s6 =	simm.s32 @!p0 $0x1B8D  }
0xb1: {  	s5 =	sshll.u32 @!p0 s5, $0x11;
	s7 =	sadd.s32 @!p0 $0x11B8D, s7;
	_ =	swait.eq @!p0 [sflag:s6], $0x1  }
0xb2: {  	s5 =	sor.u32 @!p0 s5, s7;
	[sflag:s6] =	ssyncadd.s32 @!p0 $0xFFFFFFFF  }
0xb3: {  	s25 =	simm.s32 $0x1B8E;
	s24 =	sld [smem:$0x3FFE];
	[sflag:s5] =	ssyncadd.remote.s32 @!p0 $0x1  }
0xb4: {  	s26 =	simm.s32 $execute0_lowered;
	[smem:$0x3FD2] =	sst s25  }
0xb5: {  	s6 =	sshll.u32 s26, $0x1;
	_ =	strace $0x80000049;
	[dreg:$0x1] =	wrdreg $0xFFFFFFFF  }
0xb6: {  	s28 =	simm.s32 $_size_execute0_lowered;
	s4 =	sadd.s32 s4, s6;
	[dreg:$0x0] =	wrdreg $0x0  }
0xb7: {  	s6 =	sshll.u32 s28, $0x1;
	[dreg:$0x2] =	wrdreg s4  }
0xb8: {  	[dreg:$0x3] =	wrdreg s6  }
0xb9: {  	[dreg:$0x4] =	wrdreg $0xC0  }
0xba: {  	_ =	task [dreg:s22], $0x5FFFF  }
0xbb: {  	[dreg:$0x1] =	wrdreg $0xFFFFFFFF  }
0xbc: {  	[dreg:$0x0] =	wrdreg $0x60  }
0xbd: {  	[dreg:$0x2] =	wrdreg s24  }
0xbe: {  	[dreg:$0x3] =	wrdreg s18  }
0xbf: {  	[dreg:$0x4] =	wrdreg $0xC1000  }
0xc0: {  	[dreg:$0x5] =	wrdreg $0xB  }
0xc1: {  	_ =	task.clear_ibuf [dreg:s22], $0x6FFFF;
	_ =	strace $0x90000049  }
0xc2: {  	s29 =	simm.s32 $0xB;
	_ =	strace $0x8000004B  }
0xc3: {  	_ =	swait.ge [sflag:s29], $0x1  }
0xc4: {  	[sflag:s29] =	ssyncadd.s32 $0xFFFFFFFF  }
0xc5: {  	_ =	strace $0x9000004B  }
0xc6: {  	_ =	sfence  }
0xc7: {  	s30 =	sld [smem:$0x0];
	_ =	sdelay $0x2  }
0xc8: {  	s31 =	sshll.u32 s1, $0xD;
	s1 =	sshrl.u32 s1, $0x2  }
0xc9: {  	s4 =	sand.u32 $0x4000, s31;
	s1 =	sadd.s32 s1, s30  }
0xca: {  	s0 =	sor.u32 s4, s0;
	s1 =	sshll.u32 s1, $0x11  }
0xcb: {  	s0 =	sor.u32 s1, s0  }
0xcc: {  	s0 =	sadd.s32 $0x8F2B, s0  }
0xcd: {  	[sflag:s0] =	ssyncadd.remote.s32 $0x1  }
0xce: {  	_ =	sfence.sel $0xFFFF  }
0xcf: {  	[dreg:$0x0] =	wrdreg $0xFFFFFFFF;
	(pc) =	sbr.abs _section_cstart, $3  }
0xd0: {  	[dreg:$0x1] =	wrdreg $0xFFFFFFFF  }
0xd1: {  	_ =	task.clear_ibuf [dreg:s22], $0x2FFFF;
	_ =	strace $0x9FFFFFFF  }
0xd2: {  	(tm) =	ssettm $0x7FFFFFFF  }
0xd3: {  	_ =	shalt  }
tec
execute0_lowered:
.L_overlay_start_1:
0x0: {  	(tag) =	ssettag $0x1  }
0x1: {  	s0 =	rddreg [dreg:$0x0]  }
0x2: {  	s5 =	rddreg [dreg:$0x1]  }
0x3: {  	s1 =	rddreg [dreg:$0x2]  }
0x4: {  	s2 =	srdreg.scid;
	s19 =	stileid.u32;
	s10 =	simm.s32 $0x9D  }
0x5: {  	s22 =	simm.s32 $0x8100;
	s6 =	sand.u32 $0x1, s2;
	s7 =	smul.u32 $0x4E200, s19  }
0x6: {  	s2 =	simm.s32 $0x0;
	s3 =	sadd.s32 $0x4E6A00, s0;
	s9 =	smul.u32 $0x9C, s19  }
0x7: {  	s14 =	smin.u32 s19, $0x4;
	p0 =	slt.u32 s19, $0x4;
	s16 =	smul.u32 $0x270000, s19  }
0x8: {  	s4 =	smul.u32 $0x27100, s6;
	[smem:$0x7FF] =	sst s2;
	s8 =	ssub.s32 $0x2, s6  }
0x9: {  	s6 =	smul.u32 $0x2710000, s6;
	s10 =	simm.s32 @!p0 $0x9C;
	s29 =	sshll.u32 s14, $0xE  }
0xa: {  	p0 =	sne.s32 s19, $0x0;
	_ =	strace $0x8000004A;
	s23 =	sshrl.u32 s8, $0x1  }
0xb: {  	s7 =	sshrl.u32 s7, $0x2;
	s9 =	sadd.s32 s14, s9;
	s0 =	sadd.s32 s4, s0  }
0xc: {  	s17 =	ssub.s32 s8, s23;
	s4 =	sadd.s32 s7, s1;
	s12 =	sshll.u32 s9, $0x4  }
0xd: {  	s13 =	sshll.u32 s9, $0xE;
	s11 =	sadd.s32 s10, s9;
	s15 =	sadd.s32 $0x1, s9  }
0xe: {  	s23 =	simm.s32 $0x5;
	s7 =	sadd.s32 $0x3E80, s4;
	s24 =	sadd.s32 $0x7D00, s4  }
0xf: {  	s25 =	sadd.s32 $0xBB80, s4;
	s26 =	sadd.s32 $0xFA00, s4;
	[dreg:$0x4] =	wrdreg s7  }
0x10: {  	s12 =	sadd.s32 s5, s12;
	s13 =	sadd.s32 s6, s13;
	[dreg:$0x5] =	wrdreg s24  }
0x11: {  	s18 =	sshll.u32 s15, $0x4;
	s15 =	sshll.u32 s15, $0xE;
	[dreg:$0x6] =	wrdreg s25  }
0x12: {  	s17 =	smax.u32 s17, $0x1;
	[dreg:$0x7] =	wrdreg s26;
	s13 =	sshrl.u32 s13, $0x3  }
0x13: {  	s15 =	sadd.s32 s6, s15;
	s6 =	sadd.s32 s16, s6;
	s14 =	sadd.s32 s5, s18  }
0x14: {  	s16 =	sadd.s32 $0x52C00, s0;
	s18 =	sadd.s32 $0x30, s12;
	s6 =	sadd.s32 s29, s6  }
0x15: {  	s20 =	sadd.s32 $0x20, s12;
	s28 =	sadd.s32 s3, s13;
	s31 =	sadd.s32 $0xC000, s6  }
0x16: {  	s30 =	sshrl.u32 s15, $0x3;
	[dreg:$0x8] =	wrdreg s28;
	s0 =	sshrl.u32 s31, $0x3  }
0x17: {  	v0 =	vimm.f32 $0.0e+00;
	s15 =	sadd.s32 s3, s30;
	s21 =	sadd.s32 $0x8000, s6;
	s25 =	sadd.s32 s0, s3  }
.LBB2_1:
0x18: {  	s0 =	simm.s32 $0x0;
	s5 =	simm.s32 $0x200  }
.LBB2_2:
0x19: {  	p1 =	sne.s32 s5, $0xF800;
	[tilespmem:s0+$0x8170] =	vst v0  }
0x1a: {  	[tilespmem:s0+$0x8100] =	vst v0  }
0x1b: {  	[tilespmem:s0+$0x8110] =	vst v0  }
.Ltmp0:
0x1c: {  	[tilespmem:s0+$0x8120] =	vst v0;
	(pc) =	sbr.rel @p1 .LBB2_2-.Ltmp0, $4  }
0x1d: {  	[tilespmem:s0+$0x8130] =	vst v0  }
0x1e: {  	[tilespmem:s0+$0x8140] =	vst v0  }
0x1f: {  	[tilespmem:s0+$0x8150] =	vst v0  }
0x20: {  	[tilespmem:s0+$0x8160] =	vst v0;
	s0 =	sshra.s32 s5, $0x2;
	s5 =	sadd.s32 $0x200, s5  }
0x21: {  	[tilespmem:s0+$0x8170] =	vst v0  }
0x22: {  	[tilespmem:s0+$0x8100] =	vst v0  }
0x23: {  	[tilespmem:s0+$0x8110] =	vst v0  }
0x24: {  	[tilespmem:s0+$0x8120] =	vst v0  }
0x25: {  	[tilespmem:s0+$0x8130] =	vst v0  }
0x26: {  	[tilespmem:s0+$0x8140] =	vst v0  }
0x27: {  	[tilespmem:s0+$0x8150] =	vst v0  }
0x28: {  	[tilespmem:s0+$0x8160] =	vst v0  }
0x29: {  	[spmem:s4] =	stream.linear.scatter [tilespmem:s22], [sflag:$0x5], $0x3E80, $0x38;
	[tilespmem:$0x1F980] =	vst v63  }
0x2a: {  	_ =	swait.ge [sflag:s23], $0x3E80  }
0x2b: {  	[sflag:s23] =	ssyncset.done $0x0  }
0x2c: {  	s8 =	rddreg [dreg:$0x4];
	[sflag:s23] =	ssyncadd.s32 $0xFFFFC180  }
0x2d: {  	[spmem:s8] =	stream.linear.scatter [tilespmem:s22], [sflag:$0x5], $0x3E80, $0x38;
	[tilespmem:$0x1F980] =	vst v63  }
0x2e: {  	_ =	swait.ge [sflag:s23], $0x3E80  }
0x2f: {  	[sflag:s23] =	ssyncset.done $0x0  }
0x30: {  	s13 =	rddreg [dreg:$0x5];
	[sflag:s23] =	ssyncadd.s32 $0xFFFFC180  }
0x31: {  	[spmem:s13] =	stream.linear.scatter [tilespmem:s22], [sflag:$0x5], $0x3E80, $0x38;
	[tilespmem:$0x1F980] =	vst v63  }
0x32: {  	_ =	swait.ge [sflag:s23], $0x3E80  }
0x33: {  	[sflag:s23] =	ssyncset.done $0x0  }
0x34: {  	s19 =	rddreg [dreg:$0x6];
	[sflag:s23] =	ssyncadd.s32 $0xFFFFC180  }
0x35: {  	[spmem:s19] =	stream.linear.scatter [tilespmem:s22], [sflag:$0x5], $0x3E80, $0x38;
	[tilespmem:$0x1F980] =	vst v63  }
0x36: {  	_ =	swait.ge [sflag:s23], $0x3E80  }
0x37: {  	[sflag:s23] =	ssyncset.done $0x0  }
0x38: {  	s24 =	rddreg [dreg:$0x7];
	[sflag:s23] =	ssyncadd.s32 $0xFFFFC180  }
0x39: {  	[spmem:s24] =	stream.linear.scatter [tilespmem:s22], [sflag:$0x5], $0x3E80, $0x38;
	[tilespmem:$0x1F980] =	vst v63  }
0x3a: {  	_ =	swait.ge [sflag:s23], $0x3E80  }
0x3b: {  	[sflag:s23] =	ssyncset.done $0x0  }
0x3c: {  	[sflag:s23] =	ssyncadd.s32 $0xFFFFC180  }
0x3d: {  	s26 =	simm.s32 $0x0;
	s5 =	simm.s32 $0x8000;
	[bflag:$0x0] =	sbarrier.arrive $0xFFFF  }
0x3e: {  	[tilespmem:s5], [sflag:$0x1] =	stream.linear.gather [hbm4b:s12+s26], $0x80, $0x38;
	[tilespmem:$0x1F980] =	vst v63  }
0x3f: {  	p1 =	sle.u32 s10, $0x0;
	s6 =	rddreg [dreg:$0x8]  }
0x40: {  	[tilespmem:s26], [sflag:$0x3] =	stream.linear.gather [hbm4b:s6+s26], $0x4000, $0x38;
	[tilespmem:$0x1F980] =	vst v63  }
0x41: {  	s7 =	simm.s32 $0x8080;
	p1 =	por p1, p1  }
0x42: {  	[tilespmem:s7], [sflag:$0x2] =	stream.linear.gather [hbm4b:s14+s26], $0x80, $0x38;
	[tilespmem:$0x1F980] =	vst v63  }
0x43: {  	s0 =	simm.s32 @!p1 $0x1;
	s8 =	simm.s32 $0x4000  }
0x44: {  	[tilespmem:s8], [sflag:$0x4] =	stream.linear.gather [hbm4b:s15+s26], $0x4000, $0x38;
	[tilespmem:$0x1F980] =	vst v63  }
0x45: {  	_ =	swait.ge @!p1 [sflag:s0], $0x80  }
0x46: {  	[sflag:s0] =	ssyncset.done @!p1 $0x0  }
0x47: {  	[sflag:s0] =	ssyncadd.s32 @!p1 $0xFFFFFF80;
	s0 =	simm.s32 @!p1 $0x3  }
0x48: {  	s13 =	sadd.s32 $0x0, s9;
	_ =	swait.ge @!p1 [sflag:s0], $0x4000  }
0x49: {  	s19 =	simm.s32 @!p1 $0x5;
	s24 =	simm.s32 @!p1 $0x8000;
	[sflag:s0] =	ssyncset.done @!p1 $0x0  }
0x4a: {  	s6 =	simm.s32 @!p1 $0x0;
	[sflag:s0] =	ssyncadd.s32 @!p1 $0xFFFFC000;
	s0 =	simm.s32 @!p1 $0x80  }
0x4b: {  	[spmem:s1] =	stream.indirect.scatter.add.f32 @!p1 [tilespmem:s6], [sflag:$0x5], $0x80, s24, s0, $0xb8;
	[tilespmem:$0x1F980] =	vst v63  }
0x4c: {  	s24 =	sadd.s32 $0x2, s13;
	_ =	swait.ge @!p1 [sflag:s19], $0x4000  }
0x4d: {  	s26 =	sadd.s32 $0x1, s13;
	p2 =	sge.u32 s24, s11;
	[sflag:s19] =	ssyncset.done @!p1 $0x0  }
0x4e: {  	s0 =	simm.s32 @!p2 $0x0;
	[sflag:s19] =	ssyncadd.s32 @!p1 $0xFFFFC000;
	s19 =	simm.s32 @!p2 $0x8000  }
0x4f: {  	[tilespmem:s19], [sflag:$0x1] =	stream.linear.gather @!p2 [hbm4b:s20+s0], $0x80, $0x38;
	[tilespmem:$0x1F980] =	vst v63  }
0x50: {  	p1 =	sge.u32 s26, s11;
	s19 =	sshrl.u32 @!p2 s21, $0x3  }
0x51: {  	s6 =	sadd.s32 @!p2 s3, s19;
	s19 =	simm.s32 @!p1 $0x2  }
0x52: {  	[tilespmem:s0], [sflag:$0x3] =	stream.linear.gather @!p2 [hbm4b:s6+s0], $0x4000, $0x38;
	[tilespmem:$0x1F980] =	vst v63  }
0x53: {  	_ =	swait.ge @!p1 [sflag:s19], $0x80  }
0x54: {  	s30 =	simm.s32 $0x2;
	p6 =	sle.u32 s10, $0x2;
	[sflag:s19] =	ssyncset.done @!p1 $0x0  }
0x55: {  	s31 =	sadd.s32 $0x8000, s21;
	s0 =	simm.s32 @!p1 $0x4;
	[sflag:s19] =	ssyncadd.s32 @!p1 $0xFFFFFF80  }
0x56: {  	s28 =	sadd.s32 $0x1000, s25;
	s5 =	sadd.s32 $0x3, s13;
	_ =	swait.ge @!p1 [sflag:s0], $0x4000  }
0x57: {  	s24 =	simm.s32 @!p1 $0x8080;
	s6 =	simm.s32 @!p1 $0x4000;
	[sflag:s0] =	ssyncset.done @!p1 $0x0  }
0x58: {  	s19 =	simm.s32 @!p1 $0x80;
	[sflag:s0] =	ssyncadd.s32 @!p1 $0xFFFFC000;
	s0 =	simm.s32 @!p1 $0x5  }
0x59: {  	[spmem:s1] =	stream.indirect.scatter.add.f32 @!p1 [tilespmem:s6], [sflag:$0x5], $0x80, s24, s19, $0xb8;
	[tilespmem:$0x1F980] =	vst v63  }
0x5a: {  	s29 =	sadd.s32 $0x20, s18;
	p5 =	sge.u32 s5, s11;
	_ =	swait.ge @!p1 [sflag:s0], $0x4000  }
0x5b: {  	s5 =	simm.s32 @!p5 $0x0;
	s24 =	simm.s32 $0x4;
	[sflag:s0] =	ssyncset.done @!p1 $0x0  }
0x5c: {  	s6 =	simm.s32 @!p5 $0x8080;
	s19 =	smov.u32 s25;
	[sflag:s0] =	ssyncadd.s32 @!p1 $0xFFFFC000  }
0x5d: {  	[tilespmem:s6], [sflag:$0x2] =	stream.linear.gather @!p5 [hbm4b:s18+s5], $0x80, $0x38;
	[tilespmem:$0x1F980] =	vst v63  }
0x5e: {  	p1 =	por p6, p6;
	s0 =	sadd.s32 $0x20, s20;
	s6 =	simm.s32 @!p5 $0x4000  }
.LBB2_4:
0x5f: {  	p3 =	sge.u32 s24, s10;
	s7 =	simm.s32 @!p1 $0x1  }
0x60: {  	s8 =	smov.u32 s24;
	s24 =	sadd.s32 $0x2, s24;
	s26 =	smov.u32 s29  }
0x61: {  	[tilespmem:s6], [sflag:$0x4] =	stream.linear.gather @!p5 [hbm4b:s19+s5], $0x4000, $0x38;
	[tilespmem:$0x1F980] =	vst v63  }
0x62: {  	p2 =	sne.s32 s24, $0x9E;
	s19 =	smov.u32 s28;
	_ =	swait.ge @!p1 [sflag:s7], $0x80  }
0x63: {  	[sflag:s7] =	ssyncset.done @!p1 $0x0  }
0x64: {  	s5 =	simm.s32 @!p1 $0x3;
	[sflag:s7] =	ssyncadd.s32 @!p1 $0xFFFFFF80  }
0x65: {  	s6 =	sadd.s32 s30, s9;
	s30 =	smov.u32 s8;
	_ =	swait.ge @!p1 [sflag:s5], $0x4000  }
0x66: {  	s8 =	simm.s32 @!p1 $0x5;
	s7 =	simm.s32 @!p1 $0x0;
	[sflag:s5] =	ssyncset.done @!p1 $0x0  }
0x67: {  	s13 =	simm.s32 @!p1 $0x8000;
	[sflag:s5] =	ssyncadd.s32 @!p1 $0xFFFFC000;
	s5 =	simm.s32 @!p1 $0x80  }
0x68: {  	[spmem:s1] =	stream.indirect.scatter.add.f32 @!p1 [tilespmem:s7], [sflag:$0x5], $0x80, s13, s5, $0xb8;
	[tilespmem:$0x1F980] =	vst v63  }
0x69: {  	s5 =	sadd.s32 $0x2, s6;
	s7 =	sadd.s32 $0x1, s6;
	_ =	swait.ge @!p1 [sflag:s8], $0x4000  }
0x6a: {  	p5 =	sge.u32 s5, s11;
	s5 =	sadd.s32 $0x3, s6;
	[sflag:s8] =	ssyncset.done @!p1 $0x0  }
0x6b: {  	s6 =	simm.s32 @!p5 $0x0;
	[sflag:s8] =	ssyncadd.s32 @!p1 $0xFFFFC000;
	s8 =	simm.s32 @!p5 $0x8000  }
0x6c: {  	[tilespmem:s8], [sflag:$0x1] =	stream.linear.gather @!p5 [hbm4b:s0+s6], $0x80, $0x38;
	[tilespmem:$0x1F980] =	vst v63  }
0x6d: {  	p4 =	sge.u32 s7, s11;
	p1 =	por p3, p3;
	s8 =	sshrl.u32 @!p5 s31, $0x3  }
0x6e: {  	s7 =	sadd.s32 @!p5 s3, s8;
	s8 =	simm.s32 @!p4 $0x2  }
0x6f: {  	[tilespmem:s6], [sflag:$0x3] =	stream.linear.gather @!p5 [hbm4b:s7+s6], $0x4000, $0x38;
	[tilespmem:$0x1F980] =	vst v63  }
0x70: {  	_ =	swait.ge @!p4 [sflag:s8], $0x80  }
0x71: {  	s6 =	simm.s32 @!p4 $0x4;
	[sflag:s8] =	ssyncset.done @!p4 $0x0  }
0x72: {  	[sflag:s8] =	ssyncadd.s32 @!p4 $0xFFFFFF80  }
0x73: {  	s31 =	sadd.s32 $0x8000, s31;
	s7 =	simm.s32 @!p4 $0x4000;
	_ =	swait.ge @!p4 [sflag:s6], $0x4000  }
0x74: {  	s13 =	simm.s32 @!p4 $0x8080;
	s8 =	simm.s32 @!p4 $0x80;
	[sflag:s6] =	ssyncset.done @!p4 $0x0  }
0x75: {  	s0 =	sadd.s32 $0x20, s0;
	[sflag:s6] =	ssyncadd.s32 @!p4 $0xFFFFC000;
	s6 =	simm.s32 @!p4 $0x5  }
0x76: {  	[spmem:s1] =	stream.indirect.scatter.add.f32 @!p4 [tilespmem:s7], [sflag:$0x5], $0x80, s13, s8, $0xb8;
	[tilespmem:$0x1F980] =	vst v63  }
.Ltmp1:
0x77: {  	_ = 	snop;
	(pc) =	sbr.rel @p2 .LBB2_4-.Ltmp1, $4  }
0x78: {  	s28 =	sadd.s32 $0x1000, s28;
	p5 =	sge.u32 s5, s11;
	_ =	swait.ge @!p4 [sflag:s6], $0x4000  }
0x79: {  	s5 =	simm.s32 @!p5 $0x0;
	s7 =	simm.s32 @!p5 $0x8080;
	[sflag:s6] =	ssyncset.done @!p4 $0x0  }
0x7a: {  	s29 =	sadd.s32 $0x20, s29;
	[sflag:s6] =	ssyncadd.s32 @!p4 $0xFFFFC000;
	s6 =	simm.s32 @!p5 $0x4000  }
0x7b: {  	[tilespmem:s7], [sflag:$0x2] =	stream.linear.gather @!p5 [hbm4b:s26+s5], $0x80, $0x38;
	[tilespmem:$0x1F980] =	vst v63  }
0x7c: {  	s7 =	simm.s32 @!p1 $0x1  }
0x7d: {  	[tilespmem:s6], [sflag:$0x4] =	stream.linear.gather @!p5 [hbm4b:s19+s5], $0x4000, $0x38;
	[tilespmem:$0x1F980] =	vst v63  }
0x7e: {  	_ =	swait.ge @!p1 [sflag:s7], $0x80  }
0x7f: {  	[sflag:s7] =	ssyncset.done @!p1 $0x0  }
0x80: {  	s5 =	simm.s32 @!p1 $0x3;
	[sflag:s7] =	ssyncadd.s32 @!p1 $0xFFFFFF80  }
0x81: {  	s24 =	sadd.s32 s30, s9;
	_ =	swait.ge @!p1 [sflag:s5], $0x4000  }
0x82: {  	s8 =	simm.s32 @!p1 $0x5;
	s13 =	simm.s32 @!p1 $0x8000;
	[sflag:s5] =	ssyncset.done @!p1 $0x0  }
0x83: {  	s7 =	simm.s32 @!p1 $0x0;
	[sflag:s5] =	ssyncadd.s32 @!p1 $0xFFFFC000;
	s5 =	simm.s32 @!p1 $0x80  }
0x84: {  	[spmem:s1] =	stream.indirect.scatter.add.f32 @!p1 [tilespmem:s7], [sflag:$0x5], $0x80, s13, s5, $0xb8;
	[tilespmem:$0x1F980] =	vst v63  }
0x85: {  	s26 =	sadd.s32 $0x2, s24;
	_ =	swait.ge @!p1 [sflag:s8], $0x4000  }
0x86: {  	s30 =	sadd.s32 $0x1, s24;
	p2 =	sge.u32 s26, s11;
	[sflag:s8] =	ssyncset.done @!p1 $0x0  }
0x87: {  	s5 =	simm.s32 @!p2 $0x0;
	[sflag:s8] =	ssyncadd.s32 @!p1 $0xFFFFC000;
	s8 =	simm.s32 @!p2 $0x8000  }
0x88: {  	[tilespmem:s8], [sflag:$0x1] =	stream.linear.gather @!p2 [hbm4b:s0+s5], $0x80, $0x38;
	[tilespmem:$0x1F980] =	vst v63  }
0x89: {  	p1 =	sge.u32 s30, s11;
	s0 =	sshrl.u32 @!p2 s31, $0x3  }
0x8a: {  	s7 =	simm.s32 @!p1 $0x2;
	s0 =	sadd.s32 @!p2 s3, s0  }
0x8b: {  	[tilespmem:s5], [sflag:$0x3] =	stream.linear.gather @!p2 [hbm4b:s0+s5], $0x4000, $0x38;
	[tilespmem:$0x1F980] =	vst v63  }
0x8c: {  	_ =	swait.ge @!p1 [sflag:s7], $0x80  }
0x8d: {  	[sflag:s7] =	ssyncset.done @!p1 $0x0  }
0x8e: {  	s0 =	simm.s32 @!p1 $0x4;
	[sflag:s7] =	ssyncadd.s32 @!p1 $0xFFFFFF80  }
0x8f: {  	_ =	swait.ge @!p1 [sflag:s0], $0x4000  }
0x90: {  	s8 =	simm.s32 @!p1 $0x8080;
	s5 =	simm.s32 @!p1 $0x4000;
	[sflag:s0] =	ssyncset.done @!p1 $0x0  }
0x91: {  	s7 =	simm.s32 @!p1 $0x80;
	[sflag:s0] =	ssyncadd.s32 @!p1 $0xFFFFC000;
	s0 =	simm.s32 @!p1 $0x5  }
0x92: {  	[spmem:s1] =	stream.indirect.scatter.add.f32 @!p1 [tilespmem:s5], [sflag:$0x5], $0x80, s8, s7, $0xb8;
	[tilespmem:$0x1F980] =	vst v63  }
0x93: {  	s31 =	sadd.s32 $0x3, s24;
	_ =	swait.ge @!p1 [sflag:s0], $0x4000  }
0x94: {  	s2 =	sadd.s32 $0x1, s2;
	p2 =	sge.u32 s31, s11;
	[sflag:s0] =	ssyncset.done @!p1 $0x0  }
0x95: {  	s6 =	simm.s32 @!p2 $0x8080;
	s5 =	simm.s32 @!p2 $0x0;
	[sflag:s0] =	ssyncadd.s32 @!p1 $0xFFFFC000  }
0x96: {  	[tilespmem:s6], [sflag:$0x2] =	stream.linear.gather @!p2 [hbm4b:s29+s5], $0x80, $0x38;
	[tilespmem:$0x1F980] =	vst v63  }
0x97: {  	s0 =	simm.s32 @!p2 $0x4000;
	p1 =	sne.s32 s2, s17  }
0x98: {  	[tilespmem:s0], [sflag:$0x4] =	stream.linear.gather @!p2 [hbm4b:s28+s5], $0x4000, $0x38;
	[tilespmem:$0x1F980] =	vst v63  }
0x99: {  	s0 =	sshrl.u32 @!p0 s1, $0x3;
	s5 =	simm.s32 @!p0 $0x1C05;
	[bflag:$0x0] =	sbarrier.arrive $0xFFFF  }
0x9a: {  	[hbm:s16], [sflag:s5] =	dma.local @!p0 [spmem:s0], $0x27100  }
.Ltmp2:
0x9b: {  	_ = 	snop;
	(pc) =	sbr.rel @p1 .LBB2_1-.Ltmp2, $4  }
0x9c: {  	s0 =	simm.s32 @!p0 $0x5  }
0x9d: {  	_ =	swait.ge @!p0 [sflag:s0], $0x27100  }
0x9e: {  	[sflag:s0] =	ssyncset.done @!p0 $0x0  }
0x9f: {  	[sflag:s0] =	ssyncadd.s32 @!p0 $0xFFFD8F00  }
0xa0: {  	_ =	sfence.sel $0x180000  }
0xa1: {  	[bflag:$0x0] =	sbarrier.arrive $0xFFFF  }
0xa2: {  	_ =	strace $0x9000004A  }
0xa3: {  	[bflag:$0x2] =	sbarrier.arrive $0xFFFF  }
0xa4: {  	s0 =	rddreg [dreg:$0x3]  }
0xa5: {  	s0 =	sadd.s32 @!p0 $0x100000, s0  }
0xa6: {  	[sflag:s0] =	ssyncadd.tile.s32 @!p0 $0x1;
	_ =	shalt  }
.Lfunc_end2:
_tile_overlayer_lowered:
.L_overlay_start_2:
0xa7: {  	(tag) =	ssettag $0x2  }
0xa8: {  	s0 =	rddreg [dreg:$0x0];
	s2 =	stileid.u32  }
0xa9: {  	s1 =	rddreg [dreg:$0x1];
	p0 =	sne.s32 s2, $0x0  }
0xaa: {  	s3 =	rddreg [dreg:$0x2];
	[bflag:$0x3] =	sbarrier.arrive $0xFFFF;
	s2 =	simm.s32 @!p0 $0x1C05  }
0xab: {  	[timem:s3], [sflag:s2] =	dma.local @!p0 [hbm:s0], s1  }
0xac: {  	s0 =	simm.s32 @!p0 $0x5  }
0xad: {  	_ =	swait.ge @!p0 [sflag:s0], s1  }
0xae: {  	s1 =	ssub.s32 @!p0 $0x0, s1;
	[sflag:s0] =	ssyncset.done @!p0 $0x0  }
0xaf: {  	[sflag:s0] =	ssyncadd.s32 @!p0 s1  }
0xb0: {  	[bflag:$0x3] =	sbarrier.arrive $0xFFFF  }
0xb1: {  	_ =	shalt  }

// kernel: seg_sum_e2.3.cloned.1.call-start
scs
__scs_entry_jumppad:
0x0: {  	(pc) =	sbr.rel $0x88, $3  }
0x1: {  	(tag) =	ssettag $0x0;
	lr =	simm.s32 $0x1  }
0x2: {  	[smem:$0x3F88] =	sst lr;
	_ =	strace $0xD0000000  }
0x3: {  	_ = 	snop  }
0x4: {  	_ = 	snop  }
0x5: {  	_ = 	snop  }
0x6: {  	_ = 	snop  }
0x7: {  	_ = 	snop  }
__scs_overlays_trampoline_lowered:
0x8: {  	[smem:$0x3F97] =	sst s0  }
0x9: {  	[smem:$0x3F98] =	sst s1  }
0xa: {  	[smem:$0x3F99] =	sst s2  }
0xb: {  	[smem:$0x3F9A] =	sst s3  }
0xc: {  	[smem:$0x3F9B] =	sst s4  }
0xd: {  	[smem:$0x3F9C] =	sst s5  }
0xe: {  	[smem:$0x3F9D] =	sst s6  }
0xf: {  	[smem:$0x3F9E] =	sst s7  }
0x10: {  	[smem:$0x3F9F] =	sst s8  }
0x11: {  	[smem:$0x3FA0] =	sst s9;
	s0 =	simm.s32 @!p0 $0x0  }
0x12: {  	s1 =	sld [smem:$0x3F86];
	s0 =	simm.s32 @p0 $0x1  }
0x13: {  	[smem:$0x3FA1] =	sst s0;
	s0 =	simm.s32 @!p1 $0x0  }
0x14: {  	s2 =	sld [smem:$0x3F85];
	s0 =	simm.s32 @p1 $0x1  }
0x15: {  	[smem:$0x3FA2] =	sst s0;
	s0 =	simm.s32 @!p2 $0x0  }
0x16: {  	s3 =	sld [smem:$0x3FDB];
	s0 =	simm.s32 @p2 $0x1  }
0x17: {  	s4 =	simm.s32 $0x1BF5;
	[smem:$0x3FA4] =	sst s0  }
0x18: {  	s0 =	sld [smem:$0x3F87];
	_ =	swait.ge [sflag:s4], $0x0  }
0x19: {  	s7 =	sld [smem:$0x3F88]  }
0x1a: {  	s8 =	sadd.s32 $0xFFFFE003, lr  }
0x1b: {  	s9 =	sadd.s32 $0xFFFFFEF7, lr;
	s5 =	simm.s32 $0xFFFFFFFF;
	p2 =	slt.u32 s8, $0xFFFFF086  }
0x1c: {  	p1 =	slt.u32 s9, $0xF7A;
	s5 =	simm.s32 @!p2 $0x0  }
0x1d: {  	s5 =	simm.s32 @p1 $0x1;
	p0 =	seq.s32 s7, s2  }
0x1e: {  	s7 =	smul.u32 @!p0 $0xF7A, s2;
	p2 =	seq.s32 @!p0 s5, $0x0  }
0x1f: {  	s9 =	smul.u32 $0xF7A, s1;
	s8 =	simm.s32 @!p0 $0x1BF5;
	p2 =	por !p2, p0  }
0x20: {  	[sflag:s8] =	ssyncset.s32 @!p0 $0xFFFFF086;
	s6 =	sadd.s32 @!p0 s3, s7;
	s7 =	simm.s32 @!p0 $0x108  }
0x21: {  	s3 =	sadd.s32 s3, s9;
	s6 =	sadd.s32 @!p0 $0x88, s6;
	s7 =	simm.s32 @p2 $0x1082  }
0x22: {  	[simem:s7], [sflag:s8] =	dma.local @!p0 [hbm:s6], $0xF7A  }
0x23: {  	s9 =	sor.u32 $0xD0000000, s2;
	s6 =	simm.s32 $0x108;
	_ =	swait.ge @!p0 [sflag:s8], $0x0  }
0x24: {  	s3 =	sadd.s32 $0x88, s3;
	s6 =	simm.s32 @!p1 $0x1082;
	[sflag:s4] =	ssyncset.s32 $0xFFFFF086  }
0x25: {  	[simem:s6], [sflag:s4] =	dma.local [hbm:s3], $0xF7A  }
0x26: {  	[smem:$0x3F88] =	sst s1;
	(tag) =	ssettag s2;
	_ =	strace s9  }
0x27: {  	s1 =	sld [smem:$0x3F98]  }
0x28: {  	s2 =	sld [smem:$0x3F99]  }
0x29: {  	s4 =	sld [smem:$0x3F9B]  }
0x2a: {  	p0 =	seq.s32 s5, $0x0;
	s5 =	sld [smem:$0x3F9C]  }
0x2b: {  	s6 =	sld [smem:$0x3F9D]  }
0x2c: {  	s7 =	sld [smem:$0x3F9E]  }
0x2d: {  	s3 =	simm.s32 $0x108;
	s8 =	sld [smem:$0x3F9F]  }
0x2e: {  	s3 =	simm.s32 @!p0 $0x1082;
	s9 =	sld [smem:$0x3FA0]  }
0x2f: {  	lr =	sadd.s32 s0, s3;
	s0 =	sld [smem:$0x3F97]  }
0x30: {  	s3 =	sld [smem:$0x3F9A]  }
0x31: {  	[smem:$0x3FA3] =	sst s10  }
0x32: {  	s10 =	sld [smem:$0x3FA1];
	_ =	sdelay $0x3  }
0x33: {  	p0 =	seq.s32 s10, $0x1;
	s10 =	sld [smem:$0x3FA3];
	_ =	sdelay $0x3  }
0x34: {  	[smem:$0x3FA3] =	sst s10  }
0x35: {  	s10 =	sld [smem:$0x3FA2];
	_ =	sdelay $0x3  }
0x36: {  	p1 =	seq.s32 s10, $0x1;
	s10 =	sld [smem:$0x3FA3];
	_ =	sdelay $0x3  }
0x37: {  	[smem:$0x3FA3] =	sst s10  }
0x38: {  	s10 =	sld [smem:$0x3FA4]  }
0x39: {  	_ = 	snop;
	(pc) =	sbr.ind lr, $3  }
0x3a: {  	_ = 	snop  }
0x3b: {  	_ = 	snop  }
0x3c: {  	p2 =	seq.s32 s10, $0x1;
	s10 =	sld [smem:$0x3FA3]  }
0x3d: {  	_ =	shalt  }
0x3e: {  	_ =	shalt  }
0x3f: {  	_ =	shalt  }
0x40: {  	_ =	shalt  }
0x41: {  	_ =	shalt  }
0x42: {  	_ =	shalt  }
0x43: {  	_ =	shalt  }
0x44: {  	_ =	shalt  }
0x45: {  	_ =	shalt  }
0x46: {  	_ =	shalt  }
0x47: {  	_ =	shalt  }
0x48: {  	_ =	shalt  }
0x49: {  	_ =	shalt  }
0x4a: {  	_ =	shalt  }
0x4b: {  	_ =	shalt  }
0x4c: {  	_ =	shalt  }
0x4d: {  	_ =	shalt  }
0x4e: {  	_ =	shalt  }
0x4f: {  	_ =	shalt  }
0x50: {  	_ =	shalt  }
0x51: {  	_ =	shalt  }
0x52: {  	_ =	shalt  }
0x53: {  	_ =	shalt  }
0x54: {  	_ =	shalt  }
0x55: {  	_ =	shalt  }
0x56: {  	_ =	shalt  }
0x57: {  	_ =	shalt  }
0x58: {  	_ =	shalt  }
0x59: {  	_ =	shalt  }
0x5a: {  	_ =	shalt  }
0x5b: {  	_ =	shalt  }
0x5c: {  	_ =	shalt  }
0x5d: {  	_ =	shalt  }
0x5e: {  	_ =	shalt  }
0x5f: {  	_ =	shalt  }
0x60: {  	_ =	shalt  }
0x61: {  	_ =	shalt  }
0x62: {  	_ =	shalt  }
0x63: {  	_ =	shalt  }
0x64: {  	_ =	shalt  }
0x65: {  	_ =	shalt  }
0x66: {  	_ =	shalt  }
0x67: {  	_ =	shalt  }
0x68: {  	_ =	shalt  }
0x69: {  	_ =	shalt  }
0x6a: {  	_ =	shalt  }
0x6b: {  	_ =	shalt  }
0x6c: {  	_ =	shalt  }
0x6d: {  	_ =	shalt  }
0x6e: {  	_ =	shalt  }
0x6f: {  	_ =	shalt  }
0x70: {  	_ =	shalt  }
0x71: {  	_ =	shalt  }
0x72: {  	_ =	shalt  }
0x73: {  	_ =	shalt  }
0x74: {  	_ =	shalt  }
0x75: {  	_ =	shalt  }
0x76: {  	_ =	shalt  }
0x77: {  	_ =	shalt  }
0x78: {  	_ =	shalt  }
0x79: {  	_ =	shalt  }
0x7a: {  	_ =	shalt  }
0x7b: {  	_ =	shalt  }
0x7c: {  	_ =	shalt  }
0x7d: {  	_ =	shalt  }
0x7e: {  	_ =	shalt  }
0x7f: {  	_ =	shalt  }
0x80: {  	_ =	shalt  }
0x81: {  	_ =	shalt  }
0x82: {  	_ =	shalt  }
0x83: {  	_ =	shalt  }
0x84: {  	_ =	shalt  }
0x85: {  	_ =	shalt  }
0x86: {  	_ =	shalt  }
0x87: {  	_ =	shalt  }
.Lfunc_end0:
.L_simem_size_0:
called_computation.3_lowered:
.L_overlay_start_0:
0x88: {  	s2 =	sld [smem:$0x3FD9]  }
0x89: {  	s3 =	sld [smem:$0x3FFE];
	_ =	sdelay $0x1  }
0x8a: {  	s1 =	srdreg.scid  }
0x8b: {  	s0 =	sand.u32 $0x1, s1  }
0x8c: {  	s15 =	sshll.u32 s0, $0xA;
	s2 =	sadd.s32 s3, s2  }
0x8d: {  	s2 =	sadd.s32 s2, s15  }
0x8e: {  	[smem:$0x3FAF] =	sst s2  }
0x8f: {  	_ = 	snop  }
0x90: {  	s16 =	sld [smem:$0x3FD0];
	_ =	sdelay $0x1  }
0x91: {  	s2 =	sld [smem:$0x3FC6]  }
0x92: {  	s5 =	simm.s32 $0xD;
	s6 =	simm.s32 $0x10;
	s4 =	sld [smem:$0x3FC5]  }
0x93: {  	[smem:s6], [sflag:s5] =	dma.local [hbm:s16], $0x1  }
0x94: {  	_ =	swait.eq [sflag:s5], $0x1  }
0x95: {  	[sflag:s5] =	ssyncset.done $0x0  }
0x96: {  	[sflag:s5] =	ssyncadd.s32 $0xFFFFFFFF  }
0x97: {  	s17 =	sld [smem:$0x11];
	(tm) =	ssettm $0x1  }
0x98: {  	s18 =	sld [smem:$0x3FFB];
	_ =	sdelay $0x3  }
0x99: {  	_ =	strace s18  }
0x9a: {  	s3 =	sld [smem:$0x3FFC];
	_ =	sdelay $0x3  }
0x9b: {  	_ =	strace s3  }
0x9c: {  	s3 =	sld [smem:$0x3FFD];
	_ =	sdelay $0x3  }
0x9d: {  	_ =	strace s3  }
0x9e: {  	_ =	strace $0x8FFFFFFF  }
0x9f: {  	s19 =	sld [smem:$0x3FDB];
	_ =	sdelay $0x1  }
0xa0: {  	s20 =	simm.s32 $_scs_section_size  }
0xa1: {  	s7 =	simm.s32 $_size__tile_overlayer_lowered;
	s8 =	simm.s32 $_tile_overlayer_lowered  }
0xa2: {  	s9 =	simm.s32 $0x1BFF;
	s21 =	sshll.u32 s8, $0x1;
	s6 =	sadd.s32 s20, s19  }
0xa3: {  	s22 =	simm.s32 $0x0;
	s7 =	sshll.u32 s7, $0x1;
	s8 =	sadd.s32 s21, s6  }
0xa4: {  	[timem:s22], [sflag:s9] =	dma.local [hbm:s8], s7  }
0xa5: {  	_ =	swait.ge [sflag:s9], s7  }
0xa6: {  	s7 =	ssub.s32 $0x0, s7;
	[sflag:s9] =	ssyncset.done $0x0  }
0xa7: {  	[sflag:s9] =	ssyncadd.s32 s7;
	_ =	sdelay $0x1  }
0xa8: {  	s23 =	simm.s32 $0x1B8B  }
0xa9: {  	_ =	swait.ge [sflag:s23], $0x1  }
0xaa: {  	[sflag:s23] =	ssyncset.done $0x0  }
0xab: {  	[sflag:s23] =	ssyncadd.s32 $0xFFFFFFFF  }
0xac: {  	s7 =	sld [smem:$0x0]  }
0xad: {  	s8 =	sand.u32 $0xFFFFFFFE, s1  }
0xae: {  	p0 =	sne.s32 s1, s8  }
0xaf: {  	s8 =	sshll.u32 @p0 s8, $0xE  }
0xb0: {  	s8 =	sadd.s32 @p0 $0x11B8D, s8;
	s9 =	sshll.u32 @p0 s7, $0x11  }
0xb1: {  	s8 =	sor.u32 @p0 s9, s8  }
0xb2: {  	[sflag:s8] =	ssyncadd.remote.s32 @p0 $0x1;
	_ =	sdelay $0x1  }
0xb3: {  	s8 =	simm.s32 @p0 $0x1B8D  }
0xb4: {  	_ =	swait.eq @p0 [sflag:s8], $0x1  }
0xb5: {  	[sflag:s8] =	ssyncadd.s32 @p0 $0xFFFFFFFF  }
0xb6: {  	s9 =	sshll.u32 @!p0 s1, $0xE  }
0xb7: {  	s9 =	sor.u32 @!p0 $0x4000, s9;
	s8 =	simm.s32 @!p0 $0x1B8D  }
0xb8: {  	s7 =	sshll.u32 @!p0 s7, $0x11;
	s9 =	sadd.s32 @!p0 $0x11B8D, s9;
	_ =	swait.eq @!p0 [sflag:s8], $0x1  }
0xb9: {  	s7 =	sor.u32 @!p0 s7, s9;
	[sflag:s8] =	ssyncadd.s32 @!p0 $0xFFFFFFFF  }
0xba: {  	s25 =	simm.s32 $0x1B8E;
	s24 =	sld [smem:$0x3FFE];
	[sflag:s7] =	ssyncadd.remote.s32 @!p0 $0x1  }
0xbb: {  	s26 =	simm.s32 $execute0_lowered;
	[smem:$0x3FD2] =	sst s25  }
0xbc: {  	s8 =	sshll.u32 s26, $0x1;
	_ =	strace $0x8000004C;
	[dreg:$0x1] =	wrdreg $0xFFFFFFFF  }
0xbd: {  	s28 =	simm.s32 $_size_execute0_lowered;
	s6 =	sadd.s32 s6, s8;
	[dreg:$0x0] =	wrdreg $0x0  }
0xbe: {  	s8 =	sshll.u32 s28, $0x1;
	[dreg:$0x2] =	wrdreg s6  }
0xbf: {  	[dreg:$0x3] =	wrdreg s8  }
0xc0: {  	[dreg:$0x4] =	wrdreg $0xC0  }
0xc1: {  	_ =	task [dreg:s22], $0x5FFFF  }
0xc2: {  	[dreg:$0x1] =	wrdreg $0xFFFFFFFF  }
0xc3: {  	[dreg:$0x0] =	wrdreg $0x60  }
0xc4: {  	[dreg:$0x2] =	wrdreg s17  }
0xc5: {  	[dreg:$0x3] =	wrdreg s4  }
0xc6: {  	[dreg:$0x4] =	wrdreg s2  }
0xc7: {  	[dreg:$0x5] =	wrdreg s24  }
0xc8: {  	[dreg:$0x6] =	wrdreg $0xC1000  }
0xc9: {  	[dreg:$0x7] =	wrdreg $0xC  }
0xca: {  	_ =	task.clear_ibuf [dreg:s22], $0x8FFFF;
	_ =	strace $0x9000004C  }
0xcb: {  	s29 =	simm.s32 $0xC;
	_ =	strace $0x8000004E  }
0xcc: {  	_ =	swait.ge [sflag:s29], $0x1  }
0xcd: {  	[sflag:s29] =	ssyncadd.s32 $0xFFFFFFFF  }
0xce: {  	_ =	strace $0x9000004E  }
0xcf: {  	_ =	sfence  }
0xd0: {  	s30 =	sld [smem:$0x0];
	_ =	sdelay $0x2  }
0xd1: {  	s31 =	sshll.u32 s1, $0xD;
	s1 =	sshrl.u32 s1, $0x2  }
0xd2: {  	s4 =	sand.u32 $0x4000, s31;
	s1 =	sadd.s32 s1, s30  }
0xd3: {  	s0 =	sor.u32 s4, s0;
	s1 =	sshll.u32 s1, $0x11  }
0xd4: {  	s0 =	sor.u32 s1, s0  }
0xd5: {  	s0 =	sadd.s32 $0x8F2B, s0  }
0xd6: {  	[sflag:s0] =	ssyncadd.remote.s32 $0x1  }
0xd7: {  	_ =	sfence.sel $0xFFFF  }
0xd8: {  	[dreg:$0x0] =	wrdreg $0xFFFFFFFF;
	(pc) =	sbr.abs _section_cstart, $3  }
0xd9: {  	[dreg:$0x1] =	wrdreg $0xFFFFFFFF  }
0xda: {  	_ =	task.clear_ibuf [dreg:s22], $0x2FFFF;
	_ =	strace $0x9FFFFFFF  }
0xdb: {  	(tm) =	ssettm $0x7FFFFFFF  }
tec
execute0_lowered:
.L_overlay_start_1:
0x0: {  	(tag) =	ssettag $0x1  }
0x1: {  	s0 =	rddreg [dreg:$0x0]  }
0x2: {  	s11 =	rddreg [dreg:$0x1]  }
0x3: {  	s13 =	rddreg [dreg:$0x2]  }
0x4: {  	s3 =	rddreg [dreg:$0x3]  }
0x5: {  	s1 =	rddreg [dreg:$0x4]  }
0x6: {  	s4 =	srdreg.scid;
	s15 =	stileid.u32;
	s2 =	simm.s32 $0x0  }
0x7: {  	s8 =	simm.s32 $0x9D;
	s9 =	sand.u32 $0x1, s4;
	s21 =	smul.u32 $0x4E200, s15  }
0x8: {  	[smem:$0x7FF] =	sst s2;
	s10 =	smul.u32 $0x9C, s15;
	s12 =	smin.u32 s15, $0x4  }
0x9: {  	p1 =	slt.u32 s15, $0x4;
	s5 =	smul.u32 $0x27100, s9;
	_ =	strace $0x8000004D  }
0xa: {  	s6 =	ssub.s32 $0x2, s9;
	p0 =	seq.s32 s9, $0x1;
	s8 =	simm.s32 @!p1 $0x9C  }
0xb: {  	p1 =	sne.s32 s15, $0x0;
	s4 =	sshrl.u32 s21, $0x2;
	s22 =	sshrl.u32 s6, $0x1  }
0xc: {  	s9 =	sadd.s32 s12, s10;
	s16 =	sadd.s32 s5, s3;
	s3 =	sadd.s32 s4, s1  }
0xd: {  	s18 =	ssub.s32 s6, s22;
	s10 =	sadd.s32 s8, s9;
	s19 =	sshll.u32 s9, $0x4  }
0xe: {  	s14 =	sadd.s32 $0x1, s9;
	s12 =	sshll.u32 s9, $0xB;
	s4 =	sadd.s32 $0x3E80, s3  }
0xf: {  	s23 =	sadd.s32 $0x7D00, s3;
	s24 =	sadd.s32 $0xBB80, s3;
	s7 =	sadd.s32 $0xFA00, s3  }
0x10: {  	s25 =	sadd.s32 s11, s19;
	s17 =	sshll.u32 s14, $0x4;
	s12 =	sadd.s32 s0, s12  }
0x11: {  	s14 =	sshll.u32 s14, $0xB;
	s28 =	sadd.s32 s13, s19;
	[dreg:$0x6] =	wrdreg s4  }
0x12: {  	s18 =	smax.u32 s18, $0x1;
	s31 =	sadd.s32 $0x30, s19;
	[dreg:$0x7] =	wrdreg s23  }
0x13: {  	[dreg:$0x8] =	wrdreg s24;
	s26 =	sadd.s32 s11, s17;
	s14 =	sadd.s32 s0, s14  }
.Ltmp0:
0x14: {  	s29 =	sadd.s32 s13, s17;
	s17 =	sadd.s32 $0xA0E00, s16;
	(pc) =	sbr.rel .LBB2_1-.Ltmp0, $4  }
0x15: {  	s19 =	sadd.s32 s31, s11;
	s30 =	sadd.s32 $0x1800, s12;
	[dreg:$0x9] =	wrdreg s25  }
0x16: {  	s21 =	sadd.s32 $0x20, s25;
	s22 =	sadd.s32 $0x1000, s12;
	[dreg:$0xb] =	wrdreg s28  }
0x17: {  	s23 =	sadd.s32 s31, s13;
	s24 =	sadd.s32 $0x20, s28;
	[dreg:$0xa] =	wrdreg s26  }
0x18: {  	v0 =	vimm.f32 $0.0e+00;
	s25 =	simm.s32 $0x8100;
	[dreg:$0xc] =	wrdreg s29;
	s26 =	simm.s32 $0x5  }
.LBB2_6:
0x19: {  	[tilespmem:s15], [sflag:$0x4] =	stream.linear.gather @!p4 [hbm4b:s20+s11], $0x4000, $0x38;
	[tilespmem:$0x1F980] =	vst v63  }
0x1a: {  	s4 =	simm.s32 @!p2 $0x1  }
0x1b: {  	_ =	swait.ge @!p2 [sflag:s4], $0x80  }
0x1c: {  	[sflag:s4] =	ssyncset.done @!p2 $0x0  }
0x1d: {  	[sflag:s4] =	ssyncadd.s32 @!p2 $0xFFFFFF80;
	s4 =	simm.s32 @!p2 $0x3  }
0x1e: {  	s5 =	sadd.s32 s13, s9;
	_ =	swait.ge @!p2 [sflag:s4], $0x4000  }
0x1f: {  	s6 =	simm.s32 @!p2 $0x0;
	s11 =	simm.s32 @!p2 $0x5;
	[sflag:s4] =	ssyncset.done @!p2 $0x0  }
0x20: {  	s13 =	simm.s32 @!p2 $0x8000;
	[sflag:s4] =	ssyncadd.s32 @!p2 $0xFFFFC000;
	s4 =	simm.s32 @!p2 $0x80  }
0x21: {  	[spmem:s1] =	stream.indirect.scatter.add.f32 @!p2 [tilespmem:s6], [sflag:$0x5], $0x80, s13, s4, $0xb8;
	[tilespmem:$0x1F980] =	vst v63  }
0x22: {  	s16 =	sadd.s32 $0x2, s5;
	s20 =	sadd.s32 $0x1, s5;
	_ =	swait.ge @!p2 [sflag:s11], $0x4000  }
0x23: {  	p4 =	sge.u32 s16, s10;
	p3 =	sge.u32 s20, s10;
	[sflag:s11] =	ssyncset.done @!p2 $0x0  }
0x24: {  	s4 =	simm.s32 @!p4 $0x0;
	s6 =	simm.s32 @!p4 $0x8000;
	[sflag:s11] =	ssyncadd.s32 @!p2 $0xFFFFC000  }
0x25: {  	[tilespmem:s6], [sflag:$0x1] =	stream.linear.gather @!p4 [hbm4b:s29+s4], $0x80, $0x38;
	[tilespmem:$0x1F980] =	vst v63  }
0x26: {  	s6 =	simm.s32 @!p3 $0x2  }
0x27: {  	[tilespmem:s4], [sflag:$0x3] =	stream.linear.gather @!p4 [hbm4b:s28+s4], $0x4000, $0x38;
	[tilespmem:$0x1F980] =	vst v63  }
0x28: {  	_ =	swait.ge @!p3 [sflag:s6], $0x80  }
0x29: {  	[sflag:s6] =	ssyncset.done @!p3 $0x0  }
0x2a: {  	s4 =	simm.s32 @!p3 $0x4;
	[sflag:s6] =	ssyncadd.s32 @!p3 $0xFFFFFF80  }
0x2b: {  	_ =	swait.ge @!p3 [sflag:s4], $0x4000  }
0x2c: {  	s13 =	simm.s32 @!p3 $0x8080;
	s11 =	simm.s32 @!p3 $0x5;
	[sflag:s4] =	ssyncset.done @!p3 $0x0  }
0x2d: {  	s6 =	simm.s32 @!p3 $0x4000;
	[sflag:s4] =	ssyncadd.s32 @!p3 $0xFFFFC000;
	s4 =	simm.s32 @!p3 $0x80  }
0x2e: {  	[spmem:s1] =	stream.indirect.scatter.add.f32 @!p3 [tilespmem:s6], [sflag:$0x5], $0x80, s13, s4, $0xb8;
	[tilespmem:$0x1F980] =	vst v63  }
0x2f: {  	s29 =	sadd.s32 $0x3, s5;
	_ =	swait.ge @!p3 [sflag:s11], $0x4000  }
0x30: {  	p2 =	sge.u32 s29, s10;
	[sflag:s11] =	ssyncset.done @!p3 $0x0  }
0x31: {  	s5 =	simm.s32 @!p2 $0x8080;
	s4 =	simm.s32 @!p2 $0x0;
	[sflag:s11] =	ssyncadd.s32 @!p3 $0xFFFFC000  }
0x32: {  	[tilespmem:s5], [sflag:$0x2] =	stream.linear.gather @!p2 [hbm4b:s0+s4], $0x80, $0x38;
	[tilespmem:$0x1F980] =	vst v63  }
0x33: {  	s0 =	simm.s32 @!p2 $0x4000  }
0x34: {  	[tilespmem:s0], [sflag:$0x4] =	stream.linear.gather @!p2 [hbm4b:s31+s4], $0x4000, $0x38;
	[tilespmem:$0x1F980] =	vst v63  }
.LBB2_10:
0x35: {  	[bflag:$0x0] =	sbarrier.arrive $0xFFFF  }
0x36: {  	s0 =	sshrl.u32 @!p1 s1, $0x3;
	s4 =	simm.s32 @!p1 $0x1C05;
	s2 =	sadd.s32 $0x1, s2  }
0x37: {  	[hbm:s17], [sflag:s4] =	dma.local @!p1 [spmem:s0], $0x27100  }
0x38: {  	p2 =	sne.s32 s2, s18  }
.Ltmp1:
0x39: {  	_ = 	snop;
	(pc) =	sbr.rel @!p2 .LBB2_11-.Ltmp1, $4  }
0x3a: {  	s0 =	simm.s32 @!p1 $0x5  }
0x3b: {  	_ =	swait.ge @!p1 [sflag:s0], $0x27100  }
0x3c: {  	[sflag:s0] =	ssyncset.done @!p1 $0x0  }
0x3d: {  	[sflag:s0] =	ssyncadd.s32 @!p1 $0xFFFD8F00  }
.LBB2_1:
0x3e: {  	s0 =	simm.s32 $0x0;
	s11 =	simm.s32 $0x200  }
.LBB2_2:
0x3f: {  	p2 =	sne.s32 s11, $0xF800;
	[tilespmem:s0+$0x8170] =	vst v0  }
0x40: {  	[tilespmem:s0+$0x8100] =	vst v0  }
0x41: {  	[tilespmem:s0+$0x8110] =	vst v0  }
.Ltmp2:
0x42: {  	[tilespmem:s0+$0x8120] =	vst v0;
	(pc) =	sbr.rel @p2 .LBB2_2-.Ltmp2, $4  }
0x43: {  	[tilespmem:s0+$0x8130] =	vst v0  }
0x44: {  	[tilespmem:s0+$0x8140] =	vst v0  }
0x45: {  	[tilespmem:s0+$0x8150] =	vst v0  }
0x46: {  	[tilespmem:s0+$0x8160] =	vst v0;
	s0 =	sshra.s32 s11, $0x2;
	s11 =	sadd.s32 $0x200, s11  }
0x47: {  	[tilespmem:s0+$0x8170] =	vst v0  }
0x48: {  	[tilespmem:s0+$0x8100] =	vst v0  }
0x49: {  	[tilespmem:s0+$0x8110] =	vst v0  }
0x4a: {  	[tilespmem:s0+$0x8120] =	vst v0  }
0x4b: {  	[tilespmem:s0+$0x8130] =	vst v0  }
0x4c: {  	[tilespmem:s0+$0x8140] =	vst v0  }
0x4d: {  	[tilespmem:s0+$0x8150] =	vst v0  }
0x4e: {  	[tilespmem:s0+$0x8160] =	vst v0  }
0x4f: {  	[spmem:s3] =	stream.linear.scatter [tilespmem:s25], [sflag:$0x5], $0x3E80, $0x38;
	[tilespmem:$0x1F980] =	vst v63  }
0x50: {  	_ =	swait.ge [sflag:s26], $0x3E80  }
0x51: {  	[sflag:s26] =	ssyncset.done $0x0  }
0x52: {  	s28 =	rddreg [dreg:$0x6];
	[sflag:s26] =	ssyncadd.s32 $0xFFFFC180  }
0x53: {  	[spmem:s28] =	stream.linear.scatter [tilespmem:s25], [sflag:$0x5], $0x3E80, $0x38;
	[tilespmem:$0x1F980] =	vst v63  }
0x54: {  	_ =	swait.ge [sflag:s26], $0x3E80  }
0x55: {  	[sflag:s26] =	ssyncset.done $0x0  }
0x56: {  	s29 =	rddreg [dreg:$0x7];
	[sflag:s26] =	ssyncadd.s32 $0xFFFFC180  }
0x57: {  	[spmem:s29] =	stream.linear.scatter [tilespmem:s25], [sflag:$0x5], $0x3E80, $0x38;
	[tilespmem:$0x1F980] =	vst v63  }
0x58: {  	_ =	swait.ge [sflag:s26], $0x3E80  }
0x59: {  	[sflag:s26] =	ssyncset.done $0x0  }
0x5a: {  	s31 =	rddreg [dreg:$0x8];
	[sflag:s26] =	ssyncadd.s32 $0xFFFFC180  }
0x5b: {  	[spmem:s31] =	stream.linear.scatter [tilespmem:s25], [sflag:$0x5], $0x3E80, $0x38;
	[tilespmem:$0x1F980] =	vst v63  }
0x5c: {  	_ =	swait.ge [sflag:s26], $0x3E80  }
0x5d: {  	[sflag:s26] =	ssyncset.done $0x0  }
0x5e: {  	[sflag:s26] =	ssyncadd.s32 $0xFFFFC180  }
0x5f: {  	[spmem:s7] =	stream.linear.scatter [tilespmem:s25], [sflag:$0x5], $0x3E80, $0x38;
	[tilespmem:$0x1F980] =	vst v63  }
.Ltmp3:
0x60: {  	_ =	swait.ge [sflag:s26], $0x3E80;
	(pc) =	sbr.rel @!p0 .LBB2_4-.Ltmp3, $4  }
0x61: {  	[sflag:s26] =	ssyncset.done $0x0  }
0x62: {  	[sflag:s26] =	ssyncadd.s32 $0xFFFFC180  }
0x63: {  	[bflag:$0x0] =	sbarrier.arrive $0xFFFF  }
0x64: {  	s0 =	simm.s32 $0x0  }
0x65: {  	s4 =	rddreg [dreg:$0xb];
	s5 =	simm.s32 $0x8000  }
0x66: {  	[tilespmem:s5], [sflag:$0x1] =	stream.linear.gather [hbm4b:s4+s0], $0x80, $0x38;
	[tilespmem:$0x1F980] =	vst v63  }
0x67: {  	_ = 	snop  }
0x68: {  	[tilespmem:s0], [sflag:$0x3] =	stream.linear.gather [hbm4b:s12+s0], $0x4000, $0x38;
	[tilespmem:$0x1F980] =	vst v63  }
0x69: {  	s13 =	rddreg [dreg:$0xc];
	s15 =	simm.s32 $0x8080;
	p2 =	sle.u32 s8, $0x0  }
0x6a: {  	[tilespmem:s15], [sflag:$0x2] =	stream.linear.gather [hbm4b:s13+s0], $0x80, $0x38;
	[tilespmem:$0x1F980] =	vst v63  }
0x6b: {  	s16 =	simm.s32 $0x4000;
	p3 =	por p2, p2  }
0x6c: {  	[tilespmem:s16], [sflag:$0x4] =	stream.linear.gather [hbm4b:s14+s0], $0x4000, $0x38;
	[tilespmem:$0x1F980] =	vst v63  }
0x6d: {  	s0 =	simm.s32 @!p3 $0x1  }
0x6e: {  	_ =	swait.ge @!p3 [sflag:s0], $0x80  }
0x6f: {  	[sflag:s0] =	ssyncset.done @!p3 $0x0  }
0x70: {  	[sflag:s0] =	ssyncadd.s32 @!p3 $0xFFFFFF80;
	s0 =	simm.s32 @!p3 $0x3  }
0x71: {  	s20 =	sadd.s32 $0x0, s9;
	_ =	swait.ge @!p3 [sflag:s0], $0x4000  }
0x72: {  	s5 =	simm.s32 @!p3 $0x0;
	s6 =	simm.s32 @!p3 $0x5;
	[sflag:s0] =	ssyncset.done @!p3 $0x0  }
0x73: {  	s11 =	simm.s32 @!p3 $0x8000;
	[sflag:s0] =	ssyncadd.s32 @!p3 $0xFFFFC000;
	s0 =	simm.s32 @!p3 $0x80  }
0x74: {  	[spmem:s1] =	stream.indirect.scatter.add.f32 @!p3 [tilespmem:s5], [sflag:$0x5], $0x80, s11, s0, $0xb8;
	[tilespmem:$0x1F980] =	vst v63  }
0x75: {  	s15 =	sadd.s32 $0x2, s20;
	s16 =	sadd.s32 $0x1, s20;
	_ =	swait.ge @!p3 [sflag:s6], $0x4000  }
0x76: {  	p4 =	sge.u32 s15, s10;
	p2 =	sge.u32 s16, s10;
	[sflag:s6] =	ssyncset.done @!p3 $0x0  }
0x77: {  	s0 =	simm.s32 @!p4 $0x0;
	s5 =	simm.s32 @!p4 $0x8000;
	[sflag:s6] =	ssyncadd.s32 @!p3 $0xFFFFC000  }
0x78: {  	[tilespmem:s5], [sflag:$0x1] =	stream.linear.gather @!p4 [hbm4b:s24+s0], $0x80, $0x38;
	[tilespmem:$0x1F980] =	vst v63  }
0x79: {  	s5 =	simm.s32 @!p2 $0x2  }
0x7a: {  	[tilespmem:s0], [sflag:$0x3] =	stream.linear.gather @!p4 [hbm4b:s22+s0], $0x4000, $0x38;
	[tilespmem:$0x1F980] =	vst v63  }
0x7b: {  	_ =	swait.ge @!p2 [sflag:s5], $0x80  }
0x7c: {  	p6 =	sle.u32 s8, $0x2;
	s28 =	sadd.s32 $0x1000, s22;
	[sflag:s5] =	ssyncset.done @!p2 $0x0  }
0x7d: {  	s29 =	sadd.s32 $0x20, s24;
	s0 =	simm.s32 @!p2 $0x4;
	[sflag:s5] =	ssyncadd.s32 @!p2 $0xFFFFFF80  }
0x7e: {  	s31 =	sadd.s32 $0x1000, s30;
	s13 =	simm.s32 $0x2;
	_ =	swait.ge @!p2 [sflag:s0], $0x4000  }
0x7f: {  	s11 =	simm.s32 @!p2 $0x8080;
	s6 =	simm.s32 @!p2 $0x5;
	[sflag:s0] =	ssyncset.done @!p2 $0x0  }
0x80: {  	s5 =	simm.s32 @!p2 $0x4000;
	[sflag:s0] =	ssyncadd.s32 @!p2 $0xFFFFC000;
	s0 =	simm.s32 @!p2 $0x80  }
0x81: {  	[spmem:s1] =	stream.indirect.scatter.add.f32 @!p2 [tilespmem:s5], [sflag:$0x5], $0x80, s11, s0, $0xb8;
	[tilespmem:$0x1F980] =	vst v63  }
0x82: {  	s20 =	sadd.s32 $0x3, s20;
	s16 =	simm.s32 $0x4;
	_ =	swait.ge @!p2 [sflag:s6], $0x4000  }
0x83: {  	p4 =	sge.u32 s20, s10;
	s20 =	smov.u32 s30;
	[sflag:s6] =	ssyncset.done @!p2 $0x0  }
0x84: {  	s11 =	simm.s32 @!p4 $0x0;
	s0 =	simm.s32 @!p4 $0x8080;
	[sflag:s6] =	ssyncadd.s32 @!p2 $0xFFFFC000  }
0x85: {  	[tilespmem:s0], [sflag:$0x2] =	stream.linear.gather @!p4 [hbm4b:s23+s11], $0x80, $0x38;
	[tilespmem:$0x1F980] =	vst v63  }
0x86: {  	s15 =	simm.s32 @!p4 $0x4000;
	p2 =	por p6, p6;
	s0 =	sadd.s32 $0x20, s23  }
.LBB2_8:
0x87: {  	[tilespmem:s15], [sflag:$0x4] =	stream.linear.gather @!p4 [hbm4b:s20+s11], $0x4000, $0x38;
	[tilespmem:$0x1F980] =	vst v63  }
0x88: {  	s4 =	smov.u32 s16;
	s20 =	smov.u32 s31  }
0x89: {  	s16 =	sadd.s32 $0x2, s16;
	s5 =	simm.s32 @!p2 $0x1;
	p4 =	sge.u32 s4, s8  }
0x8a: {  	p3 =	sne.s32 s16, $0x9E;
	_ =	swait.ge @!p2 [sflag:s5], $0x80  }
0x8b: {  	[sflag:s5] =	ssyncset.done @!p2 $0x0  }
0x8c: {  	[sflag:s5] =	ssyncadd.s32 @!p2 $0xFFFFFF80;
	s5 =	simm.s32 @!p2 $0x3  }
0x8d: {  	s6 =	sadd.s32 s13, s9;
	s13 =	smov.u32 s4;
	_ =	swait.ge @!p2 [sflag:s5], $0x4000  }
0x8e: {  	s11 =	simm.s32 @!p2 $0x5;
	s4 =	simm.s32 @!p2 $0x0;
	[sflag:s5] =	ssyncset.done @!p2 $0x0  }
0x8f: {  	s15 =	simm.s32 @!p2 $0x8000;
	[sflag:s5] =	ssyncadd.s32 @!p2 $0xFFFFC000;
	s5 =	simm.s32 @!p2 $0x80  }
0x90: {  	[spmem:s1] =	stream.indirect.scatter.add.f32 @!p2 [tilespmem:s4], [sflag:$0x5], $0x80, s15, s5, $0xb8;
	[tilespmem:$0x1F980] =	vst v63  }
0x91: {  	s4 =	sadd.s32 $0x2, s6;
	s5 =	sadd.s32 $0x1, s6;
	_ =	swait.ge @!p2 [sflag:s11], $0x4000  }
0x92: {  	p6 =	sge.u32 s4, s10;
	p5 =	sge.u32 s5, s10;
	[sflag:s11] =	ssyncset.done @!p2 $0x0  }
0x93: {  	s4 =	simm.s32 @!p6 $0x0;
	s5 =	simm.s32 @!p6 $0x8000;
	[sflag:s11] =	ssyncadd.s32 @!p2 $0xFFFFC000  }
0x94: {  	[tilespmem:s5], [sflag:$0x1] =	stream.linear.gather @!p6 [hbm4b:s29+s4], $0x80, $0x38;
	[tilespmem:$0x1F980] =	vst v63  }
0x95: {  	p2 =	por p4, p4;
	s5 =	simm.s32 @!p5 $0x2  }
0x96: {  	[tilespmem:s4], [sflag:$0x3] =	stream.linear.gather @!p6 [hbm4b:s28+s4], $0x4000, $0x38;
	[tilespmem:$0x1F980] =	vst v63  }
0x97: {  	_ =	swait.ge @!p5 [sflag:s5], $0x80  }
0x98: {  	[sflag:s5] =	ssyncset.done @!p5 $0x0  }
0x99: {  	s4 =	simm.s32 @!p5 $0x4;
	[sflag:s5] =	ssyncadd.s32 @!p5 $0xFFFFFF80  }
0x9a: {  	s15 =	simm.s32 @!p5 $0x8080;
	_ =	swait.ge @!p5 [sflag:s4], $0x4000  }
0x9b: {  	s11 =	simm.s32 @!p5 $0x5;
	s5 =	simm.s32 @!p5 $0x4000;
	[sflag:s4] =	ssyncset.done @!p5 $0x0  }
0x9c: {  	s28 =	sadd.s32 $0x1000, s28;
	[sflag:s4] =	ssyncadd.s32 @!p5 $0xFFFFC000;
	s4 =	simm.s32 @!p5 $0x80  }
0x9d: {  	[spmem:s1] =	stream.indirect.scatter.add.f32 @!p5 [tilespmem:s5], [sflag:$0x5], $0x80, s15, s4, $0xb8;
	[tilespmem:$0x1F980] =	vst v63  }
.Ltmp4:
0x9e: {  	s4 =	sadd.s32 $0x3, s6;
	_ =	swait.ge @!p5 [sflag:s11], $0x4000;
	(pc) =	sbr.rel @p3 .LBB2_8-.Ltmp4, $4  }
0x9f: {  	s29 =	sadd.s32 $0x20, s29;
	p4 =	sge.u32 s4, s10;
	[sflag:s11] =	ssyncset.done @!p5 $0x0  }
0xa0: {  	s4 =	simm.s32 @!p4 $0x8080;
	[sflag:s11] =	ssyncadd.s32 @!p5 $0xFFFFC000;
	s11 =	simm.s32 @!p4 $0x0  }
0xa1: {  	[tilespmem:s4], [sflag:$0x2] =	stream.linear.gather @!p4 [hbm4b:s0+s11], $0x80, $0x38;
	[tilespmem:$0x1F980] =	vst v63  }
0xa2: {  	s31 =	sadd.s32 $0x1000, s31;
	s15 =	simm.s32 @!p4 $0x4000;
	s0 =	sadd.s32 $0x20, s0  }
0xa3: {  	[tilespmem:s15], [sflag:$0x4] =	stream.linear.gather @!p4 [hbm4b:s20+s11], $0x4000, $0x38;
	[tilespmem:$0x1F980] =	vst v63  }
0xa4: {  	s4 =	simm.s32 @!p2 $0x1  }
0xa5: {  	_ =	swait.ge @!p2 [sflag:s4], $0x80  }
0xa6: {  	[sflag:s4] =	ssyncset.done @!p2 $0x0  }
0xa7: {  	[sflag:s4] =	ssyncadd.s32 @!p2 $0xFFFFFF80;
	s4 =	simm.s32 @!p2 $0x3  }
0xa8: {  	s5 =	sadd.s32 s13, s9;
	_ =	swait.ge @!p2 [sflag:s4], $0x4000  }
0xa9: {  	s6 =	simm.s32 @!p2 $0x0;
	s11 =	simm.s32 @!p2 $0x5;
	[sflag:s4] =	ssyncset.done @!p2 $0x0  }
0xaa: {  	s13 =	simm.s32 @!p2 $0x8000;
	[sflag:s4] =	ssyncadd.s32 @!p2 $0xFFFFC000;
	s4 =	simm.s32 @!p2 $0x80  }
0xab: {  	[spmem:s1] =	stream.indirect.scatter.add.f32 @!p2 [tilespmem:s6], [sflag:$0x5], $0x80, s13, s4, $0xb8;
	[tilespmem:$0x1F980] =	vst v63  }
0xac: {  	s16 =	sadd.s32 $0x2, s5;
	s20 =	sadd.s32 $0x1, s5;
	_ =	swait.ge @!p2 [sflag:s11], $0x4000  }
0xad: {  	p4 =	sge.u32 s16, s10;
	p3 =	sge.u32 s20, s10;
	[sflag:s11] =	ssyncset.done @!p2 $0x0  }
0xae: {  	s4 =	simm.s32 @!p4 $0x0;
	s6 =	simm.s32 @!p4 $0x8000;
	[sflag:s11] =	ssyncadd.s32 @!p2 $0xFFFFC000  }
0xaf: {  	[tilespmem:s6], [sflag:$0x1] =	stream.linear.gather @!p4 [hbm4b:s29+s4], $0x80, $0x38;
	[tilespmem:$0x1F980] =	vst v63  }
0xb0: {  	s6 =	simm.s32 @!p3 $0x2  }
0xb1: {  	[tilespmem:s4], [sflag:$0x3] =	stream.linear.gather @!p4 [hbm4b:s28+s4], $0x4000, $0x38;
	[tilespmem:$0x1F980] =	vst v63  }
0xb2: {  	_ =	swait.ge @!p3 [sflag:s6], $0x80  }
0xb3: {  	[sflag:s6] =	ssyncset.done @!p3 $0x0  }
0xb4: {  	s4 =	simm.s32 @!p3 $0x4;
	[sflag:s6] =	ssyncadd.s32 @!p3 $0xFFFFFF80  }
0xb5: {  	_ =	swait.ge @!p3 [sflag:s4], $0x4000  }
0xb6: {  	s13 =	simm.s32 @!p3 $0x8080;
	s11 =	simm.s32 @!p3 $0x5;
	[sflag:s4] =	ssyncset.done @!p3 $0x0  }
0xb7: {  	s6 =	simm.s32 @!p3 $0x4000;
	[sflag:s4] =	ssyncadd.s32 @!p3 $0xFFFFC000;
	s4 =	simm.s32 @!p3 $0x80  }
0xb8: {  	[spmem:s1] =	stream.indirect.scatter.add.f32 @!p3 [tilespmem:s6], [sflag:$0x5], $0x80, s13, s4, $0xb8;
	[tilespmem:$0x1F980] =	vst v63  }
0xb9: {  	s29 =	sadd.s32 $0x3, s5;
	_ =	swait.ge @!p3 [sflag:s11], $0x4000  }
.Ltmp5:
0xba: {  	p2 =	sge.u32 s29, s10;
	[sflag:s11] =	ssyncset.done @!p3 $0x0;
	(pc) =	sbr.rel .LBB2_10-.Ltmp5, $4  }
0xbb: {  	s5 =	simm.s32 @!p2 $0x8080;
	s4 =	simm.s32 @!p2 $0x0;
	[sflag:s11] =	ssyncadd.s32 @!p3 $0xFFFFC000  }
0xbc: {  	[tilespmem:s5], [sflag:$0x2] =	stream.linear.gather @!p2 [hbm4b:s0+s4], $0x80, $0x38;
	[tilespmem:$0x1F980] =	vst v63  }
0xbd: {  	s0 =	simm.s32 @!p2 $0x4000  }
0xbe: {  	[tilespmem:s0], [sflag:$0x4] =	stream.linear.gather @!p2 [hbm4b:s31+s4], $0x4000, $0x38;
	[tilespmem:$0x1F980] =	vst v63  }
.LBB2_4:
0xbf: {  	s4 =	rddreg [dreg:$0x9];
	s5 =	simm.s32 $0x8000  }
0xc0: {  	[tilespmem:s5], [sflag:$0x1] =	stream.linear.gather [hbm4b:s4+s0], $0x80, $0x38;
	[tilespmem:$0x1F980] =	vst v63  }
0xc1: {  	_ = 	snop  }
0xc2: {  	[tilespmem:s0], [sflag:$0x3] =	stream.linear.gather [hbm4b:s12+s0], $0x4000, $0x38;
	[tilespmem:$0x1F980] =	vst v63  }
0xc3: {  	s15 =	rddreg [dreg:$0xa];
	s16 =	simm.s32 $0x8080;
	p2 =	sle.u32 s8, $0x0  }
0xc4: {  	[tilespmem:s16], [sflag:$0x2] =	stream.linear.gather [hbm4b:s15+s0], $0x80, $0x38;
	[tilespmem:$0x1F980] =	vst v63  }
0xc5: {  	s20 =	simm.s32 $0x4000;
	p3 =	por p2, p2  }
0xc6: {  	[tilespmem:s20], [sflag:$0x4] =	stream.linear.gather [hbm4b:s14+s0], $0x4000, $0x38;
	[tilespmem:$0x1F980] =	vst v63  }
0xc7: {  	s0 =	simm.s32 @!p3 $0x1  }
0xc8: {  	_ =	swait.ge @!p3 [sflag:s0], $0x80  }
0xc9: {  	[sflag:s0] =	ssyncset.done @!p3 $0x0  }
0xca: {  	[sflag:s0] =	ssyncadd.s32 @!p3 $0xFFFFFF80;
	s0 =	simm.s32 @!p3 $0x3  }
0xcb: {  	s11 =	sadd.s32 $0x0, s9;
	_ =	swait.ge @!p3 [sflag:s0], $0x4000  }
0xcc: {  	s13 =	simm.s32 @!p3 $0x0;
	s15 =	simm.s32 @!p3 $0x5;
	[sflag:s0] =	ssyncset.done @!p3 $0x0  }
0xcd: {  	s16 =	simm.s32 @!p3 $0x8000;
	[sflag:s0] =	ssyncadd.s32 @!p3 $0xFFFFC000;
	s0 =	simm.s32 @!p3 $0x80  }
0xce: {  	[spmem:s1] =	stream.indirect.scatter.add.f32 @!p3 [tilespmem:s13], [sflag:$0x5], $0x80, s16, s0, $0xb8;
	[tilespmem:$0x1F980] =	vst v63  }
0xcf: {  	s5 =	sadd.s32 $0x2, s11;
	s6 =	sadd.s32 $0x1, s11;
	_ =	swait.ge @!p3 [sflag:s15], $0x4000  }
0xd0: {  	p4 =	sge.u32 s5, s10;
	p2 =	sge.u32 s6, s10;
	[sflag:s15] =	ssyncset.done @!p3 $0x0  }
0xd1: {  	s0 =	simm.s32 @!p4 $0x0;
	s13 =	simm.s32 @!p4 $0x8000;
	[sflag:s15] =	ssyncadd.s32 @!p3 $0xFFFFC000  }
0xd2: {  	[tilespmem:s13], [sflag:$0x1] =	stream.linear.gather @!p4 [hbm4b:s21+s0], $0x80, $0x38;
	[tilespmem:$0x1F980] =	vst v63  }
0xd3: {  	s13 =	simm.s32 @!p2 $0x2  }
0xd4: {  	[tilespmem:s0], [sflag:$0x3] =	stream.linear.gather @!p4 [hbm4b:s22+s0], $0x4000, $0x38;
	[tilespmem:$0x1F980] =	vst v63  }
0xd5: {  	_ =	swait.ge @!p2 [sflag:s13], $0x80  }
0xd6: {  	[sflag:s13] =	ssyncset.done @!p2 $0x0  }
0xd7: {  	s0 =	simm.s32 @!p2 $0x4;
	[sflag:s13] =	ssyncadd.s32 @!p2 $0xFFFFFF80  }
0xd8: {  	p6 =	sle.u32 s8, $0x2;
	s28 =	sadd.s32 $0x1000, s22;
	_ =	swait.ge @!p2 [sflag:s0], $0x4000  }
0xd9: {  	s29 =	sadd.s32 $0x20, s21;
	s16 =	simm.s32 @!p2 $0x8080;
	[sflag:s0] =	ssyncset.done @!p2 $0x0  }
0xda: {  	s15 =	simm.s32 @!p2 $0x4000;
	[sflag:s0] =	ssyncadd.s32 @!p2 $0xFFFFC000;
	s0 =	simm.s32 @!p2 $0x80  }
0xdb: {  	[spmem:s1] =	stream.indirect.scatter.add.f32 @!p2 [tilespmem:s15], [sflag:$0x5], $0x80, s16, s0, $0xb8;
	[tilespmem:$0x1F980] =	vst v63  }
0xdc: {  	s31 =	sadd.s32 $0x1000, s30;
	s20 =	simm.s32 @!p2 $0x5;
	s15 =	sadd.s32 $0x3, s11  }
0xdd: {  	s13 =	simm.s32 $0x2;
	_ =	swait.ge @!p2 [sflag:s20], $0x4000;
	p4 =	sge.u32 s15, s10  }
0xde: {  	s16 =	simm.s32 $0x4;
	[sflag:s20] =	ssyncset.done @!p2 $0x0;
	s11 =	simm.s32 @!p4 $0x0  }
0xdf: {  	s0 =	simm.s32 @!p4 $0x8080;
	s15 =	simm.s32 @!p4 $0x4000;
	[sflag:s20] =	ssyncadd.s32 @!p2 $0xFFFFC000  }
0xe0: {  	[tilespmem:s0], [sflag:$0x2] =	stream.linear.gather @!p4 [hbm4b:s19+s11], $0x80, $0x38;
	[tilespmem:$0x1F980] =	vst v63  }
0xe1: {  	p2 =	por p6, p6;
	s20 =	smov.u32 s30;
	s0 =	sadd.s32 $0x20, s19  }
.LBB2_5:
0xe2: {  	[tilespmem:s15], [sflag:$0x4] =	stream.linear.gather @!p4 [hbm4b:s20+s11], $0x4000, $0x38;
	[tilespmem:$0x1F980] =	vst v63  }
0xe3: {  	s11 =	smov.u32 s16;
	s20 =	smov.u32 s31  }
0xe4: {  	s16 =	sadd.s32 $0x2, s16;
	s15 =	simm.s32 @!p2 $0x1;
	p4 =	sge.u32 s11, s8  }
0xe5: {  	p3 =	seq.s32 s16, $0x9E;
	_ =	swait.ge @!p2 [sflag:s15], $0x80  }
0xe6: {  	[sflag:s15] =	ssyncset.done @!p2 $0x0  }
0xe7: {  	[sflag:s15] =	ssyncadd.s32 @!p2 $0xFFFFFF80;
	s15 =	simm.s32 @!p2 $0x3  }
0xe8: {  	s4 =	sadd.s32 s13, s9;
	s13 =	smov.u32 s11;
	_ =	swait.ge @!p2 [sflag:s15], $0x4000  }
0xe9: {  	s5 =	simm.s32 @!p2 $0x5;
	s11 =	simm.s32 @!p2 $0x0;
	[sflag:s15] =	ssyncset.done @!p2 $0x0  }
0xea: {  	s6 =	simm.s32 @!p2 $0x8000;
	[sflag:s15] =	ssyncadd.s32 @!p2 $0xFFFFC000;
	s15 =	simm.s32 @!p2 $0x80  }
0xeb: {  	[spmem:s1] =	stream.indirect.scatter.add.f32 @!p2 [tilespmem:s11], [sflag:$0x5], $0x80, s6, s15, $0xb8;
	[tilespmem:$0x1F980] =	vst v63  }
0xec: {  	s6 =	sadd.s32 $0x2, s4;
	s11 =	sadd.s32 $0x1, s4;
	_ =	swait.ge @!p2 [sflag:s5], $0x4000  }
0xed: {  	p6 =	sge.u32 s6, s10;
	p5 =	sge.u32 s11, s10;
	[sflag:s5] =	ssyncset.done @!p2 $0x0  }
0xee: {  	s6 =	simm.s32 @!p6 $0x8000;
	[sflag:s5] =	ssyncadd.s32 @!p2 $0xFFFFC000;
	s5 =	simm.s32 @!p6 $0x0  }
0xef: {  	[tilespmem:s6], [sflag:$0x1] =	stream.linear.gather @!p6 [hbm4b:s29+s5], $0x80, $0x38;
	[tilespmem:$0x1F980] =	vst v63  }
0xf0: {  	p2 =	por p4, p4;
	s6 =	simm.s32 @!p5 $0x2  }
0xf1: {  	[tilespmem:s5], [sflag:$0x3] =	stream.linear.gather @!p6 [hbm4b:s28+s5], $0x4000, $0x38;
	[tilespmem:$0x1F980] =	vst v63  }
0xf2: {  	_ =	swait.ge @!p5 [sflag:s6], $0x80  }
0xf3: {  	[sflag:s6] =	ssyncset.done @!p5 $0x0  }
0xf4: {  	s5 =	simm.s32 @!p5 $0x4;
	[sflag:s6] =	ssyncadd.s32 @!p5 $0xFFFFFF80  }
0xf5: {  	s4 =	sadd.s32 $0x3, s4;
	_ =	swait.ge @!p5 [sflag:s5], $0x4000  }
0xf6: {  	s11 =	simm.s32 @!p5 $0x5;
	s6 =	simm.s32 @!p5 $0x4000;
	[sflag:s5] =	ssyncset.done @!p5 $0x0  }
0xf7: {  	s15 =	simm.s32 @!p5 $0x8080;
	[sflag:s5] =	ssyncadd.s32 @!p5 $0xFFFFC000;
	s5 =	simm.s32 @!p5 $0x80  }
0xf8: {  	[spmem:s1] =	stream.indirect.scatter.add.f32 @!p5 [tilespmem:s6], [sflag:$0x5], $0x80, s15, s5, $0xb8;
	[tilespmem:$0x1F980] =	vst v63  }
.Ltmp6:
0xf9: {  	s28 =	sadd.s32 $0x1000, s28;
	_ =	swait.ge @!p5 [sflag:s11], $0x4000;
	(pc) =	sbr.rel @!p3 .LBB2_5-.Ltmp6, $4  }
0xfa: {  	p4 =	sge.u32 s4, s10;
	s29 =	sadd.s32 $0x20, s29;
	[sflag:s11] =	ssyncset.done @!p5 $0x0  }
0xfb: {  	s4 =	simm.s32 @!p4 $0x8080;
	[sflag:s11] =	ssyncadd.s32 @!p5 $0xFFFFC000;
	s11 =	simm.s32 @!p4 $0x0  }
0xfc: {  	[tilespmem:s4], [sflag:$0x2] =	stream.linear.gather @!p4 [hbm4b:s0+s11], $0x80, $0x38;
	[tilespmem:$0x1F980] =	vst v63  }
0xfd: {  	s31 =	sadd.s32 $0x1000, s31;
	s15 =	simm.s32 @!p4 $0x4000;
	s0 =	sadd.s32 $0x20, s0  }
.Ltmp7:
0xfe: {  	_ = 	snop;
	(pc) =	sbr.rel .LBB2_6-.Ltmp7, $1  }
0xff: {  	_ =	sdelay $0x3  }
.LBB2_11:
0x100: {  	_ =	sfence.sel $0x180000  }
0x101: {  	[bflag:$0x0] =	sbarrier.arrive $0xFFFF  }
0x102: {  	_ =	strace $0x9000004D  }
0x103: {  	[bflag:$0x2] =	sbarrier.arrive $0xFFFF  }
0x104: {  	s0 =	rddreg [dreg:$0x5]  }
0x105: {  	s0 =	sadd.s32 @!p1 $0x100000, s0  }
0x106: {  	[sflag:s0] =	ssyncadd.tile.s32 @!p1 $0x1;
	_ =	shalt  }
.Lfunc_end2:
_tile_overlayer_lowered:
.L_overlay_start_2:
0x107: {  	(tag) =	ssettag $0x2  }
0x108: {  	s0 =	rddreg [dreg:$0x0];
	s2 =	stileid.u32  }
0x109: {  	s1 =	rddreg [dreg:$0x1];
	p0 =	sne.s32 s2, $0x0  }
0x10a: {  	s3 =	rddreg [dreg:$0x2];
	[bflag:$0x3] =	sbarrier.arrive $0xFFFF;
	s2 =	simm.s32 @!p0 $0x1C05  }
0x10b: {  	[timem:s3], [sflag:s2] =	dma.local @!p0 [hbm:s0], s1  }
0x10c: {  	s0 =	simm.s32 @!p0 $0x5  }
0x10d: {  	_ =	swait.ge @!p0 [sflag:s0], s1  }
0x10e: {  	s1 =	ssub.s32 @!p0 $0x0, s1;
	[sflag:s0] =	ssyncset.done @!p0 $0x0  }
0x10f: {  	[sflag:s0] =	ssyncadd.s32 @!p0 s1  }
0x110: {  	[bflag:$0x3] =	sbarrier.arrive $0xFFFF  }
0x111: {  	_ =	shalt  }

</sc_bundles>
